<compile_context>
chip_gen: v7x
topology: tpu7x:2x2x1
jax: 0.10.2.dev20260603
libtpu: 0.0.44.dev20260713+nightly
codegen_flags: <defaults>
</compile_context>

<pallas_src>
import functools
import math

import jax
import jax.numpy as jnp
from jax import lax
from jax.experimental import pallas as pl
from jax.experimental.pallas import tpu as pltpu
from jax.experimental.pallas import tpu_sc as plsc

N_NODES = 100000
N_EDGES = 3200000

NC = 2
NS = 16
NW = NC * NS
EPW = N_EDGES // NW
CH = 2000
NCHUNK = EPW // CH
CHB = 2000
NCHUNKB = EPW // CHB
N_PAD = 100096
NPT = N_PAD // NS
NPB = 6400
NPB_LAST = N_NODES - 15 * NPB


def _pass_a(*refs):
    (node_t_hbm, src_hbm, h_hbm, r0_hbm, r1_hbm, r2_hbm, w_hbm,
     y_hbm) = refs[:8]
    src_v = refs[8:10]
    h_v = refs[10:12]
    r_v = [refs[12:15], refs[15:18]]
    x_v = [refs[18:26], refs[26:34]]
    y_v = refs[34:42]
    w_v, stage_v = refs[42:44]
    nt = refs[44:52]
    lsem, gsem, wsem = refs[52:55]

    cid = lax.axis_index("c")
    sid = lax.axis_index("s")
    wid = cid * NS + sid

    rowbase = sid * NPT
    for c in range(8):
        pltpu.sync_copy(node_t_hbm.at[pl.ds(c * N_PAD + rowbase, NPT)],
                        stage_v)
        pltpu.sync_copy(stage_v, nt[c].at[pl.ds(rowbase, NPT)])

    pltpu.sync_copy(w_hbm, w_v)
    plsc.subcore_barrier()

    w_lo = w_v[pl.ds(0, 16)]
    w_hi = w_v[pl.ds(16, 16)]
    (a00, a10, d00, d10, a01, a11, d01, d11,
     b00, b10, f00, f10, b01, b11, f01, f11) = [w_lo[k] for k in range(16)]
    c00, c10, c01, c11 = [w_hi[k] for k in range(4)]

    ebase = wid * EPW

    def chunk_base(cc):
        return ebase + jnp.minimum(cc, NCHUNK - 1) * CH

    def lin_group(b, cc, mk):
        base = chunk_base(cc)
        return [mk(src_hbm.at[pl.ds(base, CH)], src_v[b], lsem),
                mk(h_hbm.at[pl.ds(base, CH)], h_v[b], lsem),
                mk(r0_hbm.at[pl.ds(base, CH)], r_v[b][0], lsem),
                mk(r1_hbm.at[pl.ds(base, CH)], r_v[b][1], lsem),
                mk(r2_hbm.at[pl.ds(base, CH)], r_v[b][2], lsem)]

    def issue_lin(b, cc):
        lin_group(b, cc, pltpu.async_copy)

    def wait_lin(b, cc):
        for d in lin_group(b, cc, pltpu.make_async_copy):
            d.wait()

    def issue_gathers(b):
        for c in range(8):
            pltpu.async_copy(nt[c].at[src_v[b]], x_v[b][c], gsem)

    def wait_gathers(b):
        dummy = h_hbm.at[pl.ds(ebase, CH)]
        for c in range(8):
            pltpu.make_async_copy(dummy, x_v[b][c], gsem).wait()

    def issue_ywr(cc):
        base = chunk_base(cc)
        for c in range(8):
            pltpu.async_copy(y_v[c], y_hbm.at[pl.ds(c * N_EDGES + base, CH)],
                             wsem)

    def wait_ywr():
        for c in range(8):
            pltpu.make_async_copy(y_v[c],
                                  y_hbm.at[pl.ds(c * N_EDGES + ebase, CH)],
                                  wsem).wait()

    def compute(b):
        def edge_body(i, _):
            sl = pl.ds(i * 16, 16)
            h = h_v[b][sl]
            r0, r1, r2 = r_v[b][0][sl], r_v[b][1][sl], r_v[b][2][sl]
            a0, a1 = x_v[b][0][sl], x_v[b][1][sl]
            u0, u1, u2 = x_v[b][2][sl], x_v[b][3][sl], x_v[b][4][sl]
            v0, v1, v2 = x_v[b][5][sl], x_v[b][6][sl], x_v[b][7][sl]

            t0 = h * a0
            t1 = h * a1
            dot_u = r0 * u0 + r1 * u1 + r2 * u2
            dot_v = r0 * v0 + r1 * v1 + r2 * v2
            y_v[0][sl] = a00 * t0 + a10 * t1 + d00 * dot_u + d10 * dot_v
            y_v[1][sl] = a01 * t0 + a11 * t1 + d01 * dot_u + d11 * dot_v

            hu0, hu1, hu2 = h * u0, h * u1, h * u2
            hv0, hv1, hv2 = h * v0, h * v1, h * v2
            ca = c00 * a0 + c10 * a1
            cb = c01 * a0 + c11 * a1
            cu0 = r1 * u2 - r2 * u1
            cu1 = r2 * u0 - r0 * u2
            cu2 = r0 * u1 - r1 * u0
            cv0 = r1 * v2 - r2 * v1
            cv1 = r2 * v0 - r0 * v2
            cv2 = r0 * v1 - r1 * v0

            y_v[2][sl] = (b00 * hu0 + b10 * hv0 + ca * r0
                             + f00 * cu0 + f10 * cv0)
            y_v[3][sl] = (b00 * hu1 + b10 * hv1 + ca * r1
                             + f00 * cu1 + f10 * cv1)
            y_v[4][sl] = (b00 * hu2 + b10 * hv2 + ca * r2
                             + f00 * cu2 + f10 * cv2)
            y_v[5][sl] = (b01 * hu0 + b11 * hv0 + cb * r0
                             + f01 * cu0 + f11 * cv0)
            y_v[6][sl] = (b01 * hu1 + b11 * hv1 + cb * r1
                             + f01 * cu1 + f11 * cv1)
            y_v[7][sl] = (b01 * hu2 + b11 * hv2 + cb * r2
                             + f01 * cu2 + f11 * cv2)
            return 0

        lax.fori_loop(0, CH // 16, edge_body, 0)

    issue_lin(0, 0)
    wait_lin(0, 0)
    issue_gathers(0)
    issue_lin(1, 1)

    def pair_body(k, _):
        c0 = 2 * k
        wait_lin(1, c0 + 1)
        issue_gathers(1)

        wait_gathers(0)

        @pl.when(k > 0)
        def _():
            wait_ywr()

        compute(0)
        issue_ywr(c0)
        issue_lin(0, c0 + 2)
        wait_lin(0, c0 + 2)
        issue_gathers(0)

        wait_gathers(1)
        wait_ywr()
        compute(1)
        issue_ywr(c0 + 1)
        issue_lin(1, c0 + 3)
        return 0

    lax.fori_loop(0, NCHUNK // 2, pair_body, 0)

    wait_lin(1, NCHUNK + 1)
    wait_gathers(0)
    wait_ywr()


_pass_a_call = functools.partial(
    pl.kernel,
    out_type=jax.ShapeDtypeStruct((8 * N_EDGES,), jnp.float32),
    mesh=plsc.VectorSubcoreMesh(core_axis_name="c", subcore_axis_name="s"),
    scratch_types=(
        [pltpu.VMEM((CH,), jnp.int32)] * 2
        + [pltpu.VMEM((CH,), jnp.float32)] * 2
        + [pltpu.VMEM((CH,), jnp.float32)] * 6
        + [pltpu.VMEM((CH,), jnp.float32)] * 16
        + [pltpu.VMEM((CH,), jnp.float32)] * 8
        + [pltpu.VMEM((32,), jnp.float32)]
        + [pltpu.VMEM((NPT,), jnp.float32)]
        + [pltpu.VMEM_SHARED((N_PAD,), jnp.float32)] * 8
        + [pltpu.SemaphoreType.DMA] * 3
    ),
)(_pass_a)


def _pass_b(*refs):
    (tgt_hbm, y_hbm, out0_hbm, out1_hbm) = refs[:4]
    tgt_v = refs[4:6]
    y_v = [refs[6:14], refs[14:22]]
    stage_v = refs[22]
    acc = refs[23:31]
    lsem, asem = refs[31:33]

    cid = lax.axis_index("c")
    sid = lax.axis_index("s")
    wid = cid * NS + sid
    rowbase = sid * NPB
    nrows = jnp.where(sid == NS - 1, NPB_LAST, NPB)

    def zfill_body(i, _):
        stage_v[pl.ds(i * 16, 16)] = jnp.zeros((16,), jnp.float32)
        return 0

    lax.fori_loop(0, NPB // 16, zfill_body, 0)
    for c in range(8):
        @pl.when(sid < NS - 1)
        def _(c=c):
            pltpu.sync_copy(stage_v, acc[c].at[pl.ds(rowbase, NPB)])

        @pl.when(sid == NS - 1)
        def _(c=c):
            pltpu.sync_copy(stage_v.at[pl.ds(0, NPB_LAST)],
                            acc[c].at[pl.ds(rowbase, NPB_LAST)])
    plsc.subcore_barrier()

    ebase = wid * EPW

    def chunk_base(cc):
        return ebase + jnp.minimum(cc, NCHUNKB - 1) * CHB

    def rd_group(b, cc, mk):
        base = chunk_base(cc)
        ds = [mk(tgt_hbm.at[pl.ds(N_EDGES + base, CHB)], tgt_v[b], lsem)]
        for c in range(8):
            ds.append(mk(y_hbm.at[pl.ds(c * N_EDGES + base, CHB)],
                         y_v[b][c], lsem))
        return ds

    def issue_rd(b, cc):
        rd_group(b, cc, pltpu.async_copy)

    def wait_rd(b, cc):
        for d in rd_group(b, cc, pltpu.make_async_copy):
            d.wait()

    def issue_adds(b):
        for c in range(8):
            pltpu.async_copy(y_v[b][c], acc[c].at[tgt_v[b]], asem, add=True)

    def wait_adds(b):
        dummy = y_hbm.at[pl.ds(ebase, CHB)]
        for c in range(8):
            pltpu.make_async_copy(dummy, y_v[b][c], asem).wait()

    issue_rd(0, 0)
    issue_rd(1, 1)

    def pair_body(k, _):
        c0 = 2 * k
        wait_rd(0, c0)
        issue_adds(0)
        wait_rd(1, c0 + 1)
        wait_adds(0)
        issue_rd(0, c0 + 2)
        issue_adds(1)
        wait_adds(1)
        issue_rd(1, c0 + 3)
        return 0

    lax.fori_loop(0, NCHUNKB // 2, pair_body, 0)

    wait_rd(0, NCHUNKB)
    wait_rd(1, NCHUNKB + 1)
    plsc.subcore_barrier()

    for c in range(8):
        @pl.when(sid < NS - 1)
        def _(c=c):
            pltpu.sync_copy(acc[c].at[pl.ds(rowbase, NPB)], stage_v)

            @pl.when(cid == 0)
            def _():
                pltpu.sync_copy(stage_v,
                                out0_hbm.at[pl.ds(c * N_NODES + rowbase, NPB)])

            @pl.when(cid == 1)
            def _():
                pltpu.sync_copy(stage_v,
                                out1_hbm.at[pl.ds(c * N_NODES + rowbase, NPB)])

        @pl.when(sid == NS - 1)
        def _(c=c):
            pltpu.sync_copy(acc[c].at[pl.ds(rowbase, NPB_LAST)],
                            stage_v.at[pl.ds(0, NPB_LAST)])

            @pl.when(cid == 0)
            def _():
                pltpu.sync_copy(stage_v.at[pl.ds(0, NPB_LAST)],
                                out0_hbm.at[pl.ds(c * N_NODES + rowbase,
                                                  NPB_LAST)])

            @pl.when(cid == 1)
            def _():
                pltpu.sync_copy(stage_v.at[pl.ds(0, NPB_LAST)],
                                out1_hbm.at[pl.ds(c * N_NODES + rowbase,
                                                  NPB_LAST)])


_pass_b_call = functools.partial(
    pl.kernel,
    out_type=(jax.ShapeDtypeStruct((8 * N_NODES,), jnp.float32),
              jax.ShapeDtypeStruct((8 * N_NODES,), jnp.float32)),
    mesh=plsc.VectorSubcoreMesh(core_axis_name="c", subcore_axis_name="s"),
    scratch_types=(
        [pltpu.VMEM((CHB,), jnp.int32)] * 2
        + [pltpu.VMEM((CHB,), jnp.float32)] * 16
        + [pltpu.VMEM((NPB,), jnp.float32)]
        + [pltpu.VMEM_SHARED((N_NODES,), jnp.float32)] * 8
        + [pltpu.SemaphoreType.DMA] * 2
    ),
)(_pass_b)


def _sum_t_body(a_ref, b_ref, o_ref):
    o_ref[...] = a_ref[...] + b_ref[...]


def _tc_sum_t(p0, p1):
    return pl.pallas_call(
        _sum_t_body,
        out_shape=jax.ShapeDtypeStruct((8 * N_NODES,), jnp.float32),
    )(p0, p1)


@jax.jit
def kernel(node_irreps, edge_index, sh_edge_features_0, sh_edge_features_1, W):
    edge_flat = edge_index.reshape(2 * N_EDGES)
    h = sh_edge_features_0.reshape(N_EDGES)
    r0 = sh_edge_features_1[:, 0]
    r1 = sh_edge_features_1[:, 1]
    r2 = sh_edge_features_1[:, 2]
    node_t = jnp.pad(node_irreps, ((0, N_PAD - N_NODES), (0, 0))).T

    s3 = 1.0 / math.sqrt(3.0)
    s6 = 1.0 / math.sqrt(6.0)
    A, B, C, D, F = W[0], W[1] * s3, W[2] * s3, W[3] * s3, W[4] * s6
    wflat = jnp.concatenate([
        jnp.stack([A[0, 0], A[1, 0], D[0, 0], D[1, 0],
                   A[0, 1], A[1, 1], D[0, 1], D[1, 1],
                   B[0, 0], B[1, 0], F[0, 0], F[1, 0],
                   B[0, 1], B[1, 1], F[0, 1], F[1, 1],
                   C[0, 0], C[1, 0], C[0, 1], C[1, 1]]),
        jnp.zeros((12,), jnp.float32),
    ])

    y = _pass_a_call(node_t.reshape(8 * N_PAD), edge_flat, h, r0, r1, r2,
                     wflat)
    p0, p1 = _pass_b_call(edge_flat, y)
    return _tc_sum_t(p0, p1).reshape(8, N_NODES).T

# --- scband reference (transcript-rebuilt; emitter-appended) ---
"""Pipeline reference for scband-multi-cglayer-13958643712188 (READ-ONLY COPY).

The authoritative reference and input builder live on the scoring server;
editing this copy changes nothing except your own understanding.
"""

import jax, jax.numpy as jnp
import numpy as np

# CG coefficients in the real SH basis (e3nn-style wigner_3j normalization) for l<=1.

def _cg(l1, l2, l3):
    if (l1, l2, l3) == (0, 0, 0):
        return jnp.ones((1, 1, 1), dtype=jnp.float32)
    if (l1, l2, l3) == (0, 1, 1):
        return (jnp.eye(3, dtype=jnp.float32) / np.sqrt(3.0))[None, :, :]
    if (l1, l2, l3) == (1, 0, 1):
        return (jnp.eye(3, dtype=jnp.float32) / np.sqrt(3.0))[:, None, :]
    if (l1, l2, l3) == (1, 1, 0):
        return (jnp.eye(3, dtype=jnp.float32) / np.sqrt(3.0))[:, :, None]
    if (l1, l2, l3) == (1, 1, 1):
        eps = np.zeros((3, 3, 3), dtype=np.float32)
        for i, j, k in [(0, 1, 2), (1, 2, 0), (2, 0, 1)]:
            eps[i, j, k] = 1.0
            eps[i, k, j] = -1.0
        return jnp.asarray(eps / np.sqrt(6.0))
    raise ValueError('unsupported CG')

# valid (edge_sh_degree, node_irrep_idx, out_irrep_idx) combos for max_sh_degree=1, base_l_values=[0,1]
COMBOS = [(0, 0, 0), (0, 1, 1), (1, 0, 1), (1, 1, 0), (1, 1, 1)]
BASE_L = [0, 1]
MULT = 2
# per-channel slice layout: (l=0,ch0),(l=0,ch1),(l=1,ch0),(l=1,ch1)
STARTS = [0, 1, 2, 5]
DIMS = [1, 1, 3, 3]

N_NODES = 100000
N_EDGES = 3200000


def setup_inputs(seed: int = 0) -> dict:
    key = jax.random.key(seed)
    k1, k2, k3, k4, k5 = jax.random.split(key, 5)
    node_irreps = jax.random.normal(k1, (N_NODES, 8), dtype=jnp.float32)
    edge_index = jax.random.randint(k2, (2, N_EDGES), 0, N_NODES, dtype=jnp.int32)
    sh0 = jax.random.normal(k3, (N_EDGES, 1), dtype=jnp.float32)
    sh1 = jax.random.normal(k4, (N_EDGES, 3), dtype=jnp.float32)
    # learnable scalar weights: one per (combo, in_channel, out_channel), single CG layer
    W = jax.random.normal(k5, (len(COMBOS), MULT, MULT), dtype=jnp.float32) * 0.1
    return {"node_irreps": node_irreps, "edge_index": edge_index, "sh_edge_features_0": sh0, "sh_edge_features_1": sh1, "W": W}


def reference(node_irreps, edge_index, sh_edge_features_0, sh_edge_features_1, W):
    num_nodes = node_irreps.shape[0]
    src = edge_index[0]
    tgt = edge_index[1]
    source = jnp.take(node_irreps, src, axis=0)  # [E, 8] gather
    sh = [sh_edge_features_0, sh_edge_features_1]
    src_ch = [source[:, s:s + d] for s, d in zip(STARTS, DIMS)]
    msgs = [jnp.zeros((source.shape[0], d), dtype=node_irreps.dtype) for d in DIMS]
    for ci, (deg, ni, oi) in enumerate(COMBOS):
        cg = _cg(deg, BASE_L[ni], BASE_L[oi])
        ef = sh[deg]
        for ic in range(MULT):
            nf = src_ch[ni * MULT + ic]
            msg = jnp.einsum('ijk,ei,ej->ek', cg, ef, nf)
            for oc in range(MULT):
                idx = oi * MULT + oc
                msgs[idx] = msgs[idx] + W[ci, ic, oc] * msg
    agg = [jax.ops.segment_sum(m, tgt, num_segments=num_nodes) for m in msgs]  # scatter-add
    return jnp.concatenate(agg, axis=1)

if __name__ == "__main__":
    import jax
    _d = setup_inputs()
    print(jax.jit(kernel)(*tuple(_d.values())))

</pallas_src>

<mosaic_0001>
#map = affine_map<(d0, d1) -> (0)>
module attributes {stable_mosaic.version = 14 : i64} {
  func.func @_pass_b(%arg0: i32, %arg1: i32, %arg2: memref<6400000xi32, #tpu.memory_space<hbm>>, %arg3: memref<25600000xf32, #tpu.memory_space<hbm>>, %arg4: memref<800000xf32, #tpu.memory_space<hbm>>, %arg5: memref<800000xf32, #tpu.memory_space<hbm>>, %arg6: memref<2000xi32, #tpu.memory_space<vmem>>, %arg7: memref<2000xi32, #tpu.memory_space<vmem>>, %arg8: memref<2000xf32, #tpu.memory_space<vmem>>, %arg9: memref<2000xf32, #tpu.memory_space<vmem>>, %arg10: memref<2000xf32, #tpu.memory_space<vmem>>, %arg11: memref<2000xf32, #tpu.memory_space<vmem>>, %arg12: memref<2000xf32, #tpu.memory_space<vmem>>, %arg13: memref<2000xf32, #tpu.memory_space<vmem>>, %arg14: memref<2000xf32, #tpu.memory_space<vmem>>, %arg15: memref<2000xf32, #tpu.memory_space<vmem>>, %arg16: memref<2000xf32, #tpu.memory_space<vmem>>, %arg17: memref<2000xf32, #tpu.memory_space<vmem>>, %arg18: memref<2000xf32, #tpu.memory_space<vmem>>, %arg19: memref<2000xf32, #tpu.memory_space<vmem>>, %arg20: memref<2000xf32, #tpu.memory_space<vmem>>, %arg21: memref<2000xf32, #tpu.memory_space<vmem>>, %arg22: memref<2000xf32, #tpu.memory_space<vmem>>, %arg23: memref<2000xf32, #tpu.memory_space<vmem>>, %arg24: memref<6400xf32, #tpu.memory_space<vmem>>, %arg25: memref<100000xf32, #tpu.memory_space<vmem_shared>>, %arg26: memref<100000xf32, #tpu.memory_space<vmem_shared>>, %arg27: memref<100000xf32, #tpu.memory_space<vmem_shared>>, %arg28: memref<100000xf32, #tpu.memory_space<vmem_shared>>, %arg29: memref<100000xf32, #tpu.memory_space<vmem_shared>>, %arg30: memref<100000xf32, #tpu.memory_space<vmem_shared>>, %arg31: memref<100000xf32, #tpu.memory_space<vmem_shared>>, %arg32: memref<100000xf32, #tpu.memory_space<vmem_shared>>, %arg33: memref<!tpu.dma_semaphore, #tpu.memory_space<semaphore_mem>>, %arg34: memref<!tpu.dma_semaphore, #tpu.memory_space<semaphore_mem>>) attributes {dimension_semantics = [#tpu.dimension_semantics<core_parallel>, #tpu.dimension_semantics<subcore_parallel>], iteration_bounds = array<i64: 2, 16>, scalar_prefetch = 0 : i64, scratch_operands = 29 : i64, tpu.core_type = #tpu.core_type<sc_vector_subcore>, window_params = [{transform_indices = #map}, {transform_indices = #map}, {transform_indices = #map}, {transform_indices = #map}]} {
    %mul3A = arith.constant 16 : i32
    %mul3A_0 = arith.muli %arg0, %mul3A : i32
    %add3A = arith.addi %mul3A_0, %arg1 : i32
    %mul3A_1 = arith.constant 6400 : i32
    %mul3A_2 = arith.muli %arg1, %mul3A_1 : i32
    %eq3A = arith.constant 15 : i32
    %eq3A_3 = arith.cmpi eq, %arg1, %eq3A : i32
    %jit3A = arith.constant 4000 : i32
    %jit3A_4 = arith.constant 6400 : i32
    %select_n3A = arith.select %eq3A_3, %jit3A, %jit3A_4 : i32
    %scan3A = arith.constant 0 : i32
    %scan3A_5 = arith.constant 0 : i32
    %scan3A_6 = arith.constant 400 : i32
    %scan3A_7 = arith.addi %scan3A_5, %scan3A_6 : i32
    %scan3A_8 = arith.constant 1 : i32
    %scan3A_9 = scf.for %scan3A_343 = %scan3A_5 to %scan3A_7 step %scan3A_8 iter_args(%scan3A_344 = %scan3A) -> (i32)  : i32 {
      %broadcast_in_dim3A = arith.constant 0.000000e+00 : f32
      %broadcast_in_dim3A_345 = vector.broadcast %broadcast_in_dim3A : f32 to vector<16xf32>
      %mul3A_346 = arith.constant 16 : i32
      %mul3A_347 = arith.muli %scan3A_343, %mul3A_346 : i32
      %swap3A = arith.index_cast %mul3A_347 : i32 to index
      %swap3A_348 = tpu.vector_load %arg24[%swap3A] {strides = array<i32>} : memref<6400xf32, #tpu.memory_space<vmem>>, vector<16xf32>,
      %swap3A_349 = vector.shape_cast %swap3A_348 : vector<16xf32> to vector<16xf32>
      %swap3A_350 = vector.shape_cast %broadcast_in_dim3A_345 : vector<16xf32> to vector<16xf32>
      tpu.vector_store %arg24[%swap3A], %swap3A_350 {strides = array<i32>} : memref<6400xf32, #tpu.memory_space<vmem>>, vector<16xf32>,
      %scan3A_351 = arith.constant 0 : i32
      scf.yield %scan3A_351 : i32
    }
    %scan3A_10 = arith.constant 400 : i32
    %lt3A = arith.constant 15 : i32
    %lt3A_11 = arith.cmpi slt, %arg1, %lt3A : i32
    %convert_element_type3A = arith.extui %lt3A_11 : i1 to i32
    %cond3A = arith.constant 0 : i32
    %cond3A_12 = arith.cmpi ne, %convert_element_type3A, %cond3A : i32
    scf.if %cond3A_12 {
      "tpu.region"() ({
        %run_scoped3A = tpu.sem_alloc : memref<!tpu.dma_semaphore, #tpu.memory_space<semaphore_mem>>
        %dma_start3A_343 = tpu.memref_slice %arg25[%mul3A_2] : memref<100000xf32, #tpu.memory_space<vmem_shared>> -> memref<6400xf32, #tpu.memory_space<vmem_shared>>
        %dma_start3A_344 = tpu.memref_slice %arg25[%mul3A_2] : memref<100000xf32, #tpu.memory_space<vmem_shared>> -> memref<6400xf32, #tpu.memory_space<vmem_shared>>
        tpu.enqueue_dma source(%arg24 : memref<6400xf32, #tpu.memory_space<vmem>>) target(%dma_start3A_344 : memref<6400xf32, #tpu.memory_space<vmem_shared>>) target_semaphore(%run_scoped3A : memref<!tpu.dma_semaphore, #tpu.memory_space<semaphore_mem>>)
        %dma_wait3A_345 = tpu.memref_slice %arg25[%mul3A_2] : memref<100000xf32, #tpu.memory_space<vmem_shared>> -> memref<6400xf32, #tpu.memory_space<vmem_shared>>
        %dma_wait3A_346 = tpu.memref_slice %arg25[%mul3A_2] : memref<100000xf32, #tpu.memory_space<vmem_shared>> -> memref<6400xf32, #tpu.memory_space<vmem_shared>>
        tpu.wait_dma2 semaphore(%run_scoped3A : memref<!tpu.dma_semaphore, #tpu.memory_space<semaphore_mem>>) src(%arg24 : memref<6400xf32, #tpu.memory_space<vmem>>) dst(%dma_wait3A_346 : memref<6400xf32, #tpu.memory_space<vmem_shared>>)
        tpu.yield
      }) : () -> ()
    } else {
    }
    %eq3A_13 = arith.constant 15 : i32
    %eq3A_14 = arith.cmpi eq, %arg1, %eq3A_13 : i32
    %convert_element_type3A_15 = arith.extui %eq3A_14 : i1 to i32
    %cond3A_16 = arith.constant 0 : i32
    %cond3A_17 = arith.cmpi ne, %convert_element_type3A_15, %cond3A_16 : i32
    scf.if %cond3A_17 {
      "tpu.region"() ({
        %run_scoped3A = tpu.sem_alloc : memref<!tpu.dma_semaphore, #tpu.memory_space<semaphore_mem>>
        %dma_start3A_343 = arith.constant 0 : i32
        %dma_start3A_344 = tpu.memref_slice %arg24[%dma_start3A_343] : memref<6400xf32, #tpu.memory_space<vmem>> -> memref<4000xf32, #tpu.memory_space<vmem>>
        %dma_start3A_345 = tpu.memref_slice %arg25[%mul3A_2] : memref<100000xf32, #tpu.memory_space<vmem_shared>> -> memref<4000xf32, #tpu.memory_space<vmem_shared>>
        %dma_start3A_346 = tpu.memref_slice %arg25[%mul3A_2] : memref<100000xf32, #tpu.memory_space<vmem_shared>> -> memref<4000xf32, #tpu.memory_space<vmem_shared>>
        %dma_start3A_347 = arith.constant 0 : i32
        %dma_start3A_348 = tpu.memref_slice %arg24[%dma_start3A_347] : memref<6400xf32, #tpu.memory_space<vmem>> -> memref<4000xf32, #tpu.memory_space<vmem>>
        tpu.enqueue_dma source(%dma_start3A_348 : memref<4000xf32, #tpu.memory_space<vmem>>) target(%dma_start3A_346 : memref<4000xf32, #tpu.memory_space<vmem_shared>>) target_semaphore(%run_scoped3A : memref<!tpu.dma_semaphore, #tpu.memory_space<semaphore_mem>>)
        %dma_wait3A_349 = arith.constant 0 : i32
        %dma_wait3A_350 = tpu.memref_slice %arg24[%dma_wait3A_349] : memref<6400xf32, #tpu.memory_space<vmem>> -> memref<4000xf32, #tpu.memory_space<vmem>>
        %dma_wait3A_351 = tpu.memref_slice %arg25[%mul3A_2] : memref<100000xf32, #tpu.memory_space<vmem_shared>> -> memref<4000xf32, #tpu.memory_space<vmem_shared>>
        %dma_wait3A_352 = tpu.memref_slice %arg25[%mul3A_2] : memref<100000xf32, #tpu.memory_space<vmem_shared>> -> memref<4000xf32, #tpu.memory_space<vmem_shared>>
        %dma_wait3A_353 = arith.constant 0 : i32
        %dma_wait3A_354 = tpu.memref_slice %arg24[%dma_wait3A_353] : memref<6400xf32, #tpu.memory_space<vmem>> -> memref<4000xf32, #tpu.memory_space<vmem>>
        tpu.wait_dma2 semaphore(%run_scoped3A : memref<!tpu.dma_semaphore, #tpu.memory_space<semaphore_mem>>) src(%dma_wait3A_354 : memref<4000xf32, #tpu.memory_space<vmem>>) dst(%dma_wait3A_352 : memref<4000xf32, #tpu.memory_space<vmem_shared>>)
        tpu.yield
      }) : () -> ()
    } else {
    }
    %lt3A_18 = arith.constant 15 : i32
    %lt3A_19 = arith.cmpi slt, %arg1, %lt3A_18 : i32
    %convert_element_type3A_20 = arith.extui %lt3A_19 : i1 to i32
    %cond3A_21 = arith.constant 0 : i32
    %cond3A_22 = arith.cmpi ne, %convert_element_type3A_20, %cond3A_21 : i32
    scf.if %cond3A_22 {
      "tpu.region"() ({
        %run_scoped3A = tpu.sem_alloc : memref<!tpu.dma_semaphore, #tpu.memory_space<semaphore_mem>>
        %dma_start3A_343 = tpu.memref_slice %arg26[%mul3A_2] : memref<100000xf32, #tpu.memory_space<vmem_shared>> -> memref<6400xf32, #tpu.memory_space<vmem_shared>>
        %dma_start3A_344 = tpu.memref_slice %arg26[%mul3A_2] : memref<100000xf32, #tpu.memory_space<vmem_shared>> -> memref<6400xf32, #tpu.memory_space<vmem_shared>>
        tpu.enqueue_dma source(%arg24 : memref<6400xf32, #tpu.memory_space<vmem>>) target(%dma_start3A_344 : memref<6400xf32, #tpu.memory_space<vmem_shared>>) target_semaphore(%run_scoped3A : memref<!tpu.dma_semaphore, #tpu.memory_space<semaphore_mem>>)
        %dma_wait3A_345 = tpu.memref_slice %arg26[%mul3A_2] : memref<100000xf32, #tpu.memory_space<vmem_shared>> -> memref<6400xf32, #tpu.memory_space<vmem_shared>>
        %dma_wait3A_346 = tpu.memref_slice %arg26[%mul3A_2] : memref<100000xf32, #tpu.memory_space<vmem_shared>> -> memref<6400xf32, #tpu.memory_space<vmem_shared>>
        tpu.wait_dma2 semaphore(%run_scoped3A : memref<!tpu.dma_semaphore, #tpu.memory_space<semaphore_mem>>) src(%arg24 : memref<6400xf32, #tpu.memory_space<vmem>>) dst(%dma_wait3A_346 : memref<6400xf32, #tpu.memory_space<vmem_shared>>)
        tpu.yield
      }) : () -> ()
    } else {
    }
    %eq3A_23 = arith.constant 15 : i32
    %eq3A_24 = arith.cmpi eq, %arg1, %eq3A_23 : i32
    %convert_element_type3A_25 = arith.extui %eq3A_24 : i1 to i32
    %cond3A_26 = arith.constant 0 : i32
    %cond3A_27 = arith.cmpi ne, %convert_element_type3A_25, %cond3A_26 : i32
    scf.if %cond3A_27 {
      "tpu.region"() ({
        %run_scoped3A = tpu.sem_alloc : memref<!tpu.dma_semaphore, #tpu.memory_space<semaphore_mem>>
        %dma_start3A_343 = arith.constant 0 : i32
        %dma_start3A_344 = tpu.memref_slice %arg24[%dma_start3A_343] : memref<6400xf32, #tpu.memory_space<vmem>> -> memref<4000xf32, #tpu.memory_space<vmem>>
        %dma_start3A_345 = tpu.memref_slice %arg26[%mul3A_2] : memref<100000xf32, #tpu.memory_space<vmem_shared>> -> memref<4000xf32, #tpu.memory_space<vmem_shared>>
        %dma_start3A_346 = tpu.memref_slice %arg26[%mul3A_2] : memref<100000xf32, #tpu.memory_space<vmem_shared>> -> memref<4000xf32, #tpu.memory_space<vmem_shared>>
        %dma_start3A_347 = arith.constant 0 : i32
        %dma_start3A_348 = tpu.memref_slice %arg24[%dma_start3A_347] : memref<6400xf32, #tpu.memory_space<vmem>> -> memref<4000xf32, #tpu.memory_space<vmem>>
        tpu.enqueue_dma source(%dma_start3A_348 : memref<4000xf32, #tpu.memory_space<vmem>>) target(%dma_start3A_346 : memref<4000xf32, #tpu.memory_space<vmem_shared>>) target_semaphore(%run_scoped3A : memref<!tpu.dma_semaphore, #tpu.memory_space<semaphore_mem>>)
        %dma_wait3A_349 = arith.constant 0 : i32
        %dma_wait3A_350 = tpu.memref_slice %arg24[%dma_wait3A_349] : memref<6400xf32, #tpu.memory_space<vmem>> -> memref<4000xf32, #tpu.memory_space<vmem>>
        %dma_wait3A_351 = tpu.memref_slice %arg26[%mul3A_2] : memref<100000xf32, #tpu.memory_space<vmem_shared>> -> memref<4000xf32, #tpu.memory_space<vmem_shared>>
        %dma_wait3A_352 = tpu.memref_slice %arg26[%mul3A_2] : memref<100000xf32, #tpu.memory_space<vmem_shared>> -> memref<4000xf32, #tpu.memory_space<vmem_shared>>
        %dma_wait3A_353 = arith.constant 0 : i32
        %dma_wait3A_354 = tpu.memref_slice %arg24[%dma_wait3A_353] : memref<6400xf32, #tpu.memory_space<vmem>> -> memref<4000xf32, #tpu.memory_space<vmem>>
        tpu.wait_dma2 semaphore(%run_scoped3A : memref<!tpu.dma_semaphore, #tpu.memory_space<semaphore_mem>>) src(%dma_wait3A_354 : memref<4000xf32, #tpu.memory_space<vmem>>) dst(%dma_wait3A_352 : memref<4000xf32, #tpu.memory_space<vmem_shared>>)
        tpu.yield
      }) : () -> ()
    } else {
    }
    %lt3A_28 = arith.constant 15 : i32
    %lt3A_29 = arith.cmpi slt, %arg1, %lt3A_28 : i32
    %convert_element_type3A_30 = arith.extui %lt3A_29 : i1 to i32
    %cond3A_31 = arith.constant 0 : i32
    %cond3A_32 = arith.cmpi ne, %convert_element_type3A_30, %cond3A_31 : i32
    scf.if %cond3A_32 {
      "tpu.region"() ({
        %run_scoped3A = tpu.sem_alloc : memref<!tpu.dma_semaphore, #tpu.memory_space<semaphore_mem>>
        %dma_start3A_343 = tpu.memref_slice %arg27[%mul3A_2] : memref<100000xf32, #tpu.memory_space<vmem_shared>> -> memref<6400xf32, #tpu.memory_space<vmem_shared>>
        %dma_start3A_344 = tpu.memref_slice %arg27[%mul3A_2] : memref<100000xf32, #tpu.memory_space<vmem_shared>> -> memref<6400xf32, #tpu.memory_space<vmem_shared>>
        tpu.enqueue_dma source(%arg24 : memref<6400xf32, #tpu.memory_space<vmem>>) target(%dma_start3A_344 : memref<6400xf32, #tpu.memory_space<vmem_shared>>) target_semaphore(%run_scoped3A : memref<!tpu.dma_semaphore, #tpu.memory_space<semaphore_mem>>)
        %dma_wait3A_345 = tpu.memref_slice %arg27[%mul3A_2] : memref<100000xf32, #tpu.memory_space<vmem_shared>> -> memref<6400xf32, #tpu.memory_space<vmem_shared>>
        %dma_wait3A_346 = tpu.memref_slice %arg27[%mul3A_2] : memref<100000xf32, #tpu.memory_space<vmem_shared>> -> memref<6400xf32, #tpu.memory_space<vmem_shared>>
        tpu.wait_dma2 semaphore(%run_scoped3A : memref<!tpu.dma_semaphore, #tpu.memory_space<semaphore_mem>>) src(%arg24 : memref<6400xf32, #tpu.memory_space<vmem>>) dst(%dma_wait3A_346 : memref<6400xf32, #tpu.memory_space<vmem_shared>>)
        tpu.yield
      }) : () -> ()
    } else {
    }
    %eq3A_33 = arith.constant 15 : i32
    %eq3A_34 = arith.cmpi eq, %arg1, %eq3A_33 : i32
    %convert_element_type3A_35 = arith.extui %eq3A_34 : i1 to i32
    %cond3A_36 = arith.constant 0 : i32
    %cond3A_37 = arith.cmpi ne, %convert_element_type3A_35, %cond3A_36 : i32
    scf.if %cond3A_37 {
      "tpu.region"() ({
        %run_scoped3A = tpu.sem_alloc : memref<!tpu.dma_semaphore, #tpu.memory_space<semaphore_mem>>
        %dma_start3A_343 = arith.constant 0 : i32
        %dma_start3A_344 = tpu.memref_slice %arg24[%dma_start3A_343] : memref<6400xf32, #tpu.memory_space<vmem>> -> memref<4000xf32, #tpu.memory_space<vmem>>
        %dma_start3A_345 = tpu.memref_slice %arg27[%mul3A_2] : memref<100000xf32, #tpu.memory_space<vmem_shared>> -> memref<4000xf32, #tpu.memory_space<vmem_shared>>
        %dma_start3A_346 = tpu.memref_slice %arg27[%mul3A_2] : memref<100000xf32, #tpu.memory_space<vmem_shared>> -> memref<4000xf32, #tpu.memory_space<vmem_shared>>
        %dma_start3A_347 = arith.constant 0 : i32
        %dma_start3A_348 = tpu.memref_slice %arg24[%dma_start3A_347] : memref<6400xf32, #tpu.memory_space<vmem>> -> memref<4000xf32, #tpu.memory_space<vmem>>
        tpu.enqueue_dma source(%dma_start3A_348 : memref<4000xf32, #tpu.memory_space<vmem>>) target(%dma_start3A_346 : memref<4000xf32, #tpu.memory_space<vmem_shared>>) target_semaphore(%run_scoped3A : memref<!tpu.dma_semaphore, #tpu.memory_space<semaphore_mem>>)
        %dma_wait3A_349 = arith.constant 0 : i32
        %dma_wait3A_350 = tpu.memref_slice %arg24[%dma_wait3A_349] : memref<6400xf32, #tpu.memory_space<vmem>> -> memref<4000xf32, #tpu.memory_space<vmem>>
        %dma_wait3A_351 = tpu.memref_slice %arg27[%mul3A_2] : memref<100000xf32, #tpu.memory_space<vmem_shared>> -> memref<4000xf32, #tpu.memory_space<vmem_shared>>
        %dma_wait3A_352 = tpu.memref_slice %arg27[%mul3A_2] : memref<100000xf32, #tpu.memory_space<vmem_shared>> -> memref<4000xf32, #tpu.memory_space<vmem_shared>>
        %dma_wait3A_353 = arith.constant 0 : i32
        %dma_wait3A_354 = tpu.memref_slice %arg24[%dma_wait3A_353] : memref<6400xf32, #tpu.memory_space<vmem>> -> memref<4000xf32, #tpu.memory_space<vmem>>
        tpu.wait_dma2 semaphore(%run_scoped3A : memref<!tpu.dma_semaphore, #tpu.memory_space<semaphore_mem>>) src(%dma_wait3A_354 : memref<4000xf32, #tpu.memory_space<vmem>>) dst(%dma_wait3A_352 : memref<4000xf32, #tpu.memory_space<vmem_shared>>)
        tpu.yield
      }) : () -> ()
    } else {
    }
    %lt3A_38 = arith.constant 15 : i32
    %lt3A_39 = arith.cmpi slt, %arg1, %lt3A_38 : i32
    %convert_element_type3A_40 = arith.extui %lt3A_39 : i1 to i32
    %cond3A_41 = arith.constant 0 : i32
    %cond3A_42 = arith.cmpi ne, %convert_element_type3A_40, %cond3A_41 : i32
    scf.if %cond3A_42 {
      "tpu.region"() ({
        %run_scoped3A = tpu.sem_alloc : memref<!tpu.dma_semaphore, #tpu.memory_space<semaphore_mem>>
        %dma_start3A_343 = tpu.memref_slice %arg28[%mul3A_2] : memref<100000xf32, #tpu.memory_space<vmem_shared>> -> memref<6400xf32, #tpu.memory_space<vmem_shared>>
        %dma_start3A_344 = tpu.memref_slice %arg28[%mul3A_2] : memref<100000xf32, #tpu.memory_space<vmem_shared>> -> memref<6400xf32, #tpu.memory_space<vmem_shared>>
        tpu.enqueue_dma source(%arg24 : memref<6400xf32, #tpu.memory_space<vmem>>) target(%dma_start3A_344 : memref<6400xf32, #tpu.memory_space<vmem_shared>>) target_semaphore(%run_scoped3A : memref<!tpu.dma_semaphore, #tpu.memory_space<semaphore_mem>>)
        %dma_wait3A_345 = tpu.memref_slice %arg28[%mul3A_2] : memref<100000xf32, #tpu.memory_space<vmem_shared>> -> memref<6400xf32, #tpu.memory_space<vmem_shared>>
        %dma_wait3A_346 = tpu.memref_slice %arg28[%mul3A_2] : memref<100000xf32, #tpu.memory_space<vmem_shared>> -> memref<6400xf32, #tpu.memory_space<vmem_shared>>
        tpu.wait_dma2 semaphore(%run_scoped3A : memref<!tpu.dma_semaphore, #tpu.memory_space<semaphore_mem>>) src(%arg24 : memref<6400xf32, #tpu.memory_space<vmem>>) dst(%dma_wait3A_346 : memref<6400xf32, #tpu.memory_space<vmem_shared>>)
        tpu.yield
      }) : () -> ()
    } else {
    }
    %eq3A_43 = arith.constant 15 : i32
    %eq3A_44 = arith.cmpi eq, %arg1, %eq3A_43 : i32
    %convert_element_type3A_45 = arith.extui %eq3A_44 : i1 to i32
    %cond3A_46 = arith.constant 0 : i32
    %cond3A_47 = arith.cmpi ne, %convert_element_type3A_45, %cond3A_46 : i32
    scf.if %cond3A_47 {
      "tpu.region"() ({
        %run_scoped3A = tpu.sem_alloc : memref<!tpu.dma_semaphore, #tpu.memory_space<semaphore_mem>>
        %dma_start3A_343 = arith.constant 0 : i32
        %dma_start3A_344 = tpu.memref_slice %arg24[%dma_start3A_343] : memref<6400xf32, #tpu.memory_space<vmem>> -> memref<4000xf32, #tpu.memory_space<vmem>>
        %dma_start3A_345 = tpu.memref_slice %arg28[%mul3A_2] : memref<100000xf32, #tpu.memory_space<vmem_shared>> -> memref<4000xf32, #tpu.memory_space<vmem_shared>>
        %dma_start3A_346 = tpu.memref_slice %arg28[%mul3A_2] : memref<100000xf32, #tpu.memory_space<vmem_shared>> -> memref<4000xf32, #tpu.memory_space<vmem_shared>>
        %dma_start3A_347 = arith.constant 0 : i32
        %dma_start3A_348 = tpu.memref_slice %arg24[%dma_start3A_347] : memref<6400xf32, #tpu.memory_space<vmem>> -> memref<4000xf32, #tpu.memory_space<vmem>>
        tpu.enqueue_dma source(%dma_start3A_348 : memref<4000xf32, #tpu.memory_space<vmem>>) target(%dma_start3A_346 : memref<4000xf32, #tpu.memory_space<vmem_shared>>) target_semaphore(%run_scoped3A : memref<!tpu.dma_semaphore, #tpu.memory_space<semaphore_mem>>)
        %dma_wait3A_349 = arith.constant 0 : i32
        %dma_wait3A_350 = tpu.memref_slice %arg24[%dma_wait3A_349] : memref<6400xf32, #tpu.memory_space<vmem>> -> memref<4000xf32, #tpu.memory_space<vmem>>
        %dma_wait3A_351 = tpu.memref_slice %arg28[%mul3A_2] : memref<100000xf32, #tpu.memory_space<vmem_shared>> -> memref<4000xf32, #tpu.memory_space<vmem_shared>>
        %dma_wait3A_352 = tpu.memref_slice %arg28[%mul3A_2] : memref<100000xf32, #tpu.memory_space<vmem_shared>> -> memref<4000xf32, #tpu.memory_space<vmem_shared>>
        %dma_wait3A_353 = arith.constant 0 : i32
        %dma_wait3A_354 = tpu.memref_slice %arg24[%dma_wait3A_353] : memref<6400xf32, #tpu.memory_space<vmem>> -> memref<4000xf32, #tpu.memory_space<vmem>>
        tpu.wait_dma2 semaphore(%run_scoped3A : memref<!tpu.dma_semaphore, #tpu.memory_space<semaphore_mem>>) src(%dma_wait3A_354 : memref<4000xf32, #tpu.memory_space<vmem>>) dst(%dma_wait3A_352 : memref<4000xf32, #tpu.memory_space<vmem_shared>>)
        tpu.yield
      }) : () -> ()
    } else {
    }
    %lt3A_48 = arith.constant 15 : i32
    %lt3A_49 = arith.cmpi slt, %arg1, %lt3A_48 : i32
    %convert_element_type3A_50 = arith.extui %lt3A_49 : i1 to i32
    %cond3A_51 = arith.constant 0 : i32
    %cond3A_52 = arith.cmpi ne, %convert_element_type3A_50, %cond3A_51 : i32
    scf.if %cond3A_52 {
      "tpu.region"() ({
        %run_scoped3A = tpu.sem_alloc : memref<!tpu.dma_semaphore, #tpu.memory_space<semaphore_mem>>
        %dma_start3A_343 = tpu.memref_slice %arg29[%mul3A_2] : memref<100000xf32, #tpu.memory_space<vmem_shared>> -> memref<6400xf32, #tpu.memory_space<vmem_shared>>
        %dma_start3A_344 = tpu.memref_slice %arg29[%mul3A_2] : memref<100000xf32, #tpu.memory_space<vmem_shared>> -> memref<6400xf32, #tpu.memory_space<vmem_shared>>
        tpu.enqueue_dma source(%arg24 : memref<6400xf32, #tpu.memory_space<vmem>>) target(%dma_start3A_344 : memref<6400xf32, #tpu.memory_space<vmem_shared>>) target_semaphore(%run_scoped3A : memref<!tpu.dma_semaphore, #tpu.memory_space<semaphore_mem>>)
        %dma_wait3A_345 = tpu.memref_slice %arg29[%mul3A_2] : memref<100000xf32, #tpu.memory_space<vmem_shared>> -> memref<6400xf32, #tpu.memory_space<vmem_shared>>
        %dma_wait3A_346 = tpu.memref_slice %arg29[%mul3A_2] : memref<100000xf32, #tpu.memory_space<vmem_shared>> -> memref<6400xf32, #tpu.memory_space<vmem_shared>>
        tpu.wait_dma2 semaphore(%run_scoped3A : memref<!tpu.dma_semaphore, #tpu.memory_space<semaphore_mem>>) src(%arg24 : memref<6400xf32, #tpu.memory_space<vmem>>) dst(%dma_wait3A_346 : memref<6400xf32, #tpu.memory_space<vmem_shared>>)
        tpu.yield
      }) : () -> ()
    } else {
    }
    %eq3A_53 = arith.constant 15 : i32
    %eq3A_54 = arith.cmpi eq, %arg1, %eq3A_53 : i32
    %convert_element_type3A_55 = arith.extui %eq3A_54 : i1 to i32
    %cond3A_56 = arith.constant 0 : i32
    %cond3A_57 = arith.cmpi ne, %convert_element_type3A_55, %cond3A_56 : i32
    scf.if %cond3A_57 {
      "tpu.region"() ({
        %run_scoped3A = tpu.sem_alloc : memref<!tpu.dma_semaphore, #tpu.memory_space<semaphore_mem>>
        %dma_start3A_343 = arith.constant 0 : i32
        %dma_start3A_344 = tpu.memref_slice %arg24[%dma_start3A_343] : memref<6400xf32, #tpu.memory_space<vmem>> -> memref<4000xf32, #tpu.memory_space<vmem>>
        %dma_start3A_345 = tpu.memref_slice %arg29[%mul3A_2] : memref<100000xf32, #tpu.memory_space<vmem_shared>> -> memref<4000xf32, #tpu.memory_space<vmem_shared>>
        %dma_start3A_346 = tpu.memref_slice %arg29[%mul3A_2] : memref<100000xf32, #tpu.memory_space<vmem_shared>> -> memref<4000xf32, #tpu.memory_space<vmem_shared>>
        %dma_start3A_347 = arith.constant 0 : i32
        %dma_start3A_348 = tpu.memref_slice %arg24[%dma_start3A_347] : memref<6400xf32, #tpu.memory_space<vmem>> -> memref<4000xf32, #tpu.memory_space<vmem>>
        tpu.enqueue_dma source(%dma_start3A_348 : memref<4000xf32, #tpu.memory_space<vmem>>) target(%dma_start3A_346 : memref<4000xf32, #tpu.memory_space<vmem_shared>>) target_semaphore(%run_scoped3A : memref<!tpu.dma_semaphore, #tpu.memory_space<semaphore_mem>>)
        %dma_wait3A_349 = arith.constant 0 : i32
        %dma_wait3A_350 = tpu.memref_slice %arg24[%dma_wait3A_349] : memref<6400xf32, #tpu.memory_space<vmem>> -> memref<4000xf32, #tpu.memory_space<vmem>>
        %dma_wait3A_351 = tpu.memref_slice %arg29[%mul3A_2] : memref<100000xf32, #tpu.memory_space<vmem_shared>> -> memref<4000xf32, #tpu.memory_space<vmem_shared>>
        %dma_wait3A_352 = tpu.memref_slice %arg29[%mul3A_2] : memref<100000xf32, #tpu.memory_space<vmem_shared>> -> memref<4000xf32, #tpu.memory_space<vmem_shared>>
        %dma_wait3A_353 = arith.constant 0 : i32
        %dma_wait3A_354 = tpu.memref_slice %arg24[%dma_wait3A_353] : memref<6400xf32, #tpu.memory_space<vmem>> -> memref<4000xf32, #tpu.memory_space<vmem>>
        tpu.wait_dma2 semaphore(%run_scoped3A : memref<!tpu.dma_semaphore, #tpu.memory_space<semaphore_mem>>) src(%dma_wait3A_354 : memref<4000xf32, #tpu.memory_space<vmem>>) dst(%dma_wait3A_352 : memref<4000xf32, #tpu.memory_space<vmem_shared>>)
        tpu.yield
      }) : () -> ()
    } else {
    }
    %lt3A_58 = arith.constant 15 : i32
    %lt3A_59 = arith.cmpi slt, %arg1, %lt3A_58 : i32
    %convert_element_type3A_60 = arith.extui %lt3A_59 : i1 to i32
    %cond3A_61 = arith.constant 0 : i32
    %cond3A_62 = arith.cmpi ne, %convert_element_type3A_60, %cond3A_61 : i32
    scf.if %cond3A_62 {
      "tpu.region"() ({
        %run_scoped3A = tpu.sem_alloc : memref<!tpu.dma_semaphore, #tpu.memory_space<semaphore_mem>>
        %dma_start3A_343 = tpu.memref_slice %arg30[%mul3A_2] : memref<100000xf32, #tpu.memory_space<vmem_shared>> -> memref<6400xf32, #tpu.memory_space<vmem_shared>>
        %dma_start3A_344 = tpu.memref_slice %arg30[%mul3A_2] : memref<100000xf32, #tpu.memory_space<vmem_shared>> -> memref<6400xf32, #tpu.memory_space<vmem_shared>>
        tpu.enqueue_dma source(%arg24 : memref<6400xf32, #tpu.memory_space<vmem>>) target(%dma_start3A_344 : memref<6400xf32, #tpu.memory_space<vmem_shared>>) target_semaphore(%run_scoped3A : memref<!tpu.dma_semaphore, #tpu.memory_space<semaphore_mem>>)
        %dma_wait3A_345 = tpu.memref_slice %arg30[%mul3A_2] : memref<100000xf32, #tpu.memory_space<vmem_shared>> -> memref<6400xf32, #tpu.memory_space<vmem_shared>>
        %dma_wait3A_346 = tpu.memref_slice %arg30[%mul3A_2] : memref<100000xf32, #tpu.memory_space<vmem_shared>> -> memref<6400xf32, #tpu.memory_space<vmem_shared>>
        tpu.wait_dma2 semaphore(%run_scoped3A : memref<!tpu.dma_semaphore, #tpu.memory_space<semaphore_mem>>) src(%arg24 : memref<6400xf32, #tpu.memory_space<vmem>>) dst(%dma_wait3A_346 : memref<6400xf32, #tpu.memory_space<vmem_shared>>)
        tpu.yield
      }) : () -> ()
    } else {
    }
    %eq3A_63 = arith.constant 15 : i32
    %eq3A_64 = arith.cmpi eq, %arg1, %eq3A_63 : i32
    %convert_element_type3A_65 = arith.extui %eq3A_64 : i1 to i32
    %cond3A_66 = arith.constant 0 : i32
    %cond3A_67 = arith.cmpi ne, %convert_element_type3A_65, %cond3A_66 : i32
    scf.if %cond3A_67 {
      "tpu.region"() ({
        %run_scoped3A = tpu.sem_alloc : memref<!tpu.dma_semaphore, #tpu.memory_space<semaphore_mem>>
        %dma_start3A_343 = arith.constant 0 : i32
        %dma_start3A_344 = tpu.memref_slice %arg24[%dma_start3A_343] : memref<6400xf32, #tpu.memory_space<vmem>> -> memref<4000xf32, #tpu.memory_space<vmem>>
        %dma_start3A_345 = tpu.memref_slice %arg30[%mul3A_2] : memref<100000xf32, #tpu.memory_space<vmem_shared>> -> memref<4000xf32, #tpu.memory_space<vmem_shared>>
        %dma_start3A_346 = tpu.memref_slice %arg30[%mul3A_2] : memref<100000xf32, #tpu.memory_space<vmem_shared>> -> memref<4000xf32, #tpu.memory_space<vmem_shared>>
        %dma_start3A_347 = arith.constant 0 : i32
        %dma_start3A_348 = tpu.memref_slice %arg24[%dma_start3A_347] : memref<6400xf32, #tpu.memory_space<vmem>> -> memref<4000xf32, #tpu.memory_space<vmem>>
        tpu.enqueue_dma source(%dma_start3A_348 : memref<4000xf32, #tpu.memory_space<vmem>>) target(%dma_start3A_346 : memref<4000xf32, #tpu.memory_space<vmem_shared>>) target_semaphore(%run_scoped3A : memref<!tpu.dma_semaphore, #tpu.memory_space<semaphore_mem>>)
        %dma_wait3A_349 = arith.constant 0 : i32
        %dma_wait3A_350 = tpu.memref_slice %arg24[%dma_wait3A_349] : memref<6400xf32, #tpu.memory_space<vmem>> -> memref<4000xf32, #tpu.memory_space<vmem>>
        %dma_wait3A_351 = tpu.memref_slice %arg30[%mul3A_2] : memref<100000xf32, #tpu.memory_space<vmem_shared>> -> memref<4000xf32, #tpu.memory_space<vmem_shared>>
        %dma_wait3A_352 = tpu.memref_slice %arg30[%mul3A_2] : memref<100000xf32, #tpu.memory_space<vmem_shared>> -> memref<4000xf32, #tpu.memory_space<vmem_shared>>
        %dma_wait3A_353 = arith.constant 0 : i32
        %dma_wait3A_354 = tpu.memref_slice %arg24[%dma_wait3A_353] : memref<6400xf32, #tpu.memory_space<vmem>> -> memref<4000xf32, #tpu.memory_space<vmem>>
        tpu.wait_dma2 semaphore(%run_scoped3A : memref<!tpu.dma_semaphore, #tpu.memory_space<semaphore_mem>>) src(%dma_wait3A_354 : memref<4000xf32, #tpu.memory_space<vmem>>) dst(%dma_wait3A_352 : memref<4000xf32, #tpu.memory_space<vmem_shared>>)
        tpu.yield
      }) : () -> ()
    } else {
    }
    %lt3A_68 = arith.constant 15 : i32
    %lt3A_69 = arith.cmpi slt, %arg1, %lt3A_68 : i32
    %convert_element_type3A_70 = arith.extui %lt3A_69 : i1 to i32
    %cond3A_71 = arith.constant 0 : i32
    %cond3A_72 = arith.cmpi ne, %convert_element_type3A_70, %cond3A_71 : i32
    scf.if %cond3A_72 {
      "tpu.region"() ({
        %run_scoped3A = tpu.sem_alloc : memref<!tpu.dma_semaphore, #tpu.memory_space<semaphore_mem>>
        %dma_start3A_343 = tpu.memref_slice %arg31[%mul3A_2] : memref<100000xf32, #tpu.memory_space<vmem_shared>> -> memref<6400xf32, #tpu.memory_space<vmem_shared>>
        %dma_start3A_344 = tpu.memref_slice %arg31[%mul3A_2] : memref<100000xf32, #tpu.memory_space<vmem_shared>> -> memref<6400xf32, #tpu.memory_space<vmem_shared>>
        tpu.enqueue_dma source(%arg24 : memref<6400xf32, #tpu.memory_space<vmem>>) target(%dma_start3A_344 : memref<6400xf32, #tpu.memory_space<vmem_shared>>) target_semaphore(%run_scoped3A : memref<!tpu.dma_semaphore, #tpu.memory_space<semaphore_mem>>)
        %dma_wait3A_345 = tpu.memref_slice %arg31[%mul3A_2] : memref<100000xf32, #tpu.memory_space<vmem_shared>> -> memref<6400xf32, #tpu.memory_space<vmem_shared>>
        %dma_wait3A_346 = tpu.memref_slice %arg31[%mul3A_2] : memref<100000xf32, #tpu.memory_space<vmem_shared>> -> memref<6400xf32, #tpu.memory_space<vmem_shared>>
        tpu.wait_dma2 semaphore(%run_scoped3A : memref<!tpu.dma_semaphore, #tpu.memory_space<semaphore_mem>>) src(%arg24 : memref<6400xf32, #tpu.memory_space<vmem>>) dst(%dma_wait3A_346 : memref<6400xf32, #tpu.memory_space<vmem_shared>>)
        tpu.yield
      }) : () -> ()
    } else {
    }
    %eq3A_73 = arith.constant 15 : i32
    %eq3A_74 = arith.cmpi eq, %arg1, %eq3A_73 : i32
    %convert_element_type3A_75 = arith.extui %eq3A_74 : i1 to i32
    %cond3A_76 = arith.constant 0 : i32
    %cond3A_77 = arith.cmpi ne, %convert_element_type3A_75, %cond3A_76 : i32
    scf.if %cond3A_77 {
      "tpu.region"() ({
        %run_scoped3A = tpu.sem_alloc : memref<!tpu.dma_semaphore, #tpu.memory_space<semaphore_mem>>
        %dma_start3A_343 = arith.constant 0 : i32
        %dma_start3A_344 = tpu.memref_slice %arg24[%dma_start3A_343] : memref<6400xf32, #tpu.memory_space<vmem>> -> memref<4000xf32, #tpu.memory_space<vmem>>
        %dma_start3A_345 = tpu.memref_slice %arg31[%mul3A_2] : memref<100000xf32, #tpu.memory_space<vmem_shared>> -> memref<4000xf32, #tpu.memory_space<vmem_shared>>
        %dma_start3A_346 = tpu.memref_slice %arg31[%mul3A_2] : memref<100000xf32, #tpu.memory_space<vmem_shared>> -> memref<4000xf32, #tpu.memory_space<vmem_shared>>
        %dma_start3A_347 = arith.constant 0 : i32
        %dma_start3A_348 = tpu.memref_slice %arg24[%dma_start3A_347] : memref<6400xf32, #tpu.memory_space<vmem>> -> memref<4000xf32, #tpu.memory_space<vmem>>
        tpu.enqueue_dma source(%dma_start3A_348 : memref<4000xf32, #tpu.memory_space<vmem>>) target(%dma_start3A_346 : memref<4000xf32, #tpu.memory_space<vmem_shared>>) target_semaphore(%run_scoped3A : memref<!tpu.dma_semaphore, #tpu.memory_space<semaphore_mem>>)
        %dma_wait3A_349 = arith.constant 0 : i32
        %dma_wait3A_350 = tpu.memref_slice %arg24[%dma_wait3A_349] : memref<6400xf32, #tpu.memory_space<vmem>> -> memref<4000xf32, #tpu.memory_space<vmem>>
        %dma_wait3A_351 = tpu.memref_slice %arg31[%mul3A_2] : memref<100000xf32, #tpu.memory_space<vmem_shared>> -> memref<4000xf32, #tpu.memory_space<vmem_shared>>
        %dma_wait3A_352 = tpu.memref_slice %arg31[%mul3A_2] : memref<100000xf32, #tpu.memory_space<vmem_shared>> -> memref<4000xf32, #tpu.memory_space<vmem_shared>>
        %dma_wait3A_353 = arith.constant 0 : i32
        %dma_wait3A_354 = tpu.memref_slice %arg24[%dma_wait3A_353] : memref<6400xf32, #tpu.memory_space<vmem>> -> memref<4000xf32, #tpu.memory_space<vmem>>
        tpu.wait_dma2 semaphore(%run_scoped3A : memref<!tpu.dma_semaphore, #tpu.memory_space<semaphore_mem>>) src(%dma_wait3A_354 : memref<4000xf32, #tpu.memory_space<vmem>>) dst(%dma_wait3A_352 : memref<4000xf32, #tpu.memory_space<vmem_shared>>)
        tpu.yield
      }) : () -> ()
    } else {
    }
    %lt3A_78 = arith.constant 15 : i32
    %lt3A_79 = arith.cmpi slt, %arg1, %lt3A_78 : i32
    %convert_element_type3A_80 = arith.extui %lt3A_79 : i1 to i32
    %cond3A_81 = arith.constant 0 : i32
    %cond3A_82 = arith.cmpi ne, %convert_element_type3A_80, %cond3A_81 : i32
    scf.if %cond3A_82 {
      "tpu.region"() ({
        %run_scoped3A = tpu.sem_alloc : memref<!tpu.dma_semaphore, #tpu.memory_space<semaphore_mem>>
        %dma_start3A_343 = tpu.memref_slice %arg32[%mul3A_2] : memref<100000xf32, #tpu.memory_space<vmem_shared>> -> memref<6400xf32, #tpu.memory_space<vmem_shared>>
        %dma_start3A_344 = tpu.memref_slice %arg32[%mul3A_2] : memref<100000xf32, #tpu.memory_space<vmem_shared>> -> memref<6400xf32, #tpu.memory_space<vmem_shared>>
        tpu.enqueue_dma source(%arg24 : memref<6400xf32, #tpu.memory_space<vmem>>) target(%dma_start3A_344 : memref<6400xf32, #tpu.memory_space<vmem_shared>>) target_semaphore(%run_scoped3A : memref<!tpu.dma_semaphore, #tpu.memory_space<semaphore_mem>>)
        %dma_wait3A_345 = tpu.memref_slice %arg32[%mul3A_2] : memref<100000xf32, #tpu.memory_space<vmem_shared>> -> memref<6400xf32, #tpu.memory_space<vmem_shared>>
        %dma_wait3A_346 = tpu.memref_slice %arg32[%mul3A_2] : memref<100000xf32, #tpu.memory_space<vmem_shared>> -> memref<6400xf32, #tpu.memory_space<vmem_shared>>
        tpu.wait_dma2 semaphore(%run_scoped3A : memref<!tpu.dma_semaphore, #tpu.memory_space<semaphore_mem>>) src(%arg24 : memref<6400xf32, #tpu.memory_space<vmem>>) dst(%dma_wait3A_346 : memref<6400xf32, #tpu.memory_space<vmem_shared>>)
        tpu.yield
      }) : () -> ()
    } else {
    }
    %eq3A_83 = arith.constant 15 : i32
    %eq3A_84 = arith.cmpi eq, %arg1, %eq3A_83 : i32
    %convert_element_type3A_85 = arith.extui %eq3A_84 : i1 to i32
    %cond3A_86 = arith.constant 0 : i32
    %cond3A_87 = arith.cmpi ne, %convert_element_type3A_85, %cond3A_86 : i32
    scf.if %cond3A_87 {
      "tpu.region"() ({
        %run_scoped3A = tpu.sem_alloc : memref<!tpu.dma_semaphore, #tpu.memory_space<semaphore_mem>>
        %dma_start3A_343 = arith.constant 0 : i32
        %dma_start3A_344 = tpu.memref_slice %arg24[%dma_start3A_343] : memref<6400xf32, #tpu.memory_space<vmem>> -> memref<4000xf32, #tpu.memory_space<vmem>>
        %dma_start3A_345 = tpu.memref_slice %arg32[%mul3A_2] : memref<100000xf32, #tpu.memory_space<vmem_shared>> -> memref<4000xf32, #tpu.memory_space<vmem_shared>>
        %dma_start3A_346 = tpu.memref_slice %arg32[%mul3A_2] : memref<100000xf32, #tpu.memory_space<vmem_shared>> -> memref<4000xf32, #tpu.memory_space<vmem_shared>>
        %dma_start3A_347 = arith.constant 0 : i32
        %dma_start3A_348 = tpu.memref_slice %arg24[%dma_start3A_347] : memref<6400xf32, #tpu.memory_space<vmem>> -> memref<4000xf32, #tpu.memory_space<vmem>>
        tpu.enqueue_dma source(%dma_start3A_348 : memref<4000xf32, #tpu.memory_space<vmem>>) target(%dma_start3A_346 : memref<4000xf32, #tpu.memory_space<vmem_shared>>) target_semaphore(%run_scoped3A : memref<!tpu.dma_semaphore, #tpu.memory_space<semaphore_mem>>)
        %dma_wait3A_349 = arith.constant 0 : i32
        %dma_wait3A_350 = tpu.memref_slice %arg24[%dma_wait3A_349] : memref<6400xf32, #tpu.memory_space<vmem>> -> memref<4000xf32, #tpu.memory_space<vmem>>
        %dma_wait3A_351 = tpu.memref_slice %arg32[%mul3A_2] : memref<100000xf32, #tpu.memory_space<vmem_shared>> -> memref<4000xf32, #tpu.memory_space<vmem_shared>>
        %dma_wait3A_352 = tpu.memref_slice %arg32[%mul3A_2] : memref<100000xf32, #tpu.memory_space<vmem_shared>> -> memref<4000xf32, #tpu.memory_space<vmem_shared>>
        %dma_wait3A_353 = arith.constant 0 : i32
        %dma_wait3A_354 = tpu.memref_slice %arg24[%dma_wait3A_353] : memref<6400xf32, #tpu.memory_space<vmem>> -> memref<4000xf32, #tpu.memory_space<vmem>>
        tpu.wait_dma2 semaphore(%run_scoped3A : memref<!tpu.dma_semaphore, #tpu.memory_space<semaphore_mem>>) src(%dma_wait3A_354 : memref<4000xf32, #tpu.memory_space<vmem>>) dst(%dma_wait3A_352 : memref<4000xf32, #tpu.memory_space<vmem_shared>>)
        tpu.yield
      }) : () -> ()
    } else {
    }
    %barrier3A = arith.constant 0 : index
    tpu.barrier barrier_id(%barrier3A)
    %mul3A_88 = arith.constant 100000 : i32
    %mul3A_89 = arith.muli %add3A, %mul3A_88 : i32
    %min3A = arith.constant 0 : i32
    %min3A_90 = arith.constant 49 : i32
    %min3A_91 = arith.minsi %min3A, %min3A_90 : i32
    %mul3A_92 = arith.constant 2000 : i32
    %mul3A_93 = arith.muli %min3A_91, %mul3A_92 : i32
    %add3A_94 = arith.addi %mul3A_89, %mul3A_93 : i32
    %add3A_95 = arith.constant 3200000 : i32
    %add3A_96 = arith.addi %add3A_95, %add3A_94 : i32
    %dma_start3A = tpu.memref_slice %arg2[%add3A_96] : memref<6400000xi32, #tpu.memory_space<hbm>> -> memref<2000xi32, #tpu.memory_space<hbm>>
    %dma_start3A_97 = tpu.memref_slice %arg2[%add3A_96] : memref<6400000xi32, #tpu.memory_space<hbm>> -> memref<2000xi32, #tpu.memory_space<hbm>>
    tpu.enqueue_dma source(%dma_start3A_97 : memref<2000xi32, #tpu.memory_space<hbm>>) target(%arg6 : memref<2000xi32, #tpu.memory_space<vmem>>) target_semaphore(%arg33 : memref<!tpu.dma_semaphore, #tpu.memory_space<semaphore_mem>>)
    %add3A_98 = arith.constant 0 : i32
    %add3A_99 = arith.addi %add3A_98, %add3A_94 : i32
    %dma_start3A_100 = tpu.memref_slice %arg3[%add3A_99] : memref<25600000xf32, #tpu.memory_space<hbm>> -> memref<2000xf32, #tpu.memory_space<hbm>>
    %dma_start3A_101 = tpu.memref_slice %arg3[%add3A_99] : memref<25600000xf32, #tpu.memory_space<hbm>> -> memref<2000xf32, #tpu.memory_space<hbm>>
    tpu.enqueue_dma source(%dma_start3A_101 : memref<2000xf32, #tpu.memory_space<hbm>>) target(%arg8 : memref<2000xf32, #tpu.memory_space<vmem>>) target_semaphore(%arg33 : memref<!tpu.dma_semaphore, #tpu.memory_space<semaphore_mem>>)
    %add3A_102 = arith.constant 3200000 : i32
    %add3A_103 = arith.addi %add3A_102, %add3A_94 : i32
    %dma_start3A_104 = tpu.memref_slice %arg3[%add3A_103] : memref<25600000xf32, #tpu.memory_space<hbm>> -> memref<2000xf32, #tpu.memory_space<hbm>>
    %dma_start3A_105 = tpu.memref_slice %arg3[%add3A_103] : memref<25600000xf32, #tpu.memory_space<hbm>> -> memref<2000xf32, #tpu.memory_space<hbm>>
    tpu.enqueue_dma source(%dma_start3A_105 : memref<2000xf32, #tpu.memory_space<hbm>>) target(%arg9 : memref<2000xf32, #tpu.memory_space<vmem>>) target_semaphore(%arg33 : memref<!tpu.dma_semaphore, #tpu.memory_space<semaphore_mem>>)
    %add3A_106 = arith.constant 6400000 : i32
    %add3A_107 = arith.addi %add3A_106, %add3A_94 : i32
    %dma_start3A_108 = tpu.memref_slice %arg3[%add3A_107] : memref<25600000xf32, #tpu.memory_space<hbm>> -> memref<2000xf32, #tpu.memory_space<hbm>>
    %dma_start3A_109 = tpu.memref_slice %arg3[%add3A_107] : memref<25600000xf32, #tpu.memory_space<hbm>> -> memref<2000xf32, #tpu.memory_space<hbm>>
    tpu.enqueue_dma source(%dma_start3A_109 : memref<2000xf32, #tpu.memory_space<hbm>>) target(%arg10 : memref<2000xf32, #tpu.memory_space<vmem>>) target_semaphore(%arg33 : memref<!tpu.dma_semaphore, #tpu.memory_space<semaphore_mem>>)
    %add3A_110 = arith.constant 9600000 : i32
    %add3A_111 = arith.addi %add3A_110, %add3A_94 : i32
    %dma_start3A_112 = tpu.memref_slice %arg3[%add3A_111] : memref<25600000xf32, #tpu.memory_space<hbm>> -> memref<2000xf32, #tpu.memory_space<hbm>>
    %dma_start3A_113 = tpu.memref_slice %arg3[%add3A_111] : memref<25600000xf32, #tpu.memory_space<hbm>> -> memref<2000xf32, #tpu.memory_space<hbm>>
    tpu.enqueue_dma source(%dma_start3A_113 : memref<2000xf32, #tpu.memory_space<hbm>>) target(%arg11 : memref<2000xf32, #tpu.memory_space<vmem>>) target_semaphore(%arg33 : memref<!tpu.dma_semaphore, #tpu.memory_space<semaphore_mem>>)
    %add3A_114 = arith.constant 12800000 : i32
    %add3A_115 = arith.addi %add3A_114, %add3A_94 : i32
    %dma_start3A_116 = tpu.memref_slice %arg3[%add3A_115] : memref<25600000xf32, #tpu.memory_space<hbm>> -> memref<2000xf32, #tpu.memory_space<hbm>>
    %dma_start3A_117 = tpu.memref_slice %arg3[%add3A_115] : memref<25600000xf32, #tpu.memory_space<hbm>> -> memref<2000xf32, #tpu.memory_space<hbm>>
    tpu.enqueue_dma source(%dma_start3A_117 : memref<2000xf32, #tpu.memory_space<hbm>>) target(%arg12 : memref<2000xf32, #tpu.memory_space<vmem>>) target_semaphore(%arg33 : memref<!tpu.dma_semaphore, #tpu.memory_space<semaphore_mem>>)
    %add3A_118 = arith.constant 16000000 : i32
    %add3A_119 = arith.addi %add3A_118, %add3A_94 : i32
    %dma_start3A_120 = tpu.memref_slice %arg3[%add3A_119] : memref<25600000xf32, #tpu.memory_space<hbm>> -> memref<2000xf32, #tpu.memory_space<hbm>>
    %dma_start3A_121 = tpu.memref_slice %arg3[%add3A_119] : memref<25600000xf32, #tpu.memory_space<hbm>> -> memref<2000xf32, #tpu.memory_space<hbm>>
    tpu.enqueue_dma source(%dma_start3A_121 : memref<2000xf32, #tpu.memory_space<hbm>>) target(%arg13 : memref<2000xf32, #tpu.memory_space<vmem>>) target_semaphore(%arg33 : memref<!tpu.dma_semaphore, #tpu.memory_space<semaphore_mem>>)
    %add3A_122 = arith.constant 19200000 : i32
    %add3A_123 = arith.addi %add3A_122, %add3A_94 : i32
    %dma_start3A_124 = tpu.memref_slice %arg3[%add3A_123] : memref<25600000xf32, #tpu.memory_space<hbm>> -> memref<2000xf32, #tpu.memory_space<hbm>>
    %dma_start3A_125 = tpu.memref_slice %arg3[%add3A_123] : memref<25600000xf32, #tpu.memory_space<hbm>> -> memref<2000xf32, #tpu.memory_space<hbm>>
    tpu.enqueue_dma source(%dma_start3A_125 : memref<2000xf32, #tpu.memory_space<hbm>>) target(%arg14 : memref<2000xf32, #tpu.memory_space<vmem>>) target_semaphore(%arg33 : memref<!tpu.dma_semaphore, #tpu.memory_space<semaphore_mem>>)
    %add3A_126 = arith.constant 22400000 : i32
    %add3A_127 = arith.addi %add3A_126, %add3A_94 : i32
    %dma_start3A_128 = tpu.memref_slice %arg3[%add3A_127] : memref<25600000xf32, #tpu.memory_space<hbm>> -> memref<2000xf32, #tpu.memory_space<hbm>>
    %dma_start3A_129 = tpu.memref_slice %arg3[%add3A_127] : memref<25600000xf32, #tpu.memory_space<hbm>> -> memref<2000xf32, #tpu.memory_space<hbm>>
    tpu.enqueue_dma source(%dma_start3A_129 : memref<2000xf32, #tpu.memory_space<hbm>>) target(%arg15 : memref<2000xf32, #tpu.memory_space<vmem>>) target_semaphore(%arg33 : memref<!tpu.dma_semaphore, #tpu.memory_space<semaphore_mem>>)
    %min3A_130 = arith.constant 1 : i32
    %min3A_131 = arith.constant 49 : i32
    %min3A_132 = arith.minsi %min3A_130, %min3A_131 : i32
    %mul3A_133 = arith.constant 2000 : i32
    %mul3A_134 = arith.muli %min3A_132, %mul3A_133 : i32
    %add3A_135 = arith.addi %mul3A_89, %mul3A_134 : i32
    %add3A_136 = arith.constant 3200000 : i32
    %add3A_137 = arith.addi %add3A_136, %add3A_135 : i32
    %dma_start3A_138 = tpu.memref_slice %arg2[%add3A_137] : memref<6400000xi32, #tpu.memory_space<hbm>> -> memref<2000xi32, #tpu.memory_space<hbm>>
    %dma_start3A_139 = tpu.memref_slice %arg2[%add3A_137] : memref<6400000xi32, #tpu.memory_space<hbm>> -> memref<2000xi32, #tpu.memory_space<hbm>>
    tpu.enqueue_dma source(%dma_start3A_139 : memref<2000xi32, #tpu.memory_space<hbm>>) target(%arg7 : memref<2000xi32, #tpu.memory_space<vmem>>) target_semaphore(%arg33 : memref<!tpu.dma_semaphore, #tpu.memory_space<semaphore_mem>>)
    %add3A_140 = arith.constant 0 : i32
    %add3A_141 = arith.addi %add3A_140, %add3A_135 : i32
    %dma_start3A_142 = tpu.memref_slice %arg3[%add3A_141] : memref<25600000xf32, #tpu.memory_space<hbm>> -> memref<2000xf32, #tpu.memory_space<hbm>>
    %dma_start3A_143 = tpu.memref_slice %arg3[%add3A_141] : memref<25600000xf32, #tpu.memory_space<hbm>> -> memref<2000xf32, #tpu.memory_space<hbm>>
    tpu.enqueue_dma source(%dma_start3A_143 : memref<2000xf32, #tpu.memory_space<hbm>>) target(%arg16 : memref<2000xf32, #tpu.memory_space<vmem>>) target_semaphore(%arg33 : memref<!tpu.dma_semaphore, #tpu.memory_space<semaphore_mem>>)
    %add3A_144 = arith.constant 3200000 : i32
    %add3A_145 = arith.addi %add3A_144, %add3A_135 : i32
    %dma_start3A_146 = tpu.memref_slice %arg3[%add3A_145] : memref<25600000xf32, #tpu.memory_space<hbm>> -> memref<2000xf32, #tpu.memory_space<hbm>>
    %dma_start3A_147 = tpu.memref_slice %arg3[%add3A_145] : memref<25600000xf32, #tpu.memory_space<hbm>> -> memref<2000xf32, #tpu.memory_space<hbm>>
    tpu.enqueue_dma source(%dma_start3A_147 : memref<2000xf32, #tpu.memory_space<hbm>>) target(%arg17 : memref<2000xf32, #tpu.memory_space<vmem>>) target_semaphore(%arg33 : memref<!tpu.dma_semaphore, #tpu.memory_space<semaphore_mem>>)
    %add3A_148 = arith.constant 6400000 : i32
    %add3A_149 = arith.addi %add3A_148, %add3A_135 : i32
    %dma_start3A_150 = tpu.memref_slice %arg3[%add3A_149] : memref<25600000xf32, #tpu.memory_space<hbm>> -> memref<2000xf32, #tpu.memory_space<hbm>>
    %dma_start3A_151 = tpu.memref_slice %arg3[%add3A_149] : memref<25600000xf32, #tpu.memory_space<hbm>> -> memref<2000xf32, #tpu.memory_space<hbm>>
    tpu.enqueue_dma source(%dma_start3A_151 : memref<2000xf32, #tpu.memory_space<hbm>>) target(%arg18 : memref<2000xf32, #tpu.memory_space<vmem>>) target_semaphore(%arg33 : memref<!tpu.dma_semaphore, #tpu.memory_space<semaphore_mem>>)
    %add3A_152 = arith.constant 9600000 : i32
    %add3A_153 = arith.addi %add3A_152, %add3A_135 : i32
    %dma_start3A_154 = tpu.memref_slice %arg3[%add3A_153] : memref<25600000xf32, #tpu.memory_space<hbm>> -> memref<2000xf32, #tpu.memory_space<hbm>>
    %dma_start3A_155 = tpu.memref_slice %arg3[%add3A_153] : memref<25600000xf32, #tpu.memory_space<hbm>> -> memref<2000xf32, #tpu.memory_space<hbm>>
    tpu.enqueue_dma source(%dma_start3A_155 : memref<2000xf32, #tpu.memory_space<hbm>>) target(%arg19 : memref<2000xf32, #tpu.memory_space<vmem>>) target_semaphore(%arg33 : memref<!tpu.dma_semaphore, #tpu.memory_space<semaphore_mem>>)
    %add3A_156 = arith.constant 12800000 : i32
    %add3A_157 = arith.addi %add3A_156, %add3A_135 : i32
    %dma_start3A_158 = tpu.memref_slice %arg3[%add3A_157] : memref<25600000xf32, #tpu.memory_space<hbm>> -> memref<2000xf32, #tpu.memory_space<hbm>>
    %dma_start3A_159 = tpu.memref_slice %arg3[%add3A_157] : memref<25600000xf32, #tpu.memory_space<hbm>> -> memref<2000xf32, #tpu.memory_space<hbm>>
    tpu.enqueue_dma source(%dma_start3A_159 : memref<2000xf32, #tpu.memory_space<hbm>>) target(%arg20 : memref<2000xf32, #tpu.memory_space<vmem>>) target_semaphore(%arg33 : memref<!tpu.dma_semaphore, #tpu.memory_space<semaphore_mem>>)
    %add3A_160 = arith.constant 16000000 : i32
    %add3A_161 = arith.addi %add3A_160, %add3A_135 : i32
    %dma_start3A_162 = tpu.memref_slice %arg3[%add3A_161] : memref<25600000xf32, #tpu.memory_space<hbm>> -> memref<2000xf32, #tpu.memory_space<hbm>>
    %dma_start3A_163 = tpu.memref_slice %arg3[%add3A_161] : memref<25600000xf32, #tpu.memory_space<hbm>> -> memref<2000xf32, #tpu.memory_space<hbm>>
    tpu.enqueue_dma source(%dma_start3A_163 : memref<2000xf32, #tpu.memory_space<hbm>>) target(%arg21 : memref<2000xf32, #tpu.memory_space<vmem>>) target_semaphore(%arg33 : memref<!tpu.dma_semaphore, #tpu.memory_space<semaphore_mem>>)
    %add3A_164 = arith.constant 19200000 : i32
    %add3A_165 = arith.addi %add3A_164, %add3A_135 : i32
    %dma_start3A_166 = tpu.memref_slice %arg3[%add3A_165] : memref<25600000xf32, #tpu.memory_space<hbm>> -> memref<2000xf32, #tpu.memory_space<hbm>>
    %dma_start3A_167 = tpu.memref_slice %arg3[%add3A_165] : memref<25600000xf32, #tpu.memory_space<hbm>> -> memref<2000xf32, #tpu.memory_space<hbm>>
    tpu.enqueue_dma source(%dma_start3A_167 : memref<2000xf32, #tpu.memory_space<hbm>>) target(%arg22 : memref<2000xf32, #tpu.memory_space<vmem>>) target_semaphore(%arg33 : memref<!tpu.dma_semaphore, #tpu.memory_space<semaphore_mem>>)
    %add3A_168 = arith.constant 22400000 : i32
    %add3A_169 = arith.addi %add3A_168, %add3A_135 : i32
    %dma_start3A_170 = tpu.memref_slice %arg3[%add3A_169] : memref<25600000xf32, #tpu.memory_space<hbm>> -> memref<2000xf32, #tpu.memory_space<hbm>>
    %dma_start3A_171 = tpu.memref_slice %arg3[%add3A_169] : memref<25600000xf32, #tpu.memory_space<hbm>> -> memref<2000xf32, #tpu.memory_space<hbm>>
    tpu.enqueue_dma source(%dma_start3A_171 : memref<2000xf32, #tpu.memory_space<hbm>>) target(%arg23 : memref<2000xf32, #tpu.memory_space<vmem>>) target_semaphore(%arg33 : memref<!tpu.dma_semaphore, #tpu.memory_space<semaphore_mem>>)
    %scan3A_172 = arith.constant 0 : i32
    %scan3A_173 = arith.constant 0 : i32
    %scan3A_174 = arith.constant 25 : i32
    %scan3A_175 = arith.addi %scan3A_173, %scan3A_174 : i32
    %scan3A_176 = arith.constant 1 : i32
    %scan3A_177 = scf.for %scan3A_343 = %scan3A_173 to %scan3A_175 step %scan3A_176 iter_args(%scan3A_344 = %scan3A_172) -> (i32)  : i32 {
      %mul3A_345 = arith.constant 2 : i32
      %mul3A_346 = arith.muli %mul3A_345, %scan3A_343 : i32
      %min3A_347 = arith.constant 49 : i32
      %min3A_348 = arith.minsi %mul3A_346, %min3A_347 : i32
      %mul3A_349 = arith.constant 2000 : i32
      %mul3A_350 = arith.muli %min3A_348, %mul3A_349 : i32
      %add3A_351 = arith.addi %mul3A_89, %mul3A_350 : i32
      %add3A_352 = arith.constant 3200000 : i32
      %add3A_353 = arith.addi %add3A_352, %add3A_351 : i32
      %add3A_354 = arith.constant 0 : i32
      %add3A_355 = arith.addi %add3A_354, %add3A_351 : i32
      %add3A_356 = arith.constant 3200000 : i32
      %add3A_357 = arith.addi %add3A_356, %add3A_351 : i32
      %add3A_358 = arith.constant 6400000 : i32
      %add3A_359 = arith.addi %add3A_358, %add3A_351 : i32
      %add3A_360 = arith.constant 9600000 : i32
      %add3A_361 = arith.addi %add3A_360, %add3A_351 : i32
      %add3A_362 = arith.constant 12800000 : i32
      %add3A_363 = arith.addi %add3A_362, %add3A_351 : i32
      %add3A_364 = arith.constant 16000000 : i32
      %add3A_365 = arith.addi %add3A_364, %add3A_351 : i32
      %add3A_366 = arith.constant 19200000 : i32
      %add3A_367 = arith.addi %add3A_366, %add3A_351 : i32
      %add3A_368 = arith.constant 22400000 : i32
      %add3A_369 = arith.addi %add3A_368, %add3A_351 : i32
      %dma_wait3A_370 = tpu.memref_slice %arg2[%add3A_353] : memref<6400000xi32, #tpu.memory_space<hbm>> -> memref<2000xi32, #tpu.memory_space<hbm>>
      %dma_wait3A_371 = tpu.memref_slice %arg2[%add3A_353] : memref<6400000xi32, #tpu.memory_space<hbm>> -> memref<2000xi32, #tpu.memory_space<hbm>>
      tpu.wait_dma2 semaphore(%arg33 : memref<!tpu.dma_semaphore, #tpu.memory_space<semaphore_mem>>) src(%dma_wait3A_371 : memref<2000xi32, #tpu.memory_space<hbm>>) dst(%arg6 : memref<2000xi32, #tpu.memory_space<vmem>>)
      %dma_wait3A_372 = tpu.memref_slice %arg3[%add3A_355] : memref<25600000xf32, #tpu.memory_space<hbm>> -> memref<2000xf32, #tpu.memory_space<hbm>>
      %dma_wait3A_373 = tpu.memref_slice %arg3[%add3A_355] : memref<25600000xf32, #tpu.memory_space<hbm>> -> memref<2000xf32, #tpu.memory_space<hbm>>
      tpu.wait_dma2 semaphore(%arg33 : memref<!tpu.dma_semaphore, #tpu.memory_space<semaphore_mem>>) src(%dma_wait3A_373 : memref<2000xf32, #tpu.memory_space<hbm>>) dst(%arg8 : memref<2000xf32, #tpu.memory_space<vmem>>)
      %dma_wait3A_374 = tpu.memref_slice %arg3[%add3A_357] : memref<25600000xf32, #tpu.memory_space<hbm>> -> memref<2000xf32, #tpu.memory_space<hbm>>
      %dma_wait3A_375 = tpu.memref_slice %arg3[%add3A_357] : memref<25600000xf32, #tpu.memory_space<hbm>> -> memref<2000xf32, #tpu.memory_space<hbm>>
      tpu.wait_dma2 semaphore(%arg33 : memref<!tpu.dma_semaphore, #tpu.memory_space<semaphore_mem>>) src(%dma_wait3A_375 : memref<2000xf32, #tpu.memory_space<hbm>>) dst(%arg9 : memref<2000xf32, #tpu.memory_space<vmem>>)
      %dma_wait3A_376 = tpu.memref_slice %arg3[%add3A_359] : memref<25600000xf32, #tpu.memory_space<hbm>> -> memref<2000xf32, #tpu.memory_space<hbm>>
      %dma_wait3A_377 = tpu.memref_slice %arg3[%add3A_359] : memref<25600000xf32, #tpu.memory_space<hbm>> -> memref<2000xf32, #tpu.memory_space<hbm>>
      tpu.wait_dma2 semaphore(%arg33 : memref<!tpu.dma_semaphore, #tpu.memory_space<semaphore_mem>>) src(%dma_wait3A_377 : memref<2000xf32, #tpu.memory_space<hbm>>) dst(%arg10 : memref<2000xf32, #tpu.memory_space<vmem>>)
      %dma_wait3A_378 = tpu.memref_slice %arg3[%add3A_361] : memref<25600000xf32, #tpu.memory_space<hbm>> -> memref<2000xf32, #tpu.memory_space<hbm>>
      %dma_wait3A_379 = tpu.memref_slice %arg3[%add3A_361] : memref<25600000xf32, #tpu.memory_space<hbm>> -> memref<2000xf32, #tpu.memory_space<hbm>>
      tpu.wait_dma2 semaphore(%arg33 : memref<!tpu.dma_semaphore, #tpu.memory_space<semaphore_mem>>) src(%dma_wait3A_379 : memref<2000xf32, #tpu.memory_space<hbm>>) dst(%arg11 : memref<2000xf32, #tpu.memory_space<vmem>>)
      %dma_wait3A_380 = tpu.memref_slice %arg3[%add3A_363] : memref<25600000xf32, #tpu.memory_space<hbm>> -> memref<2000xf32, #tpu.memory_space<hbm>>
      %dma_wait3A_381 = tpu.memref_slice %arg3[%add3A_363] : memref<25600000xf32, #tpu.memory_space<hbm>> -> memref<2000xf32, #tpu.memory_space<hbm>>
      tpu.wait_dma2 semaphore(%arg33 : memref<!tpu.dma_semaphore, #tpu.memory_space<semaphore_mem>>) src(%dma_wait3A_381 : memref<2000xf32, #tpu.memory_space<hbm>>) dst(%arg12 : memref<2000xf32, #tpu.memory_space<vmem>>)
      %dma_wait3A_382 = tpu.memref_slice %arg3[%add3A_365] : memref<25600000xf32, #tpu.memory_space<hbm>> -> memref<2000xf32, #tpu.memory_space<hbm>>
      %dma_wait3A_383 = tpu.memref_slice %arg3[%add3A_365] : memref<25600000xf32, #tpu.memory_space<hbm>> -> memref<2000xf32, #tpu.memory_space<hbm>>
      tpu.wait_dma2 semaphore(%arg33 : memref<!tpu.dma_semaphore, #tpu.memory_space<semaphore_mem>>) src(%dma_wait3A_383 : memref<2000xf32, #tpu.memory_space<hbm>>) dst(%arg13 : memref<2000xf32, #tpu.memory_space<vmem>>)
      %dma_wait3A_384 = tpu.memref_slice %arg3[%add3A_367] : memref<25600000xf32, #tpu.memory_space<hbm>> -> memref<2000xf32, #tpu.memory_space<hbm>>
      %dma_wait3A_385 = tpu.memref_slice %arg3[%add3A_367] : memref<25600000xf32, #tpu.memory_space<hbm>> -> memref<2000xf32, #tpu.memory_space<hbm>>
      tpu.wait_dma2 semaphore(%arg33 : memref<!tpu.dma_semaphore, #tpu.memory_space<semaphore_mem>>) src(%dma_wait3A_385 : memref<2000xf32, #tpu.memory_space<hbm>>) dst(%arg14 : memref<2000xf32, #tpu.memory_space<vmem>>)
      %dma_wait3A_386 = tpu.memref_slice %arg3[%add3A_369] : memref<25600000xf32, #tpu.memory_space<hbm>> -> memref<2000xf32, #tpu.memory_space<hbm>>
      %dma_wait3A_387 = tpu.memref_slice %arg3[%add3A_369] : memref<25600000xf32, #tpu.memory_space<hbm>> -> memref<2000xf32, #tpu.memory_space<hbm>>
      tpu.wait_dma2 semaphore(%arg33 : memref<!tpu.dma_semaphore, #tpu.memory_space<semaphore_mem>>) src(%dma_wait3A_387 : memref<2000xf32, #tpu.memory_space<hbm>>) dst(%arg15 : memref<2000xf32, #tpu.memory_space<vmem>>)
      %dma_start3A_388 = arith.constant 0 : i32
      %dma_start3A_389 = tpu.memref_slice %arg25[%dma_start3A_388] : memref<100000xf32, #tpu.memory_space<vmem_shared>> -> memref<100000xf32, #tpu.memory_space<vmem_shared>>
      tpu.enqueue_indirect_dma source(%arg8 : memref<2000xf32, #tpu.memory_space<vmem>>) target(%dma_start3A_389 : memref<100000xf32, #tpu.memory_space<vmem_shared>>) offsets(%arg6 : memref<2000xi32, #tpu.memory_space<vmem>>) semaphore(%arg34 : memref<!tpu.dma_semaphore, #tpu.memory_space<semaphore_mem>>) {add = true}
      %dma_start3A_390 = arith.constant 0 : i32
      %dma_start3A_391 = tpu.memref_slice %arg26[%dma_start3A_390] : memref<100000xf32, #tpu.memory_space<vmem_shared>> -> memref<100000xf32, #tpu.memory_space<vmem_shared>>
      tpu.enqueue_indirect_dma source(%arg9 : memref<2000xf32, #tpu.memory_space<vmem>>) target(%dma_start3A_391 : memref<100000xf32, #tpu.memory_space<vmem_shared>>) offsets(%arg6 : memref<2000xi32, #tpu.memory_space<vmem>>) semaphore(%arg34 : memref<!tpu.dma_semaphore, #tpu.memory_space<semaphore_mem>>) {add = true}
      %dma_start3A_392 = arith.constant 0 : i32
      %dma_start3A_393 = tpu.memref_slice %arg27[%dma_start3A_392] : memref<100000xf32, #tpu.memory_space<vmem_shared>> -> memref<100000xf32, #tpu.memory_space<vmem_shared>>
      tpu.enqueue_indirect_dma source(%arg10 : memref<2000xf32, #tpu.memory_space<vmem>>) target(%dma_start3A_393 : memref<100000xf32, #tpu.memory_space<vmem_shared>>) offsets(%arg6 : memref<2000xi32, #tpu.memory_space<vmem>>) semaphore(%arg34 : memref<!tpu.dma_semaphore, #tpu.memory_space<semaphore_mem>>) {add = true}
      %dma_start3A_394 = arith.constant 0 : i32
      %dma_start3A_395 = tpu.memref_slice %arg28[%dma_start3A_394] : memref<100000xf32, #tpu.memory_space<vmem_shared>> -> memref<100000xf32, #tpu.memory_space<vmem_shared>>
      tpu.enqueue_indirect_dma source(%arg11 : memref<2000xf32, #tpu.memory_space<vmem>>) target(%dma_start3A_395 : memref<100000xf32, #tpu.memory_space<vmem_shared>>) offsets(%arg6 : memref<2000xi32, #tpu.memory_space<vmem>>) semaphore(%arg34 : memref<!tpu.dma_semaphore, #tpu.memory_space<semaphore_mem>>) {add = true}
      %dma_start3A_396 = arith.constant 0 : i32
      %dma_start3A_397 = tpu.memref_slice %arg29[%dma_start3A_396] : memref<100000xf32, #tpu.memory_space<vmem_shared>> -> memref<100000xf32, #tpu.memory_space<vmem_shared>>
      tpu.enqueue_indirect_dma source(%arg12 : memref<2000xf32, #tpu.memory_space<vmem>>) target(%dma_start3A_397 : memref<100000xf32, #tpu.memory_space<vmem_shared>>) offsets(%arg6 : memref<2000xi32, #tpu.memory_space<vmem>>) semaphore(%arg34 : memref<!tpu.dma_semaphore, #tpu.memory_space<semaphore_mem>>) {add = true}
      %dma_start3A_398 = arith.constant 0 : i32
      %dma_start3A_399 = tpu.memref_slice %arg30[%dma_start3A_398] : memref<100000xf32, #tpu.memory_space<vmem_shared>> -> memref<100000xf32, #tpu.memory_space<vmem_shared>>
      tpu.enqueue_indirect_dma source(%arg13 : memref<2000xf32, #tpu.memory_space<vmem>>) target(%dma_start3A_399 : memref<100000xf32, #tpu.memory_space<vmem_shared>>) offsets(%arg6 : memref<2000xi32, #tpu.memory_space<vmem>>) semaphore(%arg34 : memref<!tpu.dma_semaphore, #tpu.memory_space<semaphore_mem>>) {add = true}
      %dma_start3A_400 = arith.constant 0 : i32
      %dma_start3A_401 = tpu.memref_slice %arg31[%dma_start3A_400] : memref<100000xf32, #tpu.memory_space<vmem_shared>> -> memref<100000xf32, #tpu.memory_space<vmem_shared>>
      tpu.enqueue_indirect_dma source(%arg14 : memref<2000xf32, #tpu.memory_space<vmem>>) target(%dma_start3A_401 : memref<100000xf32, #tpu.memory_space<vmem_shared>>) offsets(%arg6 : memref<2000xi32, #tpu.memory_space<vmem>>) semaphore(%arg34 : memref<!tpu.dma_semaphore, #tpu.memory_space<semaphore_mem>>) {add = true}
      %dma_start3A_402 = arith.constant 0 : i32
      %dma_start3A_403 = tpu.memref_slice %arg32[%dma_start3A_402] : memref<100000xf32, #tpu.memory_space<vmem_shared>> -> memref<100000xf32, #tpu.memory_space<vmem_shared>>
      tpu.enqueue_indirect_dma source(%arg15 : memref<2000xf32, #tpu.memory_space<vmem>>) target(%dma_start3A_403 : memref<100000xf32, #tpu.memory_space<vmem_shared>>) offsets(%arg6 : memref<2000xi32, #tpu.memory_space<vmem>>) semaphore(%arg34 : memref<!tpu.dma_semaphore, #tpu.memory_space<semaphore_mem>>) {add = true}
      %add3A_404 = arith.constant 1 : i32
      %add3A_405 = arith.addi %mul3A_346, %add3A_404 : i32
      %min3A_406 = arith.constant 49 : i32
      %min3A_407 = arith.minsi %add3A_405, %min3A_406 : i32
      %mul3A_408 = arith.constant 2000 : i32
      %mul3A_409 = arith.muli %min3A_407, %mul3A_408 : i32
      %add3A_410 = arith.addi %mul3A_89, %mul3A_409 : i32
      %add3A_411 = arith.constant 3200000 : i32
      %add3A_412 = arith.addi %add3A_411, %add3A_410 : i32
      %add3A_413 = arith.constant 0 : i32
      %add3A_414 = arith.addi %add3A_413, %add3A_410 : i32
      %add3A_415 = arith.constant 3200000 : i32
      %add3A_416 = arith.addi %add3A_415, %add3A_410 : i32
      %add3A_417 = arith.constant 6400000 : i32
      %add3A_418 = arith.addi %add3A_417, %add3A_410 : i32
      %add3A_419 = arith.constant 9600000 : i32
      %add3A_420 = arith.addi %add3A_419, %add3A_410 : i32
      %add3A_421 = arith.constant 12800000 : i32
      %add3A_422 = arith.addi %add3A_421, %add3A_410 : i32
      %add3A_423 = arith.constant 16000000 : i32
      %add3A_424 = arith.addi %add3A_423, %add3A_410 : i32
      %add3A_425 = arith.constant 19200000 : i32
      %add3A_426 = arith.addi %add3A_425, %add3A_410 : i32
      %add3A_427 = arith.constant 22400000 : i32
      %add3A_428 = arith.addi %add3A_427, %add3A_410 : i32
      %dma_wait3A_429 = tpu.memref_slice %arg2[%add3A_412] : memref<6400000xi32, #tpu.memory_space<hbm>> -> memref<2000xi32, #tpu.memory_space<hbm>>
      %dma_wait3A_430 = tpu.memref_slice %arg2[%add3A_412] : memref<6400000xi32, #tpu.memory_space<hbm>> -> memref<2000xi32, #tpu.memory_space<hbm>>
      tpu.wait_dma2 semaphore(%arg33 : memref<!tpu.dma_semaphore, #tpu.memory_space<semaphore_mem>>) src(%dma_wait3A_430 : memref<2000xi32, #tpu.memory_space<hbm>>) dst(%arg7 : memref<2000xi32, #tpu.memory_space<vmem>>)
      %dma_wait3A_431 = tpu.memref_slice %arg3[%add3A_414] : memref<25600000xf32, #tpu.memory_space<hbm>> -> memref<2000xf32, #tpu.memory_space<hbm>>
      %dma_wait3A_432 = tpu.memref_slice %arg3[%add3A_414] : memref<25600000xf32, #tpu.memory_space<hbm>> -> memref<2000xf32, #tpu.memory_space<hbm>>
      tpu.wait_dma2 semaphore(%arg33 : memref<!tpu.dma_semaphore, #tpu.memory_space<semaphore_mem>>) src(%dma_wait3A_432 : memref<2000xf32, #tpu.memory_space<hbm>>) dst(%arg16 : memref<2000xf32, #tpu.memory_space<vmem>>)
      %dma_wait3A_433 = tpu.memref_slice %arg3[%add3A_416] : memref<25600000xf32, #tpu.memory_space<hbm>> -> memref<2000xf32, #tpu.memory_space<hbm>>
      %dma_wait3A_434 = tpu.memref_slice %arg3[%add3A_416] : memref<25600000xf32, #tpu.memory_space<hbm>> -> memref<2000xf32, #tpu.memory_space<hbm>>
      tpu.wait_dma2 semaphore(%arg33 : memref<!tpu.dma_semaphore, #tpu.memory_space<semaphore_mem>>) src(%dma_wait3A_434 : memref<2000xf32, #tpu.memory_space<hbm>>) dst(%arg17 : memref<2000xf32, #tpu.memory_space<vmem>>)
      %dma_wait3A_435 = tpu.memref_slice %arg3[%add3A_418] : memref<25600000xf32, #tpu.memory_space<hbm>> -> memref<2000xf32, #tpu.memory_space<hbm>>
      %dma_wait3A_436 = tpu.memref_slice %arg3[%add3A_418] : memref<25600000xf32, #tpu.memory_space<hbm>> -> memref<2000xf32, #tpu.memory_space<hbm>>
      tpu.wait_dma2 semaphore(%arg33 : memref<!tpu.dma_semaphore, #tpu.memory_space<semaphore_mem>>) src(%dma_wait3A_436 : memref<2000xf32, #tpu.memory_space<hbm>>) dst(%arg18 : memref<2000xf32, #tpu.memory_space<vmem>>)
      %dma_wait3A_437 = tpu.memref_slice %arg3[%add3A_420] : memref<25600000xf32, #tpu.memory_space<hbm>> -> memref<2000xf32, #tpu.memory_space<hbm>>
      %dma_wait3A_438 = tpu.memref_slice %arg3[%add3A_420] : memref<25600000xf32, #tpu.memory_space<hbm>> -> memref<2000xf32, #tpu.memory_space<hbm>>
      tpu.wait_dma2 semaphore(%arg33 : memref<!tpu.dma_semaphore, #tpu.memory_space<semaphore_mem>>) src(%dma_wait3A_438 : memref<2000xf32, #tpu.memory_space<hbm>>) dst(%arg19 : memref<2000xf32, #tpu.memory_space<vmem>>)
      %dma_wait3A_439 = tpu.memref_slice %arg3[%add3A_422] : memref<25600000xf32, #tpu.memory_space<hbm>> -> memref<2000xf32, #tpu.memory_space<hbm>>
      %dma_wait3A_440 = tpu.memref_slice %arg3[%add3A_422] : memref<25600000xf32, #tpu.memory_space<hbm>> -> memref<2000xf32, #tpu.memory_space<hbm>>
      tpu.wait_dma2 semaphore(%arg33 : memref<!tpu.dma_semaphore, #tpu.memory_space<semaphore_mem>>) src(%dma_wait3A_440 : memref<2000xf32, #tpu.memory_space<hbm>>) dst(%arg20 : memref<2000xf32, #tpu.memory_space<vmem>>)
      %dma_wait3A_441 = tpu.memref_slice %arg3[%add3A_424] : memref<25600000xf32, #tpu.memory_space<hbm>> -> memref<2000xf32, #tpu.memory_space<hbm>>
      %dma_wait3A_442 = tpu.memref_slice %arg3[%add3A_424] : memref<25600000xf32, #tpu.memory_space<hbm>> -> memref<2000xf32, #tpu.memory_space<hbm>>
      tpu.wait_dma2 semaphore(%arg33 : memref<!tpu.dma_semaphore, #tpu.memory_space<semaphore_mem>>) src(%dma_wait3A_442 : memref<2000xf32, #tpu.memory_space<hbm>>) dst(%arg21 : memref<2000xf32, #tpu.memory_space<vmem>>)
      %dma_wait3A_443 = tpu.memref_slice %arg3[%add3A_426] : memref<25600000xf32, #tpu.memory_space<hbm>> -> memref<2000xf32, #tpu.memory_space<hbm>>
      %dma_wait3A_444 = tpu.memref_slice %arg3[%add3A_426] : memref<25600000xf32, #tpu.memory_space<hbm>> -> memref<2000xf32, #tpu.memory_space<hbm>>
      tpu.wait_dma2 semaphore(%arg33 : memref<!tpu.dma_semaphore, #tpu.memory_space<semaphore_mem>>) src(%dma_wait3A_444 : memref<2000xf32, #tpu.memory_space<hbm>>) dst(%arg22 : memref<2000xf32, #tpu.memory_space<vmem>>)
      %dma_wait3A_445 = tpu.memref_slice %arg3[%add3A_428] : memref<25600000xf32, #tpu.memory_space<hbm>> -> memref<2000xf32, #tpu.memory_space<hbm>>
      %dma_wait3A_446 = tpu.memref_slice %arg3[%add3A_428] : memref<25600000xf32, #tpu.memory_space<hbm>> -> memref<2000xf32, #tpu.memory_space<hbm>>
      tpu.wait_dma2 semaphore(%arg33 : memref<!tpu.dma_semaphore, #tpu.memory_space<semaphore_mem>>) src(%dma_wait3A_446 : memref<2000xf32, #tpu.memory_space<hbm>>) dst(%arg23 : memref<2000xf32, #tpu.memory_space<vmem>>)
      %dma_wait3A_447 = tpu.memref_slice %arg3[%mul3A_89] : memref<25600000xf32, #tpu.memory_space<hbm>> -> memref<2000xf32, #tpu.memory_space<hbm>>
      %dma_wait3A_448 = tpu.memref_slice %arg3[%mul3A_89] : memref<25600000xf32, #tpu.memory_space<hbm>> -> memref<2000xf32, #tpu.memory_space<hbm>>
      tpu.wait_dma2 semaphore(%arg34 : memref<!tpu.dma_semaphore, #tpu.memory_space<semaphore_mem>>) src(%dma_wait3A_448 : memref<2000xf32, #tpu.memory_space<hbm>>) dst(%arg8 : memref<2000xf32, #tpu.memory_space<vmem>>)
      %dma_wait3A_449 = tpu.memref_slice %arg3[%mul3A_89] : memref<25600000xf32, #tpu.memory_space<hbm>> -> memref<2000xf32, #tpu.memory_space<hbm>>
      %dma_wait3A_450 = tpu.memref_slice %arg3[%mul3A_89] : memref<25600000xf32, #tpu.memory_space<hbm>> -> memref<2000xf32, #tpu.memory_space<hbm>>
      tpu.wait_dma2 semaphore(%arg34 : memref<!tpu.dma_semaphore, #tpu.memory_space<semaphore_mem>>) src(%dma_wait3A_450 : memref<2000xf32, #tpu.memory_space<hbm>>) dst(%arg9 : memref<2000xf32, #tpu.memory_space<vmem>>)
      %dma_wait3A_451 = tpu.memref_slice %arg3[%mul3A_89] : memref<25600000xf32, #tpu.memory_space<hbm>> -> memref<2000xf32, #tpu.memory_space<hbm>>
      %dma_wait3A_452 = tpu.memref_slice %arg3[%mul3A_89] : memref<25600000xf32, #tpu.memory_space<hbm>> -> memref<2000xf32, #tpu.memory_space<hbm>>
      tpu.wait_dma2 semaphore(%arg34 : memref<!tpu.dma_semaphore, #tpu.memory_space<semaphore_mem>>) src(%dma_wait3A_452 : memref<2000xf32, #tpu.memory_space<hbm>>) dst(%arg10 : memref<2000xf32, #tpu.memory_space<vmem>>)
      %dma_wait3A_453 = tpu.memref_slice %arg3[%mul3A_89] : memref<25600000xf32, #tpu.memory_space<hbm>> -> memref<2000xf32, #tpu.memory_space<hbm>>
      %dma_wait3A_454 = tpu.memref_slice %arg3[%mul3A_89] : memref<25600000xf32, #tpu.memory_space<hbm>> -> memref<2000xf32, #tpu.memory_space<hbm>>
      tpu.wait_dma2 semaphore(%arg34 : memref<!tpu.dma_semaphore, #tpu.memory_space<semaphore_mem>>) src(%dma_wait3A_454 : memref<2000xf32, #tpu.memory_space<hbm>>) dst(%arg11 : memref<2000xf32, #tpu.memory_space<vmem>>)
      %dma_wait3A_455 = tpu.memref_slice %arg3[%mul3A_89] : memref<25600000xf32, #tpu.memory_space<hbm>> -> memref<2000xf32, #tpu.memory_space<hbm>>
      %dma_wait3A_456 = tpu.memref_slice %arg3[%mul3A_89] : memref<25600000xf32, #tpu.memory_space<hbm>> -> memref<2000xf32, #tpu.memory_space<hbm>>
      tpu.wait_dma2 semaphore(%arg34 : memref<!tpu.dma_semaphore, #tpu.memory_space<semaphore_mem>>) src(%dma_wait3A_456 : memref<2000xf32, #tpu.memory_space<hbm>>) dst(%arg12 : memref<2000xf32, #tpu.memory_space<vmem>>)
      %dma_wait3A_457 = tpu.memref_slice %arg3[%mul3A_89] : memref<25600000xf32, #tpu.memory_space<hbm>> -> memref<2000xf32, #tpu.memory_space<hbm>>
      %dma_wait3A_458 = tpu.memref_slice %arg3[%mul3A_89] : memref<25600000xf32, #tpu.memory_space<hbm>> -> memref<2000xf32, #tpu.memory_space<hbm>>
      tpu.wait_dma2 semaphore(%arg34 : memref<!tpu.dma_semaphore, #tpu.memory_space<semaphore_mem>>) src(%dma_wait3A_458 : memref<2000xf32, #tpu.memory_space<hbm>>) dst(%arg13 : memref<2000xf32, #tpu.memory_space<vmem>>)
      %dma_wait3A_459 = tpu.memref_slice %arg3[%mul3A_89] : memref<25600000xf32, #tpu.memory_space<hbm>> -> memref<2000xf32, #tpu.memory_space<hbm>>
      %dma_wait3A_460 = tpu.memref_slice %arg3[%mul3A_89] : memref<25600000xf32, #tpu.memory_space<hbm>> -> memref<2000xf32, #tpu.memory_space<hbm>>
      tpu.wait_dma2 semaphore(%arg34 : memref<!tpu.dma_semaphore, #tpu.memory_space<semaphore_mem>>) src(%dma_wait3A_460 : memref<2000xf32, #tpu.memory_space<hbm>>) dst(%arg14 : memref<2000xf32, #tpu.memory_space<vmem>>)
      %dma_wait3A_461 = tpu.memref_slice %arg3[%mul3A_89] : memref<25600000xf32, #tpu.memory_space<hbm>> -> memref<2000xf32, #tpu.memory_space<hbm>>
      %dma_wait3A_462 = tpu.memref_slice %arg3[%mul3A_89] : memref<25600000xf32, #tpu.memory_space<hbm>> -> memref<2000xf32, #tpu.memory_space<hbm>>
      tpu.wait_dma2 semaphore(%arg34 : memref<!tpu.dma_semaphore, #tpu.memory_space<semaphore_mem>>) src(%dma_wait3A_462 : memref<2000xf32, #tpu.memory_space<hbm>>) dst(%arg15 : memref<2000xf32, #tpu.memory_space<vmem>>)
      %add3A_463 = arith.constant 2 : i32
      %add3A_464 = arith.addi %mul3A_346, %add3A_463 : i32
      %min3A_465 = arith.constant 49 : i32
      %min3A_466 = arith.minsi %add3A_464, %min3A_465 : i32
      %mul3A_467 = arith.constant 2000 : i32
      %mul3A_468 = arith.muli %min3A_466, %mul3A_467 : i32
      %add3A_469 = arith.addi %mul3A_89, %mul3A_468 : i32
      %add3A_470 = arith.constant 3200000 : i32
      %add3A_471 = arith.addi %add3A_470, %add3A_469 : i32
      %dma_start3A_472 = tpu.memref_slice %arg2[%add3A_471] : memref<6400000xi32, #tpu.memory_space<hbm>> -> memref<2000xi32, #tpu.memory_space<hbm>>
      %dma_start3A_473 = tpu.memref_slice %arg2[%add3A_471] : memref<6400000xi32, #tpu.memory_space<hbm>> -> memref<2000xi32, #tpu.memory_space<hbm>>
      tpu.enqueue_dma source(%dma_start3A_473 : memref<2000xi32, #tpu.memory_space<hbm>>) target(%arg6 : memref<2000xi32, #tpu.memory_space<vmem>>) target_semaphore(%arg33 : memref<!tpu.dma_semaphore, #tpu.memory_space<semaphore_mem>>)
      %add3A_474 = arith.constant 0 : i32
      %add3A_475 = arith.addi %add3A_474, %add3A_469 : i32
      %dma_start3A_476 = tpu.memref_slice %arg3[%add3A_475] : memref<25600000xf32, #tpu.memory_space<hbm>> -> memref<2000xf32, #tpu.memory_space<hbm>>
      %dma_start3A_477 = tpu.memref_slice %arg3[%add3A_475] : memref<25600000xf32, #tpu.memory_space<hbm>> -> memref<2000xf32, #tpu.memory_space<hbm>>
      tpu.enqueue_dma source(%dma_start3A_477 : memref<2000xf32, #tpu.memory_space<hbm>>) target(%arg8 : memref<2000xf32, #tpu.memory_space<vmem>>) target_semaphore(%arg33 : memref<!tpu.dma_semaphore, #tpu.memory_space<semaphore_mem>>)
      %add3A_478 = arith.constant 3200000 : i32
      %add3A_479 = arith.addi %add3A_478, %add3A_469 : i32
      %dma_start3A_480 = tpu.memref_slice %arg3[%add3A_479] : memref<25600000xf32, #tpu.memory_space<hbm>> -> memref<2000xf32, #tpu.memory_space<hbm>>
      %dma_start3A_481 = tpu.memref_slice %arg3[%add3A_479] : memref<25600000xf32, #tpu.memory_space<hbm>> -> memref<2000xf32, #tpu.memory_space<hbm>>
      tpu.enqueue_dma source(%dma_start3A_481 : memref<2000xf32, #tpu.memory_space<hbm>>) target(%arg9 : memref<2000xf32, #tpu.memory_space<vmem>>) target_semaphore(%arg33 : memref<!tpu.dma_semaphore, #tpu.memory_space<semaphore_mem>>)
      %add3A_482 = arith.constant 6400000 : i32
      %add3A_483 = arith.addi %add3A_482, %add3A_469 : i32
      %dma_start3A_484 = tpu.memref_slice %arg3[%add3A_483] : memref<25600000xf32, #tpu.memory_space<hbm>> -> memref<2000xf32, #tpu.memory_space<hbm>>
      %dma_start3A_485 = tpu.memref_slice %arg3[%add3A_483] : memref<25600000xf32, #tpu.memory_space<hbm>> -> memref<2000xf32, #tpu.memory_space<hbm>>
      tpu.enqueue_dma source(%dma_start3A_485 : memref<2000xf32, #tpu.memory_space<hbm>>) target(%arg10 : memref<2000xf32, #tpu.memory_space<vmem>>) target_semaphore(%arg33 : memref<!tpu.dma_semaphore, #tpu.memory_space<semaphore_mem>>)
      %add3A_486 = arith.constant 9600000 : i32
      %add3A_487 = arith.addi %add3A_486, %add3A_469 : i32
      %dma_start3A_488 = tpu.memref_slice %arg3[%add3A_487] : memref<25600000xf32, #tpu.memory_space<hbm>> -> memref<2000xf32, #tpu.memory_space<hbm>>
      %dma_start3A_489 = tpu.memref_slice %arg3[%add3A_487] : memref<25600000xf32, #tpu.memory_space<hbm>> -> memref<2000xf32, #tpu.memory_space<hbm>>
      tpu.enqueue_dma source(%dma_start3A_489 : memref<2000xf32, #tpu.memory_space<hbm>>) target(%arg11 : memref<2000xf32, #tpu.memory_space<vmem>>) target_semaphore(%arg33 : memref<!tpu.dma_semaphore, #tpu.memory_space<semaphore_mem>>)
      %add3A_490 = arith.constant 12800000 : i32
      %add3A_491 = arith.addi %add3A_490, %add3A_469 : i32
      %dma_start3A_492 = tpu.memref_slice %arg3[%add3A_491] : memref<25600000xf32, #tpu.memory_space<hbm>> -> memref<2000xf32, #tpu.memory_space<hbm>>
      %dma_start3A_493 = tpu.memref_slice %arg3[%add3A_491] : memref<25600000xf32, #tpu.memory_space<hbm>> -> memref<2000xf32, #tpu.memory_space<hbm>>
      tpu.enqueue_dma source(%dma_start3A_493 : memref<2000xf32, #tpu.memory_space<hbm>>) target(%arg12 : memref<2000xf32, #tpu.memory_space<vmem>>) target_semaphore(%arg33 : memref<!tpu.dma_semaphore, #tpu.memory_space<semaphore_mem>>)
      %add3A_494 = arith.constant 16000000 : i32
      %add3A_495 = arith.addi %add3A_494, %add3A_469 : i32
      %dma_start3A_496 = tpu.memref_slice %arg3[%add3A_495] : memref<25600000xf32, #tpu.memory_space<hbm>> -> memref<2000xf32, #tpu.memory_space<hbm>>
      %dma_start3A_497 = tpu.memref_slice %arg3[%add3A_495] : memref<25600000xf32, #tpu.memory_space<hbm>> -> memref<2000xf32, #tpu.memory_space<hbm>>
      tpu.enqueue_dma source(%dma_start3A_497 : memref<2000xf32, #tpu.memory_space<hbm>>) target(%arg13 : memref<2000xf32, #tpu.memory_space<vmem>>) target_semaphore(%arg33 : memref<!tpu.dma_semaphore, #tpu.memory_space<semaphore_mem>>)
      %add3A_498 = arith.constant 19200000 : i32
      %add3A_499 = arith.addi %add3A_498, %add3A_469 : i32
      %dma_start3A_500 = tpu.memref_slice %arg3[%add3A_499] : memref<25600000xf32, #tpu.memory_space<hbm>> -> memref<2000xf32, #tpu.memory_space<hbm>>
      %dma_start3A_501 = tpu.memref_slice %arg3[%add3A_499] : memref<25600000xf32, #tpu.memory_space<hbm>> -> memref<2000xf32, #tpu.memory_space<hbm>>
      tpu.enqueue_dma source(%dma_start3A_501 : memref<2000xf32, #tpu.memory_space<hbm>>) target(%arg14 : memref<2000xf32, #tpu.memory_space<vmem>>) target_semaphore(%arg33 : memref<!tpu.dma_semaphore, #tpu.memory_space<semaphore_mem>>)
      %add3A_502 = arith.constant 22400000 : i32
      %add3A_503 = arith.addi %add3A_502, %add3A_469 : i32
      %dma_start3A_504 = tpu.memref_slice %arg3[%add3A_503] : memref<25600000xf32, #tpu.memory_space<hbm>> -> memref<2000xf32, #tpu.memory_space<hbm>>
      %dma_start3A_505 = tpu.memref_slice %arg3[%add3A_503] : memref<25600000xf32, #tpu.memory_space<hbm>> -> memref<2000xf32, #tpu.memory_space<hbm>>
      tpu.enqueue_dma source(%dma_start3A_505 : memref<2000xf32, #tpu.memory_space<hbm>>) target(%arg15 : memref<2000xf32, #tpu.memory_space<vmem>>) target_semaphore(%arg33 : memref<!tpu.dma_semaphore, #tpu.memory_space<semaphore_mem>>)
      %dma_start3A_506 = arith.constant 0 : i32
      %dma_start3A_507 = tpu.memref_slice %arg25[%dma_start3A_506] : memref<100000xf32, #tpu.memory_space<vmem_shared>> -> memref<100000xf32, #tpu.memory_space<vmem_shared>>
      tpu.enqueue_indirect_dma source(%arg16 : memref<2000xf32, #tpu.memory_space<vmem>>) target(%dma_start3A_507 : memref<100000xf32, #tpu.memory_space<vmem_shared>>) offsets(%arg7 : memref<2000xi32, #tpu.memory_space<vmem>>) semaphore(%arg34 : memref<!tpu.dma_semaphore, #tpu.memory_space<semaphore_mem>>) {add = true}
      %dma_start3A_508 = arith.constant 0 : i32
      %dma_start3A_509 = tpu.memref_slice %arg26[%dma_start3A_508] : memref<100000xf32, #tpu.memory_space<vmem_shared>> -> memref<100000xf32, #tpu.memory_space<vmem_shared>>
      tpu.enqueue_indirect_dma source(%arg17 : memref<2000xf32, #tpu.memory_space<vmem>>) target(%dma_start3A_509 : memref<100000xf32, #tpu.memory_space<vmem_shared>>) offsets(%arg7 : memref<2000xi32, #tpu.memory_space<vmem>>) semaphore(%arg34 : memref<!tpu.dma_semaphore, #tpu.memory_space<semaphore_mem>>) {add = true}
      %dma_start3A_510 = arith.constant 0 : i32
      %dma_start3A_511 = tpu.memref_slice %arg27[%dma_start3A_510] : memref<100000xf32, #tpu.memory_space<vmem_shared>> -> memref<100000xf32, #tpu.memory_space<vmem_shared>>
      tpu.enqueue_indirect_dma source(%arg18 : memref<2000xf32, #tpu.memory_space<vmem>>) target(%dma_start3A_511 : memref<100000xf32, #tpu.memory_space<vmem_shared>>) offsets(%arg7 : memref<2000xi32, #tpu.memory_space<vmem>>) semaphore(%arg34 : memref<!tpu.dma_semaphore, #tpu.memory_space<semaphore_mem>>) {add = true}
      %dma_start3A_512 = arith.constant 0 : i32
      %dma_start3A_513 = tpu.memref_slice %arg28[%dma_start3A_512] : memref<100000xf32, #tpu.memory_space<vmem_shared>> -> memref<100000xf32, #tpu.memory_space<vmem_shared>>
      tpu.enqueue_indirect_dma source(%arg19 : memref<2000xf32, #tpu.memory_space<vmem>>) target(%dma_start3A_513 : memref<100000xf32, #tpu.memory_space<vmem_shared>>) offsets(%arg7 : memref<2000xi32, #tpu.memory_space<vmem>>) semaphore(%arg34 : memref<!tpu.dma_semaphore, #tpu.memory_space<semaphore_mem>>) {add = true}
      %dma_start3A_514 = arith.constant 0 : i32
      %dma_start3A_515 = tpu.memref_slice %arg29[%dma_start3A_514] : memref<100000xf32, #tpu.memory_space<vmem_shared>> -> memref<100000xf32, #tpu.memory_space<vmem_shared>>
      tpu.enqueue_indirect_dma source(%arg20 : memref<2000xf32, #tpu.memory_space<vmem>>) target(%dma_start3A_515 : memref<100000xf32, #tpu.memory_space<vmem_shared>>) offsets(%arg7 : memref<2000xi32, #tpu.memory_space<vmem>>) semaphore(%arg34 : memref<!tpu.dma_semaphore, #tpu.memory_space<semaphore_mem>>) {add = true}
      %dma_start3A_516 = arith.constant 0 : i32
      %dma_start3A_517 = tpu.memref_slice %arg30[%dma_start3A_516] : memref<100000xf32, #tpu.memory_space<vmem_shared>> -> memref<100000xf32, #tpu.memory_space<vmem_shared>>
      tpu.enqueue_indirect_dma source(%arg21 : memref<2000xf32, #tpu.memory_space<vmem>>) target(%dma_start3A_517 : memref<100000xf32, #tpu.memory_space<vmem_shared>>) offsets(%arg7 : memref<2000xi32, #tpu.memory_space<vmem>>) semaphore(%arg34 : memref<!tpu.dma_semaphore, #tpu.memory_space<semaphore_mem>>) {add = true}
      %dma_start3A_518 = arith.constant 0 : i32
      %dma_start3A_519 = tpu.memref_slice %arg31[%dma_start3A_518] : memref<100000xf32, #tpu.memory_space<vmem_shared>> -> memref<100000xf32, #tpu.memory_space<vmem_shared>>
      tpu.enqueue_indirect_dma source(%arg22 : memref<2000xf32, #tpu.memory_space<vmem>>) target(%dma_start3A_519 : memref<100000xf32, #tpu.memory_space<vmem_shared>>) offsets(%arg7 : memref<2000xi32, #tpu.memory_space<vmem>>) semaphore(%arg34 : memref<!tpu.dma_semaphore, #tpu.memory_space<semaphore_mem>>) {add = true}
      %dma_start3A_520 = arith.constant 0 : i32
      %dma_start3A_521 = tpu.memref_slice %arg32[%dma_start3A_520] : memref<100000xf32, #tpu.memory_space<vmem_shared>> -> memref<100000xf32, #tpu.memory_space<vmem_shared>>
      tpu.enqueue_indirect_dma source(%arg23 : memref<2000xf32, #tpu.memory_space<vmem>>) target(%dma_start3A_521 : memref<100000xf32, #tpu.memory_space<vmem_shared>>) offsets(%arg7 : memref<2000xi32, #tpu.memory_space<vmem>>) semaphore(%arg34 : memref<!tpu.dma_semaphore, #tpu.memory_space<semaphore_mem>>) {add = true}
      %dma_wait3A_522 = tpu.memref_slice %arg3[%mul3A_89] : memref<25600000xf32, #tpu.memory_space<hbm>> -> memref<2000xf32, #tpu.memory_space<hbm>>
      %dma_wait3A_523 = tpu.memref_slice %arg3[%mul3A_89] : memref<25600000xf32, #tpu.memory_space<hbm>> -> memref<2000xf32, #tpu.memory_space<hbm>>
      tpu.wait_dma2 semaphore(%arg34 : memref<!tpu.dma_semaphore, #tpu.memory_space<semaphore_mem>>) src(%dma_wait3A_523 : memref<2000xf32, #tpu.memory_space<hbm>>) dst(%arg16 : memref<2000xf32, #tpu.memory_space<vmem>>)
      %dma_wait3A_524 = tpu.memref_slice %arg3[%mul3A_89] : memref<25600000xf32, #tpu.memory_space<hbm>> -> memref<2000xf32, #tpu.memory_space<hbm>>
      %dma_wait3A_525 = tpu.memref_slice %arg3[%mul3A_89] : memref<25600000xf32, #tpu.memory_space<hbm>> -> memref<2000xf32, #tpu.memory_space<hbm>>
      tpu.wait_dma2 semaphore(%arg34 : memref<!tpu.dma_semaphore, #tpu.memory_space<semaphore_mem>>) src(%dma_wait3A_525 : memref<2000xf32, #tpu.memory_space<hbm>>) dst(%arg17 : memref<2000xf32, #tpu.memory_space<vmem>>)
      %dma_wait3A_526 = tpu.memref_slice %arg3[%mul3A_89] : memref<25600000xf32, #tpu.memory_space<hbm>> -> memref<2000xf32, #tpu.memory_space<hbm>>
      %dma_wait3A_527 = tpu.memref_slice %arg3[%mul3A_89] : memref<25600000xf32, #tpu.memory_space<hbm>> -> memref<2000xf32, #tpu.memory_space<hbm>>
      tpu.wait_dma2 semaphore(%arg34 : memref<!tpu.dma_semaphore, #tpu.memory_space<semaphore_mem>>) src(%dma_wait3A_527 : memref<2000xf32, #tpu.memory_space<hbm>>) dst(%arg18 : memref<2000xf32, #tpu.memory_space<vmem>>)
      %dma_wait3A_528 = tpu.memref_slice %arg3[%mul3A_89] : memref<25600000xf32, #tpu.memory_space<hbm>> -> memref<2000xf32, #tpu.memory_space<hbm>>
      %dma_wait3A_529 = tpu.memref_slice %arg3[%mul3A_89] : memref<25600000xf32, #tpu.memory_space<hbm>> -> memref<2000xf32, #tpu.memory_space<hbm>>
      tpu.wait_dma2 semaphore(%arg34 : memref<!tpu.dma_semaphore, #tpu.memory_space<semaphore_mem>>) src(%dma_wait3A_529 : memref<2000xf32, #tpu.memory_space<hbm>>) dst(%arg19 : memref<2000xf32, #tpu.memory_space<vmem>>)
      %dma_wait3A_530 = tpu.memref_slice %arg3[%mul3A_89] : memref<25600000xf32, #tpu.memory_space<hbm>> -> memref<2000xf32, #tpu.memory_space<hbm>>
      %dma_wait3A_531 = tpu.memref_slice %arg3[%mul3A_89] : memref<25600000xf32, #tpu.memory_space<hbm>> -> memref<2000xf32, #tpu.memory_space<hbm>>
      tpu.wait_dma2 semaphore(%arg34 : memref<!tpu.dma_semaphore, #tpu.memory_space<semaphore_mem>>) src(%dma_wait3A_531 : memref<2000xf32, #tpu.memory_space<hbm>>) dst(%arg20 : memref<2000xf32, #tpu.memory_space<vmem>>)
      %dma_wait3A_532 = tpu.memref_slice %arg3[%mul3A_89] : memref<25600000xf32, #tpu.memory_space<hbm>> -> memref<2000xf32, #tpu.memory_space<hbm>>
      %dma_wait3A_533 = tpu.memref_slice %arg3[%mul3A_89] : memref<25600000xf32, #tpu.memory_space<hbm>> -> memref<2000xf32, #tpu.memory_space<hbm>>
      tpu.wait_dma2 semaphore(%arg34 : memref<!tpu.dma_semaphore, #tpu.memory_space<semaphore_mem>>) src(%dma_wait3A_533 : memref<2000xf32, #tpu.memory_space<hbm>>) dst(%arg21 : memref<2000xf32, #tpu.memory_space<vmem>>)
      %dma_wait3A_534 = tpu.memref_slice %arg3[%mul3A_89] : memref<25600000xf32, #tpu.memory_space<hbm>> -> memref<2000xf32, #tpu.memory_space<hbm>>
      %dma_wait3A_535 = tpu.memref_slice %arg3[%mul3A_89] : memref<25600000xf32, #tpu.memory_space<hbm>> -> memref<2000xf32, #tpu.memory_space<hbm>>
      tpu.wait_dma2 semaphore(%arg34 : memref<!tpu.dma_semaphore, #tpu.memory_space<semaphore_mem>>) src(%dma_wait3A_535 : memref<2000xf32, #tpu.memory_space<hbm>>) dst(%arg22 : memref<2000xf32, #tpu.memory_space<vmem>>)
      %dma_wait3A_536 = tpu.memref_slice %arg3[%mul3A_89] : memref<25600000xf32, #tpu.memory_space<hbm>> -> memref<2000xf32, #tpu.memory_space<hbm>>
      %dma_wait3A_537 = tpu.memref_slice %arg3[%mul3A_89] : memref<25600000xf32, #tpu.memory_space<hbm>> -> memref<2000xf32, #tpu.memory_space<hbm>>
      tpu.wait_dma2 semaphore(%arg34 : memref<!tpu.dma_semaphore, #tpu.memory_space<semaphore_mem>>) src(%dma_wait3A_537 : memref<2000xf32, #tpu.memory_space<hbm>>) dst(%arg23 : memref<2000xf32, #tpu.memory_space<vmem>>)
      %add3A_538 = arith.constant 3 : i32
      %add3A_539 = arith.addi %mul3A_346, %add3A_538 : i32
      %min3A_540 = arith.constant 49 : i32
      %min3A_541 = arith.minsi %add3A_539, %min3A_540 : i32
      %mul3A_542 = arith.constant 2000 : i32
      %mul3A_543 = arith.muli %min3A_541, %mul3A_542 : i32
      %add3A_544 = arith.addi %mul3A_89, %mul3A_543 : i32
      %add3A_545 = arith.constant 3200000 : i32
      %add3A_546 = arith.addi %add3A_545, %add3A_544 : i32
      %dma_start3A_547 = tpu.memref_slice %arg2[%add3A_546] : memref<6400000xi32, #tpu.memory_space<hbm>> -> memref<2000xi32, #tpu.memory_space<hbm>>
      %dma_start3A_548 = tpu.memref_slice %arg2[%add3A_546] : memref<6400000xi32, #tpu.memory_space<hbm>> -> memref<2000xi32, #tpu.memory_space<hbm>>
      tpu.enqueue_dma source(%dma_start3A_548 : memref<2000xi32, #tpu.memory_space<hbm>>) target(%arg7 : memref<2000xi32, #tpu.memory_space<vmem>>) target_semaphore(%arg33 : memref<!tpu.dma_semaphore, #tpu.memory_space<semaphore_mem>>)
      %add3A_549 = arith.constant 0 : i32
      %add3A_550 = arith.addi %add3A_549, %add3A_544 : i32
      %dma_start3A_551 = tpu.memref_slice %arg3[%add3A_550] : memref<25600000xf32, #tpu.memory_space<hbm>> -> memref<2000xf32, #tpu.memory_space<hbm>>
      %dma_start3A_552 = tpu.memref_slice %arg3[%add3A_550] : memref<25600000xf32, #tpu.memory_space<hbm>> -> memref<2000xf32, #tpu.memory_space<hbm>>
      tpu.enqueue_dma source(%dma_start3A_552 : memref<2000xf32, #tpu.memory_space<hbm>>) target(%arg16 : memref<2000xf32, #tpu.memory_space<vmem>>) target_semaphore(%arg33 : memref<!tpu.dma_semaphore, #tpu.memory_space<semaphore_mem>>)
      %add3A_553 = arith.constant 3200000 : i32
      %add3A_554 = arith.addi %add3A_553, %add3A_544 : i32
      %dma_start3A_555 = tpu.memref_slice %arg3[%add3A_554] : memref<25600000xf32, #tpu.memory_space<hbm>> -> memref<2000xf32, #tpu.memory_space<hbm>>
      %dma_start3A_556 = tpu.memref_slice %arg3[%add3A_554] : memref<25600000xf32, #tpu.memory_space<hbm>> -> memref<2000xf32, #tpu.memory_space<hbm>>
      tpu.enqueue_dma source(%dma_start3A_556 : memref<2000xf32, #tpu.memory_space<hbm>>) target(%arg17 : memref<2000xf32, #tpu.memory_space<vmem>>) target_semaphore(%arg33 : memref<!tpu.dma_semaphore, #tpu.memory_space<semaphore_mem>>)
      %add3A_557 = arith.constant 6400000 : i32
      %add3A_558 = arith.addi %add3A_557, %add3A_544 : i32
      %dma_start3A_559 = tpu.memref_slice %arg3[%add3A_558] : memref<25600000xf32, #tpu.memory_space<hbm>> -> memref<2000xf32, #tpu.memory_space<hbm>>
      %dma_start3A_560 = tpu.memref_slice %arg3[%add3A_558] : memref<25600000xf32, #tpu.memory_space<hbm>> -> memref<2000xf32, #tpu.memory_space<hbm>>
      tpu.enqueue_dma source(%dma_start3A_560 : memref<2000xf32, #tpu.memory_space<hbm>>) target(%arg18 : memref<2000xf32, #tpu.memory_space<vmem>>) target_semaphore(%arg33 : memref<!tpu.dma_semaphore, #tpu.memory_space<semaphore_mem>>)
      %add3A_561 = arith.constant 9600000 : i32
      %add3A_562 = arith.addi %add3A_561, %add3A_544 : i32
      %dma_start3A_563 = tpu.memref_slice %arg3[%add3A_562] : memref<25600000xf32, #tpu.memory_space<hbm>> -> memref<2000xf32, #tpu.memory_space<hbm>>
      %dma_start3A_564 = tpu.memref_slice %arg3[%add3A_562] : memref<25600000xf32, #tpu.memory_space<hbm>> -> memref<2000xf32, #tpu.memory_space<hbm>>
      tpu.enqueue_dma source(%dma_start3A_564 : memref<2000xf32, #tpu.memory_space<hbm>>) target(%arg19 : memref<2000xf32, #tpu.memory_space<vmem>>) target_semaphore(%arg33 : memref<!tpu.dma_semaphore, #tpu.memory_space<semaphore_mem>>)
      %add3A_565 = arith.constant 12800000 : i32
      %add3A_566 = arith.addi %add3A_565, %add3A_544 : i32
      %dma_start3A_567 = tpu.memref_slice %arg3[%add3A_566] : memref<25600000xf32, #tpu.memory_space<hbm>> -> memref<2000xf32, #tpu.memory_space<hbm>>
      %dma_start3A_568 = tpu.memref_slice %arg3[%add3A_566] : memref<25600000xf32, #tpu.memory_space<hbm>> -> memref<2000xf32, #tpu.memory_space<hbm>>
      tpu.enqueue_dma source(%dma_start3A_568 : memref<2000xf32, #tpu.memory_space<hbm>>) target(%arg20 : memref<2000xf32, #tpu.memory_space<vmem>>) target_semaphore(%arg33 : memref<!tpu.dma_semaphore, #tpu.memory_space<semaphore_mem>>)
      %add3A_569 = arith.constant 16000000 : i32
      %add3A_570 = arith.addi %add3A_569, %add3A_544 : i32
      %dma_start3A_571 = tpu.memref_slice %arg3[%add3A_570] : memref<25600000xf32, #tpu.memory_space<hbm>> -> memref<2000xf32, #tpu.memory_space<hbm>>
      %dma_start3A_572 = tpu.memref_slice %arg3[%add3A_570] : memref<25600000xf32, #tpu.memory_space<hbm>> -> memref<2000xf32, #tpu.memory_space<hbm>>
      tpu.enqueue_dma source(%dma_start3A_572 : memref<2000xf32, #tpu.memory_space<hbm>>) target(%arg21 : memref<2000xf32, #tpu.memory_space<vmem>>) target_semaphore(%arg33 : memref<!tpu.dma_semaphore, #tpu.memory_space<semaphore_mem>>)
      %add3A_573 = arith.constant 19200000 : i32
      %add3A_574 = arith.addi %add3A_573, %add3A_544 : i32
      %dma_start3A_575 = tpu.memref_slice %arg3[%add3A_574] : memref<25600000xf32, #tpu.memory_space<hbm>> -> memref<2000xf32, #tpu.memory_space<hbm>>
      %dma_start3A_576 = tpu.memref_slice %arg3[%add3A_574] : memref<25600000xf32, #tpu.memory_space<hbm>> -> memref<2000xf32, #tpu.memory_space<hbm>>
      tpu.enqueue_dma source(%dma_start3A_576 : memref<2000xf32, #tpu.memory_space<hbm>>) target(%arg22 : memref<2000xf32, #tpu.memory_space<vmem>>) target_semaphore(%arg33 : memref<!tpu.dma_semaphore, #tpu.memory_space<semaphore_mem>>)
      %add3A_577 = arith.constant 22400000 : i32
      %add3A_578 = arith.addi %add3A_577, %add3A_544 : i32
      %dma_start3A_579 = tpu.memref_slice %arg3[%add3A_578] : memref<25600000xf32, #tpu.memory_space<hbm>> -> memref<2000xf32, #tpu.memory_space<hbm>>
      %dma_start3A_580 = tpu.memref_slice %arg3[%add3A_578] : memref<25600000xf32, #tpu.memory_space<hbm>> -> memref<2000xf32, #tpu.memory_space<hbm>>
      tpu.enqueue_dma source(%dma_start3A_580 : memref<2000xf32, #tpu.memory_space<hbm>>) target(%arg23 : memref<2000xf32, #tpu.memory_space<vmem>>) target_semaphore(%arg33 : memref<!tpu.dma_semaphore, #tpu.memory_space<semaphore_mem>>)
      %scan3A_581 = arith.constant 0 : i32
      scf.yield %scan3A_581 : i32
    }
    %scan3A_178 = arith.constant 25 : i32
    %min3A_179 = arith.constant 50 : i32
    %min3A_180 = arith.constant 49 : i32
    %min3A_181 = arith.minsi %min3A_179, %min3A_180 : i32
    %mul3A_182 = arith.constant 2000 : i32
    %mul3A_183 = arith.muli %min3A_181, %mul3A_182 : i32
    %add3A_184 = arith.addi %mul3A_89, %mul3A_183 : i32
    %add3A_185 = arith.constant 3200000 : i32
    %add3A_186 = arith.addi %add3A_185, %add3A_184 : i32
    %add3A_187 = arith.constant 0 : i32
    %add3A_188 = arith.addi %add3A_187, %add3A_184 : i32
    %add3A_189 = arith.constant 3200000 : i32
    %add3A_190 = arith.addi %add3A_189, %add3A_184 : i32
    %add3A_191 = arith.constant 6400000 : i32
    %add3A_192 = arith.addi %add3A_191, %add3A_184 : i32
    %add3A_193 = arith.constant 9600000 : i32
    %add3A_194 = arith.addi %add3A_193, %add3A_184 : i32
    %add3A_195 = arith.constant 12800000 : i32
    %add3A_196 = arith.addi %add3A_195, %add3A_184 : i32
    %add3A_197 = arith.constant 16000000 : i32
    %add3A_198 = arith.addi %add3A_197, %add3A_184 : i32
    %add3A_199 = arith.constant 19200000 : i32
    %add3A_200 = arith.addi %add3A_199, %add3A_184 : i32
    %add3A_201 = arith.constant 22400000 : i32
    %add3A_202 = arith.addi %add3A_201, %add3A_184 : i32
    %dma_wait3A = tpu.memref_slice %arg2[%add3A_186] : memref<6400000xi32, #tpu.memory_space<hbm>> -> memref<2000xi32, #tpu.memory_space<hbm>>
    %dma_wait3A_203 = tpu.memref_slice %arg2[%add3A_186] : memref<6400000xi32, #tpu.memory_space<hbm>> -> memref<2000xi32, #tpu.memory_space<hbm>>
    tpu.wait_dma2 semaphore(%arg33 : memref<!tpu.dma_semaphore, #tpu.memory_space<semaphore_mem>>) src(%dma_wait3A_203 : memref<2000xi32, #tpu.memory_space<hbm>>) dst(%arg6 : memref<2000xi32, #tpu.memory_space<vmem>>)
    %dma_wait3A_204 = tpu.memref_slice %arg3[%add3A_188] : memref<25600000xf32, #tpu.memory_space<hbm>> -> memref<2000xf32, #tpu.memory_space<hbm>>
    %dma_wait3A_205 = tpu.memref_slice %arg3[%add3A_188] : memref<25600000xf32, #tpu.memory_space<hbm>> -> memref<2000xf32, #tpu.memory_space<hbm>>
    tpu.wait_dma2 semaphore(%arg33 : memref<!tpu.dma_semaphore, #tpu.memory_space<semaphore_mem>>) src(%dma_wait3A_205 : memref<2000xf32, #tpu.memory_space<hbm>>) dst(%arg8 : memref<2000xf32, #tpu.memory_space<vmem>>)
    %dma_wait3A_206 = tpu.memref_slice %arg3[%add3A_190] : memref<25600000xf32, #tpu.memory_space<hbm>> -> memref<2000xf32, #tpu.memory_space<hbm>>
    %dma_wait3A_207 = tpu.memref_slice %arg3[%add3A_190] : memref<25600000xf32, #tpu.memory_space<hbm>> -> memref<2000xf32, #tpu.memory_space<hbm>>
    tpu.wait_dma2 semaphore(%arg33 : memref<!tpu.dma_semaphore, #tpu.memory_space<semaphore_mem>>) src(%dma_wait3A_207 : memref<2000xf32, #tpu.memory_space<hbm>>) dst(%arg9 : memref<2000xf32, #tpu.memory_space<vmem>>)
    %dma_wait3A_208 = tpu.memref_slice %arg3[%add3A_192] : memref<25600000xf32, #tpu.memory_space<hbm>> -> memref<2000xf32, #tpu.memory_space<hbm>>
    %dma_wait3A_209 = tpu.memref_slice %arg3[%add3A_192] : memref<25600000xf32, #tpu.memory_space<hbm>> -> memref<2000xf32, #tpu.memory_space<hbm>>
    tpu.wait_dma2 semaphore(%arg33 : memref<!tpu.dma_semaphore, #tpu.memory_space<semaphore_mem>>) src(%dma_wait3A_209 : memref<2000xf32, #tpu.memory_space<hbm>>) dst(%arg10 : memref<2000xf32, #tpu.memory_space<vmem>>)
    %dma_wait3A_210 = tpu.memref_slice %arg3[%add3A_194] : memref<25600000xf32, #tpu.memory_space<hbm>> -> memref<2000xf32, #tpu.memory_space<hbm>>
    %dma_wait3A_211 = tpu.memref_slice %arg3[%add3A_194] : memref<25600000xf32, #tpu.memory_space<hbm>> -> memref<2000xf32, #tpu.memory_space<hbm>>
    tpu.wait_dma2 semaphore(%arg33 : memref<!tpu.dma_semaphore, #tpu.memory_space<semaphore_mem>>) src(%dma_wait3A_211 : memref<2000xf32, #tpu.memory_space<hbm>>) dst(%arg11 : memref<2000xf32, #tpu.memory_space<vmem>>)
    %dma_wait3A_212 = tpu.memref_slice %arg3[%add3A_196] : memref<25600000xf32, #tpu.memory_space<hbm>> -> memref<2000xf32, #tpu.memory_space<hbm>>
    %dma_wait3A_213 = tpu.memref_slice %arg3[%add3A_196] : memref<25600000xf32, #tpu.memory_space<hbm>> -> memref<2000xf32, #tpu.memory_space<hbm>>
    tpu.wait_dma2 semaphore(%arg33 : memref<!tpu.dma_semaphore, #tpu.memory_space<semaphore_mem>>) src(%dma_wait3A_213 : memref<2000xf32, #tpu.memory_space<hbm>>) dst(%arg12 : memref<2000xf32, #tpu.memory_space<vmem>>)
    %dma_wait3A_214 = tpu.memref_slice %arg3[%add3A_198] : memref<25600000xf32, #tpu.memory_space<hbm>> -> memref<2000xf32, #tpu.memory_space<hbm>>
    %dma_wait3A_215 = tpu.memref_slice %arg3[%add3A_198] : memref<25600000xf32, #tpu.memory_space<hbm>> -> memref<2000xf32, #tpu.memory_space<hbm>>
    tpu.wait_dma2 semaphore(%arg33 : memref<!tpu.dma_semaphore, #tpu.memory_space<semaphore_mem>>) src(%dma_wait3A_215 : memref<2000xf32, #tpu.memory_space<hbm>>) dst(%arg13 : memref<2000xf32, #tpu.memory_space<vmem>>)
    %dma_wait3A_216 = tpu.memref_slice %arg3[%add3A_200] : memref<25600000xf32, #tpu.memory_space<hbm>> -> memref<2000xf32, #tpu.memory_space<hbm>>
    %dma_wait3A_217 = tpu.memref_slice %arg3[%add3A_200] : memref<25600000xf32, #tpu.memory_space<hbm>> -> memref<2000xf32, #tpu.memory_space<hbm>>
    tpu.wait_dma2 semaphore(%arg33 : memref<!tpu.dma_semaphore, #tpu.memory_space<semaphore_mem>>) src(%dma_wait3A_217 : memref<2000xf32, #tpu.memory_space<hbm>>) dst(%arg14 : memref<2000xf32, #tpu.memory_space<vmem>>)
    %dma_wait3A_218 = tpu.memref_slice %arg3[%add3A_202] : memref<25600000xf32, #tpu.memory_space<hbm>> -> memref<2000xf32, #tpu.memory_space<hbm>>
    %dma_wait3A_219 = tpu.memref_slice %arg3[%add3A_202] : memref<25600000xf32, #tpu.memory_space<hbm>> -> memref<2000xf32, #tpu.memory_space<hbm>>
    tpu.wait_dma2 semaphore(%arg33 : memref<!tpu.dma_semaphore, #tpu.memory_space<semaphore_mem>>) src(%dma_wait3A_219 : memref<2000xf32, #tpu.memory_space<hbm>>) dst(%arg15 : memref<2000xf32, #tpu.memory_space<vmem>>)
    %min3A_220 = arith.constant 51 : i32
    %min3A_221 = arith.constant 49 : i32
    %min3A_222 = arith.minsi %min3A_220, %min3A_221 : i32
    %mul3A_223 = arith.constant 2000 : i32
    %mul3A_224 = arith.muli %min3A_222, %mul3A_223 : i32
    %add3A_225 = arith.addi %mul3A_89, %mul3A_224 : i32
    %add3A_226 = arith.constant 3200000 : i32
    %add3A_227 = arith.addi %add3A_226, %add3A_225 : i32
    %add3A_228 = arith.constant 0 : i32
    %add3A_229 = arith.addi %add3A_228, %add3A_225 : i32
    %add3A_230 = arith.constant 3200000 : i32
    %add3A_231 = arith.addi %add3A_230, %add3A_225 : i32
    %add3A_232 = arith.constant 6400000 : i32
    %add3A_233 = arith.addi %add3A_232, %add3A_225 : i32
    %add3A_234 = arith.constant 9600000 : i32
    %add3A_235 = arith.addi %add3A_234, %add3A_225 : i32
    %add3A_236 = arith.constant 12800000 : i32
    %add3A_237 = arith.addi %add3A_236, %add3A_225 : i32
    %add3A_238 = arith.constant 16000000 : i32
    %add3A_239 = arith.addi %add3A_238, %add3A_225 : i32
    %add3A_240 = arith.constant 19200000 : i32
    %add3A_241 = arith.addi %add3A_240, %add3A_225 : i32
    %add3A_242 = arith.constant 22400000 : i32
    %add3A_243 = arith.addi %add3A_242, %add3A_225 : i32
    %dma_wait3A_244 = tpu.memref_slice %arg2[%add3A_227] : memref<6400000xi32, #tpu.memory_space<hbm>> -> memref<2000xi32, #tpu.memory_space<hbm>>
    %dma_wait3A_245 = tpu.memref_slice %arg2[%add3A_227] : memref<6400000xi32, #tpu.memory_space<hbm>> -> memref<2000xi32, #tpu.memory_space<hbm>>
    tpu.wait_dma2 semaphore(%arg33 : memref<!tpu.dma_semaphore, #tpu.memory_space<semaphore_mem>>) src(%dma_wait3A_245 : memref<2000xi32, #tpu.memory_space<hbm>>) dst(%arg7 : memref<2000xi32, #tpu.memory_space<vmem>>)
    %dma_wait3A_246 = tpu.memref_slice %arg3[%add3A_229] : memref<25600000xf32, #tpu.memory_space<hbm>> -> memref<2000xf32, #tpu.memory_space<hbm>>
    %dma_wait3A_247 = tpu.memref_slice %arg3[%add3A_229] : memref<25600000xf32, #tpu.memory_space<hbm>> -> memref<2000xf32, #tpu.memory_space<hbm>>
    tpu.wait_dma2 semaphore(%arg33 : memref<!tpu.dma_semaphore, #tpu.memory_space<semaphore_mem>>) src(%dma_wait3A_247 : memref<2000xf32, #tpu.memory_space<hbm>>) dst(%arg16 : memref<2000xf32, #tpu.memory_space<vmem>>)
    %dma_wait3A_248 = tpu.memref_slice %arg3[%add3A_231] : memref<25600000xf32, #tpu.memory_space<hbm>> -> memref<2000xf32, #tpu.memory_space<hbm>>
    %dma_wait3A_249 = tpu.memref_slice %arg3[%add3A_231] : memref<25600000xf32, #tpu.memory_space<hbm>> -> memref<2000xf32, #tpu.memory_space<hbm>>
    tpu.wait_dma2 semaphore(%arg33 : memref<!tpu.dma_semaphore, #tpu.memory_space<semaphore_mem>>) src(%dma_wait3A_249 : memref<2000xf32, #tpu.memory_space<hbm>>) dst(%arg17 : memref<2000xf32, #tpu.memory_space<vmem>>)
    %dma_wait3A_250 = tpu.memref_slice %arg3[%add3A_233] : memref<25600000xf32, #tpu.memory_space<hbm>> -> memref<2000xf32, #tpu.memory_space<hbm>>
    %dma_wait3A_251 = tpu.memref_slice %arg3[%add3A_233] : memref<25600000xf32, #tpu.memory_space<hbm>> -> memref<2000xf32, #tpu.memory_space<hbm>>
    tpu.wait_dma2 semaphore(%arg33 : memref<!tpu.dma_semaphore, #tpu.memory_space<semaphore_mem>>) src(%dma_wait3A_251 : memref<2000xf32, #tpu.memory_space<hbm>>) dst(%arg18 : memref<2000xf32, #tpu.memory_space<vmem>>)
    %dma_wait3A_252 = tpu.memref_slice %arg3[%add3A_235] : memref<25600000xf32, #tpu.memory_space<hbm>> -> memref<2000xf32, #tpu.memory_space<hbm>>
    %dma_wait3A_253 = tpu.memref_slice %arg3[%add3A_235] : memref<25600000xf32, #tpu.memory_space<hbm>> -> memref<2000xf32, #tpu.memory_space<hbm>>
    tpu.wait_dma2 semaphore(%arg33 : memref<!tpu.dma_semaphore, #tpu.memory_space<semaphore_mem>>) src(%dma_wait3A_253 : memref<2000xf32, #tpu.memory_space<hbm>>) dst(%arg19 : memref<2000xf32, #tpu.memory_space<vmem>>)
    %dma_wait3A_254 = tpu.memref_slice %arg3[%add3A_237] : memref<25600000xf32, #tpu.memory_space<hbm>> -> memref<2000xf32, #tpu.memory_space<hbm>>
    %dma_wait3A_255 = tpu.memref_slice %arg3[%add3A_237] : memref<25600000xf32, #tpu.memory_space<hbm>> -> memref<2000xf32, #tpu.memory_space<hbm>>
    tpu.wait_dma2 semaphore(%arg33 : memref<!tpu.dma_semaphore, #tpu.memory_space<semaphore_mem>>) src(%dma_wait3A_255 : memref<2000xf32, #tpu.memory_space<hbm>>) dst(%arg20 : memref<2000xf32, #tpu.memory_space<vmem>>)
    %dma_wait3A_256 = tpu.memref_slice %arg3[%add3A_239] : memref<25600000xf32, #tpu.memory_space<hbm>> -> memref<2000xf32, #tpu.memory_space<hbm>>
    %dma_wait3A_257 = tpu.memref_slice %arg3[%add3A_239] : memref<25600000xf32, #tpu.memory_space<hbm>> -> memref<2000xf32, #tpu.memory_space<hbm>>
    tpu.wait_dma2 semaphore(%arg33 : memref<!tpu.dma_semaphore, #tpu.memory_space<semaphore_mem>>) src(%dma_wait3A_257 : memref<2000xf32, #tpu.memory_space<hbm>>) dst(%arg21 : memref<2000xf32, #tpu.memory_space<vmem>>)
    %dma_wait3A_258 = tpu.memref_slice %arg3[%add3A_241] : memref<25600000xf32, #tpu.memory_space<hbm>> -> memref<2000xf32, #tpu.memory_space<hbm>>
    %dma_wait3A_259 = tpu.memref_slice %arg3[%add3A_241] : memref<25600000xf32, #tpu.memory_space<hbm>> -> memref<2000xf32, #tpu.memory_space<hbm>>
    tpu.wait_dma2 semaphore(%arg33 : memref<!tpu.dma_semaphore, #tpu.memory_space<semaphore_mem>>) src(%dma_wait3A_259 : memref<2000xf32, #tpu.memory_space<hbm>>) dst(%arg22 : memref<2000xf32, #tpu.memory_space<vmem>>)
    %dma_wait3A_260 = tpu.memref_slice %arg3[%add3A_243] : memref<25600000xf32, #tpu.memory_space<hbm>> -> memref<2000xf32, #tpu.memory_space<hbm>>
    %dma_wait3A_261 = tpu.memref_slice %arg3[%add3A_243] : memref<25600000xf32, #tpu.memory_space<hbm>> -> memref<2000xf32, #tpu.memory_space<hbm>>
    tpu.wait_dma2 semaphore(%arg33 : memref<!tpu.dma_semaphore, #tpu.memory_space<semaphore_mem>>) src(%dma_wait3A_261 : memref<2000xf32, #tpu.memory_space<hbm>>) dst(%arg23 : memref<2000xf32, #tpu.memory_space<vmem>>)
    %barrier3A_262 = arith.constant 0 : index
    tpu.barrier barrier_id(%barrier3A_262)
    %lt3A_263 = arith.constant 15 : i32
    %lt3A_264 = arith.cmpi slt, %arg1, %lt3A_263 : i32
    %convert_element_type3A_265 = arith.extui %lt3A_264 : i1 to i32
    %cond3A_266 = arith.constant 0 : i32
    %cond3A_267 = arith.cmpi ne, %convert_element_type3A_265, %cond3A_266 : i32
    scf.if %cond3A_267 {
      "tpu.region"() ({
        %run_scoped3A = tpu.sem_alloc : memref<!tpu.dma_semaphore, #tpu.memory_space<semaphore_mem>>
        %dma_start3A_353 = tpu.memref_slice %arg25[%mul3A_2] : memref<100000xf32, #tpu.memory_space<vmem_shared>> -> memref<6400xf32, #tpu.memory_space<vmem_shared>>
        %dma_start3A_354 = tpu.memref_slice %arg25[%mul3A_2] : memref<100000xf32, #tpu.memory_space<vmem_shared>> -> memref<6400xf32, #tpu.memory_space<vmem_shared>>
        tpu.enqueue_dma source(%dma_start3A_354 : memref<6400xf32, #tpu.memory_space<vmem_shared>>) target(%arg24 : memref<6400xf32, #tpu.memory_space<vmem>>) target_semaphore(%run_scoped3A : memref<!tpu.dma_semaphore, #tpu.memory_space<semaphore_mem>>)
        %dma_wait3A_355 = tpu.memref_slice %arg25[%mul3A_2] : memref<100000xf32, #tpu.memory_space<vmem_shared>> -> memref<6400xf32, #tpu.memory_space<vmem_shared>>
        %dma_wait3A_356 = tpu.memref_slice %arg25[%mul3A_2] : memref<100000xf32, #tpu.memory_space<vmem_shared>> -> memref<6400xf32, #tpu.memory_space<vmem_shared>>
        tpu.wait_dma2 semaphore(%run_scoped3A : memref<!tpu.dma_semaphore, #tpu.memory_space<semaphore_mem>>) src(%dma_wait3A_356 : memref<6400xf32, #tpu.memory_space<vmem_shared>>) dst(%arg24 : memref<6400xf32, #tpu.memory_space<vmem>>)
        tpu.yield
      }) : () -> ()
      %eq3A_343 = arith.constant 0 : i32
      %eq3A_344 = arith.cmpi eq, %arg0, %eq3A_343 : i32
      %convert_element_type3A_345 = arith.extui %eq3A_344 : i1 to i32
      %cond3A_346 = arith.constant 0 : i32
      %cond3A_347 = arith.cmpi ne, %convert_element_type3A_345, %cond3A_346 : i32
      scf.if %cond3A_347 {
        %add3A_353 = arith.constant 0 : i32
        %add3A_354 = arith.addi %add3A_353, %mul3A_2 : i32
        "tpu.region"() ({
          %run_scoped3A = tpu.sem_alloc : memref<!tpu.dma_semaphore, #tpu.memory_space<semaphore_mem>>
          %dma_start3A_355 = tpu.memref_slice %arg4[%add3A_354] : memref<800000xf32, #tpu.memory_space<hbm>> -> memref<6400xf32, #tpu.memory_space<hbm>>
          %dma_start3A_356 = tpu.memref_slice %arg4[%add3A_354] : memref<800000xf32, #tpu.memory_space<hbm>> -> memref<6400xf32, #tpu.memory_space<hbm>>
          tpu.enqueue_dma source(%arg24 : memref<6400xf32, #tpu.memory_space<vmem>>) target(%dma_start3A_356 : memref<6400xf32, #tpu.memory_space<hbm>>) target_semaphore(%run_scoped3A : memref<!tpu.dma_semaphore, #tpu.memory_space<semaphore_mem>>)
          %dma_wait3A_357 = tpu.memref_slice %arg4[%add3A_354] : memref<800000xf32, #tpu.memory_space<hbm>> -> memref<6400xf32, #tpu.memory_space<hbm>>
          %dma_wait3A_358 = tpu.memref_slice %arg4[%add3A_354] : memref<800000xf32, #tpu.memory_space<hbm>> -> memref<6400xf32, #tpu.memory_space<hbm>>
          tpu.wait_dma2 semaphore(%run_scoped3A : memref<!tpu.dma_semaphore, #tpu.memory_space<semaphore_mem>>) src(%arg24 : memref<6400xf32, #tpu.memory_space<vmem>>) dst(%dma_wait3A_358 : memref<6400xf32, #tpu.memory_space<hbm>>)
          tpu.yield
        }) : () -> ()
      } else {
      }
      %eq3A_348 = arith.constant 1 : i32
      %eq3A_349 = arith.cmpi eq, %arg0, %eq3A_348 : i32
      %convert_element_type3A_350 = arith.extui %eq3A_349 : i1 to i32
      %cond3A_351 = arith.constant 0 : i32
      %cond3A_352 = arith.cmpi ne, %convert_element_type3A_350, %cond3A_351 : i32
      scf.if %cond3A_352 {
        %add3A_353 = arith.constant 0 : i32
        %add3A_354 = arith.addi %add3A_353, %mul3A_2 : i32
        "tpu.region"() ({
          %run_scoped3A = tpu.sem_alloc : memref<!tpu.dma_semaphore, #tpu.memory_space<semaphore_mem>>
          %dma_start3A_355 = tpu.memref_slice %arg5[%add3A_354] : memref<800000xf32, #tpu.memory_space<hbm>> -> memref<6400xf32, #tpu.memory_space<hbm>>
          %dma_start3A_356 = tpu.memref_slice %arg5[%add3A_354] : memref<800000xf32, #tpu.memory_space<hbm>> -> memref<6400xf32, #tpu.memory_space<hbm>>
          tpu.enqueue_dma source(%arg24 : memref<6400xf32, #tpu.memory_space<vmem>>) target(%dma_start3A_356 : memref<6400xf32, #tpu.memory_space<hbm>>) target_semaphore(%run_scoped3A : memref<!tpu.dma_semaphore, #tpu.memory_space<semaphore_mem>>)
          %dma_wait3A_357 = tpu.memref_slice %arg5[%add3A_354] : memref<800000xf32, #tpu.memory_space<hbm>> -> memref<6400xf32, #tpu.memory_space<hbm>>
          %dma_wait3A_358 = tpu.memref_slice %arg5[%add3A_354] : memref<800000xf32, #tpu.memory_space<hbm>> -> memref<6400xf32, #tpu.memory_space<hbm>>
          tpu.wait_dma2 semaphore(%run_scoped3A : memref<!tpu.dma_semaphore, #tpu.memory_space<semaphore_mem>>) src(%arg24 : memref<6400xf32, #tpu.memory_space<vmem>>) dst(%dma_wait3A_358 : memref<6400xf32, #tpu.memory_space<hbm>>)
          tpu.yield
        }) : () -> ()
      } else {
      }
    } else {
    }
    %eq3A_268 = arith.constant 15 : i32
    %eq3A_269 = arith.cmpi eq, %arg1, %eq3A_268 : i32
    %convert_element_type3A_270 = arith.extui %eq3A_269 : i1 to i32
    %cond3A_271 = arith.constant 0 : i32
    %cond3A_272 = arith.cmpi ne, %convert_element_type3A_270, %cond3A_271 : i32
    scf.if %cond3A_272 {
      "tpu.region"() ({
        %run_scoped3A = tpu.sem_alloc : memref<!tpu.dma_semaphore, #tpu.memory_space<semaphore_mem>>
        %dma_start3A_353 = arith.constant 0 : i32
        %dma_start3A_354 = tpu.memref_slice %arg24[%dma_start3A_353] : memref<6400xf32, #tpu.memory_space<vmem>> -> memref<4000xf32, #tpu.memory_space<vmem>>
        %dma_start3A_355 = tpu.memref_slice %arg25[%mul3A_2] : memref<100000xf32, #tpu.memory_space<vmem_shared>> -> memref<4000xf32, #tpu.memory_space<vmem_shared>>
        %dma_start3A_356 = arith.constant 0 : i32
        %dma_start3A_357 = tpu.memref_slice %arg24[%dma_start3A_356] : memref<6400xf32, #tpu.memory_space<vmem>> -> memref<4000xf32, #tpu.memory_space<vmem>>
        %dma_start3A_358 = tpu.memref_slice %arg25[%mul3A_2] : memref<100000xf32, #tpu.memory_space<vmem_shared>> -> memref<4000xf32, #tpu.memory_space<vmem_shared>>
        tpu.enqueue_dma source(%dma_start3A_358 : memref<4000xf32, #tpu.memory_space<vmem_shared>>) target(%dma_start3A_357 : memref<4000xf32, #tpu.memory_space<vmem>>) target_semaphore(%run_scoped3A : memref<!tpu.dma_semaphore, #tpu.memory_space<semaphore_mem>>)
        %dma_wait3A_359 = arith.constant 0 : i32
        %dma_wait3A_360 = tpu.memref_slice %arg24[%dma_wait3A_359] : memref<6400xf32, #tpu.memory_space<vmem>> -> memref<4000xf32, #tpu.memory_space<vmem>>
        %dma_wait3A_361 = tpu.memref_slice %arg25[%mul3A_2] : memref<100000xf32, #tpu.memory_space<vmem_shared>> -> memref<4000xf32, #tpu.memory_space<vmem_shared>>
        %dma_wait3A_362 = arith.constant 0 : i32
        %dma_wait3A_363 = tpu.memref_slice %arg24[%dma_wait3A_362] : memref<6400xf32, #tpu.memory_space<vmem>> -> memref<4000xf32, #tpu.memory_space<vmem>>
        %dma_wait3A_364 = tpu.memref_slice %arg25[%mul3A_2] : memref<100000xf32, #tpu.memory_space<vmem_shared>> -> memref<4000xf32, #tpu.memory_space<vmem_shared>>
        tpu.wait_dma2 semaphore(%run_scoped3A : memref<!tpu.dma_semaphore, #tpu.memory_space<semaphore_mem>>) src(%dma_wait3A_364 : memref<4000xf32, #tpu.memory_space<vmem_shared>>) dst(%dma_wait3A_363 : memref<4000xf32, #tpu.memory_space<vmem>>)
        tpu.yield
      }) : () -> ()
      %eq3A_343 = arith.constant 0 : i32
      %eq3A_344 = arith.cmpi eq, %arg0, %eq3A_343 : i32
      %convert_element_type3A_345 = arith.extui %eq3A_344 : i1 to i32
      %cond3A_346 = arith.constant 0 : i32
      %cond3A_347 = arith.cmpi ne, %convert_element_type3A_345, %cond3A_346 : i32
      scf.if %cond3A_347 {
        %add3A_353 = arith.constant 0 : i32
        %add3A_354 = arith.addi %add3A_353, %mul3A_2 : i32
        "tpu.region"() ({
          %run_scoped3A = tpu.sem_alloc : memref<!tpu.dma_semaphore, #tpu.memory_space<semaphore_mem>>
          %dma_start3A_355 = arith.constant 0 : i32
          %dma_start3A_356 = tpu.memref_slice %arg24[%dma_start3A_355] : memref<6400xf32, #tpu.memory_space<vmem>> -> memref<4000xf32, #tpu.memory_space<vmem>>
          %dma_start3A_357 = tpu.memref_slice %arg4[%add3A_354] : memref<800000xf32, #tpu.memory_space<hbm>> -> memref<4000xf32, #tpu.memory_space<hbm>>
          %dma_start3A_358 = tpu.memref_slice %arg4[%add3A_354] : memref<800000xf32, #tpu.memory_space<hbm>> -> memref<4000xf32, #tpu.memory_space<hbm>>
          %dma_start3A_359 = arith.constant 0 : i32
          %dma_start3A_360 = tpu.memref_slice %arg24[%dma_start3A_359] : memref<6400xf32, #tpu.memory_space<vmem>> -> memref<4000xf32, #tpu.memory_space<vmem>>
          tpu.enqueue_dma source(%dma_start3A_360 : memref<4000xf32, #tpu.memory_space<vmem>>) target(%dma_start3A_358 : memref<4000xf32, #tpu.memory_space<hbm>>) target_semaphore(%run_scoped3A : memref<!tpu.dma_semaphore, #tpu.memory_space<semaphore_mem>>)
          %dma_wait3A_361 = arith.constant 0 : i32
          %dma_wait3A_362 = tpu.memref_slice %arg24[%dma_wait3A_361] : memref<6400xf32, #tpu.memory_space<vmem>> -> memref<4000xf32, #tpu.memory_space<vmem>>
          %dma_wait3A_363 = tpu.memref_slice %arg4[%add3A_354] : memref<800000xf32, #tpu.memory_space<hbm>> -> memref<4000xf32, #tpu.memory_space<hbm>>
          %dma_wait3A_364 = tpu.memref_slice %arg4[%add3A_354] : memref<800000xf32, #tpu.memory_space<hbm>> -> memref<4000xf32, #tpu.memory_space<hbm>>
          %dma_wait3A_365 = arith.constant 0 : i32
          %dma_wait3A_366 = tpu.memref_slice %arg24[%dma_wait3A_365] : memref<6400xf32, #tpu.memory_space<vmem>> -> memref<4000xf32, #tpu.memory_space<vmem>>
          tpu.wait_dma2 semaphore(%run_scoped3A : memref<!tpu.dma_semaphore, #tpu.memory_space<semaphore_mem>>) src(%dma_wait3A_366 : memref<4000xf32, #tpu.memory_space<vmem>>) dst(%dma_wait3A_364 : memref<4000xf32, #tpu.memory_space<hbm>>)
          tpu.yield
        }) : () -> ()
      } else {
      }
      %eq3A_348 = arith.constant 1 : i32
      %eq3A_349 = arith.cmpi eq, %arg0, %eq3A_348 : i32
      %convert_element_type3A_350 = arith.extui %eq3A_349 : i1 to i32
      %cond3A_351 = arith.constant 0 : i32
      %cond3A_352 = arith.cmpi ne, %convert_element_type3A_350, %cond3A_351 : i32
      scf.if %cond3A_352 {
        %add3A_353 = arith.constant 0 : i32
        %add3A_354 = arith.addi %add3A_353, %mul3A_2 : i32
        "tpu.region"() ({
          %run_scoped3A = tpu.sem_alloc : memref<!tpu.dma_semaphore, #tpu.memory_space<semaphore_mem>>
          %dma_start3A_355 = arith.constant 0 : i32
          %dma_start3A_356 = tpu.memref_slice %arg24[%dma_start3A_355] : memref<6400xf32, #tpu.memory_space<vmem>> -> memref<4000xf32, #tpu.memory_space<vmem>>
          %dma_start3A_357 = tpu.memref_slice %arg5[%add3A_354] : memref<800000xf32, #tpu.memory_space<hbm>> -> memref<4000xf32, #tpu.memory_space<hbm>>
          %dma_start3A_358 = tpu.memref_slice %arg5[%add3A_354] : memref<800000xf32, #tpu.memory_space<hbm>> -> memref<4000xf32, #tpu.memory_space<hbm>>
          %dma_start3A_359 = arith.constant 0 : i32
          %dma_start3A_360 = tpu.memref_slice %arg24[%dma_start3A_359] : memref<6400xf32, #tpu.memory_space<vmem>> -> memref<4000xf32, #tpu.memory_space<vmem>>
          tpu.enqueue_dma source(%dma_start3A_360 : memref<4000xf32, #tpu.memory_space<vmem>>) target(%dma_start3A_358 : memref<4000xf32, #tpu.memory_space<hbm>>) target_semaphore(%run_scoped3A : memref<!tpu.dma_semaphore, #tpu.memory_space<semaphore_mem>>)
          %dma_wait3A_361 = arith.constant 0 : i32
          %dma_wait3A_362 = tpu.memref_slice %arg24[%dma_wait3A_361] : memref<6400xf32, #tpu.memory_space<vmem>> -> memref<4000xf32, #tpu.memory_space<vmem>>
          %dma_wait3A_363 = tpu.memref_slice %arg5[%add3A_354] : memref<800000xf32, #tpu.memory_space<hbm>> -> memref<4000xf32, #tpu.memory_space<hbm>>
          %dma_wait3A_364 = tpu.memref_slice %arg5[%add3A_354] : memref<800000xf32, #tpu.memory_space<hbm>> -> memref<4000xf32, #tpu.memory_space<hbm>>
          %dma_wait3A_365 = arith.constant 0 : i32
          %dma_wait3A_366 = tpu.memref_slice %arg24[%dma_wait3A_365] : memref<6400xf32, #tpu.memory_space<vmem>> -> memref<4000xf32, #tpu.memory_space<vmem>>
          tpu.wait_dma2 semaphore(%run_scoped3A : memref<!tpu.dma_semaphore, #tpu.memory_space<semaphore_mem>>) src(%dma_wait3A_366 : memref<4000xf32, #tpu.memory_space<vmem>>) dst(%dma_wait3A_364 : memref<4000xf32, #tpu.memory_space<hbm>>)
          tpu.yield
        }) : () -> ()
      } else {
      }
    } else {
    }
    %lt3A_273 = arith.constant 15 : i32
    %lt3A_274 = arith.cmpi slt, %arg1, %lt3A_273 : i32
    %convert_element_type3A_275 = arith.extui %lt3A_274 : i1 to i32
    %cond3A_276 = arith.constant 0 : i32
    %cond3A_277 = arith.cmpi ne, %convert_element_type3A_275, %cond3A_276 : i32
    scf.if %cond3A_277 {
      "tpu.region"() ({
        %run_scoped3A = tpu.sem_alloc : memref<!tpu.dma_semaphore, #tpu.memory_space<semaphore_mem>>
        %dma_start3A_353 = tpu.memref_slice %arg26[%mul3A_2] : memref<100000xf32, #tpu.memory_space<vmem_shared>> -> memref<6400xf32, #tpu.memory_space<vmem_shared>>
        %dma_start3A_354 = tpu.memref_slice %arg26[%mul3A_2] : memref<100000xf32, #tpu.memory_space<vmem_shared>> -> memref<6400xf32, #tpu.memory_space<vmem_shared>>
        tpu.enqueue_dma source(%dma_start3A_354 : memref<6400xf32, #tpu.memory_space<vmem_shared>>) target(%arg24 : memref<6400xf32, #tpu.memory_space<vmem>>) target_semaphore(%run_scoped3A : memref<!tpu.dma_semaphore, #tpu.memory_space<semaphore_mem>>)
        %dma_wait3A_355 = tpu.memref_slice %arg26[%mul3A_2] : memref<100000xf32, #tpu.memory_space<vmem_shared>> -> memref<6400xf32, #tpu.memory_space<vmem_shared>>
        %dma_wait3A_356 = tpu.memref_slice %arg26[%mul3A_2] : memref<100000xf32, #tpu.memory_space<vmem_shared>> -> memref<6400xf32, #tpu.memory_space<vmem_shared>>
        tpu.wait_dma2 semaphore(%run_scoped3A : memref<!tpu.dma_semaphore, #tpu.memory_space<semaphore_mem>>) src(%dma_wait3A_356 : memref<6400xf32, #tpu.memory_space<vmem_shared>>) dst(%arg24 : memref<6400xf32, #tpu.memory_space<vmem>>)
        tpu.yield
      }) : () -> ()
      %eq3A_343 = arith.constant 0 : i32
      %eq3A_344 = arith.cmpi eq, %arg0, %eq3A_343 : i32
      %convert_element_type3A_345 = arith.extui %eq3A_344 : i1 to i32
      %cond3A_346 = arith.constant 0 : i32
      %cond3A_347 = arith.cmpi ne, %convert_element_type3A_345, %cond3A_346 : i32
      scf.if %cond3A_347 {
        %add3A_353 = arith.constant 100000 : i32
        %add3A_354 = arith.addi %add3A_353, %mul3A_2 : i32
        "tpu.region"() ({
          %run_scoped3A = tpu.sem_alloc : memref<!tpu.dma_semaphore, #tpu.memory_space<semaphore_mem>>
          %dma_start3A_355 = tpu.memref_slice %arg4[%add3A_354] : memref<800000xf32, #tpu.memory_space<hbm>> -> memref<6400xf32, #tpu.memory_space<hbm>>
          %dma_start3A_356 = tpu.memref_slice %arg4[%add3A_354] : memref<800000xf32, #tpu.memory_space<hbm>> -> memref<6400xf32, #tpu.memory_space<hbm>>
          tpu.enqueue_dma source(%arg24 : memref<6400xf32, #tpu.memory_space<vmem>>) target(%dma_start3A_356 : memref<6400xf32, #tpu.memory_space<hbm>>) target_semaphore(%run_scoped3A : memref<!tpu.dma_semaphore, #tpu.memory_space<semaphore_mem>>)
          %dma_wait3A_357 = tpu.memref_slice %arg4[%add3A_354] : memref<800000xf32, #tpu.memory_space<hbm>> -> memref<6400xf32, #tpu.memory_space<hbm>>
          %dma_wait3A_358 = tpu.memref_slice %arg4[%add3A_354] : memref<800000xf32, #tpu.memory_space<hbm>> -> memref<6400xf32, #tpu.memory_space<hbm>>
          tpu.wait_dma2 semaphore(%run_scoped3A : memref<!tpu.dma_semaphore, #tpu.memory_space<semaphore_mem>>) src(%arg24 : memref<6400xf32, #tpu.memory_space<vmem>>) dst(%dma_wait3A_358 : memref<6400xf32, #tpu.memory_space<hbm>>)
          tpu.yield
        }) : () -> ()
      } else {
      }
      %eq3A_348 = arith.constant 1 : i32
      %eq3A_349 = arith.cmpi eq, %arg0, %eq3A_348 : i32
      %convert_element_type3A_350 = arith.extui %eq3A_349 : i1 to i32
      %cond3A_351 = arith.constant 0 : i32
      %cond3A_352 = arith.cmpi ne, %convert_element_type3A_350, %cond3A_351 : i32
      scf.if %cond3A_352 {
        %add3A_353 = arith.constant 100000 : i32
        %add3A_354 = arith.addi %add3A_353, %mul3A_2 : i32
        "tpu.region"() ({
          %run_scoped3A = tpu.sem_alloc : memref<!tpu.dma_semaphore, #tpu.memory_space<semaphore_mem>>
          %dma_start3A_355 = tpu.memref_slice %arg5[%add3A_354] : memref<800000xf32, #tpu.memory_space<hbm>> -> memref<6400xf32, #tpu.memory_space<hbm>>
          %dma_start3A_356 = tpu.memref_slice %arg5[%add3A_354] : memref<800000xf32, #tpu.memory_space<hbm>> -> memref<6400xf32, #tpu.memory_space<hbm>>
          tpu.enqueue_dma source(%arg24 : memref<6400xf32, #tpu.memory_space<vmem>>) target(%dma_start3A_356 : memref<6400xf32, #tpu.memory_space<hbm>>) target_semaphore(%run_scoped3A : memref<!tpu.dma_semaphore, #tpu.memory_space<semaphore_mem>>)
          %dma_wait3A_357 = tpu.memref_slice %arg5[%add3A_354] : memref<800000xf32, #tpu.memory_space<hbm>> -> memref<6400xf32, #tpu.memory_space<hbm>>
          %dma_wait3A_358 = tpu.memref_slice %arg5[%add3A_354] : memref<800000xf32, #tpu.memory_space<hbm>> -> memref<6400xf32, #tpu.memory_space<hbm>>
          tpu.wait_dma2 semaphore(%run_scoped3A : memref<!tpu.dma_semaphore, #tpu.memory_space<semaphore_mem>>) src(%arg24 : memref<6400xf32, #tpu.memory_space<vmem>>) dst(%dma_wait3A_358 : memref<6400xf32, #tpu.memory_space<hbm>>)
          tpu.yield
        }) : () -> ()
      } else {
      }
    } else {
    }
    %eq3A_278 = arith.constant 15 : i32
    %eq3A_279 = arith.cmpi eq, %arg1, %eq3A_278 : i32
    %convert_element_type3A_280 = arith.extui %eq3A_279 : i1 to i32
    %cond3A_281 = arith.constant 0 : i32
    %cond3A_282 = arith.cmpi ne, %convert_element_type3A_280, %cond3A_281 : i32
    scf.if %cond3A_282 {
      "tpu.region"() ({
        %run_scoped3A = tpu.sem_alloc : memref<!tpu.dma_semaphore, #tpu.memory_space<semaphore_mem>>
        %dma_start3A_353 = arith.constant 0 : i32
        %dma_start3A_354 = tpu.memref_slice %arg24[%dma_start3A_353] : memref<6400xf32, #tpu.memory_space<vmem>> -> memref<4000xf32, #tpu.memory_space<vmem>>
        %dma_start3A_355 = tpu.memref_slice %arg26[%mul3A_2] : memref<100000xf32, #tpu.memory_space<vmem_shared>> -> memref<4000xf32, #tpu.memory_space<vmem_shared>>
        %dma_start3A_356 = arith.constant 0 : i32
        %dma_start3A_357 = tpu.memref_slice %arg24[%dma_start3A_356] : memref<6400xf32, #tpu.memory_space<vmem>> -> memref<4000xf32, #tpu.memory_space<vmem>>
        %dma_start3A_358 = tpu.memref_slice %arg26[%mul3A_2] : memref<100000xf32, #tpu.memory_space<vmem_shared>> -> memref<4000xf32, #tpu.memory_space<vmem_shared>>
        tpu.enqueue_dma source(%dma_start3A_358 : memref<4000xf32, #tpu.memory_space<vmem_shared>>) target(%dma_start3A_357 : memref<4000xf32, #tpu.memory_space<vmem>>) target_semaphore(%run_scoped3A : memref<!tpu.dma_semaphore, #tpu.memory_space<semaphore_mem>>)
        %dma_wait3A_359 = arith.constant 0 : i32
        %dma_wait3A_360 = tpu.memref_slice %arg24[%dma_wait3A_359] : memref<6400xf32, #tpu.memory_space<vmem>> -> memref<4000xf32, #tpu.memory_space<vmem>>
        %dma_wait3A_361 = tpu.memref_slice %arg26[%mul3A_2] : memref<100000xf32, #tpu.memory_space<vmem_shared>> -> memref<4000xf32, #tpu.memory_space<vmem_shared>>
        %dma_wait3A_362 = arith.constant 0 : i32
        %dma_wait3A_363 = tpu.memref_slice %arg24[%dma_wait3A_362] : memref<6400xf32, #tpu.memory_space<vmem>> -> memref<4000xf32, #tpu.memory_space<vmem>>
        %dma_wait3A_364 = tpu.memref_slice %arg26[%mul3A_2] : memref<100000xf32, #tpu.memory_space<vmem_shared>> -> memref<4000xf32, #tpu.memory_space<vmem_shared>>
        tpu.wait_dma2 semaphore(%run_scoped3A : memref<!tpu.dma_semaphore, #tpu.memory_space<semaphore_mem>>) src(%dma_wait3A_364 : memref<4000xf32, #tpu.memory_space<vmem_shared>>) dst(%dma_wait3A_363 : memref<4000xf32, #tpu.memory_space<vmem>>)
        tpu.yield
      }) : () -> ()
      %eq3A_343 = arith.constant 0 : i32
      %eq3A_344 = arith.cmpi eq, %arg0, %eq3A_343 : i32
      %convert_element_type3A_345 = arith.extui %eq3A_344 : i1 to i32
      %cond3A_346 = arith.constant 0 : i32
      %cond3A_347 = arith.cmpi ne, %convert_element_type3A_345, %cond3A_346 : i32
      scf.if %cond3A_347 {
        %add3A_353 = arith.constant 100000 : i32
        %add3A_354 = arith.addi %add3A_353, %mul3A_2 : i32
        "tpu.region"() ({
          %run_scoped3A = tpu.sem_alloc : memref<!tpu.dma_semaphore, #tpu.memory_space<semaphore_mem>>
          %dma_start3A_355 = arith.constant 0 : i32
          %dma_start3A_356 = tpu.memref_slice %arg24[%dma_start3A_355] : memref<6400xf32, #tpu.memory_space<vmem>> -> memref<4000xf32, #tpu.memory_space<vmem>>
          %dma_start3A_357 = tpu.memref_slice %arg4[%add3A_354] : memref<800000xf32, #tpu.memory_space<hbm>> -> memref<4000xf32, #tpu.memory_space<hbm>>
          %dma_start3A_358 = tpu.memref_slice %arg4[%add3A_354] : memref<800000xf32, #tpu.memory_space<hbm>> -> memref<4000xf32, #tpu.memory_space<hbm>>
          %dma_start3A_359 = arith.constant 0 : i32
          %dma_start3A_360 = tpu.memref_slice %arg24[%dma_start3A_359] : memref<6400xf32, #tpu.memory_space<vmem>> -> memref<4000xf32, #tpu.memory_space<vmem>>
          tpu.enqueue_dma source(%dma_start3A_360 : memref<4000xf32, #tpu.memory_space<vmem>>) target(%dma_start3A_358 : memref<4000xf32, #tpu.memory_space<hbm>>) target_semaphore(%run_scoped3A : memref<!tpu.dma_semaphore, #tpu.memory_space<semaphore_mem>>)
          %dma_wait3A_361 = arith.constant 0 : i32
          %dma_wait3A_362 = tpu.memref_slice %arg24[%dma_wait3A_361] : memref<6400xf32, #tpu.memory_space<vmem>> -> memref<4000xf32, #tpu.memory_space<vmem>>
          %dma_wait3A_363 = tpu.memref_slice %arg4[%add3A_354] : memref<800000xf32, #tpu.memory_space<hbm>> -> memref<4000xf32, #tpu.memory_space<hbm>>
          %dma_wait3A_364 = tpu.memref_slice %arg4[%add3A_354] : memref<800000xf32, #tpu.memory_space<hbm>> -> memref<4000xf32, #tpu.memory_space<hbm>>
          %dma_wait3A_365 = arith.constant 0 : i32
          %dma_wait3A_366 = tpu.memref_slice %arg24[%dma_wait3A_365] : memref<6400xf32, #tpu.memory_space<vmem>> -> memref<4000xf32, #tpu.memory_space<vmem>>
          tpu.wait_dma2 semaphore(%run_scoped3A : memref<!tpu.dma_semaphore, #tpu.memory_space<semaphore_mem>>) src(%dma_wait3A_366 : memref<4000xf32, #tpu.memory_space<vmem>>) dst(%dma_wait3A_364 : memref<4000xf32, #tpu.memory_space<hbm>>)
          tpu.yield
        }) : () -> ()
      } else {
      }
      %eq3A_348 = arith.constant 1 : i32
      %eq3A_349 = arith.cmpi eq, %arg0, %eq3A_348 : i32
      %convert_element_type3A_350 = arith.extui %eq3A_349 : i1 to i32
      %cond3A_351 = arith.constant 0 : i32
      %cond3A_352 = arith.cmpi ne, %convert_element_type3A_350, %cond3A_351 : i32
      scf.if %cond3A_352 {
        %add3A_353 = arith.constant 100000 : i32
        %add3A_354 = arith.addi %add3A_353, %mul3A_2 : i32
        "tpu.region"() ({
          %run_scoped3A = tpu.sem_alloc : memref<!tpu.dma_semaphore, #tpu.memory_space<semaphore_mem>>
          %dma_start3A_355 = arith.constant 0 : i32
          %dma_start3A_356 = tpu.memref_slice %arg24[%dma_start3A_355] : memref<6400xf32, #tpu.memory_space<vmem>> -> memref<4000xf32, #tpu.memory_space<vmem>>
          %dma_start3A_357 = tpu.memref_slice %arg5[%add3A_354] : memref<800000xf32, #tpu.memory_space<hbm>> -> memref<4000xf32, #tpu.memory_space<hbm>>
          %dma_start3A_358 = tpu.memref_slice %arg5[%add3A_354] : memref<800000xf32, #tpu.memory_space<hbm>> -> memref<4000xf32, #tpu.memory_space<hbm>>
          %dma_start3A_359 = arith.constant 0 : i32
          %dma_start3A_360 = tpu.memref_slice %arg24[%dma_start3A_359] : memref<6400xf32, #tpu.memory_space<vmem>> -> memref<4000xf32, #tpu.memory_space<vmem>>
          tpu.enqueue_dma source(%dma_start3A_360 : memref<4000xf32, #tpu.memory_space<vmem>>) target(%dma_start3A_358 : memref<4000xf32, #tpu.memory_space<hbm>>) target_semaphore(%run_scoped3A : memref<!tpu.dma_semaphore, #tpu.memory_space<semaphore_mem>>)
          %dma_wait3A_361 = arith.constant 0 : i32
          %dma_wait3A_362 = tpu.memref_slice %arg24[%dma_wait3A_361] : memref<6400xf32, #tpu.memory_space<vmem>> -> memref<4000xf32, #tpu.memory_space<vmem>>
          %dma_wait3A_363 = tpu.memref_slice %arg5[%add3A_354] : memref<800000xf32, #tpu.memory_space<hbm>> -> memref<4000xf32, #tpu.memory_space<hbm>>
          %dma_wait3A_364 = tpu.memref_slice %arg5[%add3A_354] : memref<800000xf32, #tpu.memory_space<hbm>> -> memref<4000xf32, #tpu.memory_space<hbm>>
          %dma_wait3A_365 = arith.constant 0 : i32
          %dma_wait3A_366 = tpu.memref_slice %arg24[%dma_wait3A_365] : memref<6400xf32, #tpu.memory_space<vmem>> -> memref<4000xf32, #tpu.memory_space<vmem>>
          tpu.wait_dma2 semaphore(%run_scoped3A : memref<!tpu.dma_semaphore, #tpu.memory_space<semaphore_mem>>) src(%dma_wait3A_366 : memref<4000xf32, #tpu.memory_space<vmem>>) dst(%dma_wait3A_364 : memref<4000xf32, #tpu.memory_space<hbm>>)
          tpu.yield
        }) : () -> ()
      } else {
      }
    } else {
    }
    %lt3A_283 = arith.constant 15 : i32
    %lt3A_284 = arith.cmpi slt, %arg1, %lt3A_283 : i32
    %convert_element_type3A_285 = arith.extui %lt3A_284 : i1 to i32
    %cond3A_286 = arith.constant 0 : i32
    %cond3A_287 = arith.cmpi ne, %convert_element_type3A_285, %cond3A_286 : i32
    scf.if %cond3A_287 {
      "tpu.region"() ({
        %run_scoped3A = tpu.sem_alloc : memref<!tpu.dma_semaphore, #tpu.memory_space<semaphore_mem>>
        %dma_start3A_353 = tpu.memref_slice %arg27[%mul3A_2] : memref<100000xf32, #tpu.memory_space<vmem_shared>> -> memref<6400xf32, #tpu.memory_space<vmem_shared>>
        %dma_start3A_354 = tpu.memref_slice %arg27[%mul3A_2] : memref<100000xf32, #tpu.memory_space<vmem_shared>> -> memref<6400xf32, #tpu.memory_space<vmem_shared>>
        tpu.enqueue_dma source(%dma_start3A_354 : memref<6400xf32, #tpu.memory_space<vmem_shared>>) target(%arg24 : memref<6400xf32, #tpu.memory_space<vmem>>) target_semaphore(%run_scoped3A : memref<!tpu.dma_semaphore, #tpu.memory_space<semaphore_mem>>)
        %dma_wait3A_355 = tpu.memref_slice %arg27[%mul3A_2] : memref<100000xf32, #tpu.memory_space<vmem_shared>> -> memref<6400xf32, #tpu.memory_space<vmem_shared>>
        %dma_wait3A_356 = tpu.memref_slice %arg27[%mul3A_2] : memref<100000xf32, #tpu.memory_space<vmem_shared>> -> memref<6400xf32, #tpu.memory_space<vmem_shared>>
        tpu.wait_dma2 semaphore(%run_scoped3A : memref<!tpu.dma_semaphore, #tpu.memory_space<semaphore_mem>>) src(%dma_wait3A_356 : memref<6400xf32, #tpu.memory_space<vmem_shared>>) dst(%arg24 : memref<6400xf32, #tpu.memory_space<vmem>>)
        tpu.yield
      }) : () -> ()
      %eq3A_343 = arith.constant 0 : i32
      %eq3A_344 = arith.cmpi eq, %arg0, %eq3A_343 : i32
      %convert_element_type3A_345 = arith.extui %eq3A_344 : i1 to i32
      %cond3A_346 = arith.constant 0 : i32
      %cond3A_347 = arith.cmpi ne, %convert_element_type3A_345, %cond3A_346 : i32
      scf.if %cond3A_347 {
        %add3A_353 = arith.constant 200000 : i32
        %add3A_354 = arith.addi %add3A_353, %mul3A_2 : i32
        "tpu.region"() ({
          %run_scoped3A = tpu.sem_alloc : memref<!tpu.dma_semaphore, #tpu.memory_space<semaphore_mem>>
          %dma_start3A_355 = tpu.memref_slice %arg4[%add3A_354] : memref<800000xf32, #tpu.memory_space<hbm>> -> memref<6400xf32, #tpu.memory_space<hbm>>
          %dma_start3A_356 = tpu.memref_slice %arg4[%add3A_354] : memref<800000xf32, #tpu.memory_space<hbm>> -> memref<6400xf32, #tpu.memory_space<hbm>>
          tpu.enqueue_dma source(%arg24 : memref<6400xf32, #tpu.memory_space<vmem>>) target(%dma_start3A_356 : memref<6400xf32, #tpu.memory_space<hbm>>) target_semaphore(%run_scoped3A : memref<!tpu.dma_semaphore, #tpu.memory_space<semaphore_mem>>)
          %dma_wait3A_357 = tpu.memref_slice %arg4[%add3A_354] : memref<800000xf32, #tpu.memory_space<hbm>> -> memref<6400xf32, #tpu.memory_space<hbm>>
          %dma_wait3A_358 = tpu.memref_slice %arg4[%add3A_354] : memref<800000xf32, #tpu.memory_space<hbm>> -> memref<6400xf32, #tpu.memory_space<hbm>>
          tpu.wait_dma2 semaphore(%run_scoped3A : memref<!tpu.dma_semaphore, #tpu.memory_space<semaphore_mem>>) src(%arg24 : memref<6400xf32, #tpu.memory_space<vmem>>) dst(%dma_wait3A_358 : memref<6400xf32, #tpu.memory_space<hbm>>)
          tpu.yield
        }) : () -> ()
      } else {
      }
      %eq3A_348 = arith.constant 1 : i32
      %eq3A_349 = arith.cmpi eq, %arg0, %eq3A_348 : i32
      %convert_element_type3A_350 = arith.extui %eq3A_349 : i1 to i32
      %cond3A_351 = arith.constant 0 : i32
      %cond3A_352 = arith.cmpi ne, %convert_element_type3A_350, %cond3A_351 : i32
      scf.if %cond3A_352 {
        %add3A_353 = arith.constant 200000 : i32
        %add3A_354 = arith.addi %add3A_353, %mul3A_2 : i32
        "tpu.region"() ({
          %run_scoped3A = tpu.sem_alloc : memref<!tpu.dma_semaphore, #tpu.memory_space<semaphore_mem>>
          %dma_start3A_355 = tpu.memref_slice %arg5[%add3A_354] : memref<800000xf32, #tpu.memory_space<hbm>> -> memref<6400xf32, #tpu.memory_space<hbm>>
          %dma_start3A_356 = tpu.memref_slice %arg5[%add3A_354] : memref<800000xf32, #tpu.memory_space<hbm>> -> memref<6400xf32, #tpu.memory_space<hbm>>
          tpu.enqueue_dma source(%arg24 : memref<6400xf32, #tpu.memory_space<vmem>>) target(%dma_start3A_356 : memref<6400xf32, #tpu.memory_space<hbm>>) target_semaphore(%run_scoped3A : memref<!tpu.dma_semaphore, #tpu.memory_space<semaphore_mem>>)
          %dma_wait3A_357 = tpu.memref_slice %arg5[%add3A_354] : memref<800000xf32, #tpu.memory_space<hbm>> -> memref<6400xf32, #tpu.memory_space<hbm>>
          %dma_wait3A_358 = tpu.memref_slice %arg5[%add3A_354] : memref<800000xf32, #tpu.memory_space<hbm>> -> memref<6400xf32, #tpu.memory_space<hbm>>
          tpu.wait_dma2 semaphore(%run_scoped3A : memref<!tpu.dma_semaphore, #tpu.memory_space<semaphore_mem>>) src(%arg24 : memref<6400xf32, #tpu.memory_space<vmem>>) dst(%dma_wait3A_358 : memref<6400xf32, #tpu.memory_space<hbm>>)
          tpu.yield
        }) : () -> ()
      } else {
      }
    } else {
    }
    %eq3A_288 = arith.constant 15 : i32
    %eq3A_289 = arith.cmpi eq, %arg1, %eq3A_288 : i32
    %convert_element_type3A_290 = arith.extui %eq3A_289 : i1 to i32
    %cond3A_291 = arith.constant 0 : i32
    %cond3A_292 = arith.cmpi ne, %convert_element_type3A_290, %cond3A_291 : i32
    scf.if %cond3A_292 {
      "tpu.region"() ({
        %run_scoped3A = tpu.sem_alloc : memref<!tpu.dma_semaphore, #tpu.memory_space<semaphore_mem>>
        %dma_start3A_353 = arith.constant 0 : i32
        %dma_start3A_354 = tpu.memref_slice %arg24[%dma_start3A_353] : memref<6400xf32, #tpu.memory_space<vmem>> -> memref<4000xf32, #tpu.memory_space<vmem>>
        %dma_start3A_355 = tpu.memref_slice %arg27[%mul3A_2] : memref<100000xf32, #tpu.memory_space<vmem_shared>> -> memref<4000xf32, #tpu.memory_space<vmem_shared>>
        %dma_start3A_356 = arith.constant 0 : i32
        %dma_start3A_357 = tpu.memref_slice %arg24[%dma_start3A_356] : memref<6400xf32, #tpu.memory_space<vmem>> -> memref<4000xf32, #tpu.memory_space<vmem>>
        %dma_start3A_358 = tpu.memref_slice %arg27[%mul3A_2] : memref<100000xf32, #tpu.memory_space<vmem_shared>> -> memref<4000xf32, #tpu.memory_space<vmem_shared>>
        tpu.enqueue_dma source(%dma_start3A_358 : memref<4000xf32, #tpu.memory_space<vmem_shared>>) target(%dma_start3A_357 : memref<4000xf32, #tpu.memory_space<vmem>>) target_semaphore(%run_scoped3A : memref<!tpu.dma_semaphore, #tpu.memory_space<semaphore_mem>>)
        %dma_wait3A_359 = arith.constant 0 : i32
        %dma_wait3A_360 = tpu.memref_slice %arg24[%dma_wait3A_359] : memref<6400xf32, #tpu.memory_space<vmem>> -> memref<4000xf32, #tpu.memory_space<vmem>>
        %dma_wait3A_361 = tpu.memref_slice %arg27[%mul3A_2] : memref<100000xf32, #tpu.memory_space<vmem_shared>> -> memref<4000xf32, #tpu.memory_space<vmem_shared>>
        %dma_wait3A_362 = arith.constant 0 : i32
        %dma_wait3A_363 = tpu.memref_slice %arg24[%dma_wait3A_362] : memref<6400xf32, #tpu.memory_space<vmem>> -> memref<4000xf32, #tpu.memory_space<vmem>>
        %dma_wait3A_364 = tpu.memref_slice %arg27[%mul3A_2] : memref<100000xf32, #tpu.memory_space<vmem_shared>> -> memref<4000xf32, #tpu.memory_space<vmem_shared>>
        tpu.wait_dma2 semaphore(%run_scoped3A : memref<!tpu.dma_semaphore, #tpu.memory_space<semaphore_mem>>) src(%dma_wait3A_364 : memref<4000xf32, #tpu.memory_space<vmem_shared>>) dst(%dma_wait3A_363 : memref<4000xf32, #tpu.memory_space<vmem>>)
        tpu.yield
      }) : () -> ()
      %eq3A_343 = arith.constant 0 : i32
      %eq3A_344 = arith.cmpi eq, %arg0, %eq3A_343 : i32
      %convert_element_type3A_345 = arith.extui %eq3A_344 : i1 to i32
      %cond3A_346 = arith.constant 0 : i32
      %cond3A_347 = arith.cmpi ne, %convert_element_type3A_345, %cond3A_346 : i32
      scf.if %cond3A_347 {
        %add3A_353 = arith.constant 200000 : i32
        %add3A_354 = arith.addi %add3A_353, %mul3A_2 : i32
        "tpu.region"() ({
          %run_scoped3A = tpu.sem_alloc : memref<!tpu.dma_semaphore, #tpu.memory_space<semaphore_mem>>
          %dma_start3A_355 = arith.constant 0 : i32
          %dma_start3A_356 = tpu.memref_slice %arg24[%dma_start3A_355] : memref<6400xf32, #tpu.memory_space<vmem>> -> memref<4000xf32, #tpu.memory_space<vmem>>
          %dma_start3A_357 = tpu.memref_slice %arg4[%add3A_354] : memref<800000xf32, #tpu.memory_space<hbm>> -> memref<4000xf32, #tpu.memory_space<hbm>>
          %dma_start3A_358 = tpu.memref_slice %arg4[%add3A_354] : memref<800000xf32, #tpu.memory_space<hbm>> -> memref<4000xf32, #tpu.memory_space<hbm>>
          %dma_start3A_359 = arith.constant 0 : i32
          %dma_start3A_360 = tpu.memref_slice %arg24[%dma_start3A_359] : memref<6400xf32, #tpu.memory_space<vmem>> -> memref<4000xf32, #tpu.memory_space<vmem>>
          tpu.enqueue_dma source(%dma_start3A_360 : memref<4000xf32, #tpu.memory_space<vmem>>) target(%dma_start3A_358 : memref<4000xf32, #tpu.memory_space<hbm>>) target_semaphore(%run_scoped3A : memref<!tpu.dma_semaphore, #tpu.memory_space<semaphore_mem>>)
          %dma_wait3A_361 = arith.constant 0 : i32
          %dma_wait3A_362 = tpu.memref_slice %arg24[%dma_wait3A_361] : memref<6400xf32, #tpu.memory_space<vmem>> -> memref<4000xf32, #tpu.memory_space<vmem>>
          %dma_wait3A_363 = tpu.memref_slice %arg4[%add3A_354] : memref<800000xf32, #tpu.memory_space<hbm>> -> memref<4000xf32, #tpu.memory_space<hbm>>
          %dma_wait3A_364 = tpu.memref_slice %arg4[%add3A_354] : memref<800000xf32, #tpu.memory_space<hbm>> -> memref<4000xf32, #tpu.memory_space<hbm>>
          %dma_wait3A_365 = arith.constant 0 : i32
          %dma_wait3A_366 = tpu.memref_slice %arg24[%dma_wait3A_365] : memref<6400xf32, #tpu.memory_space<vmem>> -> memref<4000xf32, #tpu.memory_space<vmem>>
          tpu.wait_dma2 semaphore(%run_scoped3A : memref<!tpu.dma_semaphore, #tpu.memory_space<semaphore_mem>>) src(%dma_wait3A_366 : memref<4000xf32, #tpu.memory_space<vmem>>) dst(%dma_wait3A_364 : memref<4000xf32, #tpu.memory_space<hbm>>)
          tpu.yield
        }) : () -> ()
      } else {
      }
      %eq3A_348 = arith.constant 1 : i32
      %eq3A_349 = arith.cmpi eq, %arg0, %eq3A_348 : i32
      %convert_element_type3A_350 = arith.extui %eq3A_349 : i1 to i32
      %cond3A_351 = arith.constant 0 : i32
      %cond3A_352 = arith.cmpi ne, %convert_element_type3A_350, %cond3A_351 : i32
      scf.if %cond3A_352 {
        %add3A_353 = arith.constant 200000 : i32
        %add3A_354 = arith.addi %add3A_353, %mul3A_2 : i32
        "tpu.region"() ({
          %run_scoped3A = tpu.sem_alloc : memref<!tpu.dma_semaphore, #tpu.memory_space<semaphore_mem>>
          %dma_start3A_355 = arith.constant 0 : i32
          %dma_start3A_356 = tpu.memref_slice %arg24[%dma_start3A_355] : memref<6400xf32, #tpu.memory_space<vmem>> -> memref<4000xf32, #tpu.memory_space<vmem>>
          %dma_start3A_357 = tpu.memref_slice %arg5[%add3A_354] : memref<800000xf32, #tpu.memory_space<hbm>> -> memref<4000xf32, #tpu.memory_space<hbm>>
          %dma_start3A_358 = tpu.memref_slice %arg5[%add3A_354] : memref<800000xf32, #tpu.memory_space<hbm>> -> memref<4000xf32, #tpu.memory_space<hbm>>
          %dma_start3A_359 = arith.constant 0 : i32
          %dma_start3A_360 = tpu.memref_slice %arg24[%dma_start3A_359] : memref<6400xf32, #tpu.memory_space<vmem>> -> memref<4000xf32, #tpu.memory_space<vmem>>
          tpu.enqueue_dma source(%dma_start3A_360 : memref<4000xf32, #tpu.memory_space<vmem>>) target(%dma_start3A_358 : memref<4000xf32, #tpu.memory_space<hbm>>) target_semaphore(%run_scoped3A : memref<!tpu.dma_semaphore, #tpu.memory_space<semaphore_mem>>)
          %dma_wait3A_361 = arith.constant 0 : i32
          %dma_wait3A_362 = tpu.memref_slice %arg24[%dma_wait3A_361] : memref<6400xf32, #tpu.memory_space<vmem>> -> memref<4000xf32, #tpu.memory_space<vmem>>
          %dma_wait3A_363 = tpu.memref_slice %arg5[%add3A_354] : memref<800000xf32, #tpu.memory_space<hbm>> -> memref<4000xf32, #tpu.memory_space<hbm>>
          %dma_wait3A_364 = tpu.memref_slice %arg5[%add3A_354] : memref<800000xf32, #tpu.memory_space<hbm>> -> memref<4000xf32, #tpu.memory_space<hbm>>
          %dma_wait3A_365 = arith.constant 0 : i32
          %dma_wait3A_366 = tpu.memref_slice %arg24[%dma_wait3A_365] : memref<6400xf32, #tpu.memory_space<vmem>> -> memref<4000xf32, #tpu.memory_space<vmem>>
          tpu.wait_dma2 semaphore(%run_scoped3A : memref<!tpu.dma_semaphore, #tpu.memory_space<semaphore_mem>>) src(%dma_wait3A_366 : memref<4000xf32, #tpu.memory_space<vmem>>) dst(%dma_wait3A_364 : memref<4000xf32, #tpu.memory_space<hbm>>)
          tpu.yield
        }) : () -> ()
      } else {
      }
    } else {
    }
    %lt3A_293 = arith.constant 15 : i32
    %lt3A_294 = arith.cmpi slt, %arg1, %lt3A_293 : i32
    %convert_element_type3A_295 = arith.extui %lt3A_294 : i1 to i32
    %cond3A_296 = arith.constant 0 : i32
    %cond3A_297 = arith.cmpi ne, %convert_element_type3A_295, %cond3A_296 : i32
    scf.if %cond3A_297 {
      "tpu.region"() ({
        %run_scoped3A = tpu.sem_alloc : memref<!tpu.dma_semaphore, #tpu.memory_space<semaphore_mem>>
        %dma_start3A_353 = tpu.memref_slice %arg28[%mul3A_2] : memref<100000xf32, #tpu.memory_space<vmem_shared>> -> memref<6400xf32, #tpu.memory_space<vmem_shared>>
        %dma_start3A_354 = tpu.memref_slice %arg28[%mul3A_2] : memref<100000xf32, #tpu.memory_space<vmem_shared>> -> memref<6400xf32, #tpu.memory_space<vmem_shared>>
        tpu.enqueue_dma source(%dma_start3A_354 : memref<6400xf32, #tpu.memory_space<vmem_shared>>) target(%arg24 : memref<6400xf32, #tpu.memory_space<vmem>>) target_semaphore(%run_scoped3A : memref<!tpu.dma_semaphore, #tpu.memory_space<semaphore_mem>>)
        %dma_wait3A_355 = tpu.memref_slice %arg28[%mul3A_2] : memref<100000xf32, #tpu.memory_space<vmem_shared>> -> memref<6400xf32, #tpu.memory_space<vmem_shared>>
        %dma_wait3A_356 = tpu.memref_slice %arg28[%mul3A_2] : memref<100000xf32, #tpu.memory_space<vmem_shared>> -> memref<6400xf32, #tpu.memory_space<vmem_shared>>
        tpu.wait_dma2 semaphore(%run_scoped3A : memref<!tpu.dma_semaphore, #tpu.memory_space<semaphore_mem>>) src(%dma_wait3A_356 : memref<6400xf32, #tpu.memory_space<vmem_shared>>) dst(%arg24 : memref<6400xf32, #tpu.memory_space<vmem>>)
        tpu.yield
      }) : () -> ()
      %eq3A_343 = arith.constant 0 : i32
      %eq3A_344 = arith.cmpi eq, %arg0, %eq3A_343 : i32
      %convert_element_type3A_345 = arith.extui %eq3A_344 : i1 to i32
      %cond3A_346 = arith.constant 0 : i32
      %cond3A_347 = arith.cmpi ne, %convert_element_type3A_345, %cond3A_346 : i32
      scf.if %cond3A_347 {
        %add3A_353 = arith.constant 300000 : i32
        %add3A_354 = arith.addi %add3A_353, %mul3A_2 : i32
        "tpu.region"() ({
          %run_scoped3A = tpu.sem_alloc : memref<!tpu.dma_semaphore, #tpu.memory_space<semaphore_mem>>
          %dma_start3A_355 = tpu.memref_slice %arg4[%add3A_354] : memref<800000xf32, #tpu.memory_space<hbm>> -> memref<6400xf32, #tpu.memory_space<hbm>>
          %dma_start3A_356 = tpu.memref_slice %arg4[%add3A_354] : memref<800000xf32, #tpu.memory_space<hbm>> -> memref<6400xf32, #tpu.memory_space<hbm>>
          tpu.enqueue_dma source(%arg24 : memref<6400xf32, #tpu.memory_space<vmem>>) target(%dma_start3A_356 : memref<6400xf32, #tpu.memory_space<hbm>>) target_semaphore(%run_scoped3A : memref<!tpu.dma_semaphore, #tpu.memory_space<semaphore_mem>>)
          %dma_wait3A_357 = tpu.memref_slice %arg4[%add3A_354] : memref<800000xf32, #tpu.memory_space<hbm>> -> memref<6400xf32, #tpu.memory_space<hbm>>
          %dma_wait3A_358 = tpu.memref_slice %arg4[%add3A_354] : memref<800000xf32, #tpu.memory_space<hbm>> -> memref<6400xf32, #tpu.memory_space<hbm>>
          tpu.wait_dma2 semaphore(%run_scoped3A : memref<!tpu.dma_semaphore, #tpu.memory_space<semaphore_mem>>) src(%arg24 : memref<6400xf32, #tpu.memory_space<vmem>>) dst(%dma_wait3A_358 : memref<6400xf32, #tpu.memory_space<hbm>>)
          tpu.yield
        }) : () -> ()
      } else {
      }
      %eq3A_348 = arith.constant 1 : i32
      %eq3A_349 = arith.cmpi eq, %arg0, %eq3A_348 : i32
      %convert_element_type3A_350 = arith.extui %eq3A_349 : i1 to i32
      %cond3A_351 = arith.constant 0 : i32
      %cond3A_352 = arith.cmpi ne, %convert_element_type3A_350, %cond3A_351 : i32
      scf.if %cond3A_352 {
        %add3A_353 = arith.constant 300000 : i32
        %add3A_354 = arith.addi %add3A_353, %mul3A_2 : i32
        "tpu.region"() ({
          %run_scoped3A = tpu.sem_alloc : memref<!tpu.dma_semaphore, #tpu.memory_space<semaphore_mem>>
          %dma_start3A_355 = tpu.memref_slice %arg5[%add3A_354] : memref<800000xf32, #tpu.memory_space<hbm>> -> memref<6400xf32, #tpu.memory_space<hbm>>
          %dma_start3A_356 = tpu.memref_slice %arg5[%add3A_354] : memref<800000xf32, #tpu.memory_space<hbm>> -> memref<6400xf32, #tpu.memory_space<hbm>>
          tpu.enqueue_dma source(%arg24 : memref<6400xf32, #tpu.memory_space<vmem>>) target(%dma_start3A_356 : memref<6400xf32, #tpu.memory_space<hbm>>) target_semaphore(%run_scoped3A : memref<!tpu.dma_semaphore, #tpu.memory_space<semaphore_mem>>)
          %dma_wait3A_357 = tpu.memref_slice %arg5[%add3A_354] : memref<800000xf32, #tpu.memory_space<hbm>> -> memref<6400xf32, #tpu.memory_space<hbm>>
          %dma_wait3A_358 = tpu.memref_slice %arg5[%add3A_354] : memref<800000xf32, #tpu.memory_space<hbm>> -> memref<6400xf32, #tpu.memory_space<hbm>>
          tpu.wait_dma2 semaphore(%run_scoped3A : memref<!tpu.dma_semaphore, #tpu.memory_space<semaphore_mem>>) src(%arg24 : memref<6400xf32, #tpu.memory_space<vmem>>) dst(%dma_wait3A_358 : memref<6400xf32, #tpu.memory_space<hbm>>)
          tpu.yield
        }) : () -> ()
      } else {
      }
    } else {
    }
    %eq3A_298 = arith.constant 15 : i32
    %eq3A_299 = arith.cmpi eq, %arg1, %eq3A_298 : i32
    %convert_element_type3A_300 = arith.extui %eq3A_299 : i1 to i32
    %cond3A_301 = arith.constant 0 : i32
    %cond3A_302 = arith.cmpi ne, %convert_element_type3A_300, %cond3A_301 : i32
    scf.if %cond3A_302 {
      "tpu.region"() ({
        %run_scoped3A = tpu.sem_alloc : memref<!tpu.dma_semaphore, #tpu.memory_space<semaphore_mem>>
        %dma_start3A_353 = arith.constant 0 : i32
        %dma_start3A_354 = tpu.memref_slice %arg24[%dma_start3A_353] : memref<6400xf32, #tpu.memory_space<vmem>> -> memref<4000xf32, #tpu.memory_space<vmem>>
        %dma_start3A_355 = tpu.memref_slice %arg28[%mul3A_2] : memref<100000xf32, #tpu.memory_space<vmem_shared>> -> memref<4000xf32, #tpu.memory_space<vmem_shared>>
        %dma_start3A_356 = arith.constant 0 : i32
        %dma_start3A_357 = tpu.memref_slice %arg24[%dma_start3A_356] : memref<6400xf32, #tpu.memory_space<vmem>> -> memref<4000xf32, #tpu.memory_space<vmem>>
        %dma_start3A_358 = tpu.memref_slice %arg28[%mul3A_2] : memref<100000xf32, #tpu.memory_space<vmem_shared>> -> memref<4000xf32, #tpu.memory_space<vmem_shared>>
        tpu.enqueue_dma source(%dma_start3A_358 : memref<4000xf32, #tpu.memory_space<vmem_shared>>) target(%dma_start3A_357 : memref<4000xf32, #tpu.memory_space<vmem>>) target_semaphore(%run_scoped3A : memref<!tpu.dma_semaphore, #tpu.memory_space<semaphore_mem>>)
        %dma_wait3A_359 = arith.constant 0 : i32
        %dma_wait3A_360 = tpu.memref_slice %arg24[%dma_wait3A_359] : memref<6400xf32, #tpu.memory_space<vmem>> -> memref<4000xf32, #tpu.memory_space<vmem>>
        %dma_wait3A_361 = tpu.memref_slice %arg28[%mul3A_2] : memref<100000xf32, #tpu.memory_space<vmem_shared>> -> memref<4000xf32, #tpu.memory_space<vmem_shared>>
        %dma_wait3A_362 = arith.constant 0 : i32
        %dma_wait3A_363 = tpu.memref_slice %arg24[%dma_wait3A_362] : memref<6400xf32, #tpu.memory_space<vmem>> -> memref<4000xf32, #tpu.memory_space<vmem>>
        %dma_wait3A_364 = tpu.memref_slice %arg28[%mul3A_2] : memref<100000xf32, #tpu.memory_space<vmem_shared>> -> memref<4000xf32, #tpu.memory_space<vmem_shared>>
        tpu.wait_dma2 semaphore(%run_scoped3A : memref<!tpu.dma_semaphore, #tpu.memory_space<semaphore_mem>>) src(%dma_wait3A_364 : memref<4000xf32, #tpu.memory_space<vmem_shared>>) dst(%dma_wait3A_363 : memref<4000xf32, #tpu.memory_space<vmem>>)
        tpu.yield
      }) : () -> ()
      %eq3A_343 = arith.constant 0 : i32
      %eq3A_344 = arith.cmpi eq, %arg0, %eq3A_343 : i32
      %convert_element_type3A_345 = arith.extui %eq3A_344 : i1 to i32
      %cond3A_346 = arith.constant 0 : i32
      %cond3A_347 = arith.cmpi ne, %convert_element_type3A_345, %cond3A_346 : i32
      scf.if %cond3A_347 {
        %add3A_353 = arith.constant 300000 : i32
        %add3A_354 = arith.addi %add3A_353, %mul3A_2 : i32
        "tpu.region"() ({
          %run_scoped3A = tpu.sem_alloc : memref<!tpu.dma_semaphore, #tpu.memory_space<semaphore_mem>>
          %dma_start3A_355 = arith.constant 0 : i32
          %dma_start3A_356 = tpu.memref_slice %arg24[%dma_start3A_355] : memref<6400xf32, #tpu.memory_space<vmem>> -> memref<4000xf32, #tpu.memory_space<vmem>>
          %dma_start3A_357 = tpu.memref_slice %arg4[%add3A_354] : memref<800000xf32, #tpu.memory_space<hbm>> -> memref<4000xf32, #tpu.memory_space<hbm>>
          %dma_start3A_358 = tpu.memref_slice %arg4[%add3A_354] : memref<800000xf32, #tpu.memory_space<hbm>> -> memref<4000xf32, #tpu.memory_space<hbm>>
          %dma_start3A_359 = arith.constant 0 : i32
          %dma_start3A_360 = tpu.memref_slice %arg24[%dma_start3A_359] : memref<6400xf32, #tpu.memory_space<vmem>> -> memref<4000xf32, #tpu.memory_space<vmem>>
          tpu.enqueue_dma source(%dma_start3A_360 : memref<4000xf32, #tpu.memory_space<vmem>>) target(%dma_start3A_358 : memref<4000xf32, #tpu.memory_space<hbm>>) target_semaphore(%run_scoped3A : memref<!tpu.dma_semaphore, #tpu.memory_space<semaphore_mem>>)
          %dma_wait3A_361 = arith.constant 0 : i32
          %dma_wait3A_362 = tpu.memref_slice %arg24[%dma_wait3A_361] : memref<6400xf32, #tpu.memory_space<vmem>> -> memref<4000xf32, #tpu.memory_space<vmem>>
          %dma_wait3A_363 = tpu.memref_slice %arg4[%add3A_354] : memref<800000xf32, #tpu.memory_space<hbm>> -> memref<4000xf32, #tpu.memory_space<hbm>>
          %dma_wait3A_364 = tpu.memref_slice %arg4[%add3A_354] : memref<800000xf32, #tpu.memory_space<hbm>> -> memref<4000xf32, #tpu.memory_space<hbm>>
          %dma_wait3A_365 = arith.constant 0 : i32
          %dma_wait3A_366 = tpu.memref_slice %arg24[%dma_wait3A_365] : memref<6400xf32, #tpu.memory_space<vmem>> -> memref<4000xf32, #tpu.memory_space<vmem>>
          tpu.wait_dma2 semaphore(%run_scoped3A : memref<!tpu.dma_semaphore, #tpu.memory_space<semaphore_mem>>) src(%dma_wait3A_366 : memref<4000xf32, #tpu.memory_space<vmem>>) dst(%dma_wait3A_364 : memref<4000xf32, #tpu.memory_space<hbm>>)
          tpu.yield
        }) : () -> ()
      } else {
      }
      %eq3A_348 = arith.constant 1 : i32
      %eq3A_349 = arith.cmpi eq, %arg0, %eq3A_348 : i32
      %convert_element_type3A_350 = arith.extui %eq3A_349 : i1 to i32
      %cond3A_351 = arith.constant 0 : i32
      %cond3A_352 = arith.cmpi ne, %convert_element_type3A_350, %cond3A_351 : i32
      scf.if %cond3A_352 {
        %add3A_353 = arith.constant 300000 : i32
        %add3A_354 = arith.addi %add3A_353, %mul3A_2 : i32
        "tpu.region"() ({
          %run_scoped3A = tpu.sem_alloc : memref<!tpu.dma_semaphore, #tpu.memory_space<semaphore_mem>>
          %dma_start3A_355 = arith.constant 0 : i32
          %dma_start3A_356 = tpu.memref_slice %arg24[%dma_start3A_355] : memref<6400xf32, #tpu.memory_space<vmem>> -> memref<4000xf32, #tpu.memory_space<vmem>>
          %dma_start3A_357 = tpu.memref_slice %arg5[%add3A_354] : memref<800000xf32, #tpu.memory_space<hbm>> -> memref<4000xf32, #tpu.memory_space<hbm>>
          %dma_start3A_358 = tpu.memref_slice %arg5[%add3A_354] : memref<800000xf32, #tpu.memory_space<hbm>> -> memref<4000xf32, #tpu.memory_space<hbm>>
          %dma_start3A_359 = arith.constant 0 : i32
          %dma_start3A_360 = tpu.memref_slice %arg24[%dma_start3A_359] : memref<6400xf32, #tpu.memory_space<vmem>> -> memref<4000xf32, #tpu.memory_space<vmem>>
          tpu.enqueue_dma source(%dma_start3A_360 : memref<4000xf32, #tpu.memory_space<vmem>>) target(%dma_start3A_358 : memref<4000xf32, #tpu.memory_space<hbm>>) target_semaphore(%run_scoped3A : memref<!tpu.dma_semaphore, #tpu.memory_space<semaphore_mem>>)
          %dma_wait3A_361 = arith.constant 0 : i32
          %dma_wait3A_362 = tpu.memref_slice %arg24[%dma_wait3A_361] : memref<6400xf32, #tpu.memory_space<vmem>> -> memref<4000xf32, #tpu.memory_space<vmem>>
          %dma_wait3A_363 = tpu.memref_slice %arg5[%add3A_354] : memref<800000xf32, #tpu.memory_space<hbm>> -> memref<4000xf32, #tpu.memory_space<hbm>>
          %dma_wait3A_364 = tpu.memref_slice %arg5[%add3A_354] : memref<800000xf32, #tpu.memory_space<hbm>> -> memref<4000xf32, #tpu.memory_space<hbm>>
          %dma_wait3A_365 = arith.constant 0 : i32
          %dma_wait3A_366 = tpu.memref_slice %arg24[%dma_wait3A_365] : memref<6400xf32, #tpu.memory_space<vmem>> -> memref<4000xf32, #tpu.memory_space<vmem>>
          tpu.wait_dma2 semaphore(%run_scoped3A : memref<!tpu.dma_semaphore, #tpu.memory_space<semaphore_mem>>) src(%dma_wait3A_366 : memref<4000xf32, #tpu.memory_space<vmem>>) dst(%dma_wait3A_364 : memref<4000xf32, #tpu.memory_space<hbm>>)
          tpu.yield
        }) : () -> ()
      } else {
      }
    } else {
    }
    %lt3A_303 = arith.constant 15 : i32
    %lt3A_304 = arith.cmpi slt, %arg1, %lt3A_303 : i32
    %convert_element_type3A_305 = arith.extui %lt3A_304 : i1 to i32
    %cond3A_306 = arith.constant 0 : i32
    %cond3A_307 = arith.cmpi ne, %convert_element_type3A_305, %cond3A_306 : i32
    scf.if %cond3A_307 {
      "tpu.region"() ({
        %run_scoped3A = tpu.sem_alloc : memref<!tpu.dma_semaphore, #tpu.memory_space<semaphore_mem>>
        %dma_start3A_353 = tpu.memref_slice %arg29[%mul3A_2] : memref<100000xf32, #tpu.memory_space<vmem_shared>> -> memref<6400xf32, #tpu.memory_space<vmem_shared>>
        %dma_start3A_354 = tpu.memref_slice %arg29[%mul3A_2] : memref<100000xf32, #tpu.memory_space<vmem_shared>> -> memref<6400xf32, #tpu.memory_space<vmem_shared>>
        tpu.enqueue_dma source(%dma_start3A_354 : memref<6400xf32, #tpu.memory_space<vmem_shared>>) target(%arg24 : memref<6400xf32, #tpu.memory_space<vmem>>) target_semaphore(%run_scoped3A : memref<!tpu.dma_semaphore, #tpu.memory_space<semaphore_mem>>)
        %dma_wait3A_355 = tpu.memref_slice %arg29[%mul3A_2] : memref<100000xf32, #tpu.memory_space<vmem_shared>> -> memref<6400xf32, #tpu.memory_space<vmem_shared>>
        %dma_wait3A_356 = tpu.memref_slice %arg29[%mul3A_2] : memref<100000xf32, #tpu.memory_space<vmem_shared>> -> memref<6400xf32, #tpu.memory_space<vmem_shared>>
        tpu.wait_dma2 semaphore(%run_scoped3A : memref<!tpu.dma_semaphore, #tpu.memory_space<semaphore_mem>>) src(%dma_wait3A_356 : memref<6400xf32, #tpu.memory_space<vmem_shared>>) dst(%arg24 : memref<6400xf32, #tpu.memory_space<vmem>>)
        tpu.yield
      }) : () -> ()
      %eq3A_343 = arith.constant 0 : i32
      %eq3A_344 = arith.cmpi eq, %arg0, %eq3A_343 : i32
      %convert_element_type3A_345 = arith.extui %eq3A_344 : i1 to i32
      %cond3A_346 = arith.constant 0 : i32
      %cond3A_347 = arith.cmpi ne, %convert_element_type3A_345, %cond3A_346 : i32
      scf.if %cond3A_347 {
        %add3A_353 = arith.constant 400000 : i32
        %add3A_354 = arith.addi %add3A_353, %mul3A_2 : i32
        "tpu.region"() ({
          %run_scoped3A = tpu.sem_alloc : memref<!tpu.dma_semaphore, #tpu.memory_space<semaphore_mem>>
          %dma_start3A_355 = tpu.memref_slice %arg4[%add3A_354] : memref<800000xf32, #tpu.memory_space<hbm>> -> memref<6400xf32, #tpu.memory_space<hbm>>
          %dma_start3A_356 = tpu.memref_slice %arg4[%add3A_354] : memref<800000xf32, #tpu.memory_space<hbm>> -> memref<6400xf32, #tpu.memory_space<hbm>>
          tpu.enqueue_dma source(%arg24 : memref<6400xf32, #tpu.memory_space<vmem>>) target(%dma_start3A_356 : memref<6400xf32, #tpu.memory_space<hbm>>) target_semaphore(%run_scoped3A : memref<!tpu.dma_semaphore, #tpu.memory_space<semaphore_mem>>)
          %dma_wait3A_357 = tpu.memref_slice %arg4[%add3A_354] : memref<800000xf32, #tpu.memory_space<hbm>> -> memref<6400xf32, #tpu.memory_space<hbm>>
          %dma_wait3A_358 = tpu.memref_slice %arg4[%add3A_354] : memref<800000xf32, #tpu.memory_space<hbm>> -> memref<6400xf32, #tpu.memory_space<hbm>>
          tpu.wait_dma2 semaphore(%run_scoped3A : memref<!tpu.dma_semaphore, #tpu.memory_space<semaphore_mem>>) src(%arg24 : memref<6400xf32, #tpu.memory_space<vmem>>) dst(%dma_wait3A_358 : memref<6400xf32, #tpu.memory_space<hbm>>)
          tpu.yield
        }) : () -> ()
      } else {
      }
      %eq3A_348 = arith.constant 1 : i32
      %eq3A_349 = arith.cmpi eq, %arg0, %eq3A_348 : i32
      %convert_element_type3A_350 = arith.extui %eq3A_349 : i1 to i32
      %cond3A_351 = arith.constant 0 : i32
      %cond3A_352 = arith.cmpi ne, %convert_element_type3A_350, %cond3A_351 : i32
      scf.if %cond3A_352 {
        %add3A_353 = arith.constant 400000 : i32
        %add3A_354 = arith.addi %add3A_353, %mul3A_2 : i32
        "tpu.region"() ({
          %run_scoped3A = tpu.sem_alloc : memref<!tpu.dma_semaphore, #tpu.memory_space<semaphore_mem>>
          %dma_start3A_355 = tpu.memref_slice %arg5[%add3A_354] : memref<800000xf32, #tpu.memory_space<hbm>> -> memref<6400xf32, #tpu.memory_space<hbm>>
          %dma_start3A_356 = tpu.memref_slice %arg5[%add3A_354] : memref<800000xf32, #tpu.memory_space<hbm>> -> memref<6400xf32, #tpu.memory_space<hbm>>
          tpu.enqueue_dma source(%arg24 : memref<6400xf32, #tpu.memory_space<vmem>>) target(%dma_start3A_356 : memref<6400xf32, #tpu.memory_space<hbm>>) target_semaphore(%run_scoped3A : memref<!tpu.dma_semaphore, #tpu.memory_space<semaphore_mem>>)
          %dma_wait3A_357 = tpu.memref_slice %arg5[%add3A_354] : memref<800000xf32, #tpu.memory_space<hbm>> -> memref<6400xf32, #tpu.memory_space<hbm>>
          %dma_wait3A_358 = tpu.memref_slice %arg5[%add3A_354] : memref<800000xf32, #tpu.memory_space<hbm>> -> memref<6400xf32, #tpu.memory_space<hbm>>
          tpu.wait_dma2 semaphore(%run_scoped3A : memref<!tpu.dma_semaphore, #tpu.memory_space<semaphore_mem>>) src(%arg24 : memref<6400xf32, #tpu.memory_space<vmem>>) dst(%dma_wait3A_358 : memref<6400xf32, #tpu.memory_space<hbm>>)
          tpu.yield
        }) : () -> ()
      } else {
      }
    } else {
    }
    %eq3A_308 = arith.constant 15 : i32
    %eq3A_309 = arith.cmpi eq, %arg1, %eq3A_308 : i32
    %convert_element_type3A_310 = arith.extui %eq3A_309 : i1 to i32
    %cond3A_311 = arith.constant 0 : i32
    %cond3A_312 = arith.cmpi ne, %convert_element_type3A_310, %cond3A_311 : i32
    scf.if %cond3A_312 {
      "tpu.region"() ({
        %run_scoped3A = tpu.sem_alloc : memref<!tpu.dma_semaphore, #tpu.memory_space<semaphore_mem>>
        %dma_start3A_353 = arith.constant 0 : i32
        %dma_start3A_354 = tpu.memref_slice %arg24[%dma_start3A_353] : memref<6400xf32, #tpu.memory_space<vmem>> -> memref<4000xf32, #tpu.memory_space<vmem>>
        %dma_start3A_355 = tpu.memref_slice %arg29[%mul3A_2] : memref<100000xf32, #tpu.memory_space<vmem_shared>> -> memref<4000xf32, #tpu.memory_space<vmem_shared>>
        %dma_start3A_356 = arith.constant 0 : i32
        %dma_start3A_357 = tpu.memref_slice %arg24[%dma_start3A_356] : memref<6400xf32, #tpu.memory_space<vmem>> -> memref<4000xf32, #tpu.memory_space<vmem>>
        %dma_start3A_358 = tpu.memref_slice %arg29[%mul3A_2] : memref<100000xf32, #tpu.memory_space<vmem_shared>> -> memref<4000xf32, #tpu.memory_space<vmem_shared>>
        tpu.enqueue_dma source(%dma_start3A_358 : memref<4000xf32, #tpu.memory_space<vmem_shared>>) target(%dma_start3A_357 : memref<4000xf32, #tpu.memory_space<vmem>>) target_semaphore(%run_scoped3A : memref<!tpu.dma_semaphore, #tpu.memory_space<semaphore_mem>>)
        %dma_wait3A_359 = arith.constant 0 : i32
        %dma_wait3A_360 = tpu.memref_slice %arg24[%dma_wait3A_359] : memref<6400xf32, #tpu.memory_space<vmem>> -> memref<4000xf32, #tpu.memory_space<vmem>>
        %dma_wait3A_361 = tpu.memref_slice %arg29[%mul3A_2] : memref<100000xf32, #tpu.memory_space<vmem_shared>> -> memref<4000xf32, #tpu.memory_space<vmem_shared>>
        %dma_wait3A_362 = arith.constant 0 : i32
        %dma_wait3A_363 = tpu.memref_slice %arg24[%dma_wait3A_362] : memref<6400xf32, #tpu.memory_space<vmem>> -> memref<4000xf32, #tpu.memory_space<vmem>>
        %dma_wait3A_364 = tpu.memref_slice %arg29[%mul3A_2] : memref<100000xf32, #tpu.memory_space<vmem_shared>> -> memref<4000xf32, #tpu.memory_space<vmem_shared>>
        tpu.wait_dma2 semaphore(%run_scoped3A : memref<!tpu.dma_semaphore, #tpu.memory_space<semaphore_mem>>) src(%dma_wait3A_364 : memref<4000xf32, #tpu.memory_space<vmem_shared>>) dst(%dma_wait3A_363 : memref<4000xf32, #tpu.memory_space<vmem>>)
        tpu.yield
      }) : () -> ()
      %eq3A_343 = arith.constant 0 : i32
      %eq3A_344 = arith.cmpi eq, %arg0, %eq3A_343 : i32
      %convert_element_type3A_345 = arith.extui %eq3A_344 : i1 to i32
      %cond3A_346 = arith.constant 0 : i32
      %cond3A_347 = arith.cmpi ne, %convert_element_type3A_345, %cond3A_346 : i32
      scf.if %cond3A_347 {
        %add3A_353 = arith.constant 400000 : i32
        %add3A_354 = arith.addi %add3A_353, %mul3A_2 : i32
        "tpu.region"() ({
          %run_scoped3A = tpu.sem_alloc : memref<!tpu.dma_semaphore, #tpu.memory_space<semaphore_mem>>
          %dma_start3A_355 = arith.constant 0 : i32
          %dma_start3A_356 = tpu.memref_slice %arg24[%dma_start3A_355] : memref<6400xf32, #tpu.memory_space<vmem>> -> memref<4000xf32, #tpu.memory_space<vmem>>
          %dma_start3A_357 = tpu.memref_slice %arg4[%add3A_354] : memref<800000xf32, #tpu.memory_space<hbm>> -> memref<4000xf32, #tpu.memory_space<hbm>>
          %dma_start3A_358 = tpu.memref_slice %arg4[%add3A_354] : memref<800000xf32, #tpu.memory_space<hbm>> -> memref<4000xf32, #tpu.memory_space<hbm>>
          %dma_start3A_359 = arith.constant 0 : i32
          %dma_start3A_360 = tpu.memref_slice %arg24[%dma_start3A_359] : memref<6400xf32, #tpu.memory_space<vmem>> -> memref<4000xf32, #tpu.memory_space<vmem>>
          tpu.enqueue_dma source(%dma_start3A_360 : memref<4000xf32, #tpu.memory_space<vmem>>) target(%dma_start3A_358 : memref<4000xf32, #tpu.memory_space<hbm>>) target_semaphore(%run_scoped3A : memref<!tpu.dma_semaphore, #tpu.memory_space<semaphore_mem>>)
          %dma_wait3A_361 = arith.constant 0 : i32
          %dma_wait3A_362 = tpu.memref_slice %arg24[%dma_wait3A_361] : memref<6400xf32, #tpu.memory_space<vmem>> -> memref<4000xf32, #tpu.memory_space<vmem>>
          %dma_wait3A_363 = tpu.memref_slice %arg4[%add3A_354] : memref<800000xf32, #tpu.memory_space<hbm>> -> memref<4000xf32, #tpu.memory_space<hbm>>
          %dma_wait3A_364 = tpu.memref_slice %arg4[%add3A_354] : memref<800000xf32, #tpu.memory_space<hbm>> -> memref<4000xf32, #tpu.memory_space<hbm>>
          %dma_wait3A_365 = arith.constant 0 : i32
          %dma_wait3A_366 = tpu.memref_slice %arg24[%dma_wait3A_365] : memref<6400xf32, #tpu.memory_space<vmem>> -> memref<4000xf32, #tpu.memory_space<vmem>>
          tpu.wait_dma2 semaphore(%run_scoped3A : memref<!tpu.dma_semaphore, #tpu.memory_space<semaphore_mem>>) src(%dma_wait3A_366 : memref<4000xf32, #tpu.memory_space<vmem>>) dst(%dma_wait3A_364 : memref<4000xf32, #tpu.memory_space<hbm>>)
          tpu.yield
        }) : () -> ()
      } else {
      }
      %eq3A_348 = arith.constant 1 : i32
      %eq3A_349 = arith.cmpi eq, %arg0, %eq3A_348 : i32
      %convert_element_type3A_350 = arith.extui %eq3A_349 : i1 to i32
      %cond3A_351 = arith.constant 0 : i32
      %cond3A_352 = arith.cmpi ne, %convert_element_type3A_350, %cond3A_351 : i32
      scf.if %cond3A_352 {
        %add3A_353 = arith.constant 400000 : i32
        %add3A_354 = arith.addi %add3A_353, %mul3A_2 : i32
        "tpu.region"() ({
          %run_scoped3A = tpu.sem_alloc : memref<!tpu.dma_semaphore, #tpu.memory_space<semaphore_mem>>
          %dma_start3A_355 = arith.constant 0 : i32
          %dma_start3A_356 = tpu.memref_slice %arg24[%dma_start3A_355] : memref<6400xf32, #tpu.memory_space<vmem>> -> memref<4000xf32, #tpu.memory_space<vmem>>
          %dma_start3A_357 = tpu.memref_slice %arg5[%add3A_354] : memref<800000xf32, #tpu.memory_space<hbm>> -> memref<4000xf32, #tpu.memory_space<hbm>>
          %dma_start3A_358 = tpu.memref_slice %arg5[%add3A_354] : memref<800000xf32, #tpu.memory_space<hbm>> -> memref<4000xf32, #tpu.memory_space<hbm>>
          %dma_start3A_359 = arith.constant 0 : i32
          %dma_start3A_360 = tpu.memref_slice %arg24[%dma_start3A_359] : memref<6400xf32, #tpu.memory_space<vmem>> -> memref<4000xf32, #tpu.memory_space<vmem>>
          tpu.enqueue_dma source(%dma_start3A_360 : memref<4000xf32, #tpu.memory_space<vmem>>) target(%dma_start3A_358 : memref<4000xf32, #tpu.memory_space<hbm>>) target_semaphore(%run_scoped3A : memref<!tpu.dma_semaphore, #tpu.memory_space<semaphore_mem>>)
          %dma_wait3A_361 = arith.constant 0 : i32
          %dma_wait3A_362 = tpu.memref_slice %arg24[%dma_wait3A_361] : memref<6400xf32, #tpu.memory_space<vmem>> -> memref<4000xf32, #tpu.memory_space<vmem>>
          %dma_wait3A_363 = tpu.memref_slice %arg5[%add3A_354] : memref<800000xf32, #tpu.memory_space<hbm>> -> memref<4000xf32, #tpu.memory_space<hbm>>
          %dma_wait3A_364 = tpu.memref_slice %arg5[%add3A_354] : memref<800000xf32, #tpu.memory_space<hbm>> -> memref<4000xf32, #tpu.memory_space<hbm>>
          %dma_wait3A_365 = arith.constant 0 : i32
          %dma_wait3A_366 = tpu.memref_slice %arg24[%dma_wait3A_365] : memref<6400xf32, #tpu.memory_space<vmem>> -> memref<4000xf32, #tpu.memory_space<vmem>>
          tpu.wait_dma2 semaphore(%run_scoped3A : memref<!tpu.dma_semaphore, #tpu.memory_space<semaphore_mem>>) src(%dma_wait3A_366 : memref<4000xf32, #tpu.memory_space<vmem>>) dst(%dma_wait3A_364 : memref<4000xf32, #tpu.memory_space<hbm>>)
          tpu.yield
        }) : () -> ()
      } else {
      }
    } else {
    }
    %lt3A_313 = arith.constant 15 : i32
    %lt3A_314 = arith.cmpi slt, %arg1, %lt3A_313 : i32
    %convert_element_type3A_315 = arith.extui %lt3A_314 : i1 to i32
    %cond3A_316 = arith.constant 0 : i32
    %cond3A_317 = arith.cmpi ne, %convert_element_type3A_315, %cond3A_316 : i32
    scf.if %cond3A_317 {
      "tpu.region"() ({
        %run_scoped3A = tpu.sem_alloc : memref<!tpu.dma_semaphore, #tpu.memory_space<semaphore_mem>>
        %dma_start3A_353 = tpu.memref_slice %arg30[%mul3A_2] : memref<100000xf32, #tpu.memory_space<vmem_shared>> -> memref<6400xf32, #tpu.memory_space<vmem_shared>>
        %dma_start3A_354 = tpu.memref_slice %arg30[%mul3A_2] : memref<100000xf32, #tpu.memory_space<vmem_shared>> -> memref<6400xf32, #tpu.memory_space<vmem_shared>>
        tpu.enqueue_dma source(%dma_start3A_354 : memref<6400xf32, #tpu.memory_space<vmem_shared>>) target(%arg24 : memref<6400xf32, #tpu.memory_space<vmem>>) target_semaphore(%run_scoped3A : memref<!tpu.dma_semaphore, #tpu.memory_space<semaphore_mem>>)
        %dma_wait3A_355 = tpu.memref_slice %arg30[%mul3A_2] : memref<100000xf32, #tpu.memory_space<vmem_shared>> -> memref<6400xf32, #tpu.memory_space<vmem_shared>>
        %dma_wait3A_356 = tpu.memref_slice %arg30[%mul3A_2] : memref<100000xf32, #tpu.memory_space<vmem_shared>> -> memref<6400xf32, #tpu.memory_space<vmem_shared>>
        tpu.wait_dma2 semaphore(%run_scoped3A : memref<!tpu.dma_semaphore, #tpu.memory_space<semaphore_mem>>) src(%dma_wait3A_356 : memref<6400xf32, #tpu.memory_space<vmem_shared>>) dst(%arg24 : memref<6400xf32, #tpu.memory_space<vmem>>)
        tpu.yield
      }) : () -> ()
      %eq3A_343 = arith.constant 0 : i32
      %eq3A_344 = arith.cmpi eq, %arg0, %eq3A_343 : i32
      %convert_element_type3A_345 = arith.extui %eq3A_344 : i1 to i32
      %cond3A_346 = arith.constant 0 : i32
      %cond3A_347 = arith.cmpi ne, %convert_element_type3A_345, %cond3A_346 : i32
      scf.if %cond3A_347 {
        %add3A_353 = arith.constant 500000 : i32
        %add3A_354 = arith.addi %add3A_353, %mul3A_2 : i32
        "tpu.region"() ({
          %run_scoped3A = tpu.sem_alloc : memref<!tpu.dma_semaphore, #tpu.memory_space<semaphore_mem>>
          %dma_start3A_355 = tpu.memref_slice %arg4[%add3A_354] : memref<800000xf32, #tpu.memory_space<hbm>> -> memref<6400xf32, #tpu.memory_space<hbm>>
          %dma_start3A_356 = tpu.memref_slice %arg4[%add3A_354] : memref<800000xf32, #tpu.memory_space<hbm>> -> memref<6400xf32, #tpu.memory_space<hbm>>
          tpu.enqueue_dma source(%arg24 : memref<6400xf32, #tpu.memory_space<vmem>>) target(%dma_start3A_356 : memref<6400xf32, #tpu.memory_space<hbm>>) target_semaphore(%run_scoped3A : memref<!tpu.dma_semaphore, #tpu.memory_space<semaphore_mem>>)
          %dma_wait3A_357 = tpu.memref_slice %arg4[%add3A_354] : memref<800000xf32, #tpu.memory_space<hbm>> -> memref<6400xf32, #tpu.memory_space<hbm>>
          %dma_wait3A_358 = tpu.memref_slice %arg4[%add3A_354] : memref<800000xf32, #tpu.memory_space<hbm>> -> memref<6400xf32, #tpu.memory_space<hbm>>
          tpu.wait_dma2 semaphore(%run_scoped3A : memref<!tpu.dma_semaphore, #tpu.memory_space<semaphore_mem>>) src(%arg24 : memref<6400xf32, #tpu.memory_space<vmem>>) dst(%dma_wait3A_358 : memref<6400xf32, #tpu.memory_space<hbm>>)
          tpu.yield
        }) : () -> ()
      } else {
      }
      %eq3A_348 = arith.constant 1 : i32
      %eq3A_349 = arith.cmpi eq, %arg0, %eq3A_348 : i32
      %convert_element_type3A_350 = arith.extui %eq3A_349 : i1 to i32
      %cond3A_351 = arith.constant 0 : i32
      %cond3A_352 = arith.cmpi ne, %convert_element_type3A_350, %cond3A_351 : i32
      scf.if %cond3A_352 {
        %add3A_353 = arith.constant 500000 : i32
        %add3A_354 = arith.addi %add3A_353, %mul3A_2 : i32
        "tpu.region"() ({
          %run_scoped3A = tpu.sem_alloc : memref<!tpu.dma_semaphore, #tpu.memory_space<semaphore_mem>>
          %dma_start3A_355 = tpu.memref_slice %arg5[%add3A_354] : memref<800000xf32, #tpu.memory_space<hbm>> -> memref<6400xf32, #tpu.memory_space<hbm>>
          %dma_start3A_356 = tpu.memref_slice %arg5[%add3A_354] : memref<800000xf32, #tpu.memory_space<hbm>> -> memref<6400xf32, #tpu.memory_space<hbm>>
          tpu.enqueue_dma source(%arg24 : memref<6400xf32, #tpu.memory_space<vmem>>) target(%dma_start3A_356 : memref<6400xf32, #tpu.memory_space<hbm>>) target_semaphore(%run_scoped3A : memref<!tpu.dma_semaphore, #tpu.memory_space<semaphore_mem>>)
          %dma_wait3A_357 = tpu.memref_slice %arg5[%add3A_354] : memref<800000xf32, #tpu.memory_space<hbm>> -> memref<6400xf32, #tpu.memory_space<hbm>>
          %dma_wait3A_358 = tpu.memref_slice %arg5[%add3A_354] : memref<800000xf32, #tpu.memory_space<hbm>> -> memref<6400xf32, #tpu.memory_space<hbm>>
          tpu.wait_dma2 semaphore(%run_scoped3A : memref<!tpu.dma_semaphore, #tpu.memory_space<semaphore_mem>>) src(%arg24 : memref<6400xf32, #tpu.memory_space<vmem>>) dst(%dma_wait3A_358 : memref<6400xf32, #tpu.memory_space<hbm>>)
          tpu.yield
        }) : () -> ()
      } else {
      }
    } else {
    }
    %eq3A_318 = arith.constant 15 : i32
    %eq3A_319 = arith.cmpi eq, %arg1, %eq3A_318 : i32
    %convert_element_type3A_320 = arith.extui %eq3A_319 : i1 to i32
    %cond3A_321 = arith.constant 0 : i32
    %cond3A_322 = arith.cmpi ne, %convert_element_type3A_320, %cond3A_321 : i32
    scf.if %cond3A_322 {
      "tpu.region"() ({
        %run_scoped3A = tpu.sem_alloc : memref<!tpu.dma_semaphore, #tpu.memory_space<semaphore_mem>>
        %dma_start3A_353 = arith.constant 0 : i32
        %dma_start3A_354 = tpu.memref_slice %arg24[%dma_start3A_353] : memref<6400xf32, #tpu.memory_space<vmem>> -> memref<4000xf32, #tpu.memory_space<vmem>>
        %dma_start3A_355 = tpu.memref_slice %arg30[%mul3A_2] : memref<100000xf32, #tpu.memory_space<vmem_shared>> -> memref<4000xf32, #tpu.memory_space<vmem_shared>>
        %dma_start3A_356 = arith.constant 0 : i32
        %dma_start3A_357 = tpu.memref_slice %arg24[%dma_start3A_356] : memref<6400xf32, #tpu.memory_space<vmem>> -> memref<4000xf32, #tpu.memory_space<vmem>>
        %dma_start3A_358 = tpu.memref_slice %arg30[%mul3A_2] : memref<100000xf32, #tpu.memory_space<vmem_shared>> -> memref<4000xf32, #tpu.memory_space<vmem_shared>>
        tpu.enqueue_dma source(%dma_start3A_358 : memref<4000xf32, #tpu.memory_space<vmem_shared>>) target(%dma_start3A_357 : memref<4000xf32, #tpu.memory_space<vmem>>) target_semaphore(%run_scoped3A : memref<!tpu.dma_semaphore, #tpu.memory_space<semaphore_mem>>)
        %dma_wait3A_359 = arith.constant 0 : i32
        %dma_wait3A_360 = tpu.memref_slice %arg24[%dma_wait3A_359] : memref<6400xf32, #tpu.memory_space<vmem>> -> memref<4000xf32, #tpu.memory_space<vmem>>
        %dma_wait3A_361 = tpu.memref_slice %arg30[%mul3A_2] : memref<100000xf32, #tpu.memory_space<vmem_shared>> -> memref<4000xf32, #tpu.memory_space<vmem_shared>>
        %dma_wait3A_362 = arith.constant 0 : i32
        %dma_wait3A_363 = tpu.memref_slice %arg24[%dma_wait3A_362] : memref<6400xf32, #tpu.memory_space<vmem>> -> memref<4000xf32, #tpu.memory_space<vmem>>
        %dma_wait3A_364 = tpu.memref_slice %arg30[%mul3A_2] : memref<100000xf32, #tpu.memory_space<vmem_shared>> -> memref<4000xf32, #tpu.memory_space<vmem_shared>>
        tpu.wait_dma2 semaphore(%run_scoped3A : memref<!tpu.dma_semaphore, #tpu.memory_space<semaphore_mem>>) src(%dma_wait3A_364 : memref<4000xf32, #tpu.memory_space<vmem_shared>>) dst(%dma_wait3A_363 : memref<4000xf32, #tpu.memory_space<vmem>>)
        tpu.yield
      }) : () -> ()
      %eq3A_343 = arith.constant 0 : i32
      %eq3A_344 = arith.cmpi eq, %arg0, %eq3A_343 : i32
      %convert_element_type3A_345 = arith.extui %eq3A_344 : i1 to i32
      %cond3A_346 = arith.constant 0 : i32
      %cond3A_347 = arith.cmpi ne, %convert_element_type3A_345, %cond3A_346 : i32
      scf.if %cond3A_347 {
        %add3A_353 = arith.constant 500000 : i32
        %add3A_354 = arith.addi %add3A_353, %mul3A_2 : i32
        "tpu.region"() ({
          %run_scoped3A = tpu.sem_alloc : memref<!tpu.dma_semaphore, #tpu.memory_space<semaphore_mem>>
          %dma_start3A_355 = arith.constant 0 : i32
          %dma_start3A_356 = tpu.memref_slice %arg24[%dma_start3A_355] : memref<6400xf32, #tpu.memory_space<vmem>> -> memref<4000xf32, #tpu.memory_space<vmem>>
          %dma_start3A_357 = tpu.memref_slice %arg4[%add3A_354] : memref<800000xf32, #tpu.memory_space<hbm>> -> memref<4000xf32, #tpu.memory_space<hbm>>
          %dma_start3A_358 = tpu.memref_slice %arg4[%add3A_354] : memref<800000xf32, #tpu.memory_space<hbm>> -> memref<4000xf32, #tpu.memory_space<hbm>>
          %dma_start3A_359 = arith.constant 0 : i32
          %dma_start3A_360 = tpu.memref_slice %arg24[%dma_start3A_359] : memref<6400xf32, #tpu.memory_space<vmem>> -> memref<4000xf32, #tpu.memory_space<vmem>>
          tpu.enqueue_dma source(%dma_start3A_360 : memref<4000xf32, #tpu.memory_space<vmem>>) target(%dma_start3A_358 : memref<4000xf32, #tpu.memory_space<hbm>>) target_semaphore(%run_scoped3A : memref<!tpu.dma_semaphore, #tpu.memory_space<semaphore_mem>>)
          %dma_wait3A_361 = arith.constant 0 : i32
          %dma_wait3A_362 = tpu.memref_slice %arg24[%dma_wait3A_361] : memref<6400xf32, #tpu.memory_space<vmem>> -> memref<4000xf32, #tpu.memory_space<vmem>>
          %dma_wait3A_363 = tpu.memref_slice %arg4[%add3A_354] : memref<800000xf32, #tpu.memory_space<hbm>> -> memref<4000xf32, #tpu.memory_space<hbm>>
          %dma_wait3A_364 = tpu.memref_slice %arg4[%add3A_354] : memref<800000xf32, #tpu.memory_space<hbm>> -> memref<4000xf32, #tpu.memory_space<hbm>>
          %dma_wait3A_365 = arith.constant 0 : i32
          %dma_wait3A_366 = tpu.memref_slice %arg24[%dma_wait3A_365] : memref<6400xf32, #tpu.memory_space<vmem>> -> memref<4000xf32, #tpu.memory_space<vmem>>
          tpu.wait_dma2 semaphore(%run_scoped3A : memref<!tpu.dma_semaphore, #tpu.memory_space<semaphore_mem>>) src(%dma_wait3A_366 : memref<4000xf32, #tpu.memory_space<vmem>>) dst(%dma_wait3A_364 : memref<4000xf32, #tpu.memory_space<hbm>>)
          tpu.yield
        }) : () -> ()
      } else {
      }
      %eq3A_348 = arith.constant 1 : i32
      %eq3A_349 = arith.cmpi eq, %arg0, %eq3A_348 : i32
      %convert_element_type3A_350 = arith.extui %eq3A_349 : i1 to i32
      %cond3A_351 = arith.constant 0 : i32
      %cond3A_352 = arith.cmpi ne, %convert_element_type3A_350, %cond3A_351 : i32
      scf.if %cond3A_352 {
        %add3A_353 = arith.constant 500000 : i32
        %add3A_354 = arith.addi %add3A_353, %mul3A_2 : i32
        "tpu.region"() ({
          %run_scoped3A = tpu.sem_alloc : memref<!tpu.dma_semaphore, #tpu.memory_space<semaphore_mem>>
          %dma_start3A_355 = arith.constant 0 : i32
          %dma_start3A_356 = tpu.memref_slice %arg24[%dma_start3A_355] : memref<6400xf32, #tpu.memory_space<vmem>> -> memref<4000xf32, #tpu.memory_space<vmem>>
          %dma_start3A_357 = tpu.memref_slice %arg5[%add3A_354] : memref<800000xf32, #tpu.memory_space<hbm>> -> memref<4000xf32, #tpu.memory_space<hbm>>
          %dma_start3A_358 = tpu.memref_slice %arg5[%add3A_354] : memref<800000xf32, #tpu.memory_space<hbm>> -> memref<4000xf32, #tpu.memory_space<hbm>>
          %dma_start3A_359 = arith.constant 0 : i32
          %dma_start3A_360 = tpu.memref_slice %arg24[%dma_start3A_359] : memref<6400xf32, #tpu.memory_space<vmem>> -> memref<4000xf32, #tpu.memory_space<vmem>>
          tpu.enqueue_dma source(%dma_start3A_360 : memref<4000xf32, #tpu.memory_space<vmem>>) target(%dma_start3A_358 : memref<4000xf32, #tpu.memory_space<hbm>>) target_semaphore(%run_scoped3A : memref<!tpu.dma_semaphore, #tpu.memory_space<semaphore_mem>>)
          %dma_wait3A_361 = arith.constant 0 : i32
          %dma_wait3A_362 = tpu.memref_slice %arg24[%dma_wait3A_361] : memref<6400xf32, #tpu.memory_space<vmem>> -> memref<4000xf32, #tpu.memory_space<vmem>>
          %dma_wait3A_363 = tpu.memref_slice %arg5[%add3A_354] : memref<800000xf32, #tpu.memory_space<hbm>> -> memref<4000xf32, #tpu.memory_space<hbm>>
          %dma_wait3A_364 = tpu.memref_slice %arg5[%add3A_354] : memref<800000xf32, #tpu.memory_space<hbm>> -> memref<4000xf32, #tpu.memory_space<hbm>>
          %dma_wait3A_365 = arith.constant 0 : i32
          %dma_wait3A_366 = tpu.memref_slice %arg24[%dma_wait3A_365] : memref<6400xf32, #tpu.memory_space<vmem>> -> memref<4000xf32, #tpu.memory_space<vmem>>
          tpu.wait_dma2 semaphore(%run_scoped3A : memref<!tpu.dma_semaphore, #tpu.memory_space<semaphore_mem>>) src(%dma_wait3A_366 : memref<4000xf32, #tpu.memory_space<vmem>>) dst(%dma_wait3A_364 : memref<4000xf32, #tpu.memory_space<hbm>>)
          tpu.yield
        }) : () -> ()
      } else {
      }
    } else {
    }
    %lt3A_323 = arith.constant 15 : i32
    %lt3A_324 = arith.cmpi slt, %arg1, %lt3A_323 : i32
    %convert_element_type3A_325 = arith.extui %lt3A_324 : i1 to i32
    %cond3A_326 = arith.constant 0 : i32
    %cond3A_327 = arith.cmpi ne, %convert_element_type3A_325, %cond3A_326 : i32
    scf.if %cond3A_327 {
      "tpu.region"() ({
        %run_scoped3A = tpu.sem_alloc : memref<!tpu.dma_semaphore, #tpu.memory_space<semaphore_mem>>
        %dma_start3A_353 = tpu.memref_slice %arg31[%mul3A_2] : memref<100000xf32, #tpu.memory_space<vmem_shared>> -> memref<6400xf32, #tpu.memory_space<vmem_shared>>
        %dma_start3A_354 = tpu.memref_slice %arg31[%mul3A_2] : memref<100000xf32, #tpu.memory_space<vmem_shared>> -> memref<6400xf32, #tpu.memory_space<vmem_shared>>
        tpu.enqueue_dma source(%dma_start3A_354 : memref<6400xf32, #tpu.memory_space<vmem_shared>>) target(%arg24 : memref<6400xf32, #tpu.memory_space<vmem>>) target_semaphore(%run_scoped3A : memref<!tpu.dma_semaphore, #tpu.memory_space<semaphore_mem>>)
        %dma_wait3A_355 = tpu.memref_slice %arg31[%mul3A_2] : memref<100000xf32, #tpu.memory_space<vmem_shared>> -> memref<6400xf32, #tpu.memory_space<vmem_shared>>
        %dma_wait3A_356 = tpu.memref_slice %arg31[%mul3A_2] : memref<100000xf32, #tpu.memory_space<vmem_shared>> -> memref<6400xf32, #tpu.memory_space<vmem_shared>>
        tpu.wait_dma2 semaphore(%run_scoped3A : memref<!tpu.dma_semaphore, #tpu.memory_space<semaphore_mem>>) src(%dma_wait3A_356 : memref<6400xf32, #tpu.memory_space<vmem_shared>>) dst(%arg24 : memref<6400xf32, #tpu.memory_space<vmem>>)
        tpu.yield
      }) : () -> ()
      %eq3A_343 = arith.constant 0 : i32
      %eq3A_344 = arith.cmpi eq, %arg0, %eq3A_343 : i32
      %convert_element_type3A_345 = arith.extui %eq3A_344 : i1 to i32
      %cond3A_346 = arith.constant 0 : i32
      %cond3A_347 = arith.cmpi ne, %convert_element_type3A_345, %cond3A_346 : i32
      scf.if %cond3A_347 {
        %add3A_353 = arith.constant 600000 : i32
        %add3A_354 = arith.addi %add3A_353, %mul3A_2 : i32
        "tpu.region"() ({
          %run_scoped3A = tpu.sem_alloc : memref<!tpu.dma_semaphore, #tpu.memory_space<semaphore_mem>>
          %dma_start3A_355 = tpu.memref_slice %arg4[%add3A_354] : memref<800000xf32, #tpu.memory_space<hbm>> -> memref<6400xf32, #tpu.memory_space<hbm>>
          %dma_start3A_356 = tpu.memref_slice %arg4[%add3A_354] : memref<800000xf32, #tpu.memory_space<hbm>> -> memref<6400xf32, #tpu.memory_space<hbm>>
          tpu.enqueue_dma source(%arg24 : memref<6400xf32, #tpu.memory_space<vmem>>) target(%dma_start3A_356 : memref<6400xf32, #tpu.memory_space<hbm>>) target_semaphore(%run_scoped3A : memref<!tpu.dma_semaphore, #tpu.memory_space<semaphore_mem>>)
          %dma_wait3A_357 = tpu.memref_slice %arg4[%add3A_354] : memref<800000xf32, #tpu.memory_space<hbm>> -> memref<6400xf32, #tpu.memory_space<hbm>>
          %dma_wait3A_358 = tpu.memref_slice %arg4[%add3A_354] : memref<800000xf32, #tpu.memory_space<hbm>> -> memref<6400xf32, #tpu.memory_space<hbm>>
          tpu.wait_dma2 semaphore(%run_scoped3A : memref<!tpu.dma_semaphore, #tpu.memory_space<semaphore_mem>>) src(%arg24 : memref<6400xf32, #tpu.memory_space<vmem>>) dst(%dma_wait3A_358 : memref<6400xf32, #tpu.memory_space<hbm>>)
          tpu.yield
        }) : () -> ()
      } else {
      }
      %eq3A_348 = arith.constant 1 : i32
      %eq3A_349 = arith.cmpi eq, %arg0, %eq3A_348 : i32
      %convert_element_type3A_350 = arith.extui %eq3A_349 : i1 to i32
      %cond3A_351 = arith.constant 0 : i32
      %cond3A_352 = arith.cmpi ne, %convert_element_type3A_350, %cond3A_351 : i32
      scf.if %cond3A_352 {
        %add3A_353 = arith.constant 600000 : i32
        %add3A_354 = arith.addi %add3A_353, %mul3A_2 : i32
        "tpu.region"() ({
          %run_scoped3A = tpu.sem_alloc : memref<!tpu.dma_semaphore, #tpu.memory_space<semaphore_mem>>
          %dma_start3A_355 = tpu.memref_slice %arg5[%add3A_354] : memref<800000xf32, #tpu.memory_space<hbm>> -> memref<6400xf32, #tpu.memory_space<hbm>>
          %dma_start3A_356 = tpu.memref_slice %arg5[%add3A_354] : memref<800000xf32, #tpu.memory_space<hbm>> -> memref<6400xf32, #tpu.memory_space<hbm>>
          tpu.enqueue_dma source(%arg24 : memref<6400xf32, #tpu.memory_space<vmem>>) target(%dma_start3A_356 : memref<6400xf32, #tpu.memory_space<hbm>>) target_semaphore(%run_scoped3A : memref<!tpu.dma_semaphore, #tpu.memory_space<semaphore_mem>>)
          %dma_wait3A_357 = tpu.memref_slice %arg5[%add3A_354] : memref<800000xf32, #tpu.memory_space<hbm>> -> memref<6400xf32, #tpu.memory_space<hbm>>
          %dma_wait3A_358 = tpu.memref_slice %arg5[%add3A_354] : memref<800000xf32, #tpu.memory_space<hbm>> -> memref<6400xf32, #tpu.memory_space<hbm>>
          tpu.wait_dma2 semaphore(%run_scoped3A : memref<!tpu.dma_semaphore, #tpu.memory_space<semaphore_mem>>) src(%arg24 : memref<6400xf32, #tpu.memory_space<vmem>>) dst(%dma_wait3A_358 : memref<6400xf32, #tpu.memory_space<hbm>>)
          tpu.yield
        }) : () -> ()
      } else {
      }
    } else {
    }
    %eq3A_328 = arith.constant 15 : i32
    %eq3A_329 = arith.cmpi eq, %arg1, %eq3A_328 : i32
    %convert_element_type3A_330 = arith.extui %eq3A_329 : i1 to i32
    %cond3A_331 = arith.constant 0 : i32
    %cond3A_332 = arith.cmpi ne, %convert_element_type3A_330, %cond3A_331 : i32
    scf.if %cond3A_332 {
      "tpu.region"() ({
        %run_scoped3A = tpu.sem_alloc : memref<!tpu.dma_semaphore, #tpu.memory_space<semaphore_mem>>
        %dma_start3A_353 = arith.constant 0 : i32
        %dma_start3A_354 = tpu.memref_slice %arg24[%dma_start3A_353] : memref<6400xf32, #tpu.memory_space<vmem>> -> memref<4000xf32, #tpu.memory_space<vmem>>
        %dma_start3A_355 = tpu.memref_slice %arg31[%mul3A_2] : memref<100000xf32, #tpu.memory_space<vmem_shared>> -> memref<4000xf32, #tpu.memory_space<vmem_shared>>
        %dma_start3A_356 = arith.constant 0 : i32
        %dma_start3A_357 = tpu.memref_slice %arg24[%dma_start3A_356] : memref<6400xf32, #tpu.memory_space<vmem>> -> memref<4000xf32, #tpu.memory_space<vmem>>
        %dma_start3A_358 = tpu.memref_slice %arg31[%mul3A_2] : memref<100000xf32, #tpu.memory_space<vmem_shared>> -> memref<4000xf32, #tpu.memory_space<vmem_shared>>
        tpu.enqueue_dma source(%dma_start3A_358 : memref<4000xf32, #tpu.memory_space<vmem_shared>>) target(%dma_start3A_357 : memref<4000xf32, #tpu.memory_space<vmem>>) target_semaphore(%run_scoped3A : memref<!tpu.dma_semaphore, #tpu.memory_space<semaphore_mem>>)
        %dma_wait3A_359 = arith.constant 0 : i32
        %dma_wait3A_360 = tpu.memref_slice %arg24[%dma_wait3A_359] : memref<6400xf32, #tpu.memory_space<vmem>> -> memref<4000xf32, #tpu.memory_space<vmem>>
        %dma_wait3A_361 = tpu.memref_slice %arg31[%mul3A_2] : memref<100000xf32, #tpu.memory_space<vmem_shared>> -> memref<4000xf32, #tpu.memory_space<vmem_shared>>
        %dma_wait3A_362 = arith.constant 0 : i32
        %dma_wait3A_363 = tpu.memref_slice %arg24[%dma_wait3A_362] : memref<6400xf32, #tpu.memory_space<vmem>> -> memref<4000xf32, #tpu.memory_space<vmem>>
        %dma_wait3A_364 = tpu.memref_slice %arg31[%mul3A_2] : memref<100000xf32, #tpu.memory_space<vmem_shared>> -> memref<4000xf32, #tpu.memory_space<vmem_shared>>
        tpu.wait_dma2 semaphore(%run_scoped3A : memref<!tpu.dma_semaphore, #tpu.memory_space<semaphore_mem>>) src(%dma_wait3A_364 : memref<4000xf32, #tpu.memory_space<vmem_shared>>) dst(%dma_wait3A_363 : memref<4000xf32, #tpu.memory_space<vmem>>)
        tpu.yield
      }) : () -> ()
      %eq3A_343 = arith.constant 0 : i32
      %eq3A_344 = arith.cmpi eq, %arg0, %eq3A_343 : i32
      %convert_element_type3A_345 = arith.extui %eq3A_344 : i1 to i32
      %cond3A_346 = arith.constant 0 : i32
      %cond3A_347 = arith.cmpi ne, %convert_element_type3A_345, %cond3A_346 : i32
      scf.if %cond3A_347 {
        %add3A_353 = arith.constant 600000 : i32
        %add3A_354 = arith.addi %add3A_353, %mul3A_2 : i32
        "tpu.region"() ({
          %run_scoped3A = tpu.sem_alloc : memref<!tpu.dma_semaphore, #tpu.memory_space<semaphore_mem>>
          %dma_start3A_355 = arith.constant 0 : i32
          %dma_start3A_356 = tpu.memref_slice %arg24[%dma_start3A_355] : memref<6400xf32, #tpu.memory_space<vmem>> -> memref<4000xf32, #tpu.memory_space<vmem>>
          %dma_start3A_357 = tpu.memref_slice %arg4[%add3A_354] : memref<800000xf32, #tpu.memory_space<hbm>> -> memref<4000xf32, #tpu.memory_space<hbm>>
          %dma_start3A_358 = tpu.memref_slice %arg4[%add3A_354] : memref<800000xf32, #tpu.memory_space<hbm>> -> memref<4000xf32, #tpu.memory_space<hbm>>
          %dma_start3A_359 = arith.constant 0 : i32
          %dma_start3A_360 = tpu.memref_slice %arg24[%dma_start3A_359] : memref<6400xf32, #tpu.memory_space<vmem>> -> memref<4000xf32, #tpu.memory_space<vmem>>
          tpu.enqueue_dma source(%dma_start3A_360 : memref<4000xf32, #tpu.memory_space<vmem>>) target(%dma_start3A_358 : memref<4000xf32, #tpu.memory_space<hbm>>) target_semaphore(%run_scoped3A : memref<!tpu.dma_semaphore, #tpu.memory_space<semaphore_mem>>)
          %dma_wait3A_361 = arith.constant 0 : i32
          %dma_wait3A_362 = tpu.memref_slice %arg24[%dma_wait3A_361] : memref<6400xf32, #tpu.memory_space<vmem>> -> memref<4000xf32, #tpu.memory_space<vmem>>
          %dma_wait3A_363 = tpu.memref_slice %arg4[%add3A_354] : memref<800000xf32, #tpu.memory_space<hbm>> -> memref<4000xf32, #tpu.memory_space<hbm>>
          %dma_wait3A_364 = tpu.memref_slice %arg4[%add3A_354] : memref<800000xf32, #tpu.memory_space<hbm>> -> memref<4000xf32, #tpu.memory_space<hbm>>
          %dma_wait3A_365 = arith.constant 0 : i32
          %dma_wait3A_366 = tpu.memref_slice %arg24[%dma_wait3A_365] : memref<6400xf32, #tpu.memory_space<vmem>> -> memref<4000xf32, #tpu.memory_space<vmem>>
          tpu.wait_dma2 semaphore(%run_scoped3A : memref<!tpu.dma_semaphore, #tpu.memory_space<semaphore_mem>>) src(%dma_wait3A_366 : memref<4000xf32, #tpu.memory_space<vmem>>) dst(%dma_wait3A_364 : memref<4000xf32, #tpu.memory_space<hbm>>)
          tpu.yield
        }) : () -> ()
      } else {
      }
      %eq3A_348 = arith.constant 1 : i32
      %eq3A_349 = arith.cmpi eq, %arg0, %eq3A_348 : i32
      %convert_element_type3A_350 = arith.extui %eq3A_349 : i1 to i32
      %cond3A_351 = arith.constant 0 : i32
      %cond3A_352 = arith.cmpi ne, %convert_element_type3A_350, %cond3A_351 : i32
      scf.if %cond3A_352 {
        %add3A_353 = arith.constant 600000 : i32
        %add3A_354 = arith.addi %add3A_353, %mul3A_2 : i32
        "tpu.region"() ({
          %run_scoped3A = tpu.sem_alloc : memref<!tpu.dma_semaphore, #tpu.memory_space<semaphore_mem>>
          %dma_start3A_355 = arith.constant 0 : i32
          %dma_start3A_356 = tpu.memref_slice %arg24[%dma_start3A_355] : memref<6400xf32, #tpu.memory_space<vmem>> -> memref<4000xf32, #tpu.memory_space<vmem>>
          %dma_start3A_357 = tpu.memref_slice %arg5[%add3A_354] : memref<800000xf32, #tpu.memory_space<hbm>> -> memref<4000xf32, #tpu.memory_space<hbm>>
          %dma_start3A_358 = tpu.memref_slice %arg5[%add3A_354] : memref<800000xf32, #tpu.memory_space<hbm>> -> memref<4000xf32, #tpu.memory_space<hbm>>
          %dma_start3A_359 = arith.constant 0 : i32
          %dma_start3A_360 = tpu.memref_slice %arg24[%dma_start3A_359] : memref<6400xf32, #tpu.memory_space<vmem>> -> memref<4000xf32, #tpu.memory_space<vmem>>
          tpu.enqueue_dma source(%dma_start3A_360 : memref<4000xf32, #tpu.memory_space<vmem>>) target(%dma_start3A_358 : memref<4000xf32, #tpu.memory_space<hbm>>) target_semaphore(%run_scoped3A : memref<!tpu.dma_semaphore, #tpu.memory_space<semaphore_mem>>)
          %dma_wait3A_361 = arith.constant 0 : i32
          %dma_wait3A_362 = tpu.memref_slice %arg24[%dma_wait3A_361] : memref<6400xf32, #tpu.memory_space<vmem>> -> memref<4000xf32, #tpu.memory_space<vmem>>
          %dma_wait3A_363 = tpu.memref_slice %arg5[%add3A_354] : memref<800000xf32, #tpu.memory_space<hbm>> -> memref<4000xf32, #tpu.memory_space<hbm>>
          %dma_wait3A_364 = tpu.memref_slice %arg5[%add3A_354] : memref<800000xf32, #tpu.memory_space<hbm>> -> memref<4000xf32, #tpu.memory_space<hbm>>
          %dma_wait3A_365 = arith.constant 0 : i32
          %dma_wait3A_366 = tpu.memref_slice %arg24[%dma_wait3A_365] : memref<6400xf32, #tpu.memory_space<vmem>> -> memref<4000xf32, #tpu.memory_space<vmem>>
          tpu.wait_dma2 semaphore(%run_scoped3A : memref<!tpu.dma_semaphore, #tpu.memory_space<semaphore_mem>>) src(%dma_wait3A_366 : memref<4000xf32, #tpu.memory_space<vmem>>) dst(%dma_wait3A_364 : memref<4000xf32, #tpu.memory_space<hbm>>)
          tpu.yield
        }) : () -> ()
      } else {
      }
    } else {
    }
    %lt3A_333 = arith.constant 15 : i32
    %lt3A_334 = arith.cmpi slt, %arg1, %lt3A_333 : i32
    %convert_element_type3A_335 = arith.extui %lt3A_334 : i1 to i32
    %cond3A_336 = arith.constant 0 : i32
    %cond3A_337 = arith.cmpi ne, %convert_element_type3A_335, %cond3A_336 : i32
    scf.if %cond3A_337 {
      "tpu.region"() ({
        %run_scoped3A = tpu.sem_alloc : memref<!tpu.dma_semaphore, #tpu.memory_space<semaphore_mem>>
        %dma_start3A_353 = tpu.memref_slice %arg32[%mul3A_2] : memref<100000xf32, #tpu.memory_space<vmem_shared>> -> memref<6400xf32, #tpu.memory_space<vmem_shared>>
        %dma_start3A_354 = tpu.memref_slice %arg32[%mul3A_2] : memref<100000xf32, #tpu.memory_space<vmem_shared>> -> memref<6400xf32, #tpu.memory_space<vmem_shared>>
        tpu.enqueue_dma source(%dma_start3A_354 : memref<6400xf32, #tpu.memory_space<vmem_shared>>) target(%arg24 : memref<6400xf32, #tpu.memory_space<vmem>>) target_semaphore(%run_scoped3A : memref<!tpu.dma_semaphore, #tpu.memory_space<semaphore_mem>>)
        %dma_wait3A_355 = tpu.memref_slice %arg32[%mul3A_2] : memref<100000xf32, #tpu.memory_space<vmem_shared>> -> memref<6400xf32, #tpu.memory_space<vmem_shared>>
        %dma_wait3A_356 = tpu.memref_slice %arg32[%mul3A_2] : memref<100000xf32, #tpu.memory_space<vmem_shared>> -> memref<6400xf32, #tpu.memory_space<vmem_shared>>
        tpu.wait_dma2 semaphore(%run_scoped3A : memref<!tpu.dma_semaphore, #tpu.memory_space<semaphore_mem>>) src(%dma_wait3A_356 : memref<6400xf32, #tpu.memory_space<vmem_shared>>) dst(%arg24 : memref<6400xf32, #tpu.memory_space<vmem>>)
        tpu.yield
      }) : () -> ()
      %eq3A_343 = arith.constant 0 : i32
      %eq3A_344 = arith.cmpi eq, %arg0, %eq3A_343 : i32
      %convert_element_type3A_345 = arith.extui %eq3A_344 : i1 to i32
      %cond3A_346 = arith.constant 0 : i32
      %cond3A_347 = arith.cmpi ne, %convert_element_type3A_345, %cond3A_346 : i32
      scf.if %cond3A_347 {
        %add3A_353 = arith.constant 700000 : i32
        %add3A_354 = arith.addi %add3A_353, %mul3A_2 : i32
        "tpu.region"() ({
          %run_scoped3A = tpu.sem_alloc : memref<!tpu.dma_semaphore, #tpu.memory_space<semaphore_mem>>
          %dma_start3A_355 = tpu.memref_slice %arg4[%add3A_354] : memref<800000xf32, #tpu.memory_space<hbm>> -> memref<6400xf32, #tpu.memory_space<hbm>>
          %dma_start3A_356 = tpu.memref_slice %arg4[%add3A_354] : memref<800000xf32, #tpu.memory_space<hbm>> -> memref<6400xf32, #tpu.memory_space<hbm>>
          tpu.enqueue_dma source(%arg24 : memref<6400xf32, #tpu.memory_space<vmem>>) target(%dma_start3A_356 : memref<6400xf32, #tpu.memory_space<hbm>>) target_semaphore(%run_scoped3A : memref<!tpu.dma_semaphore, #tpu.memory_space<semaphore_mem>>)
          %dma_wait3A_357 = tpu.memref_slice %arg4[%add3A_354] : memref<800000xf32, #tpu.memory_space<hbm>> -> memref<6400xf32, #tpu.memory_space<hbm>>
          %dma_wait3A_358 = tpu.memref_slice %arg4[%add3A_354] : memref<800000xf32, #tpu.memory_space<hbm>> -> memref<6400xf32, #tpu.memory_space<hbm>>
          tpu.wait_dma2 semaphore(%run_scoped3A : memref<!tpu.dma_semaphore, #tpu.memory_space<semaphore_mem>>) src(%arg24 : memref<6400xf32, #tpu.memory_space<vmem>>) dst(%dma_wait3A_358 : memref<6400xf32, #tpu.memory_space<hbm>>)
          tpu.yield
        }) : () -> ()
      } else {
      }
      %eq3A_348 = arith.constant 1 : i32
      %eq3A_349 = arith.cmpi eq, %arg0, %eq3A_348 : i32
      %convert_element_type3A_350 = arith.extui %eq3A_349 : i1 to i32
      %cond3A_351 = arith.constant 0 : i32
      %cond3A_352 = arith.cmpi ne, %convert_element_type3A_350, %cond3A_351 : i32
      scf.if %cond3A_352 {
        %add3A_353 = arith.constant 700000 : i32
        %add3A_354 = arith.addi %add3A_353, %mul3A_2 : i32
        "tpu.region"() ({
          %run_scoped3A = tpu.sem_alloc : memref<!tpu.dma_semaphore, #tpu.memory_space<semaphore_mem>>
          %dma_start3A_355 = tpu.memref_slice %arg5[%add3A_354] : memref<800000xf32, #tpu.memory_space<hbm>> -> memref<6400xf32, #tpu.memory_space<hbm>>
          %dma_start3A_356 = tpu.memref_slice %arg5[%add3A_354] : memref<800000xf32, #tpu.memory_space<hbm>> -> memref<6400xf32, #tpu.memory_space<hbm>>
          tpu.enqueue_dma source(%arg24 : memref<6400xf32, #tpu.memory_space<vmem>>) target(%dma_start3A_356 : memref<6400xf32, #tpu.memory_space<hbm>>) target_semaphore(%run_scoped3A : memref<!tpu.dma_semaphore, #tpu.memory_space<semaphore_mem>>)
          %dma_wait3A_357 = tpu.memref_slice %arg5[%add3A_354] : memref<800000xf32, #tpu.memory_space<hbm>> -> memref<6400xf32, #tpu.memory_space<hbm>>
          %dma_wait3A_358 = tpu.memref_slice %arg5[%add3A_354] : memref<800000xf32, #tpu.memory_space<hbm>> -> memref<6400xf32, #tpu.memory_space<hbm>>
          tpu.wait_dma2 semaphore(%run_scoped3A : memref<!tpu.dma_semaphore, #tpu.memory_space<semaphore_mem>>) src(%arg24 : memref<6400xf32, #tpu.memory_space<vmem>>) dst(%dma_wait3A_358 : memref<6400xf32, #tpu.memory_space<hbm>>)
          tpu.yield
        }) : () -> ()
      } else {
      }
    } else {
    }
    %eq3A_338 = arith.constant 15 : i32
    %eq3A_339 = arith.cmpi eq, %arg1, %eq3A_338 : i32
    %convert_element_type3A_340 = arith.extui %eq3A_339 : i1 to i32
    %cond3A_341 = arith.constant 0 : i32
    %cond3A_342 = arith.cmpi ne, %convert_element_type3A_340, %cond3A_341 : i32
    scf.if %cond3A_342 {
      "tpu.region"() ({
        %run_scoped3A = tpu.sem_alloc : memref<!tpu.dma_semaphore, #tpu.memory_space<semaphore_mem>>
        %dma_start3A_353 = arith.constant 0 : i32
        %dma_start3A_354 = tpu.memref_slice %arg24[%dma_start3A_353] : memref<6400xf32, #tpu.memory_space<vmem>> -> memref<4000xf32, #tpu.memory_space<vmem>>
        %dma_start3A_355 = tpu.memref_slice %arg32[%mul3A_2] : memref<100000xf32, #tpu.memory_space<vmem_shared>> -> memref<4000xf32, #tpu.memory_space<vmem_shared>>
        %dma_start3A_356 = arith.constant 0 : i32
        %dma_start3A_357 = tpu.memref_slice %arg24[%dma_start3A_356] : memref<6400xf32, #tpu.memory_space<vmem>> -> memref<4000xf32, #tpu.memory_space<vmem>>
        %dma_start3A_358 = tpu.memref_slice %arg32[%mul3A_2] : memref<100000xf32, #tpu.memory_space<vmem_shared>> -> memref<4000xf32, #tpu.memory_space<vmem_shared>>
        tpu.enqueue_dma source(%dma_start3A_358 : memref<4000xf32, #tpu.memory_space<vmem_shared>>) target(%dma_start3A_357 : memref<4000xf32, #tpu.memory_space<vmem>>) target_semaphore(%run_scoped3A : memref<!tpu.dma_semaphore, #tpu.memory_space<semaphore_mem>>)
        %dma_wait3A_359 = arith.constant 0 : i32
        %dma_wait3A_360 = tpu.memref_slice %arg24[%dma_wait3A_359] : memref<6400xf32, #tpu.memory_space<vmem>> -> memref<4000xf32, #tpu.memory_space<vmem>>
        %dma_wait3A_361 = tpu.memref_slice %arg32[%mul3A_2] : memref<100000xf32, #tpu.memory_space<vmem_shared>> -> memref<4000xf32, #tpu.memory_space<vmem_shared>>
        %dma_wait3A_362 = arith.constant 0 : i32
        %dma_wait3A_363 = tpu.memref_slice %arg24[%dma_wait3A_362] : memref<6400xf32, #tpu.memory_space<vmem>> -> memref<4000xf32, #tpu.memory_space<vmem>>
        %dma_wait3A_364 = tpu.memref_slice %arg32[%mul3A_2] : memref<100000xf32, #tpu.memory_space<vmem_shared>> -> memref<4000xf32, #tpu.memory_space<vmem_shared>>
        tpu.wait_dma2 semaphore(%run_scoped3A : memref<!tpu.dma_semaphore, #tpu.memory_space<semaphore_mem>>) src(%dma_wait3A_364 : memref<4000xf32, #tpu.memory_space<vmem_shared>>) dst(%dma_wait3A_363 : memref<4000xf32, #tpu.memory_space<vmem>>)
        tpu.yield
      }) : () -> ()
      %eq3A_343 = arith.constant 0 : i32
      %eq3A_344 = arith.cmpi eq, %arg0, %eq3A_343 : i32
      %convert_element_type3A_345 = arith.extui %eq3A_344 : i1 to i32
      %cond3A_346 = arith.constant 0 : i32
      %cond3A_347 = arith.cmpi ne, %convert_element_type3A_345, %cond3A_346 : i32
      scf.if %cond3A_347 {
        %add3A_353 = arith.constant 700000 : i32
        %add3A_354 = arith.addi %add3A_353, %mul3A_2 : i32
        "tpu.region"() ({
          %run_scoped3A = tpu.sem_alloc : memref<!tpu.dma_semaphore, #tpu.memory_space<semaphore_mem>>
          %dma_start3A_355 = arith.constant 0 : i32
          %dma_start3A_356 = tpu.memref_slice %arg24[%dma_start3A_355] : memref<6400xf32, #tpu.memory_space<vmem>> -> memref<4000xf32, #tpu.memory_space<vmem>>
          %dma_start3A_357 = tpu.memref_slice %arg4[%add3A_354] : memref<800000xf32, #tpu.memory_space<hbm>> -> memref<4000xf32, #tpu.memory_space<hbm>>
          %dma_start3A_358 = tpu.memref_slice %arg4[%add3A_354] : memref<800000xf32, #tpu.memory_space<hbm>> -> memref<4000xf32, #tpu.memory_space<hbm>>
          %dma_start3A_359 = arith.constant 0 : i32
          %dma_start3A_360 = tpu.memref_slice %arg24[%dma_start3A_359] : memref<6400xf32, #tpu.memory_space<vmem>> -> memref<4000xf32, #tpu.memory_space<vmem>>
          tpu.enqueue_dma source(%dma_start3A_360 : memref<4000xf32, #tpu.memory_space<vmem>>) target(%dma_start3A_358 : memref<4000xf32, #tpu.memory_space<hbm>>) target_semaphore(%run_scoped3A : memref<!tpu.dma_semaphore, #tpu.memory_space<semaphore_mem>>)
          %dma_wait3A_361 = arith.constant 0 : i32
          %dma_wait3A_362 = tpu.memref_slice %arg24[%dma_wait3A_361] : memref<6400xf32, #tpu.memory_space<vmem>> -> memref<4000xf32, #tpu.memory_space<vmem>>
          %dma_wait3A_363 = tpu.memref_slice %arg4[%add3A_354] : memref<800000xf32, #tpu.memory_space<hbm>> -> memref<4000xf32, #tpu.memory_space<hbm>>
          %dma_wait3A_364 = tpu.memref_slice %arg4[%add3A_354] : memref<800000xf32, #tpu.memory_space<hbm>> -> memref<4000xf32, #tpu.memory_space<hbm>>
          %dma_wait3A_365 = arith.constant 0 : i32
          %dma_wait3A_366 = tpu.memref_slice %arg24[%dma_wait3A_365] : memref<6400xf32, #tpu.memory_space<vmem>> -> memref<4000xf32, #tpu.memory_space<vmem>>
          tpu.wait_dma2 semaphore(%run_scoped3A : memref<!tpu.dma_semaphore, #tpu.memory_space<semaphore_mem>>) src(%dma_wait3A_366 : memref<4000xf32, #tpu.memory_space<vmem>>) dst(%dma_wait3A_364 : memref<4000xf32, #tpu.memory_space<hbm>>)
          tpu.yield
        }) : () -> ()
      } else {
      }
      %eq3A_348 = arith.constant 1 : i32
      %eq3A_349 = arith.cmpi eq, %arg0, %eq3A_348 : i32
      %convert_element_type3A_350 = arith.extui %eq3A_349 : i1 to i32
      %cond3A_351 = arith.constant 0 : i32
      %cond3A_352 = arith.cmpi ne, %convert_element_type3A_350, %cond3A_351 : i32
      scf.if %cond3A_352 {
        %add3A_353 = arith.constant 700000 : i32
        %add3A_354 = arith.addi %add3A_353, %mul3A_2 : i32
        "tpu.region"() ({
          %run_scoped3A = tpu.sem_alloc : memref<!tpu.dma_semaphore, #tpu.memory_space<semaphore_mem>>
          %dma_start3A_355 = arith.constant 0 : i32
          %dma_start3A_356 = tpu.memref_slice %arg24[%dma_start3A_355] : memref<6400xf32, #tpu.memory_space<vmem>> -> memref<4000xf32, #tpu.memory_space<vmem>>
          %dma_start3A_357 = tpu.memref_slice %arg5[%add3A_354] : memref<800000xf32, #tpu.memory_space<hbm>> -> memref<4000xf32, #tpu.memory_space<hbm>>
          %dma_start3A_358 = tpu.memref_slice %arg5[%add3A_354] : memref<800000xf32, #tpu.memory_space<hbm>> -> memref<4000xf32, #tpu.memory_space<hbm>>
          %dma_start3A_359 = arith.constant 0 : i32
          %dma_start3A_360 = tpu.memref_slice %arg24[%dma_start3A_359] : memref<6400xf32, #tpu.memory_space<vmem>> -> memref<4000xf32, #tpu.memory_space<vmem>>
          tpu.enqueue_dma source(%dma_start3A_360 : memref<4000xf32, #tpu.memory_space<vmem>>) target(%dma_start3A_358 : memref<4000xf32, #tpu.memory_space<hbm>>) target_semaphore(%run_scoped3A : memref<!tpu.dma_semaphore, #tpu.memory_space<semaphore_mem>>)
          %dma_wait3A_361 = arith.constant 0 : i32
          %dma_wait3A_362 = tpu.memref_slice %arg24[%dma_wait3A_361] : memref<6400xf32, #tpu.memory_space<vmem>> -> memref<4000xf32, #tpu.memory_space<vmem>>
          %dma_wait3A_363 = tpu.memref_slice %arg5[%add3A_354] : memref<800000xf32, #tpu.memory_space<hbm>> -> memref<4000xf32, #tpu.memory_space<hbm>>
          %dma_wait3A_364 = tpu.memref_slice %arg5[%add3A_354] : memref<800000xf32, #tpu.memory_space<hbm>> -> memref<4000xf32, #tpu.memory_space<hbm>>
          %dma_wait3A_365 = arith.constant 0 : i32
          %dma_wait3A_366 = tpu.memref_slice %arg24[%dma_wait3A_365] : memref<6400xf32, #tpu.memory_space<vmem>> -> memref<4000xf32, #tpu.memory_space<vmem>>
          tpu.wait_dma2 semaphore(%run_scoped3A : memref<!tpu.dma_semaphore, #tpu.memory_space<semaphore_mem>>) src(%dma_wait3A_366 : memref<4000xf32, #tpu.memory_space<vmem>>) dst(%dma_wait3A_364 : memref<4000xf32, #tpu.memory_space<hbm>>)
          tpu.yield
        }) : () -> ()
      } else {
      }
    } else {
    }
    return
  }
}

#map = affine_map<(d0, d1) -> (0)>
module attributes {stable_mosaic.version = 14 : i64} {
  func.func @_pass_a(%arg0: i32, %arg1: i32, %arg2: memref<800768xf32, #tpu.memory_space<hbm>>, %arg3: memref<6400000xi32, #tpu.memory_space<hbm>>, %arg4: memref<3200000xf32, #tpu.memory_space<hbm>>, %arg5: memref<3200000xf32, #tpu.memory_space<hbm>>, %arg6: memref<3200000xf32, #tpu.memory_space<hbm>>, %arg7: memref<3200000xf32, #tpu.memory_space<hbm>>, %arg8: memref<32xf32, #tpu.memory_space<hbm>>, %arg9: memref<25600000xf32, #tpu.memory_space<hbm>>, %arg10: memref<2000xi32, #tpu.memory_space<vmem>>, %arg11: memref<2000xi32, #tpu.memory_space<vmem>>, %arg12: memref<2000xf32, #tpu.memory_space<vmem>>, %arg13: memref<2000xf32, #tpu.memory_space<vmem>>, %arg14: memref<2000xf32, #tpu.memory_space<vmem>>, %arg15: memref<2000xf32, #tpu.memory_space<vmem>>, %arg16: memref<2000xf32, #tpu.memory_space<vmem>>, %arg17: memref<2000xf32, #tpu.memory_space<vmem>>, %arg18: memref<2000xf32, #tpu.memory_space<vmem>>, %arg19: memref<2000xf32, #tpu.memory_space<vmem>>, %arg20: memref<2000xf32, #tpu.memory_space<vmem>>, %arg21: memref<2000xf32, #tpu.memory_space<vmem>>, %arg22: memref<2000xf32, #tpu.memory_space<vmem>>, %arg23: memref<2000xf32, #tpu.memory_space<vmem>>, %arg24: memref<2000xf32, #tpu.memory_space<vmem>>, %arg25: memref<2000xf32, #tpu.memory_space<vmem>>, %arg26: memref<2000xf32, #tpu.memory_space<vmem>>, %arg27: memref<2000xf32, #tpu.memory_space<vmem>>, %arg28: memref<2000xf32, #tpu.memory_space<vmem>>, %arg29: memref<2000xf32, #tpu.memory_space<vmem>>, %arg30: memref<2000xf32, #tpu.memory_space<vmem>>, %arg31: memref<2000xf32, #tpu.memory_space<vmem>>, %arg32: memref<2000xf32, #tpu.memory_space<vmem>>, %arg33: memref<2000xf32, #tpu.memory_space<vmem>>, %arg34: memref<2000xf32, #tpu.memory_space<vmem>>, %arg35: memref<2000xf32, #tpu.memory_space<vmem>>, %arg36: memref<2000xf32, #tpu.memory_space<vmem>>, %arg37: memref<2000xf32, #tpu.memory_space<vmem>>, %arg38: memref<2000xf32, #tpu.memory_space<vmem>>, %arg39: memref<2000xf32, #tpu.memory_space<vmem>>, %arg40: memref<2000xf32, #tpu.memory_space<vmem>>, %arg41: memref<2000xf32, #tpu.memory_space<vmem>>, %arg42: memref<2000xf32, #tpu.memory_space<vmem>>, %arg43: memref<2000xf32, #tpu.memory_space<vmem>>, %arg44: memref<32xf32, #tpu.memory_space<vmem>>, %arg45: memref<6256xf32, #tpu.memory_space<vmem>>, %arg46: memref<100096xf32, #tpu.memory_space<vmem_shared>>, %arg47: memref<100096xf32, #tpu.memory_space<vmem_shared>>, %arg48: memref<100096xf32, #tpu.memory_space<vmem_shared>>, %arg49: memref<100096xf32, #tpu.memory_space<vmem_shared>>, %arg50: memref<100096xf32, #tpu.memory_space<vmem_shared>>, %arg51: memref<100096xf32, #tpu.memory_space<vmem_shared>>, %arg52: memref<100096xf32, #tpu.memory_space<vmem_shared>>, %arg53: memref<100096xf32, #tpu.memory_space<vmem_shared>>, %arg54: memref<!tpu.dma_semaphore, #tpu.memory_space<semaphore_mem>>, %arg55: memref<!tpu.dma_semaphore, #tpu.memory_space<semaphore_mem>>, %arg56: memref<!tpu.dma_semaphore, #tpu.memory_space<semaphore_mem>>) attributes {dimension_semantics = [#tpu.dimension_semantics<core_parallel>, #tpu.dimension_semantics<subcore_parallel>], iteration_bounds = array<i64: 2, 16>, scalar_prefetch = 0 : i64, scratch_operands = 47 : i64, tpu.core_type = #tpu.core_type<sc_vector_subcore>, window_params = [{transform_indices = #map}, {transform_indices = #map}, {transform_indices = #map}, {transform_indices = #map}, {transform_indices = #map}, {transform_indices = #map}, {transform_indices = #map}, {transform_indices = #map}]} {
    %mul3A = arith.constant 16 : i32
    %mul3A_0 = arith.muli %arg0, %mul3A : i32
    %add3A = arith.addi %mul3A_0, %arg1 : i32
    %mul3A_1 = arith.constant 6256 : i32
    %mul3A_2 = arith.muli %arg1, %mul3A_1 : i32
    %add3A_3 = arith.constant 0 : i32
    %add3A_4 = arith.addi %add3A_3, %mul3A_2 : i32
    "tpu.region"() ({
      %run_scoped3A = tpu.sem_alloc : memref<!tpu.dma_semaphore, #tpu.memory_space<semaphore_mem>>
      %dma_start3A_195 = tpu.memref_slice %arg2[%add3A_4] : memref<800768xf32, #tpu.memory_space<hbm>> -> memref<6256xf32, #tpu.memory_space<hbm>>
      %dma_start3A_196 = tpu.memref_slice %arg2[%add3A_4] : memref<800768xf32, #tpu.memory_space<hbm>> -> memref<6256xf32, #tpu.memory_space<hbm>>
      tpu.enqueue_dma source(%dma_start3A_196 : memref<6256xf32, #tpu.memory_space<hbm>>) target(%arg45 : memref<6256xf32, #tpu.memory_space<vmem>>) target_semaphore(%run_scoped3A : memref<!tpu.dma_semaphore, #tpu.memory_space<semaphore_mem>>)
      %dma_wait3A_197 = tpu.memref_slice %arg2[%add3A_4] : memref<800768xf32, #tpu.memory_space<hbm>> -> memref<6256xf32, #tpu.memory_space<hbm>>
      %dma_wait3A_198 = tpu.memref_slice %arg2[%add3A_4] : memref<800768xf32, #tpu.memory_space<hbm>> -> memref<6256xf32, #tpu.memory_space<hbm>>
      tpu.wait_dma2 semaphore(%run_scoped3A : memref<!tpu.dma_semaphore, #tpu.memory_space<semaphore_mem>>) src(%dma_wait3A_198 : memref<6256xf32, #tpu.memory_space<hbm>>) dst(%arg45 : memref<6256xf32, #tpu.memory_space<vmem>>)
      tpu.yield
    }) : () -> ()
    "tpu.region"() ({
      %run_scoped3A = tpu.sem_alloc : memref<!tpu.dma_semaphore, #tpu.memory_space<semaphore_mem>>
      %dma_start3A_195 = tpu.memref_slice %arg46[%mul3A_2] : memref<100096xf32, #tpu.memory_space<vmem_shared>> -> memref<6256xf32, #tpu.memory_space<vmem_shared>>
      %dma_start3A_196 = tpu.memref_slice %arg46[%mul3A_2] : memref<100096xf32, #tpu.memory_space<vmem_shared>> -> memref<6256xf32, #tpu.memory_space<vmem_shared>>
      tpu.enqueue_dma source(%arg45 : memref<6256xf32, #tpu.memory_space<vmem>>) target(%dma_start3A_196 : memref<6256xf32, #tpu.memory_space<vmem_shared>>) target_semaphore(%run_scoped3A : memref<!tpu.dma_semaphore, #tpu.memory_space<semaphore_mem>>)
      %dma_wait3A_197 = tpu.memref_slice %arg46[%mul3A_2] : memref<100096xf32, #tpu.memory_space<vmem_shared>> -> memref<6256xf32, #tpu.memory_space<vmem_shared>>
      %dma_wait3A_198 = tpu.memref_slice %arg46[%mul3A_2] : memref<100096xf32, #tpu.memory_space<vmem_shared>> -> memref<6256xf32, #tpu.memory_space<vmem_shared>>
      tpu.wait_dma2 semaphore(%run_scoped3A : memref<!tpu.dma_semaphore, #tpu.memory_space<semaphore_mem>>) src(%arg45 : memref<6256xf32, #tpu.memory_space<vmem>>) dst(%dma_wait3A_198 : memref<6256xf32, #tpu.memory_space<vmem_shared>>)
      tpu.yield
    }) : () -> ()
    %add3A_5 = arith.constant 100096 : i32
    %add3A_6 = arith.addi %add3A_5, %mul3A_2 : i32
    "tpu.region"() ({
      %run_scoped3A = tpu.sem_alloc : memref<!tpu.dma_semaphore, #tpu.memory_space<semaphore_mem>>
      %dma_start3A_195 = tpu.memref_slice %arg2[%add3A_6] : memref<800768xf32, #tpu.memory_space<hbm>> -> memref<6256xf32, #tpu.memory_space<hbm>>
      %dma_start3A_196 = tpu.memref_slice %arg2[%add3A_6] : memref<800768xf32, #tpu.memory_space<hbm>> -> memref<6256xf32, #tpu.memory_space<hbm>>
      tpu.enqueue_dma source(%dma_start3A_196 : memref<6256xf32, #tpu.memory_space<hbm>>) target(%arg45 : memref<6256xf32, #tpu.memory_space<vmem>>) target_semaphore(%run_scoped3A : memref<!tpu.dma_semaphore, #tpu.memory_space<semaphore_mem>>)
      %dma_wait3A_197 = tpu.memref_slice %arg2[%add3A_6] : memref<800768xf32, #tpu.memory_space<hbm>> -> memref<6256xf32, #tpu.memory_space<hbm>>
      %dma_wait3A_198 = tpu.memref_slice %arg2[%add3A_6] : memref<800768xf32, #tpu.memory_space<hbm>> -> memref<6256xf32, #tpu.memory_space<hbm>>
      tpu.wait_dma2 semaphore(%run_scoped3A : memref<!tpu.dma_semaphore, #tpu.memory_space<semaphore_mem>>) src(%dma_wait3A_198 : memref<6256xf32, #tpu.memory_space<hbm>>) dst(%arg45 : memref<6256xf32, #tpu.memory_space<vmem>>)
      tpu.yield
    }) : () -> ()
    "tpu.region"() ({
      %run_scoped3A = tpu.sem_alloc : memref<!tpu.dma_semaphore, #tpu.memory_space<semaphore_mem>>
      %dma_start3A_195 = tpu.memref_slice %arg47[%mul3A_2] : memref<100096xf32, #tpu.memory_space<vmem_shared>> -> memref<6256xf32, #tpu.memory_space<vmem_shared>>
      %dma_start3A_196 = tpu.memref_slice %arg47[%mul3A_2] : memref<100096xf32, #tpu.memory_space<vmem_shared>> -> memref<6256xf32, #tpu.memory_space<vmem_shared>>
      tpu.enqueue_dma source(%arg45 : memref<6256xf32, #tpu.memory_space<vmem>>) target(%dma_start3A_196 : memref<6256xf32, #tpu.memory_space<vmem_shared>>) target_semaphore(%run_scoped3A : memref<!tpu.dma_semaphore, #tpu.memory_space<semaphore_mem>>)
      %dma_wait3A_197 = tpu.memref_slice %arg47[%mul3A_2] : memref<100096xf32, #tpu.memory_space<vmem_shared>> -> memref<6256xf32, #tpu.memory_space<vmem_shared>>
      %dma_wait3A_198 = tpu.memref_slice %arg47[%mul3A_2] : memref<100096xf32, #tpu.memory_space<vmem_shared>> -> memref<6256xf32, #tpu.memory_space<vmem_shared>>
      tpu.wait_dma2 semaphore(%run_scoped3A : memref<!tpu.dma_semaphore, #tpu.memory_space<semaphore_mem>>) src(%arg45 : memref<6256xf32, #tpu.memory_space<vmem>>) dst(%dma_wait3A_198 : memref<6256xf32, #tpu.memory_space<vmem_shared>>)
      tpu.yield
    }) : () -> ()
    %add3A_7 = arith.constant 200192 : i32
    %add3A_8 = arith.addi %add3A_7, %mul3A_2 : i32
    "tpu.region"() ({
      %run_scoped3A = tpu.sem_alloc : memref<!tpu.dma_semaphore, #tpu.memory_space<semaphore_mem>>
      %dma_start3A_195 = tpu.memref_slice %arg2[%add3A_8] : memref<800768xf32, #tpu.memory_space<hbm>> -> memref<6256xf32, #tpu.memory_space<hbm>>
      %dma_start3A_196 = tpu.memref_slice %arg2[%add3A_8] : memref<800768xf32, #tpu.memory_space<hbm>> -> memref<6256xf32, #tpu.memory_space<hbm>>
      tpu.enqueue_dma source(%dma_start3A_196 : memref<6256xf32, #tpu.memory_space<hbm>>) target(%arg45 : memref<6256xf32, #tpu.memory_space<vmem>>) target_semaphore(%run_scoped3A : memref<!tpu.dma_semaphore, #tpu.memory_space<semaphore_mem>>)
      %dma_wait3A_197 = tpu.memref_slice %arg2[%add3A_8] : memref<800768xf32, #tpu.memory_space<hbm>> -> memref<6256xf32, #tpu.memory_space<hbm>>
      %dma_wait3A_198 = tpu.memref_slice %arg2[%add3A_8] : memref<800768xf32, #tpu.memory_space<hbm>> -> memref<6256xf32, #tpu.memory_space<hbm>>
      tpu.wait_dma2 semaphore(%run_scoped3A : memref<!tpu.dma_semaphore, #tpu.memory_space<semaphore_mem>>) src(%dma_wait3A_198 : memref<6256xf32, #tpu.memory_space<hbm>>) dst(%arg45 : memref<6256xf32, #tpu.memory_space<vmem>>)
      tpu.yield
    }) : () -> ()
    "tpu.region"() ({
      %run_scoped3A = tpu.sem_alloc : memref<!tpu.dma_semaphore, #tpu.memory_space<semaphore_mem>>
      %dma_start3A_195 = tpu.memref_slice %arg48[%mul3A_2] : memref<100096xf32, #tpu.memory_space<vmem_shared>> -> memref<6256xf32, #tpu.memory_space<vmem_shared>>
      %dma_start3A_196 = tpu.memref_slice %arg48[%mul3A_2] : memref<100096xf32, #tpu.memory_space<vmem_shared>> -> memref<6256xf32, #tpu.memory_space<vmem_shared>>
      tpu.enqueue_dma source(%arg45 : memref<6256xf32, #tpu.memory_space<vmem>>) target(%dma_start3A_196 : memref<6256xf32, #tpu.memory_space<vmem_shared>>) target_semaphore(%run_scoped3A : memref<!tpu.dma_semaphore, #tpu.memory_space<semaphore_mem>>)
      %dma_wait3A_197 = tpu.memref_slice %arg48[%mul3A_2] : memref<100096xf32, #tpu.memory_space<vmem_shared>> -> memref<6256xf32, #tpu.memory_space<vmem_shared>>
      %dma_wait3A_198 = tpu.memref_slice %arg48[%mul3A_2] : memref<100096xf32, #tpu.memory_space<vmem_shared>> -> memref<6256xf32, #tpu.memory_space<vmem_shared>>
      tpu.wait_dma2 semaphore(%run_scoped3A : memref<!tpu.dma_semaphore, #tpu.memory_space<semaphore_mem>>) src(%arg45 : memref<6256xf32, #tpu.memory_space<vmem>>) dst(%dma_wait3A_198 : memref<6256xf32, #tpu.memory_space<vmem_shared>>)
      tpu.yield
    }) : () -> ()
    %add3A_9 = arith.constant 300288 : i32
    %add3A_10 = arith.addi %add3A_9, %mul3A_2 : i32
    "tpu.region"() ({
      %run_scoped3A = tpu.sem_alloc : memref<!tpu.dma_semaphore, #tpu.memory_space<semaphore_mem>>
      %dma_start3A_195 = tpu.memref_slice %arg2[%add3A_10] : memref<800768xf32, #tpu.memory_space<hbm>> -> memref<6256xf32, #tpu.memory_space<hbm>>
      %dma_start3A_196 = tpu.memref_slice %arg2[%add3A_10] : memref<800768xf32, #tpu.memory_space<hbm>> -> memref<6256xf32, #tpu.memory_space<hbm>>
      tpu.enqueue_dma source(%dma_start3A_196 : memref<6256xf32, #tpu.memory_space<hbm>>) target(%arg45 : memref<6256xf32, #tpu.memory_space<vmem>>) target_semaphore(%run_scoped3A : memref<!tpu.dma_semaphore, #tpu.memory_space<semaphore_mem>>)
      %dma_wait3A_197 = tpu.memref_slice %arg2[%add3A_10] : memref<800768xf32, #tpu.memory_space<hbm>> -> memref<6256xf32, #tpu.memory_space<hbm>>
      %dma_wait3A_198 = tpu.memref_slice %arg2[%add3A_10] : memref<800768xf32, #tpu.memory_space<hbm>> -> memref<6256xf32, #tpu.memory_space<hbm>>
      tpu.wait_dma2 semaphore(%run_scoped3A : memref<!tpu.dma_semaphore, #tpu.memory_space<semaphore_mem>>) src(%dma_wait3A_198 : memref<6256xf32, #tpu.memory_space<hbm>>) dst(%arg45 : memref<6256xf32, #tpu.memory_space<vmem>>)
      tpu.yield
    }) : () -> ()
    "tpu.region"() ({
      %run_scoped3A = tpu.sem_alloc : memref<!tpu.dma_semaphore, #tpu.memory_space<semaphore_mem>>
      %dma_start3A_195 = tpu.memref_slice %arg49[%mul3A_2] : memref<100096xf32, #tpu.memory_space<vmem_shared>> -> memref<6256xf32, #tpu.memory_space<vmem_shared>>
      %dma_start3A_196 = tpu.memref_slice %arg49[%mul3A_2] : memref<100096xf32, #tpu.memory_space<vmem_shared>> -> memref<6256xf32, #tpu.memory_space<vmem_shared>>
      tpu.enqueue_dma source(%arg45 : memref<6256xf32, #tpu.memory_space<vmem>>) target(%dma_start3A_196 : memref<6256xf32, #tpu.memory_space<vmem_shared>>) target_semaphore(%run_scoped3A : memref<!tpu.dma_semaphore, #tpu.memory_space<semaphore_mem>>)
      %dma_wait3A_197 = tpu.memref_slice %arg49[%mul3A_2] : memref<100096xf32, #tpu.memory_space<vmem_shared>> -> memref<6256xf32, #tpu.memory_space<vmem_shared>>
      %dma_wait3A_198 = tpu.memref_slice %arg49[%mul3A_2] : memref<100096xf32, #tpu.memory_space<vmem_shared>> -> memref<6256xf32, #tpu.memory_space<vmem_shared>>
      tpu.wait_dma2 semaphore(%run_scoped3A : memref<!tpu.dma_semaphore, #tpu.memory_space<semaphore_mem>>) src(%arg45 : memref<6256xf32, #tpu.memory_space<vmem>>) dst(%dma_wait3A_198 : memref<6256xf32, #tpu.memory_space<vmem_shared>>)
      tpu.yield
    }) : () -> ()
    %add3A_11 = arith.constant 400384 : i32
    %add3A_12 = arith.addi %add3A_11, %mul3A_2 : i32
    "tpu.region"() ({
      %run_scoped3A = tpu.sem_alloc : memref<!tpu.dma_semaphore, #tpu.memory_space<semaphore_mem>>
      %dma_start3A_195 = tpu.memref_slice %arg2[%add3A_12] : memref<800768xf32, #tpu.memory_space<hbm>> -> memref<6256xf32, #tpu.memory_space<hbm>>
      %dma_start3A_196 = tpu.memref_slice %arg2[%add3A_12] : memref<800768xf32, #tpu.memory_space<hbm>> -> memref<6256xf32, #tpu.memory_space<hbm>>
      tpu.enqueue_dma source(%dma_start3A_196 : memref<6256xf32, #tpu.memory_space<hbm>>) target(%arg45 : memref<6256xf32, #tpu.memory_space<vmem>>) target_semaphore(%run_scoped3A : memref<!tpu.dma_semaphore, #tpu.memory_space<semaphore_mem>>)
      %dma_wait3A_197 = tpu.memref_slice %arg2[%add3A_12] : memref<800768xf32, #tpu.memory_space<hbm>> -> memref<6256xf32, #tpu.memory_space<hbm>>
      %dma_wait3A_198 = tpu.memref_slice %arg2[%add3A_12] : memref<800768xf32, #tpu.memory_space<hbm>> -> memref<6256xf32, #tpu.memory_space<hbm>>
      tpu.wait_dma2 semaphore(%run_scoped3A : memref<!tpu.dma_semaphore, #tpu.memory_space<semaphore_mem>>) src(%dma_wait3A_198 : memref<6256xf32, #tpu.memory_space<hbm>>) dst(%arg45 : memref<6256xf32, #tpu.memory_space<vmem>>)
      tpu.yield
    }) : () -> ()
    "tpu.region"() ({
      %run_scoped3A = tpu.sem_alloc : memref<!tpu.dma_semaphore, #tpu.memory_space<semaphore_mem>>
      %dma_start3A_195 = tpu.memref_slice %arg50[%mul3A_2] : memref<100096xf32, #tpu.memory_space<vmem_shared>> -> memref<6256xf32, #tpu.memory_space<vmem_shared>>
      %dma_start3A_196 = tpu.memref_slice %arg50[%mul3A_2] : memref<100096xf32, #tpu.memory_space<vmem_shared>> -> memref<6256xf32, #tpu.memory_space<vmem_shared>>
      tpu.enqueue_dma source(%arg45 : memref<6256xf32, #tpu.memory_space<vmem>>) target(%dma_start3A_196 : memref<6256xf32, #tpu.memory_space<vmem_shared>>) target_semaphore(%run_scoped3A : memref<!tpu.dma_semaphore, #tpu.memory_space<semaphore_mem>>)
      %dma_wait3A_197 = tpu.memref_slice %arg50[%mul3A_2] : memref<100096xf32, #tpu.memory_space<vmem_shared>> -> memref<6256xf32, #tpu.memory_space<vmem_shared>>
      %dma_wait3A_198 = tpu.memref_slice %arg50[%mul3A_2] : memref<100096xf32, #tpu.memory_space<vmem_shared>> -> memref<6256xf32, #tpu.memory_space<vmem_shared>>
      tpu.wait_dma2 semaphore(%run_scoped3A : memref<!tpu.dma_semaphore, #tpu.memory_space<semaphore_mem>>) src(%arg45 : memref<6256xf32, #tpu.memory_space<vmem>>) dst(%dma_wait3A_198 : memref<6256xf32, #tpu.memory_space<vmem_shared>>)
      tpu.yield
    }) : () -> ()
    %add3A_13 = arith.constant 500480 : i32
    %add3A_14 = arith.addi %add3A_13, %mul3A_2 : i32
    "tpu.region"() ({
      %run_scoped3A = tpu.sem_alloc : memref<!tpu.dma_semaphore, #tpu.memory_space<semaphore_mem>>
      %dma_start3A_195 = tpu.memref_slice %arg2[%add3A_14] : memref<800768xf32, #tpu.memory_space<hbm>> -> memref<6256xf32, #tpu.memory_space<hbm>>
      %dma_start3A_196 = tpu.memref_slice %arg2[%add3A_14] : memref<800768xf32, #tpu.memory_space<hbm>> -> memref<6256xf32, #tpu.memory_space<hbm>>
      tpu.enqueue_dma source(%dma_start3A_196 : memref<6256xf32, #tpu.memory_space<hbm>>) target(%arg45 : memref<6256xf32, #tpu.memory_space<vmem>>) target_semaphore(%run_scoped3A : memref<!tpu.dma_semaphore, #tpu.memory_space<semaphore_mem>>)
      %dma_wait3A_197 = tpu.memref_slice %arg2[%add3A_14] : memref<800768xf32, #tpu.memory_space<hbm>> -> memref<6256xf32, #tpu.memory_space<hbm>>
      %dma_wait3A_198 = tpu.memref_slice %arg2[%add3A_14] : memref<800768xf32, #tpu.memory_space<hbm>> -> memref<6256xf32, #tpu.memory_space<hbm>>
      tpu.wait_dma2 semaphore(%run_scoped3A : memref<!tpu.dma_semaphore, #tpu.memory_space<semaphore_mem>>) src(%dma_wait3A_198 : memref<6256xf32, #tpu.memory_space<hbm>>) dst(%arg45 : memref<6256xf32, #tpu.memory_space<vmem>>)
      tpu.yield
    }) : () -> ()
    "tpu.region"() ({
      %run_scoped3A = tpu.sem_alloc : memref<!tpu.dma_semaphore, #tpu.memory_space<semaphore_mem>>
      %dma_start3A_195 = tpu.memref_slice %arg51[%mul3A_2] : memref<100096xf32, #tpu.memory_space<vmem_shared>> -> memref<6256xf32, #tpu.memory_space<vmem_shared>>
      %dma_start3A_196 = tpu.memref_slice %arg51[%mul3A_2] : memref<100096xf32, #tpu.memory_space<vmem_shared>> -> memref<6256xf32, #tpu.memory_space<vmem_shared>>
      tpu.enqueue_dma source(%arg45 : memref<6256xf32, #tpu.memory_space<vmem>>) target(%dma_start3A_196 : memref<6256xf32, #tpu.memory_space<vmem_shared>>) target_semaphore(%run_scoped3A : memref<!tpu.dma_semaphore, #tpu.memory_space<semaphore_mem>>)
      %dma_wait3A_197 = tpu.memref_slice %arg51[%mul3A_2] : memref<100096xf32, #tpu.memory_space<vmem_shared>> -> memref<6256xf32, #tpu.memory_space<vmem_shared>>
      %dma_wait3A_198 = tpu.memref_slice %arg51[%mul3A_2] : memref<100096xf32, #tpu.memory_space<vmem_shared>> -> memref<6256xf32, #tpu.memory_space<vmem_shared>>
      tpu.wait_dma2 semaphore(%run_scoped3A : memref<!tpu.dma_semaphore, #tpu.memory_space<semaphore_mem>>) src(%arg45 : memref<6256xf32, #tpu.memory_space<vmem>>) dst(%dma_wait3A_198 : memref<6256xf32, #tpu.memory_space<vmem_shared>>)
      tpu.yield
    }) : () -> ()
    %add3A_15 = arith.constant 600576 : i32
    %add3A_16 = arith.addi %add3A_15, %mul3A_2 : i32
    "tpu.region"() ({
      %run_scoped3A = tpu.sem_alloc : memref<!tpu.dma_semaphore, #tpu.memory_space<semaphore_mem>>
      %dma_start3A_195 = tpu.memref_slice %arg2[%add3A_16] : memref<800768xf32, #tpu.memory_space<hbm>> -> memref<6256xf32, #tpu.memory_space<hbm>>
      %dma_start3A_196 = tpu.memref_slice %arg2[%add3A_16] : memref<800768xf32, #tpu.memory_space<hbm>> -> memref<6256xf32, #tpu.memory_space<hbm>>
      tpu.enqueue_dma source(%dma_start3A_196 : memref<6256xf32, #tpu.memory_space<hbm>>) target(%arg45 : memref<6256xf32, #tpu.memory_space<vmem>>) target_semaphore(%run_scoped3A : memref<!tpu.dma_semaphore, #tpu.memory_space<semaphore_mem>>)
      %dma_wait3A_197 = tpu.memref_slice %arg2[%add3A_16] : memref<800768xf32, #tpu.memory_space<hbm>> -> memref<6256xf32, #tpu.memory_space<hbm>>
      %dma_wait3A_198 = tpu.memref_slice %arg2[%add3A_16] : memref<800768xf32, #tpu.memory_space<hbm>> -> memref<6256xf32, #tpu.memory_space<hbm>>
      tpu.wait_dma2 semaphore(%run_scoped3A : memref<!tpu.dma_semaphore, #tpu.memory_space<semaphore_mem>>) src(%dma_wait3A_198 : memref<6256xf32, #tpu.memory_space<hbm>>) dst(%arg45 : memref<6256xf32, #tpu.memory_space<vmem>>)
      tpu.yield
    }) : () -> ()
    "tpu.region"() ({
      %run_scoped3A = tpu.sem_alloc : memref<!tpu.dma_semaphore, #tpu.memory_space<semaphore_mem>>
      %dma_start3A_195 = tpu.memref_slice %arg52[%mul3A_2] : memref<100096xf32, #tpu.memory_space<vmem_shared>> -> memref<6256xf32, #tpu.memory_space<vmem_shared>>
      %dma_start3A_196 = tpu.memref_slice %arg52[%mul3A_2] : memref<100096xf32, #tpu.memory_space<vmem_shared>> -> memref<6256xf32, #tpu.memory_space<vmem_shared>>
      tpu.enqueue_dma source(%arg45 : memref<6256xf32, #tpu.memory_space<vmem>>) target(%dma_start3A_196 : memref<6256xf32, #tpu.memory_space<vmem_shared>>) target_semaphore(%run_scoped3A : memref<!tpu.dma_semaphore, #tpu.memory_space<semaphore_mem>>)
      %dma_wait3A_197 = tpu.memref_slice %arg52[%mul3A_2] : memref<100096xf32, #tpu.memory_space<vmem_shared>> -> memref<6256xf32, #tpu.memory_space<vmem_shared>>
      %dma_wait3A_198 = tpu.memref_slice %arg52[%mul3A_2] : memref<100096xf32, #tpu.memory_space<vmem_shared>> -> memref<6256xf32, #tpu.memory_space<vmem_shared>>
      tpu.wait_dma2 semaphore(%run_scoped3A : memref<!tpu.dma_semaphore, #tpu.memory_space<semaphore_mem>>) src(%arg45 : memref<6256xf32, #tpu.memory_space<vmem>>) dst(%dma_wait3A_198 : memref<6256xf32, #tpu.memory_space<vmem_shared>>)
      tpu.yield
    }) : () -> ()
    %add3A_17 = arith.constant 700672 : i32
    %add3A_18 = arith.addi %add3A_17, %mul3A_2 : i32
    "tpu.region"() ({
      %run_scoped3A = tpu.sem_alloc : memref<!tpu.dma_semaphore, #tpu.memory_space<semaphore_mem>>
      %dma_start3A_195 = tpu.memref_slice %arg2[%add3A_18] : memref<800768xf32, #tpu.memory_space<hbm>> -> memref<6256xf32, #tpu.memory_space<hbm>>
      %dma_start3A_196 = tpu.memref_slice %arg2[%add3A_18] : memref<800768xf32, #tpu.memory_space<hbm>> -> memref<6256xf32, #tpu.memory_space<hbm>>
      tpu.enqueue_dma source(%dma_start3A_196 : memref<6256xf32, #tpu.memory_space<hbm>>) target(%arg45 : memref<6256xf32, #tpu.memory_space<vmem>>) target_semaphore(%run_scoped3A : memref<!tpu.dma_semaphore, #tpu.memory_space<semaphore_mem>>)
      %dma_wait3A_197 = tpu.memref_slice %arg2[%add3A_18] : memref<800768xf32, #tpu.memory_space<hbm>> -> memref<6256xf32, #tpu.memory_space<hbm>>
      %dma_wait3A_198 = tpu.memref_slice %arg2[%add3A_18] : memref<800768xf32, #tpu.memory_space<hbm>> -> memref<6256xf32, #tpu.memory_space<hbm>>
      tpu.wait_dma2 semaphore(%run_scoped3A : memref<!tpu.dma_semaphore, #tpu.memory_space<semaphore_mem>>) src(%dma_wait3A_198 : memref<6256xf32, #tpu.memory_space<hbm>>) dst(%arg45 : memref<6256xf32, #tpu.memory_space<vmem>>)
      tpu.yield
    }) : () -> ()
    "tpu.region"() ({
      %run_scoped3A = tpu.sem_alloc : memref<!tpu.dma_semaphore, #tpu.memory_space<semaphore_mem>>
      %dma_start3A_195 = tpu.memref_slice %arg53[%mul3A_2] : memref<100096xf32, #tpu.memory_space<vmem_shared>> -> memref<6256xf32, #tpu.memory_space<vmem_shared>>
      %dma_start3A_196 = tpu.memref_slice %arg53[%mul3A_2] : memref<100096xf32, #tpu.memory_space<vmem_shared>> -> memref<6256xf32, #tpu.memory_space<vmem_shared>>
      tpu.enqueue_dma source(%arg45 : memref<6256xf32, #tpu.memory_space<vmem>>) target(%dma_start3A_196 : memref<6256xf32, #tpu.memory_space<vmem_shared>>) target_semaphore(%run_scoped3A : memref<!tpu.dma_semaphore, #tpu.memory_space<semaphore_mem>>)
      %dma_wait3A_197 = tpu.memref_slice %arg53[%mul3A_2] : memref<100096xf32, #tpu.memory_space<vmem_shared>> -> memref<6256xf32, #tpu.memory_space<vmem_shared>>
      %dma_wait3A_198 = tpu.memref_slice %arg53[%mul3A_2] : memref<100096xf32, #tpu.memory_space<vmem_shared>> -> memref<6256xf32, #tpu.memory_space<vmem_shared>>
      tpu.wait_dma2 semaphore(%run_scoped3A : memref<!tpu.dma_semaphore, #tpu.memory_space<semaphore_mem>>) src(%arg45 : memref<6256xf32, #tpu.memory_space<vmem>>) dst(%dma_wait3A_198 : memref<6256xf32, #tpu.memory_space<vmem_shared>>)
      tpu.yield
    }) : () -> ()
    "tpu.region"() ({
      %run_scoped3A = tpu.sem_alloc : memref<!tpu.dma_semaphore, #tpu.memory_space<semaphore_mem>>
      tpu.enqueue_dma source(%arg8 : memref<32xf32, #tpu.memory_space<hbm>>) target(%arg44 : memref<32xf32, #tpu.memory_space<vmem>>) target_semaphore(%run_scoped3A : memref<!tpu.dma_semaphore, #tpu.memory_space<semaphore_mem>>)
      tpu.wait_dma2 semaphore(%run_scoped3A : memref<!tpu.dma_semaphore, #tpu.memory_space<semaphore_mem>>) src(%arg8 : memref<32xf32, #tpu.memory_space<hbm>>) dst(%arg44 : memref<32xf32, #tpu.memory_space<vmem>>)
      tpu.yield
    }) : () -> ()
    %barrier3A = arith.constant 0 : index
    tpu.barrier barrier_id(%barrier3A)
    %get3A = arith.constant 0 : index
    %get3A_19 = tpu.vector_load %arg44[%get3A] {strides = array<i32>} : memref<32xf32, #tpu.memory_space<vmem>>, vector<16xf32>,
    %get3A_20 = vector.shape_cast %get3A_19 : vector<16xf32> to vector<16xf32>
    %get3A_21 = arith.constant 16 : index
    %get3A_22 = tpu.vector_load %arg44[%get3A_21] {strides = array<i32>} : memref<32xf32, #tpu.memory_space<vmem>>, vector<16xf32>,
    %get3A_23 = vector.shape_cast %get3A_22 : vector<16xf32> to vector<16xf32>
    %slice3A = vector.extract_strided_slice %get3A_20 {offsets = [0], sizes = [1], strides = [1]} : vector<16xf32> to vector<1xf32>
    %squeeze3A = vector.extract %slice3A[0] : f32 from vector<1xf32>
    %slice3A_24 = vector.extract_strided_slice %get3A_20 {offsets = [1], sizes = [1], strides = [1]} : vector<16xf32> to vector<1xf32>
    %squeeze3A_25 = vector.extract %slice3A_24[0] : f32 from vector<1xf32>
    %slice3A_26 = vector.extract_strided_slice %get3A_20 {offsets = [2], sizes = [1], strides = [1]} : vector<16xf32> to vector<1xf32>
    %squeeze3A_27 = vector.extract %slice3A_26[0] : f32 from vector<1xf32>
    %slice3A_28 = vector.extract_strided_slice %get3A_20 {offsets = [3], sizes = [1], strides = [1]} : vector<16xf32> to vector<1xf32>
    %squeeze3A_29 = vector.extract %slice3A_28[0] : f32 from vector<1xf32>
    %slice3A_30 = vector.extract_strided_slice %get3A_20 {offsets = [4], sizes = [1], strides = [1]} : vector<16xf32> to vector<1xf32>
    %squeeze3A_31 = vector.extract %slice3A_30[0] : f32 from vector<1xf32>
    %slice3A_32 = vector.extract_strided_slice %get3A_20 {offsets = [5], sizes = [1], strides = [1]} : vector<16xf32> to vector<1xf32>
    %squeeze3A_33 = vector.extract %slice3A_32[0] : f32 from vector<1xf32>
    %slice3A_34 = vector.extract_strided_slice %get3A_20 {offsets = [6], sizes = [1], strides = [1]} : vector<16xf32> to vector<1xf32>
    %squeeze3A_35 = vector.extract %slice3A_34[0] : f32 from vector<1xf32>
    %slice3A_36 = vector.extract_strided_slice %get3A_20 {offsets = [7], sizes = [1], strides = [1]} : vector<16xf32> to vector<1xf32>
    %squeeze3A_37 = vector.extract %slice3A_36[0] : f32 from vector<1xf32>
    %slice3A_38 = vector.extract_strided_slice %get3A_20 {offsets = [8], sizes = [1], strides = [1]} : vector<16xf32> to vector<1xf32>
    %squeeze3A_39 = vector.extract %slice3A_38[0] : f32 from vector<1xf32>
    %slice3A_40 = vector.extract_strided_slice %get3A_20 {offsets = [9], sizes = [1], strides = [1]} : vector<16xf32> to vector<1xf32>
    %squeeze3A_41 = vector.extract %slice3A_40[0] : f32 from vector<1xf32>
    %slice3A_42 = vector.extract_strided_slice %get3A_20 {offsets = [10], sizes = [1], strides = [1]} : vector<16xf32> to vector<1xf32>
    %squeeze3A_43 = vector.extract %slice3A_42[0] : f32 from vector<1xf32>
    %slice3A_44 = vector.extract_strided_slice %get3A_20 {offsets = [11], sizes = [1], strides = [1]} : vector<16xf32> to vector<1xf32>
    %squeeze3A_45 = vector.extract %slice3A_44[0] : f32 from vector<1xf32>
    %slice3A_46 = vector.extract_strided_slice %get3A_20 {offsets = [12], sizes = [1], strides = [1]} : vector<16xf32> to vector<1xf32>
    %squeeze3A_47 = vector.extract %slice3A_46[0] : f32 from vector<1xf32>
    %slice3A_48 = vector.extract_strided_slice %get3A_20 {offsets = [13], sizes = [1], strides = [1]} : vector<16xf32> to vector<1xf32>
    %squeeze3A_49 = vector.extract %slice3A_48[0] : f32 from vector<1xf32>
    %slice3A_50 = vector.extract_strided_slice %get3A_20 {offsets = [14], sizes = [1], strides = [1]} : vector<16xf32> to vector<1xf32>
    %squeeze3A_51 = vector.extract %slice3A_50[0] : f32 from vector<1xf32>
    %slice3A_52 = vector.extract_strided_slice %get3A_20 {offsets = [15], sizes = [1], strides = [1]} : vector<16xf32> to vector<1xf32>
    %squeeze3A_53 = vector.extract %slice3A_52[0] : f32 from vector<1xf32>
    %slice3A_54 = vector.extract_strided_slice %get3A_23 {offsets = [0], sizes = [1], strides = [1]} : vector<16xf32> to vector<1xf32>
    %squeeze3A_55 = vector.extract %slice3A_54[0] : f32 from vector<1xf32>
    %slice3A_56 = vector.extract_strided_slice %get3A_23 {offsets = [1], sizes = [1], strides = [1]} : vector<16xf32> to vector<1xf32>
    %squeeze3A_57 = vector.extract %slice3A_56[0] : f32 from vector<1xf32>
    %slice3A_58 = vector.extract_strided_slice %get3A_23 {offsets = [2], sizes = [1], strides = [1]} : vector<16xf32> to vector<1xf32>
    %squeeze3A_59 = vector.extract %slice3A_58[0] : f32 from vector<1xf32>
    %slice3A_60 = vector.extract_strided_slice %get3A_23 {offsets = [3], sizes = [1], strides = [1]} : vector<16xf32> to vector<1xf32>
    %squeeze3A_61 = vector.extract %slice3A_60[0] : f32 from vector<1xf32>
    %mul3A_62 = arith.constant 100000 : i32
    %mul3A_63 = arith.muli %add3A, %mul3A_62 : i32
    %min3A = arith.constant 0 : i32
    %min3A_64 = arith.constant 49 : i32
    %min3A_65 = arith.minsi %min3A, %min3A_64 : i32
    %mul3A_66 = arith.constant 2000 : i32
    %mul3A_67 = arith.muli %min3A_65, %mul3A_66 : i32
    %add3A_68 = arith.addi %mul3A_63, %mul3A_67 : i32
    %dma_start3A = tpu.memref_slice %arg3[%add3A_68] : memref<6400000xi32, #tpu.memory_space<hbm>> -> memref<2000xi32, #tpu.memory_space<hbm>>
    %dma_start3A_69 = tpu.memref_slice %arg3[%add3A_68] : memref<6400000xi32, #tpu.memory_space<hbm>> -> memref<2000xi32, #tpu.memory_space<hbm>>
    tpu.enqueue_dma source(%dma_start3A_69 : memref<2000xi32, #tpu.memory_space<hbm>>) target(%arg10 : memref<2000xi32, #tpu.memory_space<vmem>>) target_semaphore(%arg54 : memref<!tpu.dma_semaphore, #tpu.memory_space<semaphore_mem>>)
    %dma_start3A_70 = tpu.memref_slice %arg4[%add3A_68] : memref<3200000xf32, #tpu.memory_space<hbm>> -> memref<2000xf32, #tpu.memory_space<hbm>>
    %dma_start3A_71 = tpu.memref_slice %arg4[%add3A_68] : memref<3200000xf32, #tpu.memory_space<hbm>> -> memref<2000xf32, #tpu.memory_space<hbm>>
    tpu.enqueue_dma source(%dma_start3A_71 : memref<2000xf32, #tpu.memory_space<hbm>>) target(%arg12 : memref<2000xf32, #tpu.memory_space<vmem>>) target_semaphore(%arg54 : memref<!tpu.dma_semaphore, #tpu.memory_space<semaphore_mem>>)
    %dma_start3A_72 = tpu.memref_slice %arg5[%add3A_68] : memref<3200000xf32, #tpu.memory_space<hbm>> -> memref<2000xf32, #tpu.memory_space<hbm>>
    %dma_start3A_73 = tpu.memref_slice %arg5[%add3A_68] : memref<3200000xf32, #tpu.memory_space<hbm>> -> memref<2000xf32, #tpu.memory_space<hbm>>
    tpu.enqueue_dma source(%dma_start3A_73 : memref<2000xf32, #tpu.memory_space<hbm>>) target(%arg14 : memref<2000xf32, #tpu.memory_space<vmem>>) target_semaphore(%arg54 : memref<!tpu.dma_semaphore, #tpu.memory_space<semaphore_mem>>)
    %dma_start3A_74 = tpu.memref_slice %arg6[%add3A_68] : memref<3200000xf32, #tpu.memory_space<hbm>> -> memref<2000xf32, #tpu.memory_space<hbm>>
    %dma_start3A_75 = tpu.memref_slice %arg6[%add3A_68] : memref<3200000xf32, #tpu.memory_space<hbm>> -> memref<2000xf32, #tpu.memory_space<hbm>>
    tpu.enqueue_dma source(%dma_start3A_75 : memref<2000xf32, #tpu.memory_space<hbm>>) target(%arg15 : memref<2000xf32, #tpu.memory_space<vmem>>) target_semaphore(%arg54 : memref<!tpu.dma_semaphore, #tpu.memory_space<semaphore_mem>>)
    %dma_start3A_76 = tpu.memref_slice %arg7[%add3A_68] : memref<3200000xf32, #tpu.memory_space<hbm>> -> memref<2000xf32, #tpu.memory_space<hbm>>
    %dma_start3A_77 = tpu.memref_slice %arg7[%add3A_68] : memref<3200000xf32, #tpu.memory_space<hbm>> -> memref<2000xf32, #tpu.memory_space<hbm>>
    tpu.enqueue_dma source(%dma_start3A_77 : memref<2000xf32, #tpu.memory_space<hbm>>) target(%arg16 : memref<2000xf32, #tpu.memory_space<vmem>>) target_semaphore(%arg54 : memref<!tpu.dma_semaphore, #tpu.memory_space<semaphore_mem>>)
    %min3A_78 = arith.constant 0 : i32
    %min3A_79 = arith.constant 49 : i32
    %min3A_80 = arith.minsi %min3A_78, %min3A_79 : i32
    %mul3A_81 = arith.constant 2000 : i32
    %mul3A_82 = arith.muli %min3A_80, %mul3A_81 : i32
    %add3A_83 = arith.addi %mul3A_63, %mul3A_82 : i32
    %dma_wait3A = tpu.memref_slice %arg3[%add3A_83] : memref<6400000xi32, #tpu.memory_space<hbm>> -> memref<2000xi32, #tpu.memory_space<hbm>>
    %dma_wait3A_84 = tpu.memref_slice %arg3[%add3A_83] : memref<6400000xi32, #tpu.memory_space<hbm>> -> memref<2000xi32, #tpu.memory_space<hbm>>
    tpu.wait_dma2 semaphore(%arg54 : memref<!tpu.dma_semaphore, #tpu.memory_space<semaphore_mem>>) src(%dma_wait3A_84 : memref<2000xi32, #tpu.memory_space<hbm>>) dst(%arg10 : memref<2000xi32, #tpu.memory_space<vmem>>)
    %dma_wait3A_85 = tpu.memref_slice %arg4[%add3A_83] : memref<3200000xf32, #tpu.memory_space<hbm>> -> memref<2000xf32, #tpu.memory_space<hbm>>
    %dma_wait3A_86 = tpu.memref_slice %arg4[%add3A_83] : memref<3200000xf32, #tpu.memory_space<hbm>> -> memref<2000xf32, #tpu.memory_space<hbm>>
    tpu.wait_dma2 semaphore(%arg54 : memref<!tpu.dma_semaphore, #tpu.memory_space<semaphore_mem>>) src(%dma_wait3A_86 : memref<2000xf32, #tpu.memory_space<hbm>>) dst(%arg12 : memref<2000xf32, #tpu.memory_space<vmem>>)
    %dma_wait3A_87 = tpu.memref_slice %arg5[%add3A_83] : memref<3200000xf32, #tpu.memory_space<hbm>> -> memref<2000xf32, #tpu.memory_space<hbm>>
    %dma_wait3A_88 = tpu.memref_slice %arg5[%add3A_83] : memref<3200000xf32, #tpu.memory_space<hbm>> -> memref<2000xf32, #tpu.memory_space<hbm>>
    tpu.wait_dma2 semaphore(%arg54 : memref<!tpu.dma_semaphore, #tpu.memory_space<semaphore_mem>>) src(%dma_wait3A_88 : memref<2000xf32, #tpu.memory_space<hbm>>) dst(%arg14 : memref<2000xf32, #tpu.memory_space<vmem>>)
    %dma_wait3A_89 = tpu.memref_slice %arg6[%add3A_83] : memref<3200000xf32, #tpu.memory_space<hbm>> -> memref<2000xf32, #tpu.memory_space<hbm>>
    %dma_wait3A_90 = tpu.memref_slice %arg6[%add3A_83] : memref<3200000xf32, #tpu.memory_space<hbm>> -> memref<2000xf32, #tpu.memory_space<hbm>>
    tpu.wait_dma2 semaphore(%arg54 : memref<!tpu.dma_semaphore, #tpu.memory_space<semaphore_mem>>) src(%dma_wait3A_90 : memref<2000xf32, #tpu.memory_space<hbm>>) dst(%arg15 : memref<2000xf32, #tpu.memory_space<vmem>>)
    %dma_wait3A_91 = tpu.memref_slice %arg7[%add3A_83] : memref<3200000xf32, #tpu.memory_space<hbm>> -> memref<2000xf32, #tpu.memory_space<hbm>>
    %dma_wait3A_92 = tpu.memref_slice %arg7[%add3A_83] : memref<3200000xf32, #tpu.memory_space<hbm>> -> memref<2000xf32, #tpu.memory_space<hbm>>
    tpu.wait_dma2 semaphore(%arg54 : memref<!tpu.dma_semaphore, #tpu.memory_space<semaphore_mem>>) src(%dma_wait3A_92 : memref<2000xf32, #tpu.memory_space<hbm>>) dst(%arg16 : memref<2000xf32, #tpu.memory_space<vmem>>)
    %dma_start3A_93 = arith.constant 0 : i32
    %dma_start3A_94 = tpu.memref_slice %arg46[%dma_start3A_93] : memref<100096xf32, #tpu.memory_space<vmem_shared>> -> memref<100096xf32, #tpu.memory_space<vmem_shared>>
    tpu.enqueue_indirect_dma source(%dma_start3A_94 : memref<100096xf32, #tpu.memory_space<vmem_shared>>) target(%arg20 : memref<2000xf32, #tpu.memory_space<vmem>>) offsets(%arg10 : memref<2000xi32, #tpu.memory_space<vmem>>) semaphore(%arg55 : memref<!tpu.dma_semaphore, #tpu.memory_space<semaphore_mem>>)
    %dma_start3A_95 = arith.constant 0 : i32
    %dma_start3A_96 = tpu.memref_slice %arg47[%dma_start3A_95] : memref<100096xf32, #tpu.memory_space<vmem_shared>> -> memref<100096xf32, #tpu.memory_space<vmem_shared>>
    tpu.enqueue_indirect_dma source(%dma_start3A_96 : memref<100096xf32, #tpu.memory_space<vmem_shared>>) target(%arg21 : memref<2000xf32, #tpu.memory_space<vmem>>) offsets(%arg10 : memref<2000xi32, #tpu.memory_space<vmem>>) semaphore(%arg55 : memref<!tpu.dma_semaphore, #tpu.memory_space<semaphore_mem>>)
    %dma_start3A_97 = arith.constant 0 : i32
    %dma_start3A_98 = tpu.memref_slice %arg48[%dma_start3A_97] : memref<100096xf32, #tpu.memory_space<vmem_shared>> -> memref<100096xf32, #tpu.memory_space<vmem_shared>>
    tpu.enqueue_indirect_dma source(%dma_start3A_98 : memref<100096xf32, #tpu.memory_space<vmem_shared>>) target(%arg22 : memref<2000xf32, #tpu.memory_space<vmem>>) offsets(%arg10 : memref<2000xi32, #tpu.memory_space<vmem>>) semaphore(%arg55 : memref<!tpu.dma_semaphore, #tpu.memory_space<semaphore_mem>>)
    %dma_start3A_99 = arith.constant 0 : i32
    %dma_start3A_100 = tpu.memref_slice %arg49[%dma_start3A_99] : memref<100096xf32, #tpu.memory_space<vmem_shared>> -> memref<100096xf32, #tpu.memory_space<vmem_shared>>
    tpu.enqueue_indirect_dma source(%dma_start3A_100 : memref<100096xf32, #tpu.memory_space<vmem_shared>>) target(%arg23 : memref<2000xf32, #tpu.memory_space<vmem>>) offsets(%arg10 : memref<2000xi32, #tpu.memory_space<vmem>>) semaphore(%arg55 : memref<!tpu.dma_semaphore, #tpu.memory_space<semaphore_mem>>)
    %dma_start3A_101 = arith.constant 0 : i32
    %dma_start3A_102 = tpu.memref_slice %arg50[%dma_start3A_101] : memref<100096xf32, #tpu.memory_space<vmem_shared>> -> memref<100096xf32, #tpu.memory_space<vmem_shared>>
    tpu.enqueue_indirect_dma source(%dma_start3A_102 : memref<100096xf32, #tpu.memory_space<vmem_shared>>) target(%arg24 : memref<2000xf32, #tpu.memory_space<vmem>>) offsets(%arg10 : memref<2000xi32, #tpu.memory_space<vmem>>) semaphore(%arg55 : memref<!tpu.dma_semaphore, #tpu.memory_space<semaphore_mem>>)
    %dma_start3A_103 = arith.constant 0 : i32
    %dma_start3A_104 = tpu.memref_slice %arg51[%dma_start3A_103] : memref<100096xf32, #tpu.memory_space<vmem_shared>> -> memref<100096xf32, #tpu.memory_space<vmem_shared>>
    tpu.enqueue_indirect_dma source(%dma_start3A_104 : memref<100096xf32, #tpu.memory_space<vmem_shared>>) target(%arg25 : memref<2000xf32, #tpu.memory_space<vmem>>) offsets(%arg10 : memref<2000xi32, #tpu.memory_space<vmem>>) semaphore(%arg55 : memref<!tpu.dma_semaphore, #tpu.memory_space<semaphore_mem>>)
    %dma_start3A_105 = arith.constant 0 : i32
    %dma_start3A_106 = tpu.memref_slice %arg52[%dma_start3A_105] : memref<100096xf32, #tpu.memory_space<vmem_shared>> -> memref<100096xf32, #tpu.memory_space<vmem_shared>>
    tpu.enqueue_indirect_dma source(%dma_start3A_106 : memref<100096xf32, #tpu.memory_space<vmem_shared>>) target(%arg26 : memref<2000xf32, #tpu.memory_space<vmem>>) offsets(%arg10 : memref<2000xi32, #tpu.memory_space<vmem>>) semaphore(%arg55 : memref<!tpu.dma_semaphore, #tpu.memory_space<semaphore_mem>>)
    %dma_start3A_107 = arith.constant 0 : i32
    %dma_start3A_108 = tpu.memref_slice %arg53[%dma_start3A_107] : memref<100096xf32, #tpu.memory_space<vmem_shared>> -> memref<100096xf32, #tpu.memory_space<vmem_shared>>
    tpu.enqueue_indirect_dma source(%dma_start3A_108 : memref<100096xf32, #tpu.memory_space<vmem_shared>>) target(%arg27 : memref<2000xf32, #tpu.memory_space<vmem>>) offsets(%arg10 : memref<2000xi32, #tpu.memory_space<vmem>>) semaphore(%arg55 : memref<!tpu.dma_semaphore, #tpu.memory_space<semaphore_mem>>)
    %min3A_109 = arith.constant 1 : i32
    %min3A_110 = arith.constant 49 : i32
    %min3A_111 = arith.minsi %min3A_109, %min3A_110 : i32
    %mul3A_112 = arith.constant 2000 : i32
    %mul3A_113 = arith.muli %min3A_111, %mul3A_112 : i32
    %add3A_114 = arith.addi %mul3A_63, %mul3A_113 : i32
    %dma_start3A_115 = tpu.memref_slice %arg3[%add3A_114] : memref<6400000xi32, #tpu.memory_space<hbm>> -> memref<2000xi32, #tpu.memory_space<hbm>>
    %dma_start3A_116 = tpu.memref_slice %arg3[%add3A_114] : memref<6400000xi32, #tpu.memory_space<hbm>> -> memref<2000xi32, #tpu.memory_space<hbm>>
    tpu.enqueue_dma source(%dma_start3A_116 : memref<2000xi32, #tpu.memory_space<hbm>>) target(%arg11 : memref<2000xi32, #tpu.memory_space<vmem>>) target_semaphore(%arg54 : memref<!tpu.dma_semaphore, #tpu.memory_space<semaphore_mem>>)
    %dma_start3A_117 = tpu.memref_slice %arg4[%add3A_114] : memref<3200000xf32, #tpu.memory_space<hbm>> -> memref<2000xf32, #tpu.memory_space<hbm>>
    %dma_start3A_118 = tpu.memref_slice %arg4[%add3A_114] : memref<3200000xf32, #tpu.memory_space<hbm>> -> memref<2000xf32, #tpu.memory_space<hbm>>
    tpu.enqueue_dma source(%dma_start3A_118 : memref<2000xf32, #tpu.memory_space<hbm>>) target(%arg13 : memref<2000xf32, #tpu.memory_space<vmem>>) target_semaphore(%arg54 : memref<!tpu.dma_semaphore, #tpu.memory_space<semaphore_mem>>)
    %dma_start3A_119 = tpu.memref_slice %arg5[%add3A_114] : memref<3200000xf32, #tpu.memory_space<hbm>> -> memref<2000xf32, #tpu.memory_space<hbm>>
    %dma_start3A_120 = tpu.memref_slice %arg5[%add3A_114] : memref<3200000xf32, #tpu.memory_space<hbm>> -> memref<2000xf32, #tpu.memory_space<hbm>>
    tpu.enqueue_dma source(%dma_start3A_120 : memref<2000xf32, #tpu.memory_space<hbm>>) target(%arg17 : memref<2000xf32, #tpu.memory_space<vmem>>) target_semaphore(%arg54 : memref<!tpu.dma_semaphore, #tpu.memory_space<semaphore_mem>>)
    %dma_start3A_121 = tpu.memref_slice %arg6[%add3A_114] : memref<3200000xf32, #tpu.memory_space<hbm>> -> memref<2000xf32, #tpu.memory_space<hbm>>
    %dma_start3A_122 = tpu.memref_slice %arg6[%add3A_114] : memref<3200000xf32, #tpu.memory_space<hbm>> -> memref<2000xf32, #tpu.memory_space<hbm>>
    tpu.enqueue_dma source(%dma_start3A_122 : memref<2000xf32, #tpu.memory_space<hbm>>) target(%arg18 : memref<2000xf32, #tpu.memory_space<vmem>>) target_semaphore(%arg54 : memref<!tpu.dma_semaphore, #tpu.memory_space<semaphore_mem>>)
    %dma_start3A_123 = tpu.memref_slice %arg7[%add3A_114] : memref<3200000xf32, #tpu.memory_space<hbm>> -> memref<2000xf32, #tpu.memory_space<hbm>>
    %dma_start3A_124 = tpu.memref_slice %arg7[%add3A_114] : memref<3200000xf32, #tpu.memory_space<hbm>> -> memref<2000xf32, #tpu.memory_space<hbm>>
    tpu.enqueue_dma source(%dma_start3A_124 : memref<2000xf32, #tpu.memory_space<hbm>>) target(%arg19 : memref<2000xf32, #tpu.memory_space<vmem>>) target_semaphore(%arg54 : memref<!tpu.dma_semaphore, #tpu.memory_space<semaphore_mem>>)
    %scan3A = arith.constant 0 : i32
    %scan3A_125 = arith.constant 0 : i32
    %scan3A_126 = arith.constant 25 : i32
    %scan3A_127 = arith.addi %scan3A_125, %scan3A_126 : i32
    %scan3A_128 = arith.constant 1 : i32
    %scan3A_129 = scf.for %scan3A_195 = %scan3A_125 to %scan3A_127 step %scan3A_128 iter_args(%scan3A_196 = %scan3A) -> (i32)  : i32 {
      %mul3A_197 = arith.constant 2 : i32
      %mul3A_198 = arith.muli %mul3A_197, %scan3A_195 : i32
      %add3A_199 = arith.constant 1 : i32
      %add3A_200 = arith.addi %mul3A_198, %add3A_199 : i32
      %min3A_201 = arith.constant 49 : i32
      %min3A_202 = arith.minsi %add3A_200, %min3A_201 : i32
      %mul3A_203 = arith.constant 2000 : i32
      %mul3A_204 = arith.muli %min3A_202, %mul3A_203 : i32
      %add3A_205 = arith.addi %mul3A_63, %mul3A_204 : i32
      %dma_wait3A_206 = tpu.memref_slice %arg3[%add3A_205] : memref<6400000xi32, #tpu.memory_space<hbm>> -> memref<2000xi32, #tpu.memory_space<hbm>>
      %dma_wait3A_207 = tpu.memref_slice %arg3[%add3A_205] : memref<6400000xi32, #tpu.memory_space<hbm>> -> memref<2000xi32, #tpu.memory_space<hbm>>
      tpu.wait_dma2 semaphore(%arg54 : memref<!tpu.dma_semaphore, #tpu.memory_space<semaphore_mem>>) src(%dma_wait3A_207 : memref<2000xi32, #tpu.memory_space<hbm>>) dst(%arg11 : memref<2000xi32, #tpu.memory_space<vmem>>)
      %dma_wait3A_208 = tpu.memref_slice %arg4[%add3A_205] : memref<3200000xf32, #tpu.memory_space<hbm>> -> memref<2000xf32, #tpu.memory_space<hbm>>
      %dma_wait3A_209 = tpu.memref_slice %arg4[%add3A_205] : memref<3200000xf32, #tpu.memory_space<hbm>> -> memref<2000xf32, #tpu.memory_space<hbm>>
      tpu.wait_dma2 semaphore(%arg54 : memref<!tpu.dma_semaphore, #tpu.memory_space<semaphore_mem>>) src(%dma_wait3A_209 : memref<2000xf32, #tpu.memory_space<hbm>>) dst(%arg13 : memref<2000xf32, #tpu.memory_space<vmem>>)
      %dma_wait3A_210 = tpu.memref_slice %arg5[%add3A_205] : memref<3200000xf32, #tpu.memory_space<hbm>> -> memref<2000xf32, #tpu.memory_space<hbm>>
      %dma_wait3A_211 = tpu.memref_slice %arg5[%add3A_205] : memref<3200000xf32, #tpu.memory_space<hbm>> -> memref<2000xf32, #tpu.memory_space<hbm>>
      tpu.wait_dma2 semaphore(%arg54 : memref<!tpu.dma_semaphore, #tpu.memory_space<semaphore_mem>>) src(%dma_wait3A_211 : memref<2000xf32, #tpu.memory_space<hbm>>) dst(%arg17 : memref<2000xf32, #tpu.memory_space<vmem>>)
      %dma_wait3A_212 = tpu.memref_slice %arg6[%add3A_205] : memref<3200000xf32, #tpu.memory_space<hbm>> -> memref<2000xf32, #tpu.memory_space<hbm>>
      %dma_wait3A_213 = tpu.memref_slice %arg6[%add3A_205] : memref<3200000xf32, #tpu.memory_space<hbm>> -> memref<2000xf32, #tpu.memory_space<hbm>>
      tpu.wait_dma2 semaphore(%arg54 : memref<!tpu.dma_semaphore, #tpu.memory_space<semaphore_mem>>) src(%dma_wait3A_213 : memref<2000xf32, #tpu.memory_space<hbm>>) dst(%arg18 : memref<2000xf32, #tpu.memory_space<vmem>>)
      %dma_wait3A_214 = tpu.memref_slice %arg7[%add3A_205] : memref<3200000xf32, #tpu.memory_space<hbm>> -> memref<2000xf32, #tpu.memory_space<hbm>>
      %dma_wait3A_215 = tpu.memref_slice %arg7[%add3A_205] : memref<3200000xf32, #tpu.memory_space<hbm>> -> memref<2000xf32, #tpu.memory_space<hbm>>
      tpu.wait_dma2 semaphore(%arg54 : memref<!tpu.dma_semaphore, #tpu.memory_space<semaphore_mem>>) src(%dma_wait3A_215 : memref<2000xf32, #tpu.memory_space<hbm>>) dst(%arg19 : memref<2000xf32, #tpu.memory_space<vmem>>)
      %dma_start3A_216 = arith.constant 0 : i32
      %dma_start3A_217 = tpu.memref_slice %arg46[%dma_start3A_216] : memref<100096xf32, #tpu.memory_space<vmem_shared>> -> memref<100096xf32, #tpu.memory_space<vmem_shared>>
      tpu.enqueue_indirect_dma source(%dma_start3A_217 : memref<100096xf32, #tpu.memory_space<vmem_shared>>) target(%arg28 : memref<2000xf32, #tpu.memory_space<vmem>>) offsets(%arg11 : memref<2000xi32, #tpu.memory_space<vmem>>) semaphore(%arg55 : memref<!tpu.dma_semaphore, #tpu.memory_space<semaphore_mem>>)
      %dma_start3A_218 = arith.constant 0 : i32
      %dma_start3A_219 = tpu.memref_slice %arg47[%dma_start3A_218] : memref<100096xf32, #tpu.memory_space<vmem_shared>> -> memref<100096xf32, #tpu.memory_space<vmem_shared>>
      tpu.enqueue_indirect_dma source(%dma_start3A_219 : memref<100096xf32, #tpu.memory_space<vmem_shared>>) target(%arg29 : memref<2000xf32, #tpu.memory_space<vmem>>) offsets(%arg11 : memref<2000xi32, #tpu.memory_space<vmem>>) semaphore(%arg55 : memref<!tpu.dma_semaphore, #tpu.memory_space<semaphore_mem>>)
      %dma_start3A_220 = arith.constant 0 : i32
      %dma_start3A_221 = tpu.memref_slice %arg48[%dma_start3A_220] : memref<100096xf32, #tpu.memory_space<vmem_shared>> -> memref<100096xf32, #tpu.memory_space<vmem_shared>>
      tpu.enqueue_indirect_dma source(%dma_start3A_221 : memref<100096xf32, #tpu.memory_space<vmem_shared>>) target(%arg30 : memref<2000xf32, #tpu.memory_space<vmem>>) offsets(%arg11 : memref<2000xi32, #tpu.memory_space<vmem>>) semaphore(%arg55 : memref<!tpu.dma_semaphore, #tpu.memory_space<semaphore_mem>>)
      %dma_start3A_222 = arith.constant 0 : i32
      %dma_start3A_223 = tpu.memref_slice %arg49[%dma_start3A_222] : memref<100096xf32, #tpu.memory_space<vmem_shared>> -> memref<100096xf32, #tpu.memory_space<vmem_shared>>
      tpu.enqueue_indirect_dma source(%dma_start3A_223 : memref<100096xf32, #tpu.memory_space<vmem_shared>>) target(%arg31 : memref<2000xf32, #tpu.memory_space<vmem>>) offsets(%arg11 : memref<2000xi32, #tpu.memory_space<vmem>>) semaphore(%arg55 : memref<!tpu.dma_semaphore, #tpu.memory_space<semaphore_mem>>)
      %dma_start3A_224 = arith.constant 0 : i32
      %dma_start3A_225 = tpu.memref_slice %arg50[%dma_start3A_224] : memref<100096xf32, #tpu.memory_space<vmem_shared>> -> memref<100096xf32, #tpu.memory_space<vmem_shared>>
      tpu.enqueue_indirect_dma source(%dma_start3A_225 : memref<100096xf32, #tpu.memory_space<vmem_shared>>) target(%arg32 : memref<2000xf32, #tpu.memory_space<vmem>>) offsets(%arg11 : memref<2000xi32, #tpu.memory_space<vmem>>) semaphore(%arg55 : memref<!tpu.dma_semaphore, #tpu.memory_space<semaphore_mem>>)
      %dma_start3A_226 = arith.constant 0 : i32
      %dma_start3A_227 = tpu.memref_slice %arg51[%dma_start3A_226] : memref<100096xf32, #tpu.memory_space<vmem_shared>> -> memref<100096xf32, #tpu.memory_space<vmem_shared>>
      tpu.enqueue_indirect_dma source(%dma_start3A_227 : memref<100096xf32, #tpu.memory_space<vmem_shared>>) target(%arg33 : memref<2000xf32, #tpu.memory_space<vmem>>) offsets(%arg11 : memref<2000xi32, #tpu.memory_space<vmem>>) semaphore(%arg55 : memref<!tpu.dma_semaphore, #tpu.memory_space<semaphore_mem>>)
      %dma_start3A_228 = arith.constant 0 : i32
      %dma_start3A_229 = tpu.memref_slice %arg52[%dma_start3A_228] : memref<100096xf32, #tpu.memory_space<vmem_shared>> -> memref<100096xf32, #tpu.memory_space<vmem_shared>>
      tpu.enqueue_indirect_dma source(%dma_start3A_229 : memref<100096xf32, #tpu.memory_space<vmem_shared>>) target(%arg34 : memref<2000xf32, #tpu.memory_space<vmem>>) offsets(%arg11 : memref<2000xi32, #tpu.memory_space<vmem>>) semaphore(%arg55 : memref<!tpu.dma_semaphore, #tpu.memory_space<semaphore_mem>>)
      %dma_start3A_230 = arith.constant 0 : i32
      %dma_start3A_231 = tpu.memref_slice %arg53[%dma_start3A_230] : memref<100096xf32, #tpu.memory_space<vmem_shared>> -> memref<100096xf32, #tpu.memory_space<vmem_shared>>
      tpu.enqueue_indirect_dma source(%dma_start3A_231 : memref<100096xf32, #tpu.memory_space<vmem_shared>>) target(%arg35 : memref<2000xf32, #tpu.memory_space<vmem>>) offsets(%arg11 : memref<2000xi32, #tpu.memory_space<vmem>>) semaphore(%arg55 : memref<!tpu.dma_semaphore, #tpu.memory_space<semaphore_mem>>)
      %dma_wait3A_232 = tpu.memref_slice %arg4[%mul3A_63] : memref<3200000xf32, #tpu.memory_space<hbm>> -> memref<2000xf32, #tpu.memory_space<hbm>>
      %dma_wait3A_233 = tpu.memref_slice %arg4[%mul3A_63] : memref<3200000xf32, #tpu.memory_space<hbm>> -> memref<2000xf32, #tpu.memory_space<hbm>>
      tpu.wait_dma2 semaphore(%arg55 : memref<!tpu.dma_semaphore, #tpu.memory_space<semaphore_mem>>) src(%dma_wait3A_233 : memref<2000xf32, #tpu.memory_space<hbm>>) dst(%arg20 : memref<2000xf32, #tpu.memory_space<vmem>>)
      %dma_wait3A_234 = tpu.memref_slice %arg4[%mul3A_63] : memref<3200000xf32, #tpu.memory_space<hbm>> -> memref<2000xf32, #tpu.memory_space<hbm>>
      %dma_wait3A_235 = tpu.memref_slice %arg4[%mul3A_63] : memref<3200000xf32, #tpu.memory_space<hbm>> -> memref<2000xf32, #tpu.memory_space<hbm>>
      tpu.wait_dma2 semaphore(%arg55 : memref<!tpu.dma_semaphore, #tpu.memory_space<semaphore_mem>>) src(%dma_wait3A_235 : memref<2000xf32, #tpu.memory_space<hbm>>) dst(%arg21 : memref<2000xf32, #tpu.memory_space<vmem>>)
      %dma_wait3A_236 = tpu.memref_slice %arg4[%mul3A_63] : memref<3200000xf32, #tpu.memory_space<hbm>> -> memref<2000xf32, #tpu.memory_space<hbm>>
      %dma_wait3A_237 = tpu.memref_slice %arg4[%mul3A_63] : memref<3200000xf32, #tpu.memory_space<hbm>> -> memref<2000xf32, #tpu.memory_space<hbm>>
      tpu.wait_dma2 semaphore(%arg55 : memref<!tpu.dma_semaphore, #tpu.memory_space<semaphore_mem>>) src(%dma_wait3A_237 : memref<2000xf32, #tpu.memory_space<hbm>>) dst(%arg22 : memref<2000xf32, #tpu.memory_space<vmem>>)
      %dma_wait3A_238 = tpu.memref_slice %arg4[%mul3A_63] : memref<3200000xf32, #tpu.memory_space<hbm>> -> memref<2000xf32, #tpu.memory_space<hbm>>
      %dma_wait3A_239 = tpu.memref_slice %arg4[%mul3A_63] : memref<3200000xf32, #tpu.memory_space<hbm>> -> memref<2000xf32, #tpu.memory_space<hbm>>
      tpu.wait_dma2 semaphore(%arg55 : memref<!tpu.dma_semaphore, #tpu.memory_space<semaphore_mem>>) src(%dma_wait3A_239 : memref<2000xf32, #tpu.memory_space<hbm>>) dst(%arg23 : memref<2000xf32, #tpu.memory_space<vmem>>)
      %dma_wait3A_240 = tpu.memref_slice %arg4[%mul3A_63] : memref<3200000xf32, #tpu.memory_space<hbm>> -> memref<2000xf32, #tpu.memory_space<hbm>>
      %dma_wait3A_241 = tpu.memref_slice %arg4[%mul3A_63] : memref<3200000xf32, #tpu.memory_space<hbm>> -> memref<2000xf32, #tpu.memory_space<hbm>>
      tpu.wait_dma2 semaphore(%arg55 : memref<!tpu.dma_semaphore, #tpu.memory_space<semaphore_mem>>) src(%dma_wait3A_241 : memref<2000xf32, #tpu.memory_space<hbm>>) dst(%arg24 : memref<2000xf32, #tpu.memory_space<vmem>>)
      %dma_wait3A_242 = tpu.memref_slice %arg4[%mul3A_63] : memref<3200000xf32, #tpu.memory_space<hbm>> -> memref<2000xf32, #tpu.memory_space<hbm>>
      %dma_wait3A_243 = tpu.memref_slice %arg4[%mul3A_63] : memref<3200000xf32, #tpu.memory_space<hbm>> -> memref<2000xf32, #tpu.memory_space<hbm>>
      tpu.wait_dma2 semaphore(%arg55 : memref<!tpu.dma_semaphore, #tpu.memory_space<semaphore_mem>>) src(%dma_wait3A_243 : memref<2000xf32, #tpu.memory_space<hbm>>) dst(%arg25 : memref<2000xf32, #tpu.memory_space<vmem>>)
      %dma_wait3A_244 = tpu.memref_slice %arg4[%mul3A_63] : memref<3200000xf32, #tpu.memory_space<hbm>> -> memref<2000xf32, #tpu.memory_space<hbm>>
      %dma_wait3A_245 = tpu.memref_slice %arg4[%mul3A_63] : memref<3200000xf32, #tpu.memory_space<hbm>> -> memref<2000xf32, #tpu.memory_space<hbm>>
      tpu.wait_dma2 semaphore(%arg55 : memref<!tpu.dma_semaphore, #tpu.memory_space<semaphore_mem>>) src(%dma_wait3A_245 : memref<2000xf32, #tpu.memory_space<hbm>>) dst(%arg26 : memref<2000xf32, #tpu.memory_space<vmem>>)
      %dma_wait3A_246 = tpu.memref_slice %arg4[%mul3A_63] : memref<3200000xf32, #tpu.memory_space<hbm>> -> memref<2000xf32, #tpu.memory_space<hbm>>
      %dma_wait3A_247 = tpu.memref_slice %arg4[%mul3A_63] : memref<3200000xf32, #tpu.memory_space<hbm>> -> memref<2000xf32, #tpu.memory_space<hbm>>
      tpu.wait_dma2 semaphore(%arg55 : memref<!tpu.dma_semaphore, #tpu.memory_space<semaphore_mem>>) src(%dma_wait3A_247 : memref<2000xf32, #tpu.memory_space<hbm>>) dst(%arg27 : memref<2000xf32, #tpu.memory_space<vmem>>)
      %gt3A = arith.constant 0 : i32
      %gt3A_248 = arith.cmpi sgt, %scan3A_195, %gt3A : i32
      %convert_element_type3A = arith.extui %gt3A_248 : i1 to i32
      %cond3A = arith.constant 0 : i32
      %cond3A_249 = arith.cmpi ne, %convert_element_type3A, %cond3A : i32
      scf.if %cond3A_249 {
        %add3A_456 = arith.constant 0 : i32
        %add3A_457 = arith.addi %add3A_456, %mul3A_63 : i32
        %dma_wait3A_458 = tpu.memref_slice %arg9[%add3A_457] : memref<25600000xf32, #tpu.memory_space<hbm>> -> memref<2000xf32, #tpu.memory_space<hbm>>
        %dma_wait3A_459 = tpu.memref_slice %arg9[%add3A_457] : memref<25600000xf32, #tpu.memory_space<hbm>> -> memref<2000xf32, #tpu.memory_space<hbm>>
        tpu.wait_dma2 semaphore(%arg56 : memref<!tpu.dma_semaphore, #tpu.memory_space<semaphore_mem>>) src(%arg36 : memref<2000xf32, #tpu.memory_space<vmem>>) dst(%dma_wait3A_459 : memref<2000xf32, #tpu.memory_space<hbm>>)
        %add3A_460 = arith.constant 3200000 : i32
        %add3A_461 = arith.addi %add3A_460, %mul3A_63 : i32
        %dma_wait3A_462 = tpu.memref_slice %arg9[%add3A_461] : memref<25600000xf32, #tpu.memory_space<hbm>> -> memref<2000xf32, #tpu.memory_space<hbm>>
        %dma_wait3A_463 = tpu.memref_slice %arg9[%add3A_461] : memref<25600000xf32, #tpu.memory_space<hbm>> -> memref<2000xf32, #tpu.memory_space<hbm>>
        tpu.wait_dma2 semaphore(%arg56 : memref<!tpu.dma_semaphore, #tpu.memory_space<semaphore_mem>>) src(%arg37 : memref<2000xf32, #tpu.memory_space<vmem>>) dst(%dma_wait3A_463 : memref<2000xf32, #tpu.memory_space<hbm>>)
        %add3A_464 = arith.constant 6400000 : i32
        %add3A_465 = arith.addi %add3A_464, %mul3A_63 : i32
        %dma_wait3A_466 = tpu.memref_slice %arg9[%add3A_465] : memref<25600000xf32, #tpu.memory_space<hbm>> -> memref<2000xf32, #tpu.memory_space<hbm>>
        %dma_wait3A_467 = tpu.memref_slice %arg9[%add3A_465] : memref<25600000xf32, #tpu.memory_space<hbm>> -> memref<2000xf32, #tpu.memory_space<hbm>>
        tpu.wait_dma2 semaphore(%arg56 : memref<!tpu.dma_semaphore, #tpu.memory_space<semaphore_mem>>) src(%arg38 : memref<2000xf32, #tpu.memory_space<vmem>>) dst(%dma_wait3A_467 : memref<2000xf32, #tpu.memory_space<hbm>>)
        %add3A_468 = arith.constant 9600000 : i32
        %add3A_469 = arith.addi %add3A_468, %mul3A_63 : i32
        %dma_wait3A_470 = tpu.memref_slice %arg9[%add3A_469] : memref<25600000xf32, #tpu.memory_space<hbm>> -> memref<2000xf32, #tpu.memory_space<hbm>>
        %dma_wait3A_471 = tpu.memref_slice %arg9[%add3A_469] : memref<25600000xf32, #tpu.memory_space<hbm>> -> memref<2000xf32, #tpu.memory_space<hbm>>
        tpu.wait_dma2 semaphore(%arg56 : memref<!tpu.dma_semaphore, #tpu.memory_space<semaphore_mem>>) src(%arg39 : memref<2000xf32, #tpu.memory_space<vmem>>) dst(%dma_wait3A_471 : memref<2000xf32, #tpu.memory_space<hbm>>)
        %add3A_472 = arith.constant 12800000 : i32
        %add3A_473 = arith.addi %add3A_472, %mul3A_63 : i32
        %dma_wait3A_474 = tpu.memref_slice %arg9[%add3A_473] : memref<25600000xf32, #tpu.memory_space<hbm>> -> memref<2000xf32, #tpu.memory_space<hbm>>
        %dma_wait3A_475 = tpu.memref_slice %arg9[%add3A_473] : memref<25600000xf32, #tpu.memory_space<hbm>> -> memref<2000xf32, #tpu.memory_space<hbm>>
        tpu.wait_dma2 semaphore(%arg56 : memref<!tpu.dma_semaphore, #tpu.memory_space<semaphore_mem>>) src(%arg40 : memref<2000xf32, #tpu.memory_space<vmem>>) dst(%dma_wait3A_475 : memref<2000xf32, #tpu.memory_space<hbm>>)
        %add3A_476 = arith.constant 16000000 : i32
        %add3A_477 = arith.addi %add3A_476, %mul3A_63 : i32
        %dma_wait3A_478 = tpu.memref_slice %arg9[%add3A_477] : memref<25600000xf32, #tpu.memory_space<hbm>> -> memref<2000xf32, #tpu.memory_space<hbm>>
        %dma_wait3A_479 = tpu.memref_slice %arg9[%add3A_477] : memref<25600000xf32, #tpu.memory_space<hbm>> -> memref<2000xf32, #tpu.memory_space<hbm>>
        tpu.wait_dma2 semaphore(%arg56 : memref<!tpu.dma_semaphore, #tpu.memory_space<semaphore_mem>>) src(%arg41 : memref<2000xf32, #tpu.memory_space<vmem>>) dst(%dma_wait3A_479 : memref<2000xf32, #tpu.memory_space<hbm>>)
        %add3A_480 = arith.constant 19200000 : i32
        %add3A_481 = arith.addi %add3A_480, %mul3A_63 : i32
        %dma_wait3A_482 = tpu.memref_slice %arg9[%add3A_481] : memref<25600000xf32, #tpu.memory_space<hbm>> -> memref<2000xf32, #tpu.memory_space<hbm>>
        %dma_wait3A_483 = tpu.memref_slice %arg9[%add3A_481] : memref<25600000xf32, #tpu.memory_space<hbm>> -> memref<2000xf32, #tpu.memory_space<hbm>>
        tpu.wait_dma2 semaphore(%arg56 : memref<!tpu.dma_semaphore, #tpu.memory_space<semaphore_mem>>) src(%arg42 : memref<2000xf32, #tpu.memory_space<vmem>>) dst(%dma_wait3A_483 : memref<2000xf32, #tpu.memory_space<hbm>>)
        %add3A_484 = arith.constant 22400000 : i32
        %add3A_485 = arith.addi %add3A_484, %mul3A_63 : i32
        %dma_wait3A_486 = tpu.memref_slice %arg9[%add3A_485] : memref<25600000xf32, #tpu.memory_space<hbm>> -> memref<2000xf32, #tpu.memory_space<hbm>>
        %dma_wait3A_487 = tpu.memref_slice %arg9[%add3A_485] : memref<25600000xf32, #tpu.memory_space<hbm>> -> memref<2000xf32, #tpu.memory_space<hbm>>
        tpu.wait_dma2 semaphore(%arg56 : memref<!tpu.dma_semaphore, #tpu.memory_space<semaphore_mem>>) src(%arg43 : memref<2000xf32, #tpu.memory_space<vmem>>) dst(%dma_wait3A_487 : memref<2000xf32, #tpu.memory_space<hbm>>)
      } else {
      }
      %scan3A_250 = arith.constant 0 : i32
      %scan3A_251 = arith.constant 0 : i32
      %scan3A_252 = arith.constant 125 : i32
      %scan3A_253 = arith.addi %scan3A_251, %scan3A_252 : i32
      %scan3A_254 = arith.constant 1 : i32
      %scan3A_255 = scf.for %scan3A_456 = %scan3A_251 to %scan3A_253 step %scan3A_254 iter_args(%scan3A_457 = %scan3A_250) -> (i32)  : i32 {
        %mul3A_458 = arith.constant 16 : i32
        %mul3A_459 = arith.muli %scan3A_456, %mul3A_458 : i32
        %get3A_460 = arith.index_cast %mul3A_459 : i32 to index
        %get3A_461 = tpu.vector_load %arg12[%get3A_460] {strides = array<i32>} : memref<2000xf32, #tpu.memory_space<vmem>>, vector<16xf32>,
        %get3A_462 = vector.shape_cast %get3A_461 : vector<16xf32> to vector<16xf32>
        %get3A_463 = arith.index_cast %mul3A_459 : i32 to index
        %get3A_464 = tpu.vector_load %arg14[%get3A_463] {strides = array<i32>} : memref<2000xf32, #tpu.memory_space<vmem>>, vector<16xf32>,
        %get3A_465 = vector.shape_cast %get3A_464 : vector<16xf32> to vector<16xf32>
        %get3A_466 = arith.index_cast %mul3A_459 : i32 to index
        %get3A_467 = tpu.vector_load %arg15[%get3A_466] {strides = array<i32>} : memref<2000xf32, #tpu.memory_space<vmem>>, vector<16xf32>,
        %get3A_468 = vector.shape_cast %get3A_467 : vector<16xf32> to vector<16xf32>
        %get3A_469 = arith.index_cast %mul3A_459 : i32 to index
        %get3A_470 = tpu.vector_load %arg16[%get3A_469] {strides = array<i32>} : memref<2000xf32, #tpu.memory_space<vmem>>, vector<16xf32>,
        %get3A_471 = vector.shape_cast %get3A_470 : vector<16xf32> to vector<16xf32>
        %get3A_472 = arith.index_cast %mul3A_459 : i32 to index
        %get3A_473 = tpu.vector_load %arg20[%get3A_472] {strides = array<i32>} : memref<2000xf32, #tpu.memory_space<vmem>>, vector<16xf32>,
        %get3A_474 = vector.shape_cast %get3A_473 : vector<16xf32> to vector<16xf32>
        %get3A_475 = arith.index_cast %mul3A_459 : i32 to index
        %get3A_476 = tpu.vector_load %arg21[%get3A_475] {strides = array<i32>} : memref<2000xf32, #tpu.memory_space<vmem>>, vector<16xf32>,
        %get3A_477 = vector.shape_cast %get3A_476 : vector<16xf32> to vector<16xf32>
        %get3A_478 = arith.index_cast %mul3A_459 : i32 to index
        %get3A_479 = tpu.vector_load %arg22[%get3A_478] {strides = array<i32>} : memref<2000xf32, #tpu.memory_space<vmem>>, vector<16xf32>,
        %get3A_480 = vector.shape_cast %get3A_479 : vector<16xf32> to vector<16xf32>
        %get3A_481 = arith.index_cast %mul3A_459 : i32 to index
        %get3A_482 = tpu.vector_load %arg23[%get3A_481] {strides = array<i32>} : memref<2000xf32, #tpu.memory_space<vmem>>, vector<16xf32>,
        %get3A_483 = vector.shape_cast %get3A_482 : vector<16xf32> to vector<16xf32>
        %get3A_484 = arith.index_cast %mul3A_459 : i32 to index
        %get3A_485 = tpu.vector_load %arg24[%get3A_484] {strides = array<i32>} : memref<2000xf32, #tpu.memory_space<vmem>>, vector<16xf32>,
        %get3A_486 = vector.shape_cast %get3A_485 : vector<16xf32> to vector<16xf32>
        %get3A_487 = arith.index_cast %mul3A_459 : i32 to index
        %get3A_488 = tpu.vector_load %arg25[%get3A_487] {strides = array<i32>} : memref<2000xf32, #tpu.memory_space<vmem>>, vector<16xf32>,
        %get3A_489 = vector.shape_cast %get3A_488 : vector<16xf32> to vector<16xf32>
        %get3A_490 = arith.index_cast %mul3A_459 : i32 to index
        %get3A_491 = tpu.vector_load %arg26[%get3A_490] {strides = array<i32>} : memref<2000xf32, #tpu.memory_space<vmem>>, vector<16xf32>,
        %get3A_492 = vector.shape_cast %get3A_491 : vector<16xf32> to vector<16xf32>
        %get3A_493 = arith.index_cast %mul3A_459 : i32 to index
        %get3A_494 = tpu.vector_load %arg27[%get3A_493] {strides = array<i32>} : memref<2000xf32, #tpu.memory_space<vmem>>, vector<16xf32>,
        %get3A_495 = vector.shape_cast %get3A_494 : vector<16xf32> to vector<16xf32>
        %mul3A_496 = arith.mulf %get3A_462, %get3A_474 : vector<16xf32>
        %mul3A_497 = arith.mulf %get3A_462, %get3A_477 : vector<16xf32>
        %mul3A_498 = arith.mulf %get3A_465, %get3A_480 : vector<16xf32>
        %mul3A_499 = arith.mulf %get3A_468, %get3A_483 : vector<16xf32>
        %add3A_500 = arith.addf %mul3A_498, %mul3A_499 : vector<16xf32>
        %mul3A_501 = arith.mulf %get3A_471, %get3A_486 : vector<16xf32>
        %add3A_502 = arith.addf %add3A_500, %mul3A_501 : vector<16xf32>
        %mul3A_503 = arith.mulf %get3A_465, %get3A_489 : vector<16xf32>
        %mul3A_504 = arith.mulf %get3A_468, %get3A_492 : vector<16xf32>
        %add3A_505 = arith.addf %mul3A_503, %mul3A_504 : vector<16xf32>
        %mul3A_506 = arith.mulf %get3A_471, %get3A_495 : vector<16xf32>
        %add3A_507 = arith.addf %add3A_505, %mul3A_506 : vector<16xf32>
        %mul3A_508 = vector.broadcast %squeeze3A : f32 to vector<16xf32>
        %mul3A_509 = arith.mulf %mul3A_508, %mul3A_496 : vector<16xf32>
        %mul3A_510 = vector.broadcast %squeeze3A_25 : f32 to vector<16xf32>
        %mul3A_511 = arith.mulf %mul3A_510, %mul3A_497 : vector<16xf32>
        %add3A_512 = arith.addf %mul3A_509, %mul3A_511 : vector<16xf32>
        %mul3A_513 = vector.broadcast %squeeze3A_27 : f32 to vector<16xf32>
        %mul3A_514 = arith.mulf %mul3A_513, %add3A_502 : vector<16xf32>
        %add3A_515 = arith.addf %add3A_512, %mul3A_514 : vector<16xf32>
        %mul3A_516 = vector.broadcast %squeeze3A_29 : f32 to vector<16xf32>
        %mul3A_517 = arith.mulf %mul3A_516, %add3A_507 : vector<16xf32>
        %add3A_518 = arith.addf %add3A_515, %mul3A_517 : vector<16xf32>
        %swap3A = arith.index_cast %mul3A_459 : i32 to index
        %swap3A_519 = tpu.vector_load %arg36[%swap3A] {strides = array<i32>} : memref<2000xf32, #tpu.memory_space<vmem>>, vector<16xf32>,
        %swap3A_520 = vector.shape_cast %swap3A_519 : vector<16xf32> to vector<16xf32>
        %swap3A_521 = vector.shape_cast %add3A_518 : vector<16xf32> to vector<16xf32>
        tpu.vector_store %arg36[%swap3A], %swap3A_521 {strides = array<i32>} : memref<2000xf32, #tpu.memory_space<vmem>>, vector<16xf32>,
        %mul3A_522 = vector.broadcast %squeeze3A_31 : f32 to vector<16xf32>
        %mul3A_523 = arith.mulf %mul3A_522, %mul3A_496 : vector<16xf32>
        %mul3A_524 = vector.broadcast %squeeze3A_33 : f32 to vector<16xf32>
        %mul3A_525 = arith.mulf %mul3A_524, %mul3A_497 : vector<16xf32>
        %add3A_526 = arith.addf %mul3A_523, %mul3A_525 : vector<16xf32>
        %mul3A_527 = vector.broadcast %squeeze3A_35 : f32 to vector<16xf32>
        %mul3A_528 = arith.mulf %mul3A_527, %add3A_502 : vector<16xf32>
        %add3A_529 = arith.addf %add3A_526, %mul3A_528 : vector<16xf32>
        %mul3A_530 = vector.broadcast %squeeze3A_37 : f32 to vector<16xf32>
        %mul3A_531 = arith.mulf %mul3A_530, %add3A_507 : vector<16xf32>
        %add3A_532 = arith.addf %add3A_529, %mul3A_531 : vector<16xf32>
        %swap3A_533 = arith.index_cast %mul3A_459 : i32 to index
        %swap3A_534 = tpu.vector_load %arg37[%swap3A_533] {strides = array<i32>} : memref<2000xf32, #tpu.memory_space<vmem>>, vector<16xf32>,
        %swap3A_535 = vector.shape_cast %swap3A_534 : vector<16xf32> to vector<16xf32>
        %swap3A_536 = vector.shape_cast %add3A_532 : vector<16xf32> to vector<16xf32>
        tpu.vector_store %arg37[%swap3A_533], %swap3A_536 {strides = array<i32>} : memref<2000xf32, #tpu.memory_space<vmem>>, vector<16xf32>,
        %mul3A_537 = arith.mulf %get3A_462, %get3A_480 : vector<16xf32>
        %mul3A_538 = arith.mulf %get3A_462, %get3A_483 : vector<16xf32>
        %mul3A_539 = arith.mulf %get3A_462, %get3A_486 : vector<16xf32>
        %mul3A_540 = arith.mulf %get3A_462, %get3A_489 : vector<16xf32>
        %mul3A_541 = arith.mulf %get3A_462, %get3A_492 : vector<16xf32>
        %mul3A_542 = arith.mulf %get3A_462, %get3A_495 : vector<16xf32>
        %mul3A_543 = vector.broadcast %squeeze3A_55 : f32 to vector<16xf32>
        %mul3A_544 = arith.mulf %mul3A_543, %get3A_474 : vector<16xf32>
        %mul3A_545 = vector.broadcast %squeeze3A_57 : f32 to vector<16xf32>
        %mul3A_546 = arith.mulf %mul3A_545, %get3A_477 : vector<16xf32>
        %add3A_547 = arith.addf %mul3A_544, %mul3A_546 : vector<16xf32>
        %mul3A_548 = vector.broadcast %squeeze3A_59 : f32 to vector<16xf32>
        %mul3A_549 = arith.mulf %mul3A_548, %get3A_474 : vector<16xf32>
        %mul3A_550 = vector.broadcast %squeeze3A_61 : f32 to vector<16xf32>
        %mul3A_551 = arith.mulf %mul3A_550, %get3A_477 : vector<16xf32>
        %add3A_552 = arith.addf %mul3A_549, %mul3A_551 : vector<16xf32>
        %mul3A_553 = arith.mulf %get3A_468, %get3A_486 : vector<16xf32>
        %mul3A_554 = arith.mulf %get3A_471, %get3A_483 : vector<16xf32>
        %sub3A = arith.subf %mul3A_553, %mul3A_554 : vector<16xf32>
        %mul3A_555 = arith.mulf %get3A_471, %get3A_480 : vector<16xf32>
        %mul3A_556 = arith.mulf %get3A_465, %get3A_486 : vector<16xf32>
        %sub3A_557 = arith.subf %mul3A_555, %mul3A_556 : vector<16xf32>
        %mul3A_558 = arith.mulf %get3A_465, %get3A_483 : vector<16xf32>
        %mul3A_559 = arith.mulf %get3A_468, %get3A_480 : vector<16xf32>
        %sub3A_560 = arith.subf %mul3A_558, %mul3A_559 : vector<16xf32>
        %mul3A_561 = arith.mulf %get3A_468, %get3A_495 : vector<16xf32>
        %mul3A_562 = arith.mulf %get3A_471, %get3A_492 : vector<16xf32>
        %sub3A_563 = arith.subf %mul3A_561, %mul3A_562 : vector<16xf32>
        %mul3A_564 = arith.mulf %get3A_471, %get3A_489 : vector<16xf32>
        %mul3A_565 = arith.mulf %get3A_465, %get3A_495 : vector<16xf32>
        %sub3A_566 = arith.subf %mul3A_564, %mul3A_565 : vector<16xf32>
        %mul3A_567 = arith.mulf %get3A_465, %get3A_492 : vector<16xf32>
        %mul3A_568 = arith.mulf %get3A_468, %get3A_489 : vector<16xf32>
        %sub3A_569 = arith.subf %mul3A_567, %mul3A_568 : vector<16xf32>
        %mul3A_570 = vector.broadcast %squeeze3A_39 : f32 to vector<16xf32>
        %mul3A_571 = arith.mulf %mul3A_570, %mul3A_537 : vector<16xf32>
        %mul3A_572 = vector.broadcast %squeeze3A_41 : f32 to vector<16xf32>
        %mul3A_573 = arith.mulf %mul3A_572, %mul3A_540 : vector<16xf32>
        %add3A_574 = arith.addf %mul3A_571, %mul3A_573 : vector<16xf32>
        %mul3A_575 = arith.mulf %add3A_547, %get3A_465 : vector<16xf32>
        %add3A_576 = arith.addf %add3A_574, %mul3A_575 : vector<16xf32>
        %mul3A_577 = vector.broadcast %squeeze3A_43 : f32 to vector<16xf32>
        %mul3A_578 = arith.mulf %mul3A_577, %sub3A : vector<16xf32>
        %add3A_579 = arith.addf %add3A_576, %mul3A_578 : vector<16xf32>
        %mul3A_580 = vector.broadcast %squeeze3A_45 : f32 to vector<16xf32>
        %mul3A_581 = arith.mulf %mul3A_580, %sub3A_563 : vector<16xf32>
        %add3A_582 = arith.addf %add3A_579, %mul3A_581 : vector<16xf32>
        %swap3A_583 = arith.index_cast %mul3A_459 : i32 to index
        %swap3A_584 = tpu.vector_load %arg38[%swap3A_583] {strides = array<i32>} : memref<2000xf32, #tpu.memory_space<vmem>>, vector<16xf32>,
        %swap3A_585 = vector.shape_cast %swap3A_584 : vector<16xf32> to vector<16xf32>
        %swap3A_586 = vector.shape_cast %add3A_582 : vector<16xf32> to vector<16xf32>
        tpu.vector_store %arg38[%swap3A_583], %swap3A_586 {strides = array<i32>} : memref<2000xf32, #tpu.memory_space<vmem>>, vector<16xf32>,
        %mul3A_587 = vector.broadcast %squeeze3A_39 : f32 to vector<16xf32>
        %mul3A_588 = arith.mulf %mul3A_587, %mul3A_538 : vector<16xf32>
        %mul3A_589 = vector.broadcast %squeeze3A_41 : f32 to vector<16xf32>
        %mul3A_590 = arith.mulf %mul3A_589, %mul3A_541 : vector<16xf32>
        %add3A_591 = arith.addf %mul3A_588, %mul3A_590 : vector<16xf32>
        %mul3A_592 = arith.mulf %add3A_547, %get3A_468 : vector<16xf32>
        %add3A_593 = arith.addf %add3A_591, %mul3A_592 : vector<16xf32>
        %mul3A_594 = vector.broadcast %squeeze3A_43 : f32 to vector<16xf32>
        %mul3A_595 = arith.mulf %mul3A_594, %sub3A_557 : vector<16xf32>
        %add3A_596 = arith.addf %add3A_593, %mul3A_595 : vector<16xf32>
        %mul3A_597 = vector.broadcast %squeeze3A_45 : f32 to vector<16xf32>
        %mul3A_598 = arith.mulf %mul3A_597, %sub3A_566 : vector<16xf32>
        %add3A_599 = arith.addf %add3A_596, %mul3A_598 : vector<16xf32>
        %swap3A_600 = arith.index_cast %mul3A_459 : i32 to index
        %swap3A_601 = tpu.vector_load %arg39[%swap3A_600] {strides = array<i32>} : memref<2000xf32, #tpu.memory_space<vmem>>, vector<16xf32>,
        %swap3A_602 = vector.shape_cast %swap3A_601 : vector<16xf32> to vector<16xf32>
        %swap3A_603 = vector.shape_cast %add3A_599 : vector<16xf32> to vector<16xf32>
        tpu.vector_store %arg39[%swap3A_600], %swap3A_603 {strides = array<i32>} : memref<2000xf32, #tpu.memory_space<vmem>>, vector<16xf32>,
        %mul3A_604 = vector.broadcast %squeeze3A_39 : f32 to vector<16xf32>
        %mul3A_605 = arith.mulf %mul3A_604, %mul3A_539 : vector<16xf32>
        %mul3A_606 = vector.broadcast %squeeze3A_41 : f32 to vector<16xf32>
        %mul3A_607 = arith.mulf %mul3A_606, %mul3A_542 : vector<16xf32>
        %add3A_608 = arith.addf %mul3A_605, %mul3A_607 : vector<16xf32>
        %mul3A_609 = arith.mulf %add3A_547, %get3A_471 : vector<16xf32>
        %add3A_610 = arith.addf %add3A_608, %mul3A_609 : vector<16xf32>
        %mul3A_611 = vector.broadcast %squeeze3A_43 : f32 to vector<16xf32>
        %mul3A_612 = arith.mulf %mul3A_611, %sub3A_560 : vector<16xf32>
        %add3A_613 = arith.addf %add3A_610, %mul3A_612 : vector<16xf32>
        %mul3A_614 = vector.broadcast %squeeze3A_45 : f32 to vector<16xf32>
        %mul3A_615 = arith.mulf %mul3A_614, %sub3A_569 : vector<16xf32>
        %add3A_616 = arith.addf %add3A_613, %mul3A_615 : vector<16xf32>
        %swap3A_617 = arith.index_cast %mul3A_459 : i32 to index
        %swap3A_618 = tpu.vector_load %arg40[%swap3A_617] {strides = array<i32>} : memref<2000xf32, #tpu.memory_space<vmem>>, vector<16xf32>,
        %swap3A_619 = vector.shape_cast %swap3A_618 : vector<16xf32> to vector<16xf32>
        %swap3A_620 = vector.shape_cast %add3A_616 : vector<16xf32> to vector<16xf32>
        tpu.vector_store %arg40[%swap3A_617], %swap3A_620 {strides = array<i32>} : memref<2000xf32, #tpu.memory_space<vmem>>, vector<16xf32>,
        %mul3A_621 = vector.broadcast %squeeze3A_47 : f32 to vector<16xf32>
        %mul3A_622 = arith.mulf %mul3A_621, %mul3A_537 : vector<16xf32>
        %mul3A_623 = vector.broadcast %squeeze3A_49 : f32 to vector<16xf32>
        %mul3A_624 = arith.mulf %mul3A_623, %mul3A_540 : vector<16xf32>
        %add3A_625 = arith.addf %mul3A_622, %mul3A_624 : vector<16xf32>
        %mul3A_626 = arith.mulf %add3A_552, %get3A_465 : vector<16xf32>
        %add3A_627 = arith.addf %add3A_625, %mul3A_626 : vector<16xf32>
        %mul3A_628 = vector.broadcast %squeeze3A_51 : f32 to vector<16xf32>
        %mul3A_629 = arith.mulf %mul3A_628, %sub3A : vector<16xf32>
        %add3A_630 = arith.addf %add3A_627, %mul3A_629 : vector<16xf32>
        %mul3A_631 = vector.broadcast %squeeze3A_53 : f32 to vector<16xf32>
        %mul3A_632 = arith.mulf %mul3A_631, %sub3A_563 : vector<16xf32>
        %add3A_633 = arith.addf %add3A_630, %mul3A_632 : vector<16xf32>
        %swap3A_634 = arith.index_cast %mul3A_459 : i32 to index
        %swap3A_635 = tpu.vector_load %arg41[%swap3A_634] {strides = array<i32>} : memref<2000xf32, #tpu.memory_space<vmem>>, vector<16xf32>,
        %swap3A_636 = vector.shape_cast %swap3A_635 : vector<16xf32> to vector<16xf32>
        %swap3A_637 = vector.shape_cast %add3A_633 : vector<16xf32> to vector<16xf32>
        tpu.vector_store %arg41[%swap3A_634], %swap3A_637 {strides = array<i32>} : memref<2000xf32, #tpu.memory_space<vmem>>, vector<16xf32>,
        %mul3A_638 = vector.broadcast %squeeze3A_47 : f32 to vector<16xf32>
        %mul3A_639 = arith.mulf %mul3A_638, %mul3A_538 : vector<16xf32>
        %mul3A_640 = vector.broadcast %squeeze3A_49 : f32 to vector<16xf32>
        %mul3A_641 = arith.mulf %mul3A_640, %mul3A_541 : vector<16xf32>
        %add3A_642 = arith.addf %mul3A_639, %mul3A_641 : vector<16xf32>
        %mul3A_643 = arith.mulf %add3A_552, %get3A_468 : vector<16xf32>
        %add3A_644 = arith.addf %add3A_642, %mul3A_643 : vector<16xf32>
        %mul3A_645 = vector.broadcast %squeeze3A_51 : f32 to vector<16xf32>
        %mul3A_646 = arith.mulf %mul3A_645, %sub3A_557 : vector<16xf32>
        %add3A_647 = arith.addf %add3A_644, %mul3A_646 : vector<16xf32>
        %mul3A_648 = vector.broadcast %squeeze3A_53 : f32 to vector<16xf32>
        %mul3A_649 = arith.mulf %mul3A_648, %sub3A_566 : vector<16xf32>
        %add3A_650 = arith.addf %add3A_647, %mul3A_649 : vector<16xf32>
        %swap3A_651 = arith.index_cast %mul3A_459 : i32 to index
        %swap3A_652 = tpu.vector_load %arg42[%swap3A_651] {strides = array<i32>} : memref<2000xf32, #tpu.memory_space<vmem>>, vector<16xf32>,
        %swap3A_653 = vector.shape_cast %swap3A_652 : vector<16xf32> to vector<16xf32>
        %swap3A_654 = vector.shape_cast %add3A_650 : vector<16xf32> to vector<16xf32>
        tpu.vector_store %arg42[%swap3A_651], %swap3A_654 {strides = array<i32>} : memref<2000xf32, #tpu.memory_space<vmem>>, vector<16xf32>,
        %mul3A_655 = vector.broadcast %squeeze3A_47 : f32 to vector<16xf32>
        %mul3A_656 = arith.mulf %mul3A_655, %mul3A_539 : vector<16xf32>
        %mul3A_657 = vector.broadcast %squeeze3A_49 : f32 to vector<16xf32>
        %mul3A_658 = arith.mulf %mul3A_657, %mul3A_542 : vector<16xf32>
        %add3A_659 = arith.addf %mul3A_656, %mul3A_658 : vector<16xf32>
        %mul3A_660 = arith.mulf %add3A_552, %get3A_471 : vector<16xf32>
        %add3A_661 = arith.addf %add3A_659, %mul3A_660 : vector<16xf32>
        %mul3A_662 = vector.broadcast %squeeze3A_51 : f32 to vector<16xf32>
        %mul3A_663 = arith.mulf %mul3A_662, %sub3A_560 : vector<16xf32>
        %add3A_664 = arith.addf %add3A_661, %mul3A_663 : vector<16xf32>
        %mul3A_665 = vector.broadcast %squeeze3A_53 : f32 to vector<16xf32>
        %mul3A_666 = arith.mulf %mul3A_665, %sub3A_569 : vector<16xf32>
        %add3A_667 = arith.addf %add3A_664, %mul3A_666 : vector<16xf32>
        %swap3A_668 = arith.index_cast %mul3A_459 : i32 to index
        %swap3A_669 = tpu.vector_load %arg43[%swap3A_668] {strides = array<i32>} : memref<2000xf32, #tpu.memory_space<vmem>>, vector<16xf32>,
        %swap3A_670 = vector.shape_cast %swap3A_669 : vector<16xf32> to vector<16xf32>
        %swap3A_671 = vector.shape_cast %add3A_667 : vector<16xf32> to vector<16xf32>
        tpu.vector_store %arg43[%swap3A_668], %swap3A_671 {strides = array<i32>} : memref<2000xf32, #tpu.memory_space<vmem>>, vector<16xf32>,
        %scan3A_672 = arith.constant 0 : i32
        scf.yield %scan3A_672 : i32
      }
      %scan3A_256 = arith.constant 125 : i32
      %min3A_257 = arith.constant 49 : i32
      %min3A_258 = arith.minsi %mul3A_198, %min3A_257 : i32
      %mul3A_259 = arith.constant 2000 : i32
      %mul3A_260 = arith.muli %min3A_258, %mul3A_259 : i32
      %add3A_261 = arith.addi %mul3A_63, %mul3A_260 : i32
      %add3A_262 = arith.constant 0 : i32
      %add3A_263 = arith.addi %add3A_262, %add3A_261 : i32
      %dma_start3A_264 = tpu.memref_slice %arg9[%add3A_263] : memref<25600000xf32, #tpu.memory_space<hbm>> -> memref<2000xf32, #tpu.memory_space<hbm>>
      %dma_start3A_265 = tpu.memref_slice %arg9[%add3A_263] : memref<25600000xf32, #tpu.memory_space<hbm>> -> memref<2000xf32, #tpu.memory_space<hbm>>
      tpu.enqueue_dma source(%arg36 : memref<2000xf32, #tpu.memory_space<vmem>>) target(%dma_start3A_265 : memref<2000xf32, #tpu.memory_space<hbm>>) target_semaphore(%arg56 : memref<!tpu.dma_semaphore, #tpu.memory_space<semaphore_mem>>)
      %add3A_266 = arith.constant 3200000 : i32
      %add3A_267 = arith.addi %add3A_266, %add3A_261 : i32
      %dma_start3A_268 = tpu.memref_slice %arg9[%add3A_267] : memref<25600000xf32, #tpu.memory_space<hbm>> -> memref<2000xf32, #tpu.memory_space<hbm>>
      %dma_start3A_269 = tpu.memref_slice %arg9[%add3A_267] : memref<25600000xf32, #tpu.memory_space<hbm>> -> memref<2000xf32, #tpu.memory_space<hbm>>
      tpu.enqueue_dma source(%arg37 : memref<2000xf32, #tpu.memory_space<vmem>>) target(%dma_start3A_269 : memref<2000xf32, #tpu.memory_space<hbm>>) target_semaphore(%arg56 : memref<!tpu.dma_semaphore, #tpu.memory_space<semaphore_mem>>)
      %add3A_270 = arith.constant 6400000 : i32
      %add3A_271 = arith.addi %add3A_270, %add3A_261 : i32
      %dma_start3A_272 = tpu.memref_slice %arg9[%add3A_271] : memref<25600000xf32, #tpu.memory_space<hbm>> -> memref<2000xf32, #tpu.memory_space<hbm>>
      %dma_start3A_273 = tpu.memref_slice %arg9[%add3A_271] : memref<25600000xf32, #tpu.memory_space<hbm>> -> memref<2000xf32, #tpu.memory_space<hbm>>
      tpu.enqueue_dma source(%arg38 : memref<2000xf32, #tpu.memory_space<vmem>>) target(%dma_start3A_273 : memref<2000xf32, #tpu.memory_space<hbm>>) target_semaphore(%arg56 : memref<!tpu.dma_semaphore, #tpu.memory_space<semaphore_mem>>)
      %add3A_274 = arith.constant 9600000 : i32
      %add3A_275 = arith.addi %add3A_274, %add3A_261 : i32
      %dma_start3A_276 = tpu.memref_slice %arg9[%add3A_275] : memref<25600000xf32, #tpu.memory_space<hbm>> -> memref<2000xf32, #tpu.memory_space<hbm>>
      %dma_start3A_277 = tpu.memref_slice %arg9[%add3A_275] : memref<25600000xf32, #tpu.memory_space<hbm>> -> memref<2000xf32, #tpu.memory_space<hbm>>
      tpu.enqueue_dma source(%arg39 : memref<2000xf32, #tpu.memory_space<vmem>>) target(%dma_start3A_277 : memref<2000xf32, #tpu.memory_space<hbm>>) target_semaphore(%arg56 : memref<!tpu.dma_semaphore, #tpu.memory_space<semaphore_mem>>)
      %add3A_278 = arith.constant 12800000 : i32
      %add3A_279 = arith.addi %add3A_278, %add3A_261 : i32
      %dma_start3A_280 = tpu.memref_slice %arg9[%add3A_279] : memref<25600000xf32, #tpu.memory_space<hbm>> -> memref<2000xf32, #tpu.memory_space<hbm>>
      %dma_start3A_281 = tpu.memref_slice %arg9[%add3A_279] : memref<25600000xf32, #tpu.memory_space<hbm>> -> memref<2000xf32, #tpu.memory_space<hbm>>
      tpu.enqueue_dma source(%arg40 : memref<2000xf32, #tpu.memory_space<vmem>>) target(%dma_start3A_281 : memref<2000xf32, #tpu.memory_space<hbm>>) target_semaphore(%arg56 : memref<!tpu.dma_semaphore, #tpu.memory_space<semaphore_mem>>)
      %add3A_282 = arith.constant 16000000 : i32
      %add3A_283 = arith.addi %add3A_282, %add3A_261 : i32
      %dma_start3A_284 = tpu.memref_slice %arg9[%add3A_283] : memref<25600000xf32, #tpu.memory_space<hbm>> -> memref<2000xf32, #tpu.memory_space<hbm>>
      %dma_start3A_285 = tpu.memref_slice %arg9[%add3A_283] : memref<25600000xf32, #tpu.memory_space<hbm>> -> memref<2000xf32, #tpu.memory_space<hbm>>
      tpu.enqueue_dma source(%arg41 : memref<2000xf32, #tpu.memory_space<vmem>>) target(%dma_start3A_285 : memref<2000xf32, #tpu.memory_space<hbm>>) target_semaphore(%arg56 : memref<!tpu.dma_semaphore, #tpu.memory_space<semaphore_mem>>)
      %add3A_286 = arith.constant 19200000 : i32
      %add3A_287 = arith.addi %add3A_286, %add3A_261 : i32
      %dma_start3A_288 = tpu.memref_slice %arg9[%add3A_287] : memref<25600000xf32, #tpu.memory_space<hbm>> -> memref<2000xf32, #tpu.memory_space<hbm>>
      %dma_start3A_289 = tpu.memref_slice %arg9[%add3A_287] : memref<25600000xf32, #tpu.memory_space<hbm>> -> memref<2000xf32, #tpu.memory_space<hbm>>
      tpu.enqueue_dma source(%arg42 : memref<2000xf32, #tpu.memory_space<vmem>>) target(%dma_start3A_289 : memref<2000xf32, #tpu.memory_space<hbm>>) target_semaphore(%arg56 : memref<!tpu.dma_semaphore, #tpu.memory_space<semaphore_mem>>)
      %add3A_290 = arith.constant 22400000 : i32
      %add3A_291 = arith.addi %add3A_290, %add3A_261 : i32
      %dma_start3A_292 = tpu.memref_slice %arg9[%add3A_291] : memref<25600000xf32, #tpu.memory_space<hbm>> -> memref<2000xf32, #tpu.memory_space<hbm>>
      %dma_start3A_293 = tpu.memref_slice %arg9[%add3A_291] : memref<25600000xf32, #tpu.memory_space<hbm>> -> memref<2000xf32, #tpu.memory_space<hbm>>
      tpu.enqueue_dma source(%arg43 : memref<2000xf32, #tpu.memory_space<vmem>>) target(%dma_start3A_293 : memref<2000xf32, #tpu.memory_space<hbm>>) target_semaphore(%arg56 : memref<!tpu.dma_semaphore, #tpu.memory_space<semaphore_mem>>)
      %add3A_294 = arith.constant 2 : i32
      %add3A_295 = arith.addi %mul3A_198, %add3A_294 : i32
      %min3A_296 = arith.constant 49 : i32
      %min3A_297 = arith.minsi %add3A_295, %min3A_296 : i32
      %mul3A_298 = arith.constant 2000 : i32
      %mul3A_299 = arith.muli %min3A_297, %mul3A_298 : i32
      %add3A_300 = arith.addi %mul3A_63, %mul3A_299 : i32
      %dma_start3A_301 = tpu.memref_slice %arg3[%add3A_300] : memref<6400000xi32, #tpu.memory_space<hbm>> -> memref<2000xi32, #tpu.memory_space<hbm>>
      %dma_start3A_302 = tpu.memref_slice %arg3[%add3A_300] : memref<6400000xi32, #tpu.memory_space<hbm>> -> memref<2000xi32, #tpu.memory_space<hbm>>
      tpu.enqueue_dma source(%dma_start3A_302 : memref<2000xi32, #tpu.memory_space<hbm>>) target(%arg10 : memref<2000xi32, #tpu.memory_space<vmem>>) target_semaphore(%arg54 : memref<!tpu.dma_semaphore, #tpu.memory_space<semaphore_mem>>)
      %dma_start3A_303 = tpu.memref_slice %arg4[%add3A_300] : memref<3200000xf32, #tpu.memory_space<hbm>> -> memref<2000xf32, #tpu.memory_space<hbm>>
      %dma_start3A_304 = tpu.memref_slice %arg4[%add3A_300] : memref<3200000xf32, #tpu.memory_space<hbm>> -> memref<2000xf32, #tpu.memory_space<hbm>>
      tpu.enqueue_dma source(%dma_start3A_304 : memref<2000xf32, #tpu.memory_space<hbm>>) target(%arg12 : memref<2000xf32, #tpu.memory_space<vmem>>) target_semaphore(%arg54 : memref<!tpu.dma_semaphore, #tpu.memory_space<semaphore_mem>>)
      %dma_start3A_305 = tpu.memref_slice %arg5[%add3A_300] : memref<3200000xf32, #tpu.memory_space<hbm>> -> memref<2000xf32, #tpu.memory_space<hbm>>
      %dma_start3A_306 = tpu.memref_slice %arg5[%add3A_300] : memref<3200000xf32, #tpu.memory_space<hbm>> -> memref<2000xf32, #tpu.memory_space<hbm>>
      tpu.enqueue_dma source(%dma_start3A_306 : memref<2000xf32, #tpu.memory_space<hbm>>) target(%arg14 : memref<2000xf32, #tpu.memory_space<vmem>>) target_semaphore(%arg54 : memref<!tpu.dma_semaphore, #tpu.memory_space<semaphore_mem>>)
      %dma_start3A_307 = tpu.memref_slice %arg6[%add3A_300] : memref<3200000xf32, #tpu.memory_space<hbm>> -> memref<2000xf32, #tpu.memory_space<hbm>>
      %dma_start3A_308 = tpu.memref_slice %arg6[%add3A_300] : memref<3200000xf32, #tpu.memory_space<hbm>> -> memref<2000xf32, #tpu.memory_space<hbm>>
      tpu.enqueue_dma source(%dma_start3A_308 : memref<2000xf32, #tpu.memory_space<hbm>>) target(%arg15 : memref<2000xf32, #tpu.memory_space<vmem>>) target_semaphore(%arg54 : memref<!tpu.dma_semaphore, #tpu.memory_space<semaphore_mem>>)
      %dma_start3A_309 = tpu.memref_slice %arg7[%add3A_300] : memref<3200000xf32, #tpu.memory_space<hbm>> -> memref<2000xf32, #tpu.memory_space<hbm>>
      %dma_start3A_310 = tpu.memref_slice %arg7[%add3A_300] : memref<3200000xf32, #tpu.memory_space<hbm>> -> memref<2000xf32, #tpu.memory_space<hbm>>
      tpu.enqueue_dma source(%dma_start3A_310 : memref<2000xf32, #tpu.memory_space<hbm>>) target(%arg16 : memref<2000xf32, #tpu.memory_space<vmem>>) target_semaphore(%arg54 : memref<!tpu.dma_semaphore, #tpu.memory_space<semaphore_mem>>)
      %add3A_311 = arith.constant 2 : i32
      %add3A_312 = arith.addi %mul3A_198, %add3A_311 : i32
      %min3A_313 = arith.constant 49 : i32
      %min3A_314 = arith.minsi %add3A_312, %min3A_313 : i32
      %mul3A_315 = arith.constant 2000 : i32
      %mul3A_316 = arith.muli %min3A_314, %mul3A_315 : i32
      %add3A_317 = arith.addi %mul3A_63, %mul3A_316 : i32
      %dma_wait3A_318 = tpu.memref_slice %arg3[%add3A_317] : memref<6400000xi32, #tpu.memory_space<hbm>> -> memref<2000xi32, #tpu.memory_space<hbm>>
      %dma_wait3A_319 = tpu.memref_slice %arg3[%add3A_317] : memref<6400000xi32, #tpu.memory_space<hbm>> -> memref<2000xi32, #tpu.memory_space<hbm>>
      tpu.wait_dma2 semaphore(%arg54 : memref<!tpu.dma_semaphore, #tpu.memory_space<semaphore_mem>>) src(%dma_wait3A_319 : memref<2000xi32, #tpu.memory_space<hbm>>) dst(%arg10 : memref<2000xi32, #tpu.memory_space<vmem>>)
      %dma_wait3A_320 = tpu.memref_slice %arg4[%add3A_317] : memref<3200000xf32, #tpu.memory_space<hbm>> -> memref<2000xf32, #tpu.memory_space<hbm>>
      %dma_wait3A_321 = tpu.memref_slice %arg4[%add3A_317] : memref<3200000xf32, #tpu.memory_space<hbm>> -> memref<2000xf32, #tpu.memory_space<hbm>>
      tpu.wait_dma2 semaphore(%arg54 : memref<!tpu.dma_semaphore, #tpu.memory_space<semaphore_mem>>) src(%dma_wait3A_321 : memref<2000xf32, #tpu.memory_space<hbm>>) dst(%arg12 : memref<2000xf32, #tpu.memory_space<vmem>>)
      %dma_wait3A_322 = tpu.memref_slice %arg5[%add3A_317] : memref<3200000xf32, #tpu.memory_space<hbm>> -> memref<2000xf32, #tpu.memory_space<hbm>>
      %dma_wait3A_323 = tpu.memref_slice %arg5[%add3A_317] : memref<3200000xf32, #tpu.memory_space<hbm>> -> memref<2000xf32, #tpu.memory_space<hbm>>
      tpu.wait_dma2 semaphore(%arg54 : memref<!tpu.dma_semaphore, #tpu.memory_space<semaphore_mem>>) src(%dma_wait3A_323 : memref<2000xf32, #tpu.memory_space<hbm>>) dst(%arg14 : memref<2000xf32, #tpu.memory_space<vmem>>)
      %dma_wait3A_324 = tpu.memref_slice %arg6[%add3A_317] : memref<3200000xf32, #tpu.memory_space<hbm>> -> memref<2000xf32, #tpu.memory_space<hbm>>
      %dma_wait3A_325 = tpu.memref_slice %arg6[%add3A_317] : memref<3200000xf32, #tpu.memory_space<hbm>> -> memref<2000xf32, #tpu.memory_space<hbm>>
      tpu.wait_dma2 semaphore(%arg54 : memref<!tpu.dma_semaphore, #tpu.memory_space<semaphore_mem>>) src(%dma_wait3A_325 : memref<2000xf32, #tpu.memory_space<hbm>>) dst(%arg15 : memref<2000xf32, #tpu.memory_space<vmem>>)
      %dma_wait3A_326 = tpu.memref_slice %arg7[%add3A_317] : memref<3200000xf32, #tpu.memory_space<hbm>> -> memref<2000xf32, #tpu.memory_space<hbm>>
      %dma_wait3A_327 = tpu.memref_slice %arg7[%add3A_317] : memref<3200000xf32, #tpu.memory_space<hbm>> -> memref<2000xf32, #tpu.memory_space<hbm>>
      tpu.wait_dma2 semaphore(%arg54 : memref<!tpu.dma_semaphore, #tpu.memory_space<semaphore_mem>>) src(%dma_wait3A_327 : memref<2000xf32, #tpu.memory_space<hbm>>) dst(%arg16 : memref<2000xf32, #tpu.memory_space<vmem>>)
      %dma_start3A_328 = arith.constant 0 : i32
      %dma_start3A_329 = tpu.memref_slice %arg46[%dma_start3A_328] : memref<100096xf32, #tpu.memory_space<vmem_shared>> -> memref<100096xf32, #tpu.memory_space<vmem_shared>>
      tpu.enqueue_indirect_dma source(%dma_start3A_329 : memref<100096xf32, #tpu.memory_space<vmem_shared>>) target(%arg20 : memref<2000xf32, #tpu.memory_space<vmem>>) offsets(%arg10 : memref<2000xi32, #tpu.memory_space<vmem>>) semaphore(%arg55 : memref<!tpu.dma_semaphore, #tpu.memory_space<semaphore_mem>>)
      %dma_start3A_330 = arith.constant 0 : i32
      %dma_start3A_331 = tpu.memref_slice %arg47[%dma_start3A_330] : memref<100096xf32, #tpu.memory_space<vmem_shared>> -> memref<100096xf32, #tpu.memory_space<vmem_shared>>
      tpu.enqueue_indirect_dma source(%dma_start3A_331 : memref<100096xf32, #tpu.memory_space<vmem_shared>>) target(%arg21 : memref<2000xf32, #tpu.memory_space<vmem>>) offsets(%arg10 : memref<2000xi32, #tpu.memory_space<vmem>>) semaphore(%arg55 : memref<!tpu.dma_semaphore, #tpu.memory_space<semaphore_mem>>)
      %dma_start3A_332 = arith.constant 0 : i32
      %dma_start3A_333 = tpu.memref_slice %arg48[%dma_start3A_332] : memref<100096xf32, #tpu.memory_space<vmem_shared>> -> memref<100096xf32, #tpu.memory_space<vmem_shared>>
      tpu.enqueue_indirect_dma source(%dma_start3A_333 : memref<100096xf32, #tpu.memory_space<vmem_shared>>) target(%arg22 : memref<2000xf32, #tpu.memory_space<vmem>>) offsets(%arg10 : memref<2000xi32, #tpu.memory_space<vmem>>) semaphore(%arg55 : memref<!tpu.dma_semaphore, #tpu.memory_space<semaphore_mem>>)
      %dma_start3A_334 = arith.constant 0 : i32
      %dma_start3A_335 = tpu.memref_slice %arg49[%dma_start3A_334] : memref<100096xf32, #tpu.memory_space<vmem_shared>> -> memref<100096xf32, #tpu.memory_space<vmem_shared>>
      tpu.enqueue_indirect_dma source(%dma_start3A_335 : memref<100096xf32, #tpu.memory_space<vmem_shared>>) target(%arg23 : memref<2000xf32, #tpu.memory_space<vmem>>) offsets(%arg10 : memref<2000xi32, #tpu.memory_space<vmem>>) semaphore(%arg55 : memref<!tpu.dma_semaphore, #tpu.memory_space<semaphore_mem>>)
      %dma_start3A_336 = arith.constant 0 : i32
      %dma_start3A_337 = tpu.memref_slice %arg50[%dma_start3A_336] : memref<100096xf32, #tpu.memory_space<vmem_shared>> -> memref<100096xf32, #tpu.memory_space<vmem_shared>>
      tpu.enqueue_indirect_dma source(%dma_start3A_337 : memref<100096xf32, #tpu.memory_space<vmem_shared>>) target(%arg24 : memref<2000xf32, #tpu.memory_space<vmem>>) offsets(%arg10 : memref<2000xi32, #tpu.memory_space<vmem>>) semaphore(%arg55 : memref<!tpu.dma_semaphore, #tpu.memory_space<semaphore_mem>>)
      %dma_start3A_338 = arith.constant 0 : i32
      %dma_start3A_339 = tpu.memref_slice %arg51[%dma_start3A_338] : memref<100096xf32, #tpu.memory_space<vmem_shared>> -> memref<100096xf32, #tpu.memory_space<vmem_shared>>
      tpu.enqueue_indirect_dma source(%dma_start3A_339 : memref<100096xf32, #tpu.memory_space<vmem_shared>>) target(%arg25 : memref<2000xf32, #tpu.memory_space<vmem>>) offsets(%arg10 : memref<2000xi32, #tpu.memory_space<vmem>>) semaphore(%arg55 : memref<!tpu.dma_semaphore, #tpu.memory_space<semaphore_mem>>)
      %dma_start3A_340 = arith.constant 0 : i32
      %dma_start3A_341 = tpu.memref_slice %arg52[%dma_start3A_340] : memref<100096xf32, #tpu.memory_space<vmem_shared>> -> memref<100096xf32, #tpu.memory_space<vmem_shared>>
      tpu.enqueue_indirect_dma source(%dma_start3A_341 : memref<100096xf32, #tpu.memory_space<vmem_shared>>) target(%arg26 : memref<2000xf32, #tpu.memory_space<vmem>>) offsets(%arg10 : memref<2000xi32, #tpu.memory_space<vmem>>) semaphore(%arg55 : memref<!tpu.dma_semaphore, #tpu.memory_space<semaphore_mem>>)
      %dma_start3A_342 = arith.constant 0 : i32
      %dma_start3A_343 = tpu.memref_slice %arg53[%dma_start3A_342] : memref<100096xf32, #tpu.memory_space<vmem_shared>> -> memref<100096xf32, #tpu.memory_space<vmem_shared>>
      tpu.enqueue_indirect_dma source(%dma_start3A_343 : memref<100096xf32, #tpu.memory_space<vmem_shared>>) target(%arg27 : memref<2000xf32, #tpu.memory_space<vmem>>) offsets(%arg10 : memref<2000xi32, #tpu.memory_space<vmem>>) semaphore(%arg55 : memref<!tpu.dma_semaphore, #tpu.memory_space<semaphore_mem>>)
      %dma_wait3A_344 = tpu.memref_slice %arg4[%mul3A_63] : memref<3200000xf32, #tpu.memory_space<hbm>> -> memref<2000xf32, #tpu.memory_space<hbm>>
      %dma_wait3A_345 = tpu.memref_slice %arg4[%mul3A_63] : memref<3200000xf32, #tpu.memory_space<hbm>> -> memref<2000xf32, #tpu.memory_space<hbm>>
      tpu.wait_dma2 semaphore(%arg55 : memref<!tpu.dma_semaphore, #tpu.memory_space<semaphore_mem>>) src(%dma_wait3A_345 : memref<2000xf32, #tpu.memory_space<hbm>>) dst(%arg28 : memref<2000xf32, #tpu.memory_space<vmem>>)
      %dma_wait3A_346 = tpu.memref_slice %arg4[%mul3A_63] : memref<3200000xf32, #tpu.memory_space<hbm>> -> memref<2000xf32, #tpu.memory_space<hbm>>
      %dma_wait3A_347 = tpu.memref_slice %arg4[%mul3A_63] : memref<3200000xf32, #tpu.memory_space<hbm>> -> memref<2000xf32, #tpu.memory_space<hbm>>
      tpu.wait_dma2 semaphore(%arg55 : memref<!tpu.dma_semaphore, #tpu.memory_space<semaphore_mem>>) src(%dma_wait3A_347 : memref<2000xf32, #tpu.memory_space<hbm>>) dst(%arg29 : memref<2000xf32, #tpu.memory_space<vmem>>)
      %dma_wait3A_348 = tpu.memref_slice %arg4[%mul3A_63] : memref<3200000xf32, #tpu.memory_space<hbm>> -> memref<2000xf32, #tpu.memory_space<hbm>>
      %dma_wait3A_349 = tpu.memref_slice %arg4[%mul3A_63] : memref<3200000xf32, #tpu.memory_space<hbm>> -> memref<2000xf32, #tpu.memory_space<hbm>>
      tpu.wait_dma2 semaphore(%arg55 : memref<!tpu.dma_semaphore, #tpu.memory_space<semaphore_mem>>) src(%dma_wait3A_349 : memref<2000xf32, #tpu.memory_space<hbm>>) dst(%arg30 : memref<2000xf32, #tpu.memory_space<vmem>>)
      %dma_wait3A_350 = tpu.memref_slice %arg4[%mul3A_63] : memref<3200000xf32, #tpu.memory_space<hbm>> -> memref<2000xf32, #tpu.memory_space<hbm>>
      %dma_wait3A_351 = tpu.memref_slice %arg4[%mul3A_63] : memref<3200000xf32, #tpu.memory_space<hbm>> -> memref<2000xf32, #tpu.memory_space<hbm>>
      tpu.wait_dma2 semaphore(%arg55 : memref<!tpu.dma_semaphore, #tpu.memory_space<semaphore_mem>>) src(%dma_wait3A_351 : memref<2000xf32, #tpu.memory_space<hbm>>) dst(%arg31 : memref<2000xf32, #tpu.memory_space<vmem>>)
      %dma_wait3A_352 = tpu.memref_slice %arg4[%mul3A_63] : memref<3200000xf32, #tpu.memory_space<hbm>> -> memref<2000xf32, #tpu.memory_space<hbm>>
      %dma_wait3A_353 = tpu.memref_slice %arg4[%mul3A_63] : memref<3200000xf32, #tpu.memory_space<hbm>> -> memref<2000xf32, #tpu.memory_space<hbm>>
      tpu.wait_dma2 semaphore(%arg55 : memref<!tpu.dma_semaphore, #tpu.memory_space<semaphore_mem>>) src(%dma_wait3A_353 : memref<2000xf32, #tpu.memory_space<hbm>>) dst(%arg32 : memref<2000xf32, #tpu.memory_space<vmem>>)
      %dma_wait3A_354 = tpu.memref_slice %arg4[%mul3A_63] : memref<3200000xf32, #tpu.memory_space<hbm>> -> memref<2000xf32, #tpu.memory_space<hbm>>
      %dma_wait3A_355 = tpu.memref_slice %arg4[%mul3A_63] : memref<3200000xf32, #tpu.memory_space<hbm>> -> memref<2000xf32, #tpu.memory_space<hbm>>
      tpu.wait_dma2 semaphore(%arg55 : memref<!tpu.dma_semaphore, #tpu.memory_space<semaphore_mem>>) src(%dma_wait3A_355 : memref<2000xf32, #tpu.memory_space<hbm>>) dst(%arg33 : memref<2000xf32, #tpu.memory_space<vmem>>)
      %dma_wait3A_356 = tpu.memref_slice %arg4[%mul3A_63] : memref<3200000xf32, #tpu.memory_space<hbm>> -> memref<2000xf32, #tpu.memory_space<hbm>>
      %dma_wait3A_357 = tpu.memref_slice %arg4[%mul3A_63] : memref<3200000xf32, #tpu.memory_space<hbm>> -> memref<2000xf32, #tpu.memory_space<hbm>>
      tpu.wait_dma2 semaphore(%arg55 : memref<!tpu.dma_semaphore, #tpu.memory_space<semaphore_mem>>) src(%dma_wait3A_357 : memref<2000xf32, #tpu.memory_space<hbm>>) dst(%arg34 : memref<2000xf32, #tpu.memory_space<vmem>>)
      %dma_wait3A_358 = tpu.memref_slice %arg4[%mul3A_63] : memref<3200000xf32, #tpu.memory_space<hbm>> -> memref<2000xf32, #tpu.memory_space<hbm>>
      %dma_wait3A_359 = tpu.memref_slice %arg4[%mul3A_63] : memref<3200000xf32, #tpu.memory_space<hbm>> -> memref<2000xf32, #tpu.memory_space<hbm>>
      tpu.wait_dma2 semaphore(%arg55 : memref<!tpu.dma_semaphore, #tpu.memory_space<semaphore_mem>>) src(%dma_wait3A_359 : memref<2000xf32, #tpu.memory_space<hbm>>) dst(%arg35 : memref<2000xf32, #tpu.memory_space<vmem>>)
      %add3A_360 = arith.constant 0 : i32
      %add3A_361 = arith.addi %add3A_360, %mul3A_63 : i32
      %dma_wait3A_362 = tpu.memref_slice %arg9[%add3A_361] : memref<25600000xf32, #tpu.memory_space<hbm>> -> memref<2000xf32, #tpu.memory_space<hbm>>
      %dma_wait3A_363 = tpu.memref_slice %arg9[%add3A_361] : memref<25600000xf32, #tpu.memory_space<hbm>> -> memref<2000xf32, #tpu.memory_space<hbm>>
      tpu.wait_dma2 semaphore(%arg56 : memref<!tpu.dma_semaphore, #tpu.memory_space<semaphore_mem>>) src(%arg36 : memref<2000xf32, #tpu.memory_space<vmem>>) dst(%dma_wait3A_363 : memref<2000xf32, #tpu.memory_space<hbm>>)
      %add3A_364 = arith.constant 3200000 : i32
      %add3A_365 = arith.addi %add3A_364, %mul3A_63 : i32
      %dma_wait3A_366 = tpu.memref_slice %arg9[%add3A_365] : memref<25600000xf32, #tpu.memory_space<hbm>> -> memref<2000xf32, #tpu.memory_space<hbm>>
      %dma_wait3A_367 = tpu.memref_slice %arg9[%add3A_365] : memref<25600000xf32, #tpu.memory_space<hbm>> -> memref<2000xf32, #tpu.memory_space<hbm>>
      tpu.wait_dma2 semaphore(%arg56 : memref<!tpu.dma_semaphore, #tpu.memory_space<semaphore_mem>>) src(%arg37 : memref<2000xf32, #tpu.memory_space<vmem>>) dst(%dma_wait3A_367 : memref<2000xf32, #tpu.memory_space<hbm>>)
      %add3A_368 = arith.constant 6400000 : i32
      %add3A_369 = arith.addi %add3A_368, %mul3A_63 : i32
      %dma_wait3A_370 = tpu.memref_slice %arg9[%add3A_369] : memref<25600000xf32, #tpu.memory_space<hbm>> -> memref<2000xf32, #tpu.memory_space<hbm>>
      %dma_wait3A_371 = tpu.memref_slice %arg9[%add3A_369] : memref<25600000xf32, #tpu.memory_space<hbm>> -> memref<2000xf32, #tpu.memory_space<hbm>>
      tpu.wait_dma2 semaphore(%arg56 : memref<!tpu.dma_semaphore, #tpu.memory_space<semaphore_mem>>) src(%arg38 : memref<2000xf32, #tpu.memory_space<vmem>>) dst(%dma_wait3A_371 : memref<2000xf32, #tpu.memory_space<hbm>>)
      %add3A_372 = arith.constant 9600000 : i32
      %add3A_373 = arith.addi %add3A_372, %mul3A_63 : i32
      %dma_wait3A_374 = tpu.memref_slice %arg9[%add3A_373] : memref<25600000xf32, #tpu.memory_space<hbm>> -> memref<2000xf32, #tpu.memory_space<hbm>>
      %dma_wait3A_375 = tpu.memref_slice %arg9[%add3A_373] : memref<25600000xf32, #tpu.memory_space<hbm>> -> memref<2000xf32, #tpu.memory_space<hbm>>
      tpu.wait_dma2 semaphore(%arg56 : memref<!tpu.dma_semaphore, #tpu.memory_space<semaphore_mem>>) src(%arg39 : memref<2000xf32, #tpu.memory_space<vmem>>) dst(%dma_wait3A_375 : memref<2000xf32, #tpu.memory_space<hbm>>)
      %add3A_376 = arith.constant 12800000 : i32
      %add3A_377 = arith.addi %add3A_376, %mul3A_63 : i32
      %dma_wait3A_378 = tpu.memref_slice %arg9[%add3A_377] : memref<25600000xf32, #tpu.memory_space<hbm>> -> memref<2000xf32, #tpu.memory_space<hbm>>
      %dma_wait3A_379 = tpu.memref_slice %arg9[%add3A_377] : memref<25600000xf32, #tpu.memory_space<hbm>> -> memref<2000xf32, #tpu.memory_space<hbm>>
      tpu.wait_dma2 semaphore(%arg56 : memref<!tpu.dma_semaphore, #tpu.memory_space<semaphore_mem>>) src(%arg40 : memref<2000xf32, #tpu.memory_space<vmem>>) dst(%dma_wait3A_379 : memref<2000xf32, #tpu.memory_space<hbm>>)
      %add3A_380 = arith.constant 16000000 : i32
      %add3A_381 = arith.addi %add3A_380, %mul3A_63 : i32
      %dma_wait3A_382 = tpu.memref_slice %arg9[%add3A_381] : memref<25600000xf32, #tpu.memory_space<hbm>> -> memref<2000xf32, #tpu.memory_space<hbm>>
      %dma_wait3A_383 = tpu.memref_slice %arg9[%add3A_381] : memref<25600000xf32, #tpu.memory_space<hbm>> -> memref<2000xf32, #tpu.memory_space<hbm>>
      tpu.wait_dma2 semaphore(%arg56 : memref<!tpu.dma_semaphore, #tpu.memory_space<semaphore_mem>>) src(%arg41 : memref<2000xf32, #tpu.memory_space<vmem>>) dst(%dma_wait3A_383 : memref<2000xf32, #tpu.memory_space<hbm>>)
      %add3A_384 = arith.constant 19200000 : i32
      %add3A_385 = arith.addi %add3A_384, %mul3A_63 : i32
      %dma_wait3A_386 = tpu.memref_slice %arg9[%add3A_385] : memref<25600000xf32, #tpu.memory_space<hbm>> -> memref<2000xf32, #tpu.memory_space<hbm>>
      %dma_wait3A_387 = tpu.memref_slice %arg9[%add3A_385] : memref<25600000xf32, #tpu.memory_space<hbm>> -> memref<2000xf32, #tpu.memory_space<hbm>>
      tpu.wait_dma2 semaphore(%arg56 : memref<!tpu.dma_semaphore, #tpu.memory_space<semaphore_mem>>) src(%arg42 : memref<2000xf32, #tpu.memory_space<vmem>>) dst(%dma_wait3A_387 : memref<2000xf32, #tpu.memory_space<hbm>>)
      %add3A_388 = arith.constant 22400000 : i32
      %add3A_389 = arith.addi %add3A_388, %mul3A_63 : i32
      %dma_wait3A_390 = tpu.memref_slice %arg9[%add3A_389] : memref<25600000xf32, #tpu.memory_space<hbm>> -> memref<2000xf32, #tpu.memory_space<hbm>>
      %dma_wait3A_391 = tpu.memref_slice %arg9[%add3A_389] : memref<25600000xf32, #tpu.memory_space<hbm>> -> memref<2000xf32, #tpu.memory_space<hbm>>
      tpu.wait_dma2 semaphore(%arg56 : memref<!tpu.dma_semaphore, #tpu.memory_space<semaphore_mem>>) src(%arg43 : memref<2000xf32, #tpu.memory_space<vmem>>) dst(%dma_wait3A_391 : memref<2000xf32, #tpu.memory_space<hbm>>)
      %scan3A_392 = arith.constant 0 : i32
      %scan3A_393 = arith.constant 0 : i32
      %scan3A_394 = arith.constant 125 : i32
      %scan3A_395 = arith.addi %scan3A_393, %scan3A_394 : i32
      %scan3A_396 = arith.constant 1 : i32
      %scan3A_397 = scf.for %scan3A_456 = %scan3A_393 to %scan3A_395 step %scan3A_396 iter_args(%scan3A_457 = %scan3A_392) -> (i32)  : i32 {
        %mul3A_458 = arith.constant 16 : i32
        %mul3A_459 = arith.muli %scan3A_456, %mul3A_458 : i32
        %get3A_460 = arith.index_cast %mul3A_459 : i32 to index
        %get3A_461 = tpu.vector_load %arg13[%get3A_460] {strides = array<i32>} : memref<2000xf32, #tpu.memory_space<vmem>>, vector<16xf32>,
        %get3A_462 = vector.shape_cast %get3A_461 : vector<16xf32> to vector<16xf32>
        %get3A_463 = arith.index_cast %mul3A_459 : i32 to index
        %get3A_464 = tpu.vector_load %arg17[%get3A_463] {strides = array<i32>} : memref<2000xf32, #tpu.memory_space<vmem>>, vector<16xf32>,
        %get3A_465 = vector.shape_cast %get3A_464 : vector<16xf32> to vector<16xf32>
        %get3A_466 = arith.index_cast %mul3A_459 : i32 to index
        %get3A_467 = tpu.vector_load %arg18[%get3A_466] {strides = array<i32>} : memref<2000xf32, #tpu.memory_space<vmem>>, vector<16xf32>,
        %get3A_468 = vector.shape_cast %get3A_467 : vector<16xf32> to vector<16xf32>
        %get3A_469 = arith.index_cast %mul3A_459 : i32 to index
        %get3A_470 = tpu.vector_load %arg19[%get3A_469] {strides = array<i32>} : memref<2000xf32, #tpu.memory_space<vmem>>, vector<16xf32>,
        %get3A_471 = vector.shape_cast %get3A_470 : vector<16xf32> to vector<16xf32>
        %get3A_472 = arith.index_cast %mul3A_459 : i32 to index
        %get3A_473 = tpu.vector_load %arg28[%get3A_472] {strides = array<i32>} : memref<2000xf32, #tpu.memory_space<vmem>>, vector<16xf32>,
        %get3A_474 = vector.shape_cast %get3A_473 : vector<16xf32> to vector<16xf32>
        %get3A_475 = arith.index_cast %mul3A_459 : i32 to index
        %get3A_476 = tpu.vector_load %arg29[%get3A_475] {strides = array<i32>} : memref<2000xf32, #tpu.memory_space<vmem>>, vector<16xf32>,
        %get3A_477 = vector.shape_cast %get3A_476 : vector<16xf32> to vector<16xf32>
        %get3A_478 = arith.index_cast %mul3A_459 : i32 to index
        %get3A_479 = tpu.vector_load %arg30[%get3A_478] {strides = array<i32>} : memref<2000xf32, #tpu.memory_space<vmem>>, vector<16xf32>,
        %get3A_480 = vector.shape_cast %get3A_479 : vector<16xf32> to vector<16xf32>
        %get3A_481 = arith.index_cast %mul3A_459 : i32 to index
        %get3A_482 = tpu.vector_load %arg31[%get3A_481] {strides = array<i32>} : memref<2000xf32, #tpu.memory_space<vmem>>, vector<16xf32>,
        %get3A_483 = vector.shape_cast %get3A_482 : vector<16xf32> to vector<16xf32>
        %get3A_484 = arith.index_cast %mul3A_459 : i32 to index
        %get3A_485 = tpu.vector_load %arg32[%get3A_484] {strides = array<i32>} : memref<2000xf32, #tpu.memory_space<vmem>>, vector<16xf32>,
        %get3A_486 = vector.shape_cast %get3A_485 : vector<16xf32> to vector<16xf32>
        %get3A_487 = arith.index_cast %mul3A_459 : i32 to index
        %get3A_488 = tpu.vector_load %arg33[%get3A_487] {strides = array<i32>} : memref<2000xf32, #tpu.memory_space<vmem>>, vector<16xf32>,
        %get3A_489 = vector.shape_cast %get3A_488 : vector<16xf32> to vector<16xf32>
        %get3A_490 = arith.index_cast %mul3A_459 : i32 to index
        %get3A_491 = tpu.vector_load %arg34[%get3A_490] {strides = array<i32>} : memref<2000xf32, #tpu.memory_space<vmem>>, vector<16xf32>,
        %get3A_492 = vector.shape_cast %get3A_491 : vector<16xf32> to vector<16xf32>
        %get3A_493 = arith.index_cast %mul3A_459 : i32 to index
        %get3A_494 = tpu.vector_load %arg35[%get3A_493] {strides = array<i32>} : memref<2000xf32, #tpu.memory_space<vmem>>, vector<16xf32>,
        %get3A_495 = vector.shape_cast %get3A_494 : vector<16xf32> to vector<16xf32>
        %mul3A_496 = arith.mulf %get3A_462, %get3A_474 : vector<16xf32>
        %mul3A_497 = arith.mulf %get3A_462, %get3A_477 : vector<16xf32>
        %mul3A_498 = arith.mulf %get3A_465, %get3A_480 : vector<16xf32>
        %mul3A_499 = arith.mulf %get3A_468, %get3A_483 : vector<16xf32>
        %add3A_500 = arith.addf %mul3A_498, %mul3A_499 : vector<16xf32>
        %mul3A_501 = arith.mulf %get3A_471, %get3A_486 : vector<16xf32>
        %add3A_502 = arith.addf %add3A_500, %mul3A_501 : vector<16xf32>
        %mul3A_503 = arith.mulf %get3A_465, %get3A_489 : vector<16xf32>
        %mul3A_504 = arith.mulf %get3A_468, %get3A_492 : vector<16xf32>
        %add3A_505 = arith.addf %mul3A_503, %mul3A_504 : vector<16xf32>
        %mul3A_506 = arith.mulf %get3A_471, %get3A_495 : vector<16xf32>
        %add3A_507 = arith.addf %add3A_505, %mul3A_506 : vector<16xf32>
        %mul3A_508 = vector.broadcast %squeeze3A : f32 to vector<16xf32>
        %mul3A_509 = arith.mulf %mul3A_508, %mul3A_496 : vector<16xf32>
        %mul3A_510 = vector.broadcast %squeeze3A_25 : f32 to vector<16xf32>
        %mul3A_511 = arith.mulf %mul3A_510, %mul3A_497 : vector<16xf32>
        %add3A_512 = arith.addf %mul3A_509, %mul3A_511 : vector<16xf32>
        %mul3A_513 = vector.broadcast %squeeze3A_27 : f32 to vector<16xf32>
        %mul3A_514 = arith.mulf %mul3A_513, %add3A_502 : vector<16xf32>
        %add3A_515 = arith.addf %add3A_512, %mul3A_514 : vector<16xf32>
        %mul3A_516 = vector.broadcast %squeeze3A_29 : f32 to vector<16xf32>
        %mul3A_517 = arith.mulf %mul3A_516, %add3A_507 : vector<16xf32>
        %add3A_518 = arith.addf %add3A_515, %mul3A_517 : vector<16xf32>
        %swap3A = arith.index_cast %mul3A_459 : i32 to index
        %swap3A_519 = tpu.vector_load %arg36[%swap3A] {strides = array<i32>} : memref<2000xf32, #tpu.memory_space<vmem>>, vector<16xf32>,
        %swap3A_520 = vector.shape_cast %swap3A_519 : vector<16xf32> to vector<16xf32>
        %swap3A_521 = vector.shape_cast %add3A_518 : vector<16xf32> to vector<16xf32>
        tpu.vector_store %arg36[%swap3A], %swap3A_521 {strides = array<i32>} : memref<2000xf32, #tpu.memory_space<vmem>>, vector<16xf32>,
        %mul3A_522 = vector.broadcast %squeeze3A_31 : f32 to vector<16xf32>
        %mul3A_523 = arith.mulf %mul3A_522, %mul3A_496 : vector<16xf32>
        %mul3A_524 = vector.broadcast %squeeze3A_33 : f32 to vector<16xf32>
        %mul3A_525 = arith.mulf %mul3A_524, %mul3A_497 : vector<16xf32>
        %add3A_526 = arith.addf %mul3A_523, %mul3A_525 : vector<16xf32>
        %mul3A_527 = vector.broadcast %squeeze3A_35 : f32 to vector<16xf32>
        %mul3A_528 = arith.mulf %mul3A_527, %add3A_502 : vector<16xf32>
        %add3A_529 = arith.addf %add3A_526, %mul3A_528 : vector<16xf32>
        %mul3A_530 = vector.broadcast %squeeze3A_37 : f32 to vector<16xf32>
        %mul3A_531 = arith.mulf %mul3A_530, %add3A_507 : vector<16xf32>
        %add3A_532 = arith.addf %add3A_529, %mul3A_531 : vector<16xf32>
        %swap3A_533 = arith.index_cast %mul3A_459 : i32 to index
        %swap3A_534 = tpu.vector_load %arg37[%swap3A_533] {strides = array<i32>} : memref<2000xf32, #tpu.memory_space<vmem>>, vector<16xf32>,
        %swap3A_535 = vector.shape_cast %swap3A_534 : vector<16xf32> to vector<16xf32>
        %swap3A_536 = vector.shape_cast %add3A_532 : vector<16xf32> to vector<16xf32>
        tpu.vector_store %arg37[%swap3A_533], %swap3A_536 {strides = array<i32>} : memref<2000xf32, #tpu.memory_space<vmem>>, vector<16xf32>,
        %mul3A_537 = arith.mulf %get3A_462, %get3A_480 : vector<16xf32>
        %mul3A_538 = arith.mulf %get3A_462, %get3A_483 : vector<16xf32>
        %mul3A_539 = arith.mulf %get3A_462, %get3A_486 : vector<16xf32>
        %mul3A_540 = arith.mulf %get3A_462, %get3A_489 : vector<16xf32>
        %mul3A_541 = arith.mulf %get3A_462, %get3A_492 : vector<16xf32>
        %mul3A_542 = arith.mulf %get3A_462, %get3A_495 : vector<16xf32>
        %mul3A_543 = vector.broadcast %squeeze3A_55 : f32 to vector<16xf32>
        %mul3A_544 = arith.mulf %mul3A_543, %get3A_474 : vector<16xf32>
        %mul3A_545 = vector.broadcast %squeeze3A_57 : f32 to vector<16xf32>
        %mul3A_546 = arith.mulf %mul3A_545, %get3A_477 : vector<16xf32>
        %add3A_547 = arith.addf %mul3A_544, %mul3A_546 : vector<16xf32>
        %mul3A_548 = vector.broadcast %squeeze3A_59 : f32 to vector<16xf32>
        %mul3A_549 = arith.mulf %mul3A_548, %get3A_474 : vector<16xf32>
        %mul3A_550 = vector.broadcast %squeeze3A_61 : f32 to vector<16xf32>
        %mul3A_551 = arith.mulf %mul3A_550, %get3A_477 : vector<16xf32>
        %add3A_552 = arith.addf %mul3A_549, %mul3A_551 : vector<16xf32>
        %mul3A_553 = arith.mulf %get3A_468, %get3A_486 : vector<16xf32>
        %mul3A_554 = arith.mulf %get3A_471, %get3A_483 : vector<16xf32>
        %sub3A = arith.subf %mul3A_553, %mul3A_554 : vector<16xf32>
        %mul3A_555 = arith.mulf %get3A_471, %get3A_480 : vector<16xf32>
        %mul3A_556 = arith.mulf %get3A_465, %get3A_486 : vector<16xf32>
        %sub3A_557 = arith.subf %mul3A_555, %mul3A_556 : vector<16xf32>
        %mul3A_558 = arith.mulf %get3A_465, %get3A_483 : vector<16xf32>
        %mul3A_559 = arith.mulf %get3A_468, %get3A_480 : vector<16xf32>
        %sub3A_560 = arith.subf %mul3A_558, %mul3A_559 : vector<16xf32>
        %mul3A_561 = arith.mulf %get3A_468, %get3A_495 : vector<16xf32>
        %mul3A_562 = arith.mulf %get3A_471, %get3A_492 : vector<16xf32>
        %sub3A_563 = arith.subf %mul3A_561, %mul3A_562 : vector<16xf32>
        %mul3A_564 = arith.mulf %get3A_471, %get3A_489 : vector<16xf32>
        %mul3A_565 = arith.mulf %get3A_465, %get3A_495 : vector<16xf32>
        %sub3A_566 = arith.subf %mul3A_564, %mul3A_565 : vector<16xf32>
        %mul3A_567 = arith.mulf %get3A_465, %get3A_492 : vector<16xf32>
        %mul3A_568 = arith.mulf %get3A_468, %get3A_489 : vector<16xf32>
        %sub3A_569 = arith.subf %mul3A_567, %mul3A_568 : vector<16xf32>
        %mul3A_570 = vector.broadcast %squeeze3A_39 : f32 to vector<16xf32>
        %mul3A_571 = arith.mulf %mul3A_570, %mul3A_537 : vector<16xf32>
        %mul3A_572 = vector.broadcast %squeeze3A_41 : f32 to vector<16xf32>
        %mul3A_573 = arith.mulf %mul3A_572, %mul3A_540 : vector<16xf32>
        %add3A_574 = arith.addf %mul3A_571, %mul3A_573 : vector<16xf32>
        %mul3A_575 = arith.mulf %add3A_547, %get3A_465 : vector<16xf32>
        %add3A_576 = arith.addf %add3A_574, %mul3A_575 : vector<16xf32>
        %mul3A_577 = vector.broadcast %squeeze3A_43 : f32 to vector<16xf32>
        %mul3A_578 = arith.mulf %mul3A_577, %sub3A : vector<16xf32>
        %add3A_579 = arith.addf %add3A_576, %mul3A_578 : vector<16xf32>
        %mul3A_580 = vector.broadcast %squeeze3A_45 : f32 to vector<16xf32>
        %mul3A_581 = arith.mulf %mul3A_580, %sub3A_563 : vector<16xf32>
        %add3A_582 = arith.addf %add3A_579, %mul3A_581 : vector<16xf32>
        %swap3A_583 = arith.index_cast %mul3A_459 : i32 to index
        %swap3A_584 = tpu.vector_load %arg38[%swap3A_583] {strides = array<i32>} : memref<2000xf32, #tpu.memory_space<vmem>>, vector<16xf32>,
        %swap3A_585 = vector.shape_cast %swap3A_584 : vector<16xf32> to vector<16xf32>
        %swap3A_586 = vector.shape_cast %add3A_582 : vector<16xf32> to vector<16xf32>
        tpu.vector_store %arg38[%swap3A_583], %swap3A_586 {strides = array<i32>} : memref<2000xf32, #tpu.memory_space<vmem>>, vector<16xf32>,
        %mul3A_587 = vector.broadcast %squeeze3A_39 : f32 to vector<16xf32>
        %mul3A_588 = arith.mulf %mul3A_587, %mul3A_538 : vector<16xf32>
        %mul3A_589 = vector.broadcast %squeeze3A_41 : f32 to vector<16xf32>
        %mul3A_590 = arith.mulf %mul3A_589, %mul3A_541 : vector<16xf32>
        %add3A_591 = arith.addf %mul3A_588, %mul3A_590 : vector<16xf32>
        %mul3A_592 = arith.mulf %add3A_547, %get3A_468 : vector<16xf32>
        %add3A_593 = arith.addf %add3A_591, %mul3A_592 : vector<16xf32>
        %mul3A_594 = vector.broadcast %squeeze3A_43 : f32 to vector<16xf32>
        %mul3A_595 = arith.mulf %mul3A_594, %sub3A_557 : vector<16xf32>
        %add3A_596 = arith.addf %add3A_593, %mul3A_595 : vector<16xf32>
        %mul3A_597 = vector.broadcast %squeeze3A_45 : f32 to vector<16xf32>
        %mul3A_598 = arith.mulf %mul3A_597, %sub3A_566 : vector<16xf32>
        %add3A_599 = arith.addf %add3A_596, %mul3A_598 : vector<16xf32>
        %swap3A_600 = arith.index_cast %mul3A_459 : i32 to index
        %swap3A_601 = tpu.vector_load %arg39[%swap3A_600] {strides = array<i32>} : memref<2000xf32, #tpu.memory_space<vmem>>, vector<16xf32>,
        %swap3A_602 = vector.shape_cast %swap3A_601 : vector<16xf32> to vector<16xf32>
        %swap3A_603 = vector.shape_cast %add3A_599 : vector<16xf32> to vector<16xf32>
        tpu.vector_store %arg39[%swap3A_600], %swap3A_603 {strides = array<i32>} : memref<2000xf32, #tpu.memory_space<vmem>>, vector<16xf32>,
        %mul3A_604 = vector.broadcast %squeeze3A_39 : f32 to vector<16xf32>
        %mul3A_605 = arith.mulf %mul3A_604, %mul3A_539 : vector<16xf32>
        %mul3A_606 = vector.broadcast %squeeze3A_41 : f32 to vector<16xf32>
        %mul3A_607 = arith.mulf %mul3A_606, %mul3A_542 : vector<16xf32>
        %add3A_608 = arith.addf %mul3A_605, %mul3A_607 : vector<16xf32>
        %mul3A_609 = arith.mulf %add3A_547, %get3A_471 : vector<16xf32>
        %add3A_610 = arith.addf %add3A_608, %mul3A_609 : vector<16xf32>
        %mul3A_611 = vector.broadcast %squeeze3A_43 : f32 to vector<16xf32>
        %mul3A_612 = arith.mulf %mul3A_611, %sub3A_560 : vector<16xf32>
        %add3A_613 = arith.addf %add3A_610, %mul3A_612 : vector<16xf32>
        %mul3A_614 = vector.broadcast %squeeze3A_45 : f32 to vector<16xf32>
        %mul3A_615 = arith.mulf %mul3A_614, %sub3A_569 : vector<16xf32>
        %add3A_616 = arith.addf %add3A_613, %mul3A_615 : vector<16xf32>
        %swap3A_617 = arith.index_cast %mul3A_459 : i32 to index
        %swap3A_618 = tpu.vector_load %arg40[%swap3A_617] {strides = array<i32>} : memref<2000xf32, #tpu.memory_space<vmem>>, vector<16xf32>,
        %swap3A_619 = vector.shape_cast %swap3A_618 : vector<16xf32> to vector<16xf32>
        %swap3A_620 = vector.shape_cast %add3A_616 : vector<16xf32> to vector<16xf32>
        tpu.vector_store %arg40[%swap3A_617], %swap3A_620 {strides = array<i32>} : memref<2000xf32, #tpu.memory_space<vmem>>, vector<16xf32>,
        %mul3A_621 = vector.broadcast %squeeze3A_47 : f32 to vector<16xf32>
        %mul3A_622 = arith.mulf %mul3A_621, %mul3A_537 : vector<16xf32>
        %mul3A_623 = vector.broadcast %squeeze3A_49 : f32 to vector<16xf32>
        %mul3A_624 = arith.mulf %mul3A_623, %mul3A_540 : vector<16xf32>
        %add3A_625 = arith.addf %mul3A_622, %mul3A_624 : vector<16xf32>
        %mul3A_626 = arith.mulf %add3A_552, %get3A_465 : vector<16xf32>
        %add3A_627 = arith.addf %add3A_625, %mul3A_626 : vector<16xf32>
        %mul3A_628 = vector.broadcast %squeeze3A_51 : f32 to vector<16xf32>
        %mul3A_629 = arith.mulf %mul3A_628, %sub3A : vector<16xf32>
        %add3A_630 = arith.addf %add3A_627, %mul3A_629 : vector<16xf32>
        %mul3A_631 = vector.broadcast %squeeze3A_53 : f32 to vector<16xf32>
        %mul3A_632 = arith.mulf %mul3A_631, %sub3A_563 : vector<16xf32>
        %add3A_633 = arith.addf %add3A_630, %mul3A_632 : vector<16xf32>
        %swap3A_634 = arith.index_cast %mul3A_459 : i32 to index
        %swap3A_635 = tpu.vector_load %arg41[%swap3A_634] {strides = array<i32>} : memref<2000xf32, #tpu.memory_space<vmem>>, vector<16xf32>,
        %swap3A_636 = vector.shape_cast %swap3A_635 : vector<16xf32> to vector<16xf32>
        %swap3A_637 = vector.shape_cast %add3A_633 : vector<16xf32> to vector<16xf32>
        tpu.vector_store %arg41[%swap3A_634], %swap3A_637 {strides = array<i32>} : memref<2000xf32, #tpu.memory_space<vmem>>, vector<16xf32>,
        %mul3A_638 = vector.broadcast %squeeze3A_47 : f32 to vector<16xf32>
        %mul3A_639 = arith.mulf %mul3A_638, %mul3A_538 : vector<16xf32>
        %mul3A_640 = vector.broadcast %squeeze3A_49 : f32 to vector<16xf32>
        %mul3A_641 = arith.mulf %mul3A_640, %mul3A_541 : vector<16xf32>
        %add3A_642 = arith.addf %mul3A_639, %mul3A_641 : vector<16xf32>
        %mul3A_643 = arith.mulf %add3A_552, %get3A_468 : vector<16xf32>
        %add3A_644 = arith.addf %add3A_642, %mul3A_643 : vector<16xf32>
        %mul3A_645 = vector.broadcast %squeeze3A_51 : f32 to vector<16xf32>
        %mul3A_646 = arith.mulf %mul3A_645, %sub3A_557 : vector<16xf32>
        %add3A_647 = arith.addf %add3A_644, %mul3A_646 : vector<16xf32>
        %mul3A_648 = vector.broadcast %squeeze3A_53 : f32 to vector<16xf32>
        %mul3A_649 = arith.mulf %mul3A_648, %sub3A_566 : vector<16xf32>
        %add3A_650 = arith.addf %add3A_647, %mul3A_649 : vector<16xf32>
        %swap3A_651 = arith.index_cast %mul3A_459 : i32 to index
        %swap3A_652 = tpu.vector_load %arg42[%swap3A_651] {strides = array<i32>} : memref<2000xf32, #tpu.memory_space<vmem>>, vector<16xf32>,
        %swap3A_653 = vector.shape_cast %swap3A_652 : vector<16xf32> to vector<16xf32>
        %swap3A_654 = vector.shape_cast %add3A_650 : vector<16xf32> to vector<16xf32>
        tpu.vector_store %arg42[%swap3A_651], %swap3A_654 {strides = array<i32>} : memref<2000xf32, #tpu.memory_space<vmem>>, vector<16xf32>,
        %mul3A_655 = vector.broadcast %squeeze3A_47 : f32 to vector<16xf32>
        %mul3A_656 = arith.mulf %mul3A_655, %mul3A_539 : vector<16xf32>
        %mul3A_657 = vector.broadcast %squeeze3A_49 : f32 to vector<16xf32>
        %mul3A_658 = arith.mulf %mul3A_657, %mul3A_542 : vector<16xf32>
        %add3A_659 = arith.addf %mul3A_656, %mul3A_658 : vector<16xf32>
        %mul3A_660 = arith.mulf %add3A_552, %get3A_471 : vector<16xf32>
        %add3A_661 = arith.addf %add3A_659, %mul3A_660 : vector<16xf32>
        %mul3A_662 = vector.broadcast %squeeze3A_51 : f32 to vector<16xf32>
        %mul3A_663 = arith.mulf %mul3A_662, %sub3A_560 : vector<16xf32>
        %add3A_664 = arith.addf %add3A_661, %mul3A_663 : vector<16xf32>
        %mul3A_665 = vector.broadcast %squeeze3A_53 : f32 to vector<16xf32>
        %mul3A_666 = arith.mulf %mul3A_665, %sub3A_569 : vector<16xf32>
        %add3A_667 = arith.addf %add3A_664, %mul3A_666 : vector<16xf32>
        %swap3A_668 = arith.index_cast %mul3A_459 : i32 to index
        %swap3A_669 = tpu.vector_load %arg43[%swap3A_668] {strides = array<i32>} : memref<2000xf32, #tpu.memory_space<vmem>>, vector<16xf32>,
        %swap3A_670 = vector.shape_cast %swap3A_669 : vector<16xf32> to vector<16xf32>
        %swap3A_671 = vector.shape_cast %add3A_667 : vector<16xf32> to vector<16xf32>
        tpu.vector_store %arg43[%swap3A_668], %swap3A_671 {strides = array<i32>} : memref<2000xf32, #tpu.memory_space<vmem>>, vector<16xf32>,
        %scan3A_672 = arith.constant 0 : i32
        scf.yield %scan3A_672 : i32
      }
      %scan3A_398 = arith.constant 125 : i32
      %add3A_399 = arith.constant 1 : i32
      %add3A_400 = arith.addi %mul3A_198, %add3A_399 : i32
      %min3A_401 = arith.constant 49 : i32
      %min3A_402 = arith.minsi %add3A_400, %min3A_401 : i32
      %mul3A_403 = arith.constant 2000 : i32
      %mul3A_404 = arith.muli %min3A_402, %mul3A_403 : i32
      %add3A_405 = arith.addi %mul3A_63, %mul3A_404 : i32
      %add3A_406 = arith.constant 0 : i32
      %add3A_407 = arith.addi %add3A_406, %add3A_405 : i32
      %dma_start3A_408 = tpu.memref_slice %arg9[%add3A_407] : memref<25600000xf32, #tpu.memory_space<hbm>> -> memref<2000xf32, #tpu.memory_space<hbm>>
      %dma_start3A_409 = tpu.memref_slice %arg9[%add3A_407] : memref<25600000xf32, #tpu.memory_space<hbm>> -> memref<2000xf32, #tpu.memory_space<hbm>>
      tpu.enqueue_dma source(%arg36 : memref<2000xf32, #tpu.memory_space<vmem>>) target(%dma_start3A_409 : memref<2000xf32, #tpu.memory_space<hbm>>) target_semaphore(%arg56 : memref<!tpu.dma_semaphore, #tpu.memory_space<semaphore_mem>>)
      %add3A_410 = arith.constant 3200000 : i32
      %add3A_411 = arith.addi %add3A_410, %add3A_405 : i32
      %dma_start3A_412 = tpu.memref_slice %arg9[%add3A_411] : memref<25600000xf32, #tpu.memory_space<hbm>> -> memref<2000xf32, #tpu.memory_space<hbm>>
      %dma_start3A_413 = tpu.memref_slice %arg9[%add3A_411] : memref<25600000xf32, #tpu.memory_space<hbm>> -> memref<2000xf32, #tpu.memory_space<hbm>>
      tpu.enqueue_dma source(%arg37 : memref<2000xf32, #tpu.memory_space<vmem>>) target(%dma_start3A_413 : memref<2000xf32, #tpu.memory_space<hbm>>) target_semaphore(%arg56 : memref<!tpu.dma_semaphore, #tpu.memory_space<semaphore_mem>>)
      %add3A_414 = arith.constant 6400000 : i32
      %add3A_415 = arith.addi %add3A_414, %add3A_405 : i32
      %dma_start3A_416 = tpu.memref_slice %arg9[%add3A_415] : memref<25600000xf32, #tpu.memory_space<hbm>> -> memref<2000xf32, #tpu.memory_space<hbm>>
      %dma_start3A_417 = tpu.memref_slice %arg9[%add3A_415] : memref<25600000xf32, #tpu.memory_space<hbm>> -> memref<2000xf32, #tpu.memory_space<hbm>>
      tpu.enqueue_dma source(%arg38 : memref<2000xf32, #tpu.memory_space<vmem>>) target(%dma_start3A_417 : memref<2000xf32, #tpu.memory_space<hbm>>) target_semaphore(%arg56 : memref<!tpu.dma_semaphore, #tpu.memory_space<semaphore_mem>>)
      %add3A_418 = arith.constant 9600000 : i32
      %add3A_419 = arith.addi %add3A_418, %add3A_405 : i32
      %dma_start3A_420 = tpu.memref_slice %arg9[%add3A_419] : memref<25600000xf32, #tpu.memory_space<hbm>> -> memref<2000xf32, #tpu.memory_space<hbm>>
      %dma_start3A_421 = tpu.memref_slice %arg9[%add3A_419] : memref<25600000xf32, #tpu.memory_space<hbm>> -> memref<2000xf32, #tpu.memory_space<hbm>>
      tpu.enqueue_dma source(%arg39 : memref<2000xf32, #tpu.memory_space<vmem>>) target(%dma_start3A_421 : memref<2000xf32, #tpu.memory_space<hbm>>) target_semaphore(%arg56 : memref<!tpu.dma_semaphore, #tpu.memory_space<semaphore_mem>>)
      %add3A_422 = arith.constant 12800000 : i32
      %add3A_423 = arith.addi %add3A_422, %add3A_405 : i32
      %dma_start3A_424 = tpu.memref_slice %arg9[%add3A_423] : memref<25600000xf32, #tpu.memory_space<hbm>> -> memref<2000xf32, #tpu.memory_space<hbm>>
      %dma_start3A_425 = tpu.memref_slice %arg9[%add3A_423] : memref<25600000xf32, #tpu.memory_space<hbm>> -> memref<2000xf32, #tpu.memory_space<hbm>>
      tpu.enqueue_dma source(%arg40 : memref<2000xf32, #tpu.memory_space<vmem>>) target(%dma_start3A_425 : memref<2000xf32, #tpu.memory_space<hbm>>) target_semaphore(%arg56 : memref<!tpu.dma_semaphore, #tpu.memory_space<semaphore_mem>>)
      %add3A_426 = arith.constant 16000000 : i32
      %add3A_427 = arith.addi %add3A_426, %add3A_405 : i32
      %dma_start3A_428 = tpu.memref_slice %arg9[%add3A_427] : memref<25600000xf32, #tpu.memory_space<hbm>> -> memref<2000xf32, #tpu.memory_space<hbm>>
      %dma_start3A_429 = tpu.memref_slice %arg9[%add3A_427] : memref<25600000xf32, #tpu.memory_space<hbm>> -> memref<2000xf32, #tpu.memory_space<hbm>>
      tpu.enqueue_dma source(%arg41 : memref<2000xf32, #tpu.memory_space<vmem>>) target(%dma_start3A_429 : memref<2000xf32, #tpu.memory_space<hbm>>) target_semaphore(%arg56 : memref<!tpu.dma_semaphore, #tpu.memory_space<semaphore_mem>>)
      %add3A_430 = arith.constant 19200000 : i32
      %add3A_431 = arith.addi %add3A_430, %add3A_405 : i32
      %dma_start3A_432 = tpu.memref_slice %arg9[%add3A_431] : memref<25600000xf32, #tpu.memory_space<hbm>> -> memref<2000xf32, #tpu.memory_space<hbm>>
      %dma_start3A_433 = tpu.memref_slice %arg9[%add3A_431] : memref<25600000xf32, #tpu.memory_space<hbm>> -> memref<2000xf32, #tpu.memory_space<hbm>>
      tpu.enqueue_dma source(%arg42 : memref<2000xf32, #tpu.memory_space<vmem>>) target(%dma_start3A_433 : memref<2000xf32, #tpu.memory_space<hbm>>) target_semaphore(%arg56 : memref<!tpu.dma_semaphore, #tpu.memory_space<semaphore_mem>>)
      %add3A_434 = arith.constant 22400000 : i32
      %add3A_435 = arith.addi %add3A_434, %add3A_405 : i32
      %dma_start3A_436 = tpu.memref_slice %arg9[%add3A_435] : memref<25600000xf32, #tpu.memory_space<hbm>> -> memref<2000xf32, #tpu.memory_space<hbm>>
      %dma_start3A_437 = tpu.memref_slice %arg9[%add3A_435] : memref<25600000xf32, #tpu.memory_space<hbm>> -> memref<2000xf32, #tpu.memory_space<hbm>>
      tpu.enqueue_dma source(%arg43 : memref<2000xf32, #tpu.memory_space<vmem>>) target(%dma_start3A_437 : memref<2000xf32, #tpu.memory_space<hbm>>) target_semaphore(%arg56 : memref<!tpu.dma_semaphore, #tpu.memory_space<semaphore_mem>>)
      %add3A_438 = arith.constant 3 : i32
      %add3A_439 = arith.addi %mul3A_198, %add3A_438 : i32
      %min3A_440 = arith.constant 49 : i32
      %min3A_441 = arith.minsi %add3A_439, %min3A_440 : i32
      %mul3A_442 = arith.constant 2000 : i32
      %mul3A_443 = arith.muli %min3A_441, %mul3A_442 : i32
      %add3A_444 = arith.addi %mul3A_63, %mul3A_443 : i32
      %dma_start3A_445 = tpu.memref_slice %arg3[%add3A_444] : memref<6400000xi32, #tpu.memory_space<hbm>> -> memref<2000xi32, #tpu.memory_space<hbm>>
      %dma_start3A_446 = tpu.memref_slice %arg3[%add3A_444] : memref<6400000xi32, #tpu.memory_space<hbm>> -> memref<2000xi32, #tpu.memory_space<hbm>>
      tpu.enqueue_dma source(%dma_start3A_446 : memref<2000xi32, #tpu.memory_space<hbm>>) target(%arg11 : memref<2000xi32, #tpu.memory_space<vmem>>) target_semaphore(%arg54 : memref<!tpu.dma_semaphore, #tpu.memory_space<semaphore_mem>>)
      %dma_start3A_447 = tpu.memref_slice %arg4[%add3A_444] : memref<3200000xf32, #tpu.memory_space<hbm>> -> memref<2000xf32, #tpu.memory_space<hbm>>
      %dma_start3A_448 = tpu.memref_slice %arg4[%add3A_444] : memref<3200000xf32, #tpu.memory_space<hbm>> -> memref<2000xf32, #tpu.memory_space<hbm>>
      tpu.enqueue_dma source(%dma_start3A_448 : memref<2000xf32, #tpu.memory_space<hbm>>) target(%arg13 : memref<2000xf32, #tpu.memory_space<vmem>>) target_semaphore(%arg54 : memref<!tpu.dma_semaphore, #tpu.memory_space<semaphore_mem>>)
      %dma_start3A_449 = tpu.memref_slice %arg5[%add3A_444] : memref<3200000xf32, #tpu.memory_space<hbm>> -> memref<2000xf32, #tpu.memory_space<hbm>>
      %dma_start3A_450 = tpu.memref_slice %arg5[%add3A_444] : memref<3200000xf32, #tpu.memory_space<hbm>> -> memref<2000xf32, #tpu.memory_space<hbm>>
      tpu.enqueue_dma source(%dma_start3A_450 : memref<2000xf32, #tpu.memory_space<hbm>>) target(%arg17 : memref<2000xf32, #tpu.memory_space<vmem>>) target_semaphore(%arg54 : memref<!tpu.dma_semaphore, #tpu.memory_space<semaphore_mem>>)
      %dma_start3A_451 = tpu.memref_slice %arg6[%add3A_444] : memref<3200000xf32, #tpu.memory_space<hbm>> -> memref<2000xf32, #tpu.memory_space<hbm>>
      %dma_start3A_452 = tpu.memref_slice %arg6[%add3A_444] : memref<3200000xf32, #tpu.memory_space<hbm>> -> memref<2000xf32, #tpu.memory_space<hbm>>
      tpu.enqueue_dma source(%dma_start3A_452 : memref<2000xf32, #tpu.memory_space<hbm>>) target(%arg18 : memref<2000xf32, #tpu.memory_space<vmem>>) target_semaphore(%arg54 : memref<!tpu.dma_semaphore, #tpu.memory_space<semaphore_mem>>)
      %dma_start3A_453 = tpu.memref_slice %arg7[%add3A_444] : memref<3200000xf32, #tpu.memory_space<hbm>> -> memref<2000xf32, #tpu.memory_space<hbm>>
      %dma_start3A_454 = tpu.memref_slice %arg7[%add3A_444] : memref<3200000xf32, #tpu.memory_space<hbm>> -> memref<2000xf32, #tpu.memory_space<hbm>>
      tpu.enqueue_dma source(%dma_start3A_454 : memref<2000xf32, #tpu.memory_space<hbm>>) target(%arg19 : memref<2000xf32, #tpu.memory_space<vmem>>) target_semaphore(%arg54 : memref<!tpu.dma_semaphore, #tpu.memory_space<semaphore_mem>>)
      %scan3A_455 = arith.constant 0 : i32
      scf.yield %scan3A_455 : i32
    }
    %scan3A_130 = arith.constant 25 : i32
    %min3A_131 = arith.constant 51 : i32
    %min3A_132 = arith.constant 49 : i32
    %min3A_133 = arith.minsi %min3A_131, %min3A_132 : i32
    %mul3A_134 = arith.constant 2000 : i32
    %mul3A_135 = arith.muli %min3A_133, %mul3A_134 : i32
    %add3A_136 = arith.addi %mul3A_63, %mul3A_135 : i32
    %dma_wait3A_137 = tpu.memref_slice %arg3[%add3A_136] : memref<6400000xi32, #tpu.memory_space<hbm>> -> memref<2000xi32, #tpu.memory_space<hbm>>
    %dma_wait3A_138 = tpu.memref_slice %arg3[%add3A_136] : memref<6400000xi32, #tpu.memory_space<hbm>> -> memref<2000xi32, #tpu.memory_space<hbm>>
    tpu.wait_dma2 semaphore(%arg54 : memref<!tpu.dma_semaphore, #tpu.memory_space<semaphore_mem>>) src(%dma_wait3A_138 : memref<2000xi32, #tpu.memory_space<hbm>>) dst(%arg11 : memref<2000xi32, #tpu.memory_space<vmem>>)
    %dma_wait3A_139 = tpu.memref_slice %arg4[%add3A_136] : memref<3200000xf32, #tpu.memory_space<hbm>> -> memref<2000xf32, #tpu.memory_space<hbm>>
    %dma_wait3A_140 = tpu.memref_slice %arg4[%add3A_136] : memref<3200000xf32, #tpu.memory_space<hbm>> -> memref<2000xf32, #tpu.memory_space<hbm>>
    tpu.wait_dma2 semaphore(%arg54 : memref<!tpu.dma_semaphore, #tpu.memory_space<semaphore_mem>>) src(%dma_wait3A_140 : memref<2000xf32, #tpu.memory_space<hbm>>) dst(%arg13 : memref<2000xf32, #tpu.memory_space<vmem>>)
    %dma_wait3A_141 = tpu.memref_slice %arg5[%add3A_136] : memref<3200000xf32, #tpu.memory_space<hbm>> -> memref<2000xf32, #tpu.memory_space<hbm>>
    %dma_wait3A_142 = tpu.memref_slice %arg5[%add3A_136] : memref<3200000xf32, #tpu.memory_space<hbm>> -> memref<2000xf32, #tpu.memory_space<hbm>>
    tpu.wait_dma2 semaphore(%arg54 : memref<!tpu.dma_semaphore, #tpu.memory_space<semaphore_mem>>) src(%dma_wait3A_142 : memref<2000xf32, #tpu.memory_space<hbm>>) dst(%arg17 : memref<2000xf32, #tpu.memory_space<vmem>>)
    %dma_wait3A_143 = tpu.memref_slice %arg6[%add3A_136] : memref<3200000xf32, #tpu.memory_space<hbm>> -> memref<2000xf32, #tpu.memory_space<hbm>>
    %dma_wait3A_144 = tpu.memref_slice %arg6[%add3A_136] : memref<3200000xf32, #tpu.memory_space<hbm>> -> memref<2000xf32, #tpu.memory_space<hbm>>
    tpu.wait_dma2 semaphore(%arg54 : memref<!tpu.dma_semaphore, #tpu.memory_space<semaphore_mem>>) src(%dma_wait3A_144 : memref<2000xf32, #tpu.memory_space<hbm>>) dst(%arg18 : memref<2000xf32, #tpu.memory_space<vmem>>)
    %dma_wait3A_145 = tpu.memref_slice %arg7[%add3A_136] : memref<3200000xf32, #tpu.memory_space<hbm>> -> memref<2000xf32, #tpu.memory_space<hbm>>
    %dma_wait3A_146 = tpu.memref_slice %arg7[%add3A_136] : memref<3200000xf32, #tpu.memory_space<hbm>> -> memref<2000xf32, #tpu.memory_space<hbm>>
    tpu.wait_dma2 semaphore(%arg54 : memref<!tpu.dma_semaphore, #tpu.memory_space<semaphore_mem>>) src(%dma_wait3A_146 : memref<2000xf32, #tpu.memory_space<hbm>>) dst(%arg19 : memref<2000xf32, #tpu.memory_space<vmem>>)
    %dma_wait3A_147 = tpu.memref_slice %arg4[%mul3A_63] : memref<3200000xf32, #tpu.memory_space<hbm>> -> memref<2000xf32, #tpu.memory_space<hbm>>
    %dma_wait3A_148 = tpu.memref_slice %arg4[%mul3A_63] : memref<3200000xf32, #tpu.memory_space<hbm>> -> memref<2000xf32, #tpu.memory_space<hbm>>
    tpu.wait_dma2 semaphore(%arg55 : memref<!tpu.dma_semaphore, #tpu.memory_space<semaphore_mem>>) src(%dma_wait3A_148 : memref<2000xf32, #tpu.memory_space<hbm>>) dst(%arg20 : memref<2000xf32, #tpu.memory_space<vmem>>)
    %dma_wait3A_149 = tpu.memref_slice %arg4[%mul3A_63] : memref<3200000xf32, #tpu.memory_space<hbm>> -> memref<2000xf32, #tpu.memory_space<hbm>>
    %dma_wait3A_150 = tpu.memref_slice %arg4[%mul3A_63] : memref<3200000xf32, #tpu.memory_space<hbm>> -> memref<2000xf32, #tpu.memory_space<hbm>>
    tpu.wait_dma2 semaphore(%arg55 : memref<!tpu.dma_semaphore, #tpu.memory_space<semaphore_mem>>) src(%dma_wait3A_150 : memref<2000xf32, #tpu.memory_space<hbm>>) dst(%arg21 : memref<2000xf32, #tpu.memory_space<vmem>>)
    %dma_wait3A_151 = tpu.memref_slice %arg4[%mul3A_63] : memref<3200000xf32, #tpu.memory_space<hbm>> -> memref<2000xf32, #tpu.memory_space<hbm>>
    %dma_wait3A_152 = tpu.memref_slice %arg4[%mul3A_63] : memref<3200000xf32, #tpu.memory_space<hbm>> -> memref<2000xf32, #tpu.memory_space<hbm>>
    tpu.wait_dma2 semaphore(%arg55 : memref<!tpu.dma_semaphore, #tpu.memory_space<semaphore_mem>>) src(%dma_wait3A_152 : memref<2000xf32, #tpu.memory_space<hbm>>) dst(%arg22 : memref<2000xf32, #tpu.memory_space<vmem>>)
    %dma_wait3A_153 = tpu.memref_slice %arg4[%mul3A_63] : memref<3200000xf32, #tpu.memory_space<hbm>> -> memref<2000xf32, #tpu.memory_space<hbm>>
    %dma_wait3A_154 = tpu.memref_slice %arg4[%mul3A_63] : memref<3200000xf32, #tpu.memory_space<hbm>> -> memref<2000xf32, #tpu.memory_space<hbm>>
    tpu.wait_dma2 semaphore(%arg55 : memref<!tpu.dma_semaphore, #tpu.memory_space<semaphore_mem>>) src(%dma_wait3A_154 : memref<2000xf32, #tpu.memory_space<hbm>>) dst(%arg23 : memref<2000xf32, #tpu.memory_space<vmem>>)
    %dma_wait3A_155 = tpu.memref_slice %arg4[%mul3A_63] : memref<3200000xf32, #tpu.memory_space<hbm>> -> memref<2000xf32, #tpu.memory_space<hbm>>
    %dma_wait3A_156 = tpu.memref_slice %arg4[%mul3A_63] : memref<3200000xf32, #tpu.memory_space<hbm>> -> memref<2000xf32, #tpu.memory_space<hbm>>
    tpu.wait_dma2 semaphore(%arg55 : memref<!tpu.dma_semaphore, #tpu.memory_space<semaphore_mem>>) src(%dma_wait3A_156 : memref<2000xf32, #tpu.memory_space<hbm>>) dst(%arg24 : memref<2000xf32, #tpu.memory_space<vmem>>)
    %dma_wait3A_157 = tpu.memref_slice %arg4[%mul3A_63] : memref<3200000xf32, #tpu.memory_space<hbm>> -> memref<2000xf32, #tpu.memory_space<hbm>>
    %dma_wait3A_158 = tpu.memref_slice %arg4[%mul3A_63] : memref<3200000xf32, #tpu.memory_space<hbm>> -> memref<2000xf32, #tpu.memory_space<hbm>>
    tpu.wait_dma2 semaphore(%arg55 : memref<!tpu.dma_semaphore, #tpu.memory_space<semaphore_mem>>) src(%dma_wait3A_158 : memref<2000xf32, #tpu.memory_space<hbm>>) dst(%arg25 : memref<2000xf32, #tpu.memory_space<vmem>>)
    %dma_wait3A_159 = tpu.memref_slice %arg4[%mul3A_63] : memref<3200000xf32, #tpu.memory_space<hbm>> -> memref<2000xf32, #tpu.memory_space<hbm>>
    %dma_wait3A_160 = tpu.memref_slice %arg4[%mul3A_63] : memref<3200000xf32, #tpu.memory_space<hbm>> -> memref<2000xf32, #tpu.memory_space<hbm>>
    tpu.wait_dma2 semaphore(%arg55 : memref<!tpu.dma_semaphore, #tpu.memory_space<semaphore_mem>>) src(%dma_wait3A_160 : memref<2000xf32, #tpu.memory_space<hbm>>) dst(%arg26 : memref<2000xf32, #tpu.memory_space<vmem>>)
    %dma_wait3A_161 = tpu.memref_slice %arg4[%mul3A_63] : memref<3200000xf32, #tpu.memory_space<hbm>> -> memref<2000xf32, #tpu.memory_space<hbm>>
    %dma_wait3A_162 = tpu.memref_slice %arg4[%mul3A_63] : memref<3200000xf32, #tpu.memory_space<hbm>> -> memref<2000xf32, #tpu.memory_space<hbm>>
    tpu.wait_dma2 semaphore(%arg55 : memref<!tpu.dma_semaphore, #tpu.memory_space<semaphore_mem>>) src(%dma_wait3A_162 : memref<2000xf32, #tpu.memory_space<hbm>>) dst(%arg27 : memref<2000xf32, #tpu.memory_space<vmem>>)
    %add3A_163 = arith.constant 0 : i32
    %add3A_164 = arith.addi %add3A_163, %mul3A_63 : i32
    %dma_wait3A_165 = tpu.memref_slice %arg9[%add3A_164] : memref<25600000xf32, #tpu.memory_space<hbm>> -> memref<2000xf32, #tpu.memory_space<hbm>>
    %dma_wait3A_166 = tpu.memref_slice %arg9[%add3A_164] : memref<25600000xf32, #tpu.memory_space<hbm>> -> memref<2000xf32, #tpu.memory_space<hbm>>
    tpu.wait_dma2 semaphore(%arg56 : memref<!tpu.dma_semaphore, #tpu.memory_space<semaphore_mem>>) src(%arg36 : memref<2000xf32, #tpu.memory_space<vmem>>) dst(%dma_wait3A_166 : memref<2000xf32, #tpu.memory_space<hbm>>)
    %add3A_167 = arith.constant 3200000 : i32
    %add3A_168 = arith.addi %add3A_167, %mul3A_63 : i32
    %dma_wait3A_169 = tpu.memref_slice %arg9[%add3A_168] : memref<25600000xf32, #tpu.memory_space<hbm>> -> memref<2000xf32, #tpu.memory_space<hbm>>
    %dma_wait3A_170 = tpu.memref_slice %arg9[%add3A_168] : memref<25600000xf32, #tpu.memory_space<hbm>> -> memref<2000xf32, #tpu.memory_space<hbm>>
    tpu.wait_dma2 semaphore(%arg56 : memref<!tpu.dma_semaphore, #tpu.memory_space<semaphore_mem>>) src(%arg37 : memref<2000xf32, #tpu.memory_space<vmem>>) dst(%dma_wait3A_170 : memref<2000xf32, #tpu.memory_space<hbm>>)
    %add3A_171 = arith.constant 6400000 : i32
    %add3A_172 = arith.addi %add3A_171, %mul3A_63 : i32
    %dma_wait3A_173 = tpu.memref_slice %arg9[%add3A_172] : memref<25600000xf32, #tpu.memory_space<hbm>> -> memref<2000xf32, #tpu.memory_space<hbm>>
    %dma_wait3A_174 = tpu.memref_slice %arg9[%add3A_172] : memref<25600000xf32, #tpu.memory_space<hbm>> -> memref<2000xf32, #tpu.memory_space<hbm>>
    tpu.wait_dma2 semaphore(%arg56 : memref<!tpu.dma_semaphore, #tpu.memory_space<semaphore_mem>>) src(%arg38 : memref<2000xf32, #tpu.memory_space<vmem>>) dst(%dma_wait3A_174 : memref<2000xf32, #tpu.memory_space<hbm>>)
    %add3A_175 = arith.constant 9600000 : i32
    %add3A_176 = arith.addi %add3A_175, %mul3A_63 : i32
    %dma_wait3A_177 = tpu.memref_slice %arg9[%add3A_176] : memref<25600000xf32, #tpu.memory_space<hbm>> -> memref<2000xf32, #tpu.memory_space<hbm>>
    %dma_wait3A_178 = tpu.memref_slice %arg9[%add3A_176] : memref<25600000xf32, #tpu.memory_space<hbm>> -> memref<2000xf32, #tpu.memory_space<hbm>>
    tpu.wait_dma2 semaphore(%arg56 : memref<!tpu.dma_semaphore, #tpu.memory_space<semaphore_mem>>) src(%arg39 : memref<2000xf32, #tpu.memory_space<vmem>>) dst(%dma_wait3A_178 : memref<2000xf32, #tpu.memory_space<hbm>>)
    %add3A_179 = arith.constant 12800000 : i32
    %add3A_180 = arith.addi %add3A_179, %mul3A_63 : i32
    %dma_wait3A_181 = tpu.memref_slice %arg9[%add3A_180] : memref<25600000xf32, #tpu.memory_space<hbm>> -> memref<2000xf32, #tpu.memory_space<hbm>>
    %dma_wait3A_182 = tpu.memref_slice %arg9[%add3A_180] : memref<25600000xf32, #tpu.memory_space<hbm>> -> memref<2000xf32, #tpu.memory_space<hbm>>
    tpu.wait_dma2 semaphore(%arg56 : memref<!tpu.dma_semaphore, #tpu.memory_space<semaphore_mem>>) src(%arg40 : memref<2000xf32, #tpu.memory_space<vmem>>) dst(%dma_wait3A_182 : memref<2000xf32, #tpu.memory_space<hbm>>)
    %add3A_183 = arith.constant 16000000 : i32
    %add3A_184 = arith.addi %add3A_183, %mul3A_63 : i32
    %dma_wait3A_185 = tpu.memref_slice %arg9[%add3A_184] : memref<25600000xf32, #tpu.memory_space<hbm>> -> memref<2000xf32, #tpu.memory_space<hbm>>
    %dma_wait3A_186 = tpu.memref_slice %arg9[%add3A_184] : memref<25600000xf32, #tpu.memory_space<hbm>> -> memref<2000xf32, #tpu.memory_space<hbm>>
    tpu.wait_dma2 semaphore(%arg56 : memref<!tpu.dma_semaphore, #tpu.memory_space<semaphore_mem>>) src(%arg41 : memref<2000xf32, #tpu.memory_space<vmem>>) dst(%dma_wait3A_186 : memref<2000xf32, #tpu.memory_space<hbm>>)
    %add3A_187 = arith.constant 19200000 : i32
    %add3A_188 = arith.addi %add3A_187, %mul3A_63 : i32
    %dma_wait3A_189 = tpu.memref_slice %arg9[%add3A_188] : memref<25600000xf32, #tpu.memory_space<hbm>> -> memref<2000xf32, #tpu.memory_space<hbm>>
    %dma_wait3A_190 = tpu.memref_slice %arg9[%add3A_188] : memref<25600000xf32, #tpu.memory_space<hbm>> -> memref<2000xf32, #tpu.memory_space<hbm>>
    tpu.wait_dma2 semaphore(%arg56 : memref<!tpu.dma_semaphore, #tpu.memory_space<semaphore_mem>>) src(%arg42 : memref<2000xf32, #tpu.memory_space<vmem>>) dst(%dma_wait3A_190 : memref<2000xf32, #tpu.memory_space<hbm>>)
    %add3A_191 = arith.constant 22400000 : i32
    %add3A_192 = arith.addi %add3A_191, %mul3A_63 : i32
    %dma_wait3A_193 = tpu.memref_slice %arg9[%add3A_192] : memref<25600000xf32, #tpu.memory_space<hbm>> -> memref<2000xf32, #tpu.memory_space<hbm>>
    %dma_wait3A_194 = tpu.memref_slice %arg9[%add3A_192] : memref<25600000xf32, #tpu.memory_space<hbm>> -> memref<2000xf32, #tpu.memory_space<hbm>>
    tpu.wait_dma2 semaphore(%arg56 : memref<!tpu.dma_semaphore, #tpu.memory_space<semaphore_mem>>) src(%arg43 : memref<2000xf32, #tpu.memory_space<vmem>>) dst(%dma_wait3A_194 : memref<2000xf32, #tpu.memory_space<hbm>>)
    return
  }
}

module attributes {stable_mosaic.version = 14 : i64} {
  func.func @_sum_t_body(%arg0: memref<800000xf32, #tpu.memory_space<vmem>>, %arg1: memref<800000xf32, #tpu.memory_space<vmem>>, %arg2: memref<800000xf32, #tpu.memory_space<vmem>>) attributes {dimension_semantics = [], scalar_prefetch = 0 : i64, scratch_operands = 0 : i64, tpu.core_type = #tpu.core_type<tc>} {
    %get3A = arith.constant 0 : index
    %get3A_0 = vector.load %arg0[%get3A] : memref<800000xf32, #tpu.memory_space<vmem>>, vector<800000xf32>
    %get3A_1 = arith.constant 0 : index
    %get3A_2 = vector.load %arg1[%get3A_1] : memref<800000xf32, #tpu.memory_space<vmem>>, vector<800000xf32>
    %add3A = arith.addf %get3A_0, %get3A_2 : vector<800000xf32>
    %swap3A = arith.constant 0 : index
    %swap3A_3 = vector.load %arg2[%swap3A] : memref<800000xf32, #tpu.memory_space<vmem>>, vector<800000xf32>
    tpu.vector_store %arg2[%swap3A], %add3A {strides = array<i32>} : memref<800000xf32, #tpu.memory_space<vmem>>, vector<800000xf32>,
    return
  }
}

</mosaic_0001>

<sc_bundles>
// kernel: kernel.5.cloned.1.call-start
scs
__scs_entry_jumppad:
0x0: {  	(pc) =	sbr.rel $0x88, $3  }
0x1: {  	(tag) =	ssettag $0x0;
	lr =	simm.s32 $0x1  }
0x2: {  	[smem:$0x3F9C] =	sst lr;
	_ =	strace $0xD0000000  }
0x3: {  	_ = 	snop  }
0x4: {  	_ = 	snop  }
0x5: {  	_ = 	snop  }
0x6: {  	_ = 	snop  }
0x7: {  	_ = 	snop  }
__scs_overlays_trampoline_lowered:
0x8: {  	[smem:$0x3FAB] =	sst s0  }
0x9: {  	[smem:$0x3FAC] =	sst s1  }
0xa: {  	[smem:$0x3FAD] =	sst s2  }
0xb: {  	[smem:$0x3FAE] =	sst s3  }
0xc: {  	[smem:$0x3FAF] =	sst s4  }
0xd: {  	[smem:$0x3FB0] =	sst s5  }
0xe: {  	[smem:$0x3FB1] =	sst s6  }
0xf: {  	[smem:$0x3FB2] =	sst s7  }
0x10: {  	[smem:$0x3FB3] =	sst s8  }
0x11: {  	[smem:$0x3FB4] =	sst s9;
	s0 =	simm.s32 @!p0 $0x0  }
0x12: {  	s1 =	sld [smem:$0x3F9A];
	s0 =	simm.s32 @p0 $0x1  }
0x13: {  	[smem:$0x3FB5] =	sst s0;
	s0 =	simm.s32 @!p1 $0x0  }
0x14: {  	s2 =	sld [smem:$0x3F99];
	s0 =	simm.s32 @p1 $0x1  }
0x15: {  	[smem:$0x3FB6] =	sst s0;
	s0 =	simm.s32 @!p2 $0x0  }
0x16: {  	s3 =	sld [smem:$0x3FDB];
	s0 =	simm.s32 @p2 $0x1  }
0x17: {  	s4 =	simm.s32 $0x1BF5;
	[smem:$0x3FB8] =	sst s0  }
0x18: {  	s0 =	sld [smem:$0x3F9B];
	_ =	swait.ge [sflag:s4], $0x0  }
0x19: {  	s7 =	sld [smem:$0x3F9C]  }
0x1a: {  	s8 =	sadd.s32 $0xFFFFE003, lr  }
0x1b: {  	s9 =	sadd.s32 $0xFFFFFEF7, lr;
	s5 =	simm.s32 $0xFFFFFFFF;
	p2 =	slt.u32 s8, $0xFFFFF086  }
0x1c: {  	p1 =	slt.u32 s9, $0xF7A;
	s5 =	simm.s32 @!p2 $0x0  }
0x1d: {  	s5 =	simm.s32 @p1 $0x1;
	p0 =	seq.s32 s7, s2  }
0x1e: {  	s7 =	smul.u32 @!p0 $0xF7A, s2;
	p2 =	seq.s32 @!p0 s5, $0x0  }
0x1f: {  	s9 =	smul.u32 $0xF7A, s1;
	s8 =	simm.s32 @!p0 $0x1BF5;
	p2 =	por !p2, p0  }
0x20: {  	[sflag:s8] =	ssyncset.s32 @!p0 $0xFFFFF086;
	s6 =	sadd.s32 @!p0 s3, s7;
	s7 =	simm.s32 @!p0 $0x108  }
0x21: {  	s3 =	sadd.s32 s3, s9;
	s6 =	sadd.s32 @!p0 $0x88, s6;
	s7 =	simm.s32 @p2 $0x1082  }
0x22: {  	[simem:s7], [sflag:s8] =	dma.local @!p0 [hbm:s6], $0xF7A  }
0x23: {  	s9 =	sor.u32 $0xD0000000, s2;
	s6 =	simm.s32 $0x108;
	_ =	swait.ge @!p0 [sflag:s8], $0x0  }
0x24: {  	s3 =	sadd.s32 $0x88, s3;
	s6 =	simm.s32 @!p1 $0x1082;
	[sflag:s4] =	ssyncset.s32 $0xFFFFF086  }
0x25: {  	[simem:s6], [sflag:s4] =	dma.local [hbm:s3], $0xF7A  }
0x26: {  	[smem:$0x3F9C] =	sst s1;
	(tag) =	ssettag s2;
	_ =	strace s9  }
0x27: {  	s1 =	sld [smem:$0x3FAC]  }
0x28: {  	s2 =	sld [smem:$0x3FAD]  }
0x29: {  	s4 =	sld [smem:$0x3FAF]  }
0x2a: {  	p0 =	seq.s32 s5, $0x0;
	s5 =	sld [smem:$0x3FB0]  }
0x2b: {  	s6 =	sld [smem:$0x3FB1]  }
0x2c: {  	s7 =	sld [smem:$0x3FB2]  }
0x2d: {  	s3 =	simm.s32 $0x108;
	s8 =	sld [smem:$0x3FB3]  }
0x2e: {  	s3 =	simm.s32 @!p0 $0x1082;
	s9 =	sld [smem:$0x3FB4]  }
0x2f: {  	lr =	sadd.s32 s0, s3;
	s0 =	sld [smem:$0x3FAB]  }
0x30: {  	s3 =	sld [smem:$0x3FAE]  }
0x31: {  	[smem:$0x3FB7] =	sst s10  }
0x32: {  	s10 =	sld [smem:$0x3FB5];
	_ =	sdelay $0x3  }
0x33: {  	p0 =	seq.s32 s10, $0x1;
	s10 =	sld [smem:$0x3FB7];
	_ =	sdelay $0x3  }
0x34: {  	[smem:$0x3FB7] =	sst s10  }
0x35: {  	s10 =	sld [smem:$0x3FB6];
	_ =	sdelay $0x3  }
0x36: {  	p1 =	seq.s32 s10, $0x1;
	s10 =	sld [smem:$0x3FB7];
	_ =	sdelay $0x3  }
0x37: {  	[smem:$0x3FB7] =	sst s10  }
0x38: {  	s10 =	sld [smem:$0x3FB8]  }
0x39: {  	_ = 	snop;
	(pc) =	sbr.ind lr, $3  }
0x3a: {  	_ = 	snop  }
0x3b: {  	_ = 	snop  }
0x3c: {  	p2 =	seq.s32 s10, $0x1;
	s10 =	sld [smem:$0x3FB7]  }
0x3d: {  	_ =	shalt  }
0x3e: {  	_ =	shalt  }
0x3f: {  	_ =	shalt  }
0x40: {  	_ =	shalt  }
0x41: {  	_ =	shalt  }
0x42: {  	_ =	shalt  }
0x43: {  	_ =	shalt  }
0x44: {  	_ =	shalt  }
0x45: {  	_ =	shalt  }
0x46: {  	_ =	shalt  }
0x47: {  	_ =	shalt  }
0x48: {  	_ =	shalt  }
0x49: {  	_ =	shalt  }
0x4a: {  	_ =	shalt  }
0x4b: {  	_ =	shalt  }
0x4c: {  	_ =	shalt  }
0x4d: {  	_ =	shalt  }
0x4e: {  	_ =	shalt  }
0x4f: {  	_ =	shalt  }
0x50: {  	_ =	shalt  }
0x51: {  	_ =	shalt  }
0x52: {  	_ =	shalt  }
0x53: {  	_ =	shalt  }
0x54: {  	_ =	shalt  }
0x55: {  	_ =	shalt  }
0x56: {  	_ =	shalt  }
0x57: {  	_ =	shalt  }
0x58: {  	_ =	shalt  }
0x59: {  	_ =	shalt  }
0x5a: {  	_ =	shalt  }
0x5b: {  	_ =	shalt  }
0x5c: {  	_ =	shalt  }
0x5d: {  	_ =	shalt  }
0x5e: {  	_ =	shalt  }
0x5f: {  	_ =	shalt  }
0x60: {  	_ =	shalt  }
0x61: {  	_ =	shalt  }
0x62: {  	_ =	shalt  }
0x63: {  	_ =	shalt  }
0x64: {  	_ =	shalt  }
0x65: {  	_ =	shalt  }
0x66: {  	_ =	shalt  }
0x67: {  	_ =	shalt  }
0x68: {  	_ =	shalt  }
0x69: {  	_ =	shalt  }
0x6a: {  	_ =	shalt  }
0x6b: {  	_ =	shalt  }
0x6c: {  	_ =	shalt  }
0x6d: {  	_ =	shalt  }
0x6e: {  	_ =	shalt  }
0x6f: {  	_ =	shalt  }
0x70: {  	_ =	shalt  }
0x71: {  	_ =	shalt  }
0x72: {  	_ =	shalt  }
0x73: {  	_ =	shalt  }
0x74: {  	_ =	shalt  }
0x75: {  	_ =	shalt  }
0x76: {  	_ =	shalt  }
0x77: {  	_ =	shalt  }
0x78: {  	_ =	shalt  }
0x79: {  	_ =	shalt  }
0x7a: {  	_ =	shalt  }
0x7b: {  	_ =	shalt  }
0x7c: {  	_ =	shalt  }
0x7d: {  	_ =	shalt  }
0x7e: {  	_ =	shalt  }
0x7f: {  	_ =	shalt  }
0x80: {  	_ =	shalt  }
0x81: {  	_ =	shalt  }
0x82: {  	_ =	shalt  }
0x83: {  	_ =	shalt  }
0x84: {  	_ =	shalt  }
0x85: {  	_ =	shalt  }
0x86: {  	_ =	shalt  }
0x87: {  	_ =	shalt  }
.Lfunc_end0:
.L_simem_size_0:
called_computation_lowered:
.L_overlay_start_0:
0x88: {  	s2 =	sld [smem:$0x3FD9]  }
0x89: {  	s3 =	sld [smem:$0x3FFE];
	_ =	sdelay $0x1  }
0x8a: {  	s1 =	srdreg.scid  }
0x8b: {  	s0 =	sand.u32 $0x1, s1  }
0x8c: {  	s17 =	sshll.u32 s0, $0xA;
	s2 =	sadd.s32 s3, s2  }
0x8d: {  	s2 =	sadd.s32 s2, s17  }
0x8e: {  	[smem:$0x3FC3] =	sst s2  }
0x8f: {  	_ = 	snop  }
0x90: {  	s2 =	sld [smem:$0x3FC7]  }
0x91: {  	s18 =	sld [smem:$0x3FD0];
	(tm) =	ssettm $0x1  }
0x92: {  	s4 =	sld [smem:$0x3FFB];
	_ =	sdelay $0x3  }
0x93: {  	_ =	strace s4  }
0x94: {  	s4 =	sld [smem:$0x3FFC];
	_ =	sdelay $0x3  }
0x95: {  	_ =	strace s4  }
0x96: {  	s4 =	sld [smem:$0x3FFD];
	_ =	sdelay $0x3  }
0x97: {  	_ =	strace s4  }
0x98: {  	_ =	strace $0x8FFFFFFF  }
0x99: {  	s19 =	sld [smem:$0x3FDB];
	_ =	sdelay $0x1  }
0x9a: {  	s5 =	simm.s32 $_scs_section_size  }
0x9b: {  	s6 =	simm.s32 $_size__tile_overlayer_lowered;
	s7 =	simm.s32 $_tile_overlayer_lowered  }
0x9c: {  	s22 =	simm.s32 $0x1BFF;
	s21 =	sshll.u32 s7, $0x1;
	s4 =	sadd.s32 s5, s19  }
0x9d: {  	s8 =	simm.s32 $0x0;
	s20 =	sshll.u32 s6, $0x1;
	s6 =	sadd.s32 s21, s4  }
0x9e: {  	[timem:s8], [sflag:s22] =	dma.local [hbm:s6], s20  }
0x9f: {  	_ =	swait.ge [sflag:s22], s20  }
0xa0: {  	s5 =	ssub.s32 $0x0, s20;
	[sflag:s22] =	ssyncset.done $0x0  }
0xa1: {  	[sflag:s22] =	ssyncadd.s32 s5;
	_ =	sdelay $0x1  }
0xa2: {  	s23 =	simm.s32 $0x1B8B  }
0xa3: {  	_ =	swait.ge [sflag:s23], $0x1  }
0xa4: {  	[sflag:s23] =	ssyncset.done $0x0  }
0xa5: {  	s25 =	simm.s32 $0x1B8E;
	s24 =	sld [smem:$0x3FFE];
	[sflag:s23] =	ssyncadd.s32 $0xFFFFFFFF  }
0xa6: {  	s26 =	simm.s32 $execute0_lowered;
	[smem:$0x3FD2] =	sst s25  }
0xa7: {  	s6 =	sshll.u32 s26, $0x1;
	_ =	strace $0x80000046;
	[dreg:$0x1] =	wrdreg $0xFFFFFFFF  }
0xa8: {  	s28 =	simm.s32 $_size_execute0_lowered;
	s4 =	sadd.s32 s4, s6;
	[dreg:$0x0] =	wrdreg $0x0  }
0xa9: {  	s6 =	sshll.u32 s28, $0x1;
	[dreg:$0x2] =	wrdreg s4  }
0xaa: {  	[dreg:$0x3] =	wrdreg s6  }
0xab: {  	[dreg:$0x4] =	wrdreg $0xC0  }
0xac: {  	_ =	task [dreg:s8], $0x5FFFF  }
0xad: {  	[dreg:$0x1] =	wrdreg $0xFFFFFFFF  }
0xae: {  	[dreg:$0x0] =	wrdreg $0x60  }
0xaf: {  	[dreg:$0x2] =	wrdreg s18  }
0xb0: {  	[dreg:$0x3] =	wrdreg s24  }
0xb1: {  	[dreg:$0x4] =	wrdreg s2  }
0xb2: {  	[dreg:$0x5] =	wrdreg $0x129000  }
0xb3: {  	[dreg:$0x6] =	wrdreg $0x141700  }
0xb4: {  	[dreg:$0x7] =	wrdreg $0x159E00  }
0xb5: {  	[dreg:$0x8] =	wrdreg $0x172500  }
0xb6: {  	[dreg:$0x9] =	wrdreg $0x18AC00  }
0xb7: {  	[dreg:$0xa] =	wrdreg $0x1A3300  }
0xb8: {  	[dreg:$0xb] =	wrdreg $0x1BBA00  }
0xb9: {  	[dreg:$0xc] =	wrdreg $0x1D4100  }
0xba: {  	[dreg:$0xd] =	wrdreg $0x9  }
0xbb: {  	_ =	task.clear_ibuf [dreg:s8], $0xEFFFF;
	_ =	strace $0x90000046  }
0xbc: {  	s29 =	simm.s32 $0x9;
	_ =	strace $0x80000048  }
0xbd: {  	_ =	swait.ge [sflag:s29], $0x1  }
0xbe: {  	[sflag:s29] =	ssyncadd.s32 $0xFFFFFFFF  }
0xbf: {  	_ =	strace $0x90000048  }
0xc0: {  	_ =	sfence  }
0xc1: {  	s30 =	sld [smem:$0x0];
	_ =	sdelay $0x2  }
0xc2: {  	s31 =	sshll.u32 s1, $0xD;
	s1 =	sshrl.u32 s1, $0x2  }
0xc3: {  	s3 =	sand.u32 $0x4000, s31;
	s1 =	sadd.s32 s1, s30  }
0xc4: {  	s0 =	sor.u32 s3, s0;
	s1 =	sshll.u32 s1, $0x11  }
0xc5: {  	s0 =	sor.u32 s1, s0  }
0xc6: {  	s0 =	sadd.s32 $0x8F2B, s0  }
0xc7: {  	[sflag:s0] =	ssyncadd.remote.s32 $0x1  }
0xc8: {  	_ =	sfence.sel $0xFFFF  }
0xc9: {  	[dreg:$0x0] =	wrdreg $0xFFFFFFFF;
	(pc) =	sbr.abs _section_cstart, $3  }
0xca: {  	[dreg:$0x1] =	wrdreg $0xFFFFFFFF  }
0xcb: {  	_ =	task.clear_ibuf [dreg:s8], $0x2FFFF;
	_ =	strace $0x9FFFFFFF  }
0xcc: {  	(tm) =	ssettm $0x7FFFFFFF  }
0xcd: {  	_ =	shalt  }
tec
execute0_lowered:
.L_overlay_start_1:
0x0: {  	(tag) =	ssettag $0x1  }
0x1: {  	s0 =	rddreg [dreg:$0x0]  }
0x2: {  	s1 =	rddreg [dreg:$0x1]  }
0x3: {  	s8 =	rddreg [dreg:$0x2]  }
0x4: {  	s5 =	rddreg [dreg:$0x3]  }
0x5: {  	s6 =	rddreg [dreg:$0x4]  }
0x6: {  	s7 =	rddreg [dreg:$0x5]  }
0x7: {  	s9 =	rddreg [dreg:$0x6]  }
0x8: {  	s11 =	rddreg [dreg:$0x7]  }
0x9: {  	s16 =	rddreg [dreg:$0x8]  }
0xa: {  	s18 =	rddreg [dreg:$0x9]  }
0xb: {  	s21 =	rddreg [dreg:$0xa];
	s10 =	simm.s32 $0x0;
	s2 =	srdreg.scid  }
0xc: {  	s19 =	stileid.u32;
	[smem:$0x7FF] =	sst s10;
	s13 =	sadd.s32 $0x187600, s1  }
0xd: {  	s12 =	sadd.s32 $0x800, s1;
	s14 =	sadd.s32 $0x125A00, s1;
	s4 =	smul.u32 $0x1870, s19  }
0xe: {  	s2 =	sand.u32 $0x1, s2;
	s15 =	sadd.s32 $0xC3E00, s1;
	s17 =	sadd.s32 $0x1EB200, s1  }
0xf: {  	_ =	strace $0x80000047;
	[dreg:$0xc] =	wrdreg s17;
	s24 =	sadd.s32 s4, s5  }
0x10: {  	s3 =	ssub.s32 $0x2, s2;
	s25 =	sadd.s32 s4, s6;
	[dreg:$0xe] =	wrdreg s24  }
0x11: {  	s17 =	sadd.s32 $0x1EB400, s1;
	s26 =	sadd.s32 s4, s7;
	[dreg:$0xf] =	wrdreg s25  }
0x12: {  	s2 =	sshll.u32 s2, $0x4;
	s6 =	sadd.s32 s4, s11;
	[dreg:$0x10] =	wrdreg s26  }
0x13: {  	s22 =	sshrl.u32 s3, $0x1;
	s7 =	sadd.s32 s4, s16;
	[dreg:$0x12] =	wrdreg s6  }
0x14: {  	s2 =	sor.u32 s19, s2;
	s11 =	sadd.s32 s4, s21;
	[dreg:$0x13] =	wrdreg s7  }
0x15: {  	s5 =	smul.u32 $0x186A0, s2;
	s2 =	sadd.s32 s4, s9;
	[dreg:$0x15] =	wrdreg s11  }
0x16: {  	s23 =	sshrl.u32 s4, $0x3;
	s9 =	sadd.s32 s4, s18;
	[dreg:$0x11] =	wrdreg s2  }
0x17: {  	s1 =	ssub.s32 s3, s22;
	s3 =	sadd.s32 s0, s23;
	[dreg:$0x14] =	wrdreg s9  }
0x18: {  	s9 =	smax.u32 s1, $0x1;
	[dreg:$0xd] =	wrdreg s3  }
0x19: {  	s31 =	smov.u32 s16;
	s11 =	sadd.s32 $0x30E0, s3;
	[smem:$0x7F4] =	sst s9  }
0x1a: {  	s16 =	sshrl.u32 s5, $0x3;
	s22 =	sadd.s32 $0x7D0, s5;
	[smem:$0x7F5] =	sst s11  }
0x1b: {  	s19 =	smov.u32 s18;
	s18 =	sadd.s32 s12, s16;
	[dreg:$0x18] =	wrdreg s22  }
0x1c: {  	s20 =	smov.u32 s21;
	s21 =	sadd.s32 s8, s16;
	[dreg:$0x16] =	wrdreg s18  }
0x1d: {  	s23 =	sadd.s32 s13, s16;
	[dreg:$0x17] =	wrdreg s21  }
0x1e: {  	s24 =	sadd.s32 s14, s16;
	[dreg:$0x19] =	wrdreg s23  }
0x1f: {  	s0 =	sadd.s32 s15, s16;
	[dreg:$0x1a] =	wrdreg s24  }
0x20: {  	s16 =	sadd.s32 $0x61C0, s3;
	[dreg:$0x1b] =	wrdreg s0  }
0x21: {  	s2 =	sshrl.u32 s22, $0x3;
	s22 =	sadd.s32 $0xF460, s3;
	[smem:$0x7F6] =	sst s16  }
0x22: {  	s25 =	sadd.s32 s12, s2;
	[smem:$0x7F9] =	sst s22  }
0x23: {  	s29 =	simm.s32 $0x1;
	s26 =	sadd.s32 s8, s2;
	[dreg:$0x1c] =	wrdreg s25  }
0x24: {  	s30 =	simm.s32 $0x7D0;
	s4 =	sadd.s32 s13, s2;
	[dreg:$0x1d] =	wrdreg s26  }
0x25: {  	s28 =	simm.s32 $0x800;
	s6 =	sadd.s32 s14, s2;
	[dreg:$0x1e] =	wrdreg s4  }
0x26: {  	s11 =	simm.s32 $0xF000;
	s7 =	sadd.s32 s15, s2;
	[dreg:$0x1f] =	wrdreg s6  }
0x27: {  	s18 =	sadd.s32 $0x92A0, s3;
	s21 =	sadd.s32 $0xC380, s3;
	[smem:$0x7F3] =	sst s7  }
0x28: {  	s23 =	sadd.s32 $0x12540, s3;
	s24 =	sadd.s32 $0x15620, s3;
	[smem:$0x7F7] =	sst s18  }
0x29: {  	s22 =	smov.u32 s5;
	s3 =	simm.s32 $0xE800;
	[smem:$0x7F8] =	sst s21  }
0x2a: {  	s16 =	simm.s32 $0xF800;
	s0 =	simm.s32 $0x3;
	[smem:$0x7FA] =	sst s23  }
0x2b: {  	s2 =	simm.s32 $0x0;
	[smem:$0x7FB] =	sst s24;
	s25 =	sadd.s32 $0xFA0, s5  }
0x2c: {  	s26 =	sadd.s32 $0x1770, s5;
	s21 =	simm.s32 $0x2;
	s24 =	simm.s32 $0xD000  }
0x2d: {  	s18 =	simm.s32 $0x10000;
	s23 =	simm.s32 $0x10800;
	[smem:$0x7FC] =	sst s25  }
0x2e: {  	[smem:$0x7FD] =	sst s26;
	s25 =	simm.s32 $0xD800;
	s26 =	simm.s32 $0xE000  }
.LBB2_1:
0x2f: {  	[smem:$0x7F2] =	sst s2  }
0x30: {  	s1 =	rddreg [dreg:$0xd];
	s2 =	simm.s32 $0x11080;
	s4 =	simm.s32 $0x4  }
0x31: {  	[tilespmem:s2], [sflag:$0x4] =	stream.linear.gather [hbm4b:s1+s10], $0x1870, $0x38;
	[tilespmem:$0x1EC80] =	vst v63  }
0x32: {  	_ =	swait.ge [sflag:s4], $0x1870  }
0x33: {  	[sflag:s4] =	ssyncset.done $0x0  }
0x34: {  	s7 =	rddreg [dreg:$0xe];
	[sflag:s4] =	ssyncadd.s32 $0xFFFFE790  }
0x35: {  	[spmem:s7] =	stream.linear.scatter [tilespmem:s2], [sflag:$0x4], $0x1870, $0x38;
	[tilespmem:$0x1EC80] =	vst v63  }
0x36: {  	_ =	swait.ge [sflag:s4], $0x1870  }
0x37: {  	s9 =	sld [smem:$0x7F5]  }
0x38: {  	[sflag:s4] =	ssyncset.done $0x0  }
0x39: {  	[sflag:s4] =	ssyncadd.s32 $0xFFFFE790  }
0x3a: {  	[tilespmem:s2], [sflag:$0x4] =	stream.linear.gather [hbm4b:s9+s10], $0x1870, $0x38;
	[tilespmem:$0x1EC80] =	vst v63  }
0x3b: {  	_ =	swait.ge [sflag:s4], $0x1870  }
0x3c: {  	[sflag:s4] =	ssyncset.done $0x0  }
0x3d: {  	s5 =	rddreg [dreg:$0xf];
	[sflag:s4] =	ssyncadd.s32 $0xFFFFE790  }
0x3e: {  	[spmem:s5] =	stream.linear.scatter [tilespmem:s2], [sflag:$0x4], $0x1870, $0x38;
	[tilespmem:$0x1EC80] =	vst v63  }
0x3f: {  	_ =	swait.ge [sflag:s4], $0x1870  }
0x40: {  	s6 =	sld [smem:$0x7F6]  }
0x41: {  	[sflag:s4] =	ssyncset.done $0x0  }
0x42: {  	[sflag:s4] =	ssyncadd.s32 $0xFFFFE790  }
0x43: {  	[tilespmem:s2], [sflag:$0x4] =	stream.linear.gather [hbm4b:s6+s10], $0x1870, $0x38;
	[tilespmem:$0x1EC80] =	vst v63  }
0x44: {  	_ =	swait.ge [sflag:s4], $0x1870  }
0x45: {  	[sflag:s4] =	ssyncset.done $0x0  }
0x46: {  	s7 =	rddreg [dreg:$0x10];
	[sflag:s4] =	ssyncadd.s32 $0xFFFFE790  }
0x47: {  	[spmem:s7] =	stream.linear.scatter [tilespmem:s2], [sflag:$0x4], $0x1870, $0x38;
	[tilespmem:$0x1EC80] =	vst v63  }
0x48: {  	_ =	swait.ge [sflag:s4], $0x1870  }
0x49: {  	s9 =	sld [smem:$0x7F7]  }
0x4a: {  	[sflag:s4] =	ssyncset.done $0x0  }
0x4b: {  	[sflag:s4] =	ssyncadd.s32 $0xFFFFE790  }
0x4c: {  	[tilespmem:s2], [sflag:$0x4] =	stream.linear.gather [hbm4b:s9+s10], $0x1870, $0x38;
	[tilespmem:$0x1EC80] =	vst v63  }
0x4d: {  	_ =	swait.ge [sflag:s4], $0x1870  }
0x4e: {  	[sflag:s4] =	ssyncset.done $0x0  }
0x4f: {  	s5 =	rddreg [dreg:$0x11];
	[sflag:s4] =	ssyncadd.s32 $0xFFFFE790  }
0x50: {  	[spmem:s5] =	stream.linear.scatter [tilespmem:s2], [sflag:$0x4], $0x1870, $0x38;
	[tilespmem:$0x1EC80] =	vst v63  }
0x51: {  	_ =	swait.ge [sflag:s4], $0x1870  }
0x52: {  	s6 =	sld [smem:$0x7F8]  }
0x53: {  	[sflag:s4] =	ssyncset.done $0x0  }
0x54: {  	[sflag:s4] =	ssyncadd.s32 $0xFFFFE790  }
0x55: {  	[tilespmem:s2], [sflag:$0x4] =	stream.linear.gather [hbm4b:s6+s10], $0x1870, $0x38;
	[tilespmem:$0x1EC80] =	vst v63  }
0x56: {  	_ =	swait.ge [sflag:s4], $0x1870  }
0x57: {  	[sflag:s4] =	ssyncset.done $0x0  }
0x58: {  	s7 =	rddreg [dreg:$0x12];
	[sflag:s4] =	ssyncadd.s32 $0xFFFFE790  }
0x59: {  	[spmem:s7] =	stream.linear.scatter [tilespmem:s2], [sflag:$0x4], $0x1870, $0x38;
	[tilespmem:$0x1EC80] =	vst v63  }
0x5a: {  	_ =	swait.ge [sflag:s4], $0x1870  }
0x5b: {  	s9 =	sld [smem:$0x7F9]  }
0x5c: {  	[sflag:s4] =	ssyncset.done $0x0  }
0x5d: {  	[sflag:s4] =	ssyncadd.s32 $0xFFFFE790  }
0x5e: {  	[tilespmem:s2], [sflag:$0x4] =	stream.linear.gather [hbm4b:s9+s10], $0x1870, $0x38;
	[tilespmem:$0x1EC80] =	vst v63  }
0x5f: {  	_ =	swait.ge [sflag:s4], $0x1870  }
0x60: {  	[sflag:s4] =	ssyncset.done $0x0  }
0x61: {  	s5 =	rddreg [dreg:$0x13];
	[sflag:s4] =	ssyncadd.s32 $0xFFFFE790  }
0x62: {  	[spmem:s5] =	stream.linear.scatter [tilespmem:s2], [sflag:$0x4], $0x1870, $0x38;
	[tilespmem:$0x1EC80] =	vst v63  }
0x63: {  	_ =	swait.ge [sflag:s4], $0x1870  }
0x64: {  	s6 =	sld [smem:$0x7FA]  }
0x65: {  	[sflag:s4] =	ssyncset.done $0x0  }
0x66: {  	[sflag:s4] =	ssyncadd.s32 $0xFFFFE790  }
0x67: {  	[tilespmem:s2], [sflag:$0x4] =	stream.linear.gather [hbm4b:s6+s10], $0x1870, $0x38;
	[tilespmem:$0x1EC80] =	vst v63  }
0x68: {  	_ =	swait.ge [sflag:s4], $0x1870  }
0x69: {  	[sflag:s4] =	ssyncset.done $0x0  }
0x6a: {  	s7 =	rddreg [dreg:$0x14];
	[sflag:s4] =	ssyncadd.s32 $0xFFFFE790  }
0x6b: {  	[spmem:s7] =	stream.linear.scatter [tilespmem:s2], [sflag:$0x4], $0x1870, $0x38;
	[tilespmem:$0x1EC80] =	vst v63  }
0x6c: {  	_ =	swait.ge [sflag:s4], $0x1870  }
0x6d: {  	s9 =	sld [smem:$0x7FB]  }
0x6e: {  	[sflag:s4] =	ssyncset.done $0x0  }
0x6f: {  	[sflag:s4] =	ssyncadd.s32 $0xFFFFE790  }
0x70: {  	[tilespmem:s2], [sflag:$0x4] =	stream.linear.gather [hbm4b:s9+s10], $0x1870, $0x38;
	[tilespmem:$0x1EC80] =	vst v63  }
0x71: {  	_ =	swait.ge [sflag:s4], $0x1870  }
0x72: {  	[sflag:s4] =	ssyncset.done $0x0  }
0x73: {  	s5 =	rddreg [dreg:$0x15];
	[sflag:s4] =	ssyncadd.s32 $0xFFFFE790  }
0x74: {  	[spmem:s5] =	stream.linear.scatter [tilespmem:s2], [sflag:$0x4], $0x1870, $0x38;
	[tilespmem:$0x1EC80] =	vst v63  }
0x75: {  	_ =	swait.ge [sflag:s4], $0x1870  }
0x76: {  	[sflag:s4] =	ssyncset.done $0x0  }
0x77: {  	s7 =	simm.s32 $0x11000;
	s6 =	rddreg [dreg:$0xc];
	[sflag:s4] =	ssyncadd.s32 $0xFFFFE790  }
0x78: {  	[tilespmem:s7], [sflag:$0x4] =	stream.linear.gather [hbm4b:s6+s10], $0x80, $0x38;
	[tilespmem:$0x1EC80] =	vst v63  }
0x79: {  	_ =	swait.ge [sflag:s4], $0x80  }
0x7a: {  	[sflag:s4] =	ssyncset.done $0x0  }
0x7b: {  	[sflag:s4] =	ssyncadd.s32 $0xFFFFFF80  }
0x7c: {  	[bflag:$0x0] =	sbarrier.arrive $0xFFFF  }
0x7d: {  	v19 =	vld [tilespmem:$0x11000];
	s9 =	rddreg [dreg:$0x16]  }
0x7e: {  	v11 =	vld [tilespmem:$0x11010];
	[tilespmem:s10], [sflag:$0x1] =	stream.linear.gather [hbm4b:s9+s10], $0x7D0, $0x38  }
0x7f: {  	s4 =	simm.s32 $0x1000;
	s2 =	rddreg [dreg:$0x17]  }
0x80: {  	[tilespmem:s4], [sflag:$0x1] =	stream.linear.gather [hbm4b:s2+s10], $0x7D0, $0x38;
	[tilespmem:$0x1EC80] =	vst v63  }
0x81: {  	s6 =	simm.s32 $0x2000;
	s5 =	rddreg [dreg:$0x19]  }
0x82: {  	[tilespmem:s6], [sflag:$0x1] =	stream.linear.gather [hbm4b:s5+s10], $0x7D0, $0x38;
	[tilespmem:$0x1EC80] =	vst v63  }
0x83: {  	s7 =	rddreg [dreg:$0x1a];
	s9 =	simm.s32 $0x2800  }
0x84: {  	[tilespmem:s9], [sflag:$0x1] =	stream.linear.gather [hbm4b:s7+s10], $0x7D0, $0x38;
	[tilespmem:$0x1EC80] =	vst v63  }
0x85: {  	s2 =	rddreg [dreg:$0x1b];
	s4 =	simm.s32 $0x3000  }
0x86: {  	[tilespmem:s4], [sflag:$0x1] =	stream.linear.gather [hbm4b:s2+s10], $0x7D0, $0x38;
	[tilespmem:$0x1EC80] =	vst v63  }
0x87: {  	_ =	swait.ge [sflag:s29], $0x7D0  }
0x88: {  	[sflag:s29] =	ssyncset.done $0x0  }
0x89: {  	[sflag:s29] =	ssyncadd.s32 $0xFFFFF830  }
0x8a: {  	_ =	swait.ge [sflag:s29], $0x7D0  }
0x8b: {  	[sflag:s29] =	ssyncset.done $0x0  }
0x8c: {  	[sflag:s29] =	ssyncadd.s32 $0xFFFFF830  }
0x8d: {  	_ =	swait.ge [sflag:s29], $0x7D0  }
0x8e: {  	[sflag:s29] =	ssyncset.done $0x0  }
0x8f: {  	[sflag:s29] =	ssyncadd.s32 $0xFFFFF830  }
0x90: {  	_ =	swait.ge [sflag:s29], $0x7D0  }
0x91: {  	[sflag:s29] =	ssyncset.done $0x0  }
0x92: {  	[sflag:s29] =	ssyncadd.s32 $0xFFFFF830  }
0x93: {  	_ =	swait.ge [sflag:s29], $0x7D0  }
0x94: {  	[sflag:s29] =	ssyncset.done $0x0  }
0x95: {  	[sflag:s29] =	ssyncadd.s32 $0xFFFFF830  }
0x96: {  	s6 =	simm.s32 $0x5000;
	s5 =	rddreg [dreg:$0x3]  }
0x97: {  	[tilespmem:s6], [sflag:$0x2] =	stream.indirect.gather [spmem:s5], $0x1, s10, s30, $0xb8;
	[tilespmem:$0x1EC80] =	vst v63  }
0x98: {  	s9 =	simm.s32 $0x5800;
	s7 =	rddreg [dreg:$0x4]  }
0x99: {  	[tilespmem:s9], [sflag:$0x2] =	stream.indirect.gather [spmem:s7], $0x1, s10, s30, $0xb8;
	[tilespmem:$0x1EC80] =	vst v63  }
0x9a: {  	s4 =	simm.s32 $0x6000;
	s2 =	rddreg [dreg:$0x5]  }
0x9b: {  	[tilespmem:s4], [sflag:$0x2] =	stream.indirect.gather [spmem:s2], $0x1, s10, s30, $0xb8;
	[tilespmem:$0x1EC80] =	vst v63  }
0x9c: {  	s5 =	rddreg [dreg:$0x6];
	s6 =	simm.s32 $0x6800  }
0x9d: {  	[tilespmem:s6], [sflag:$0x2] =	stream.indirect.gather [spmem:s5], $0x1, s10, s30, $0xb8;
	[tilespmem:$0x1EC80] =	vst v63  }
0x9e: {  	s7 =	rddreg [dreg:$0x7];
	s9 =	simm.s32 $0x7000  }
0x9f: {  	[tilespmem:s9], [sflag:$0x2] =	stream.indirect.gather [spmem:s7], $0x1, s10, s30, $0xb8;
	[tilespmem:$0x1EC80] =	vst v63  }
0xa0: {  	s2 =	simm.s32 $0x7800  }
0xa1: {  	[tilespmem:s2], [sflag:$0x2] =	stream.indirect.gather [spmem:s31], $0x1, s10, s30, $0xb8;
	[tilespmem:$0x1EC80] =	vst v63  }
0xa2: {  	s4 =	simm.s32 $0x8000  }
0xa3: {  	[tilespmem:s4], [sflag:$0x2] =	stream.indirect.gather [spmem:s19], $0x1, s10, s30, $0xb8;
	[tilespmem:$0x1EC80] =	vst v63  }
0xa4: {  	s5 =	simm.s32 $0x8800;
	s6 =	rddreg [dreg:$0x1c]  }
0xa5: {  	[tilespmem:s5], [sflag:$0x2] =	stream.indirect.gather [spmem:s20], $0x1, s10, s30, $0xb8;
	[tilespmem:$0x1EC80] =	vst v63  }
0xa6: {  	v0 =	vbroadcast v19, $0x0;
	v1 =	vbroadcast v19, $0x1;
	s7 =	rddreg [dreg:$0x1d]  }
0xa7: {  	v2 =	vbroadcast v19, $0x2;
	v3 =	vbroadcast v19, $0x3;
	[tilespmem:s28], [sflag:$0x1] =	stream.linear.gather [hbm4b:s6+s10], $0x7D0, $0x38;
	[tilespmem:$0x1EC80] =	vst v63  }
0xa8: {  	v4 =	vbroadcast v19, $0x4;
	v5 =	vbroadcast v19, $0x5;
	s9 =	simm.s32 $0x1800;
	s2 =	rddreg [dreg:$0x1e]  }
0xa9: {  	v6 =	vbroadcast v19, $0x6;
	v7 =	vbroadcast v19, $0x7;
	[tilespmem:s9], [sflag:$0x1] =	stream.linear.gather [hbm4b:s7+s10], $0x7D0, $0x38;
	[tilespmem:$0x1EC80] =	vst v63  }
0xaa: {  	v8 =	vbroadcast v11, $0x0;
	v9 =	vbroadcast v11, $0x1;
	s4 =	simm.s32 $0x3800;
	s5 =	rddreg [dreg:$0x1f]  }
0xab: {  	v12 =	vbroadcast v19, $0x8;
	v13 =	vbroadcast v19, $0x9;
	[tilespmem:s4], [sflag:$0x1] =	stream.linear.gather [hbm4b:s2+s10], $0x7D0, $0x38;
	[tilespmem:$0x1EC80] =	vst v63  }
0xac: {  	v14 =	vbroadcast v19, $0xA;
	v15 =	vbroadcast v19, $0xB;
	s6 =	simm.s32 $0x4000;
	s7 =	sld [smem:$0x7F3]  }
0xad: {  	v16 =	vbroadcast v19, $0xC;
	v17 =	vbroadcast v19, $0xD;
	[tilespmem:s6], [sflag:$0x1] =	stream.linear.gather [hbm4b:s5+s10], $0x7D0, $0x38;
	[tilespmem:$0x1EC80] =	vst v63  }
0xae: {  	s1 =	simm.s32 $0x0;
	v18 =	vbroadcast v19, $0xE;
	v19 =	vbroadcast v19, $0xF;
	s9 =	simm.s32 $0x4800  }
0xaf: {  	v10 =	vbroadcast v11, $0x2;
	v11 =	vbroadcast v11, $0x3;
	[tilespmem:s9], [sflag:$0x1] =	stream.linear.gather [hbm4b:s7+s10], $0x7D0, $0x38;
	[tilespmem:$0x1EC80] =	vst v63  }
.LBB2_2:
0xb0: {  	_ =	swait.ge [sflag:s29], $0x7D0  }
0xb1: {  	[sflag:s29] =	ssyncset.done $0x0  }
0xb2: {  	[sflag:s29] =	ssyncadd.s32 $0xFFFFF830  }
0xb3: {  	_ =	swait.ge [sflag:s29], $0x7D0  }
0xb4: {  	[sflag:s29] =	ssyncset.done $0x0  }
0xb5: {  	[sflag:s29] =	ssyncadd.s32 $0xFFFFF830  }
0xb6: {  	_ =	swait.ge [sflag:s29], $0x7D0  }
0xb7: {  	[sflag:s29] =	ssyncset.done $0x0  }
0xb8: {  	[sflag:s29] =	ssyncadd.s32 $0xFFFFF830  }
0xb9: {  	_ =	swait.ge [sflag:s29], $0x7D0  }
0xba: {  	[sflag:s29] =	ssyncset.done $0x0  }
0xbb: {  	[sflag:s29] =	ssyncadd.s32 $0xFFFFF830  }
0xbc: {  	_ =	swait.ge [sflag:s29], $0x7D0  }
0xbd: {  	[sflag:s29] =	ssyncset.done $0x0  }
0xbe: {  	[sflag:s29] =	ssyncadd.s32 $0xFFFFF830  }
0xbf: {  	s4 =	simm.s32 $0x9000;
	s2 =	rddreg [dreg:$0x3]  }
0xc0: {  	[tilespmem:s4], [sflag:$0x2] =	stream.indirect.gather [spmem:s2], $0x1, s28, s30, $0xb8;
	[tilespmem:$0x1EC80] =	vst v63  }
0xc1: {  	s6 =	simm.s32 $0x9800;
	s5 =	rddreg [dreg:$0x4]  }
0xc2: {  	[tilespmem:s6], [sflag:$0x2] =	stream.indirect.gather [spmem:s5], $0x1, s28, s30, $0xb8;
	[tilespmem:$0x1EC80] =	vst v63  }
0xc3: {  	s9 =	smov.u32 s8;
	s8 =	simm.s32 $0xA000;
	s7 =	rddreg [dreg:$0x5]  }
0xc4: {  	[tilespmem:s8], [sflag:$0x2] =	stream.indirect.gather [spmem:s7], $0x1, s28, s30, $0xb8;
	[tilespmem:$0x1EC80] =	vst v63  }
0xc5: {  	s5 =	rddreg [dreg:$0x6];
	s6 =	simm.s32 $0xA800  }
0xc6: {  	[tilespmem:s6], [sflag:$0x2] =	stream.indirect.gather [spmem:s5], $0x1, s28, s30, $0xb8;
	[tilespmem:$0x1EC80] =	vst v63  }
0xc7: {  	s7 =	rddreg [dreg:$0x7];
	s8 =	simm.s32 $0xB000  }
0xc8: {  	[tilespmem:s8], [sflag:$0x2] =	stream.indirect.gather [spmem:s7], $0x1, s28, s30, $0xb8;
	[tilespmem:$0x1EC80] =	vst v63  }
0xc9: {  	s5 =	simm.s32 $0xB800  }
0xca: {  	[tilespmem:s5], [sflag:$0x2] =	stream.indirect.gather [spmem:s31], $0x1, s28, s30, $0xb8;
	[tilespmem:$0x1EC80] =	vst v63  }
0xcb: {  	s6 =	simm.s32 $0xC000  }
0xcc: {  	[tilespmem:s6], [sflag:$0x2] =	stream.indirect.gather [spmem:s19], $0x1, s28, s30, $0xb8;
	[tilespmem:$0x1EC80] =	vst v63  }
0xcd: {  	s7 =	simm.s32 $0xC800  }
0xce: {  	[tilespmem:s7], [sflag:$0x2] =	stream.indirect.gather [spmem:s20], $0x1, s28, s30, $0xb8;
	[tilespmem:$0x1EC80] =	vst v63  }
0xcf: {  	_ =	swait.ge [sflag:s21], $0x7D0  }
0xd0: {  	[sflag:s21] =	ssyncset.done $0x0  }
0xd1: {  	[sflag:s21] =	ssyncadd.s32 $0xFFFFF830  }
0xd2: {  	_ =	swait.ge [sflag:s21], $0x7D0  }
0xd3: {  	[sflag:s21] =	ssyncset.done $0x0  }
0xd4: {  	[sflag:s21] =	ssyncadd.s32 $0xFFFFF830  }
0xd5: {  	_ =	swait.ge [sflag:s21], $0x7D0  }
0xd6: {  	[sflag:s21] =	ssyncset.done $0x0  }
0xd7: {  	[sflag:s21] =	ssyncadd.s32 $0xFFFFF830  }
0xd8: {  	_ =	swait.ge [sflag:s21], $0x7D0  }
0xd9: {  	[sflag:s21] =	ssyncset.done $0x0  }
0xda: {  	[sflag:s21] =	ssyncadd.s32 $0xFFFFF830  }
0xdb: {  	_ =	swait.ge [sflag:s21], $0x7D0  }
0xdc: {  	[sflag:s21] =	ssyncset.done $0x0  }
0xdd: {  	[sflag:s21] =	ssyncadd.s32 $0xFFFFF830  }
0xde: {  	_ =	swait.ge [sflag:s21], $0x7D0  }
0xdf: {  	[sflag:s21] =	ssyncset.done $0x0  }
0xe0: {  	[sflag:s21] =	ssyncadd.s32 $0xFFFFF830  }
0xe1: {  	_ =	swait.ge [sflag:s21], $0x7D0  }
0xe2: {  	[sflag:s21] =	ssyncset.done $0x0  }
0xe3: {  	[sflag:s21] =	ssyncadd.s32 $0xFFFFF830  }
0xe4: {  	_ =	swait.ge [sflag:s21], $0x7D0  }
0xe5: {  	p0 =	seq.s32 s1, $0x0;
	[sflag:s21] =	ssyncset.done $0x0  }
0xe6: {  	s2 =	simm.s32 @!p0 $0x3;
	[sflag:s21] =	ssyncadd.s32 $0xFFFFF830  }
0xe7: {  	_ =	swait.ge @!p0 [sflag:s2], $0x7D0  }
0xe8: {  	[sflag:s2] =	ssyncset.done @!p0 $0x0  }
0xe9: {  	[sflag:s2] =	ssyncadd.s32 @!p0 $0xFFFFF830  }
0xea: {  	_ =	swait.ge @!p0 [sflag:s2], $0x7D0  }
0xeb: {  	[sflag:s2] =	ssyncset.done @!p0 $0x0  }
0xec: {  	[sflag:s2] =	ssyncadd.s32 @!p0 $0xFFFFF830  }
0xed: {  	_ =	swait.ge @!p0 [sflag:s2], $0x7D0  }
0xee: {  	[sflag:s2] =	ssyncset.done @!p0 $0x0  }
0xef: {  	[sflag:s2] =	ssyncadd.s32 @!p0 $0xFFFFF830  }
0xf0: {  	_ =	swait.ge @!p0 [sflag:s2], $0x7D0  }
0xf1: {  	[sflag:s2] =	ssyncset.done @!p0 $0x0  }
0xf2: {  	[sflag:s2] =	ssyncadd.s32 @!p0 $0xFFFFF830  }
0xf3: {  	_ =	swait.ge @!p0 [sflag:s2], $0x7D0  }
0xf4: {  	[sflag:s2] =	ssyncset.done @!p0 $0x0  }
0xf5: {  	[sflag:s2] =	ssyncadd.s32 @!p0 $0xFFFFF830  }
0xf6: {  	_ =	swait.ge @!p0 [sflag:s2], $0x7D0  }
0xf7: {  	[sflag:s2] =	ssyncset.done @!p0 $0x0  }
0xf8: {  	[sflag:s2] =	ssyncadd.s32 @!p0 $0xFFFFF830  }
0xf9: {  	_ =	swait.ge @!p0 [sflag:s2], $0x7D0  }
0xfa: {  	[sflag:s2] =	ssyncset.done @!p0 $0x0  }
0xfb: {  	[sflag:s2] =	ssyncadd.s32 @!p0 $0xFFFFF830  }
0xfc: {  	_ =	swait.ge @!p0 [sflag:s2], $0x7D0  }
0xfd: {  	[sflag:s2] =	ssyncset.done @!p0 $0x0  }
0xfe: {  	s5 =	simm.s32 $0x0;
	[sflag:s2] =	ssyncadd.s32 @!p0 $0xFFFFF830  }
0xff: {  	v20 =	vld [tilespmem:s5+$0x1000]  }
0x100: {  	v21 =	vld [tilespmem:s5+$0x2000]  }
0x101: {  	v22 =	vld [tilespmem:s5+$0x2800]  }
0x102: {  	v23 =	vld [tilespmem:s5+$0x5000]  }
0x103: {  	v24 =	vld [tilespmem:s5+$0x5800]  }
0x104: {  	v25 =	vld [tilespmem:s5+$0x7000]  }
0x105: {  	v26 =	vld [tilespmem:s5+$0x8800]  }
0x106: {  	v27 =	vld [tilespmem:s5+$0x6000]  }
0x107: {  	v28 =	vld [tilespmem:s5+$0x6800]  }
0x108: {  	v31 =	vld [tilespmem:s5+$0x7800];
	v29 =	vmul.f32 v23, v20;
	v30 =	vmul.f32 v23, v8  }
0x109: {  	v34 =	vld [tilespmem:s5+$0x8000];
	v32 =	vmul.f32 v24, v20;
	v33 =	vmul.f32 v24, v9  }
0x10a: {  	v35 =	vmul.f32 v25, v22;
	v36 =	vmul.f32 v25, v21  }
0x10b: {  	v38 =	vmul.f32 v25, v20;
	v39 =	vmul.f32 v26, v20  }
0x10c: {  	v23 =	vmul.f32 v23, v10;
	v24 =	vmul.f32 v24, v11  }
0x10d: {  	v37 =	vld [tilespmem:s5+$0x3000];
	v40 =	vmul.f32 v28, v21;
	v41 =	vmul.f32 v27, v22  }
0x10e: {  	v43 =	vmul.f32 v34, v21;
	v44 =	vmul.f32 v31, v22  }
0x10f: {  	v55 =	vmul.f32 v27, v21;
	v45 =	vmul.f32 v28, v22  }
0x110: {  	v57 =	vmul.f32 v27, v20;
	v46 =	vmul.f32 v28, v20  }
0x111: {  	v58 =	vmul.f32 v31, v20;
	v20 =	vmul.f32 v34, v20  }
0x112: {  	v25 =	vmul.f32 v25, v37;
	v63 =	vmul.f32 v31, v21  }
0x113: {  	v28 =	vmul.f32 v28, v37;
	v27 =	vmul.f32 v27, v37  }
0x114: {  	v31 =	vmul.f32 v31, v37;
	v23 =	vadd.f32 v24, v23;
	v24 =	vmul.f32 v38, v16  }
0x115: {  	v42 =	vmul.f32 v39, v17;
	v59 =	vmul.f32 v57, v12  }
0x116: {  	v60 =	vmul.f32 v58, v13;
	v48 =	vmul.f32 v46, v12  }
0x117: {  	v61 =	vmul.f32 v20, v13;
	v38 =	vmul.f32 v38, v12  }
0x118: {  	v40 =	vsub.f32 v40, v41;
	v39 =	vmul.f32 v39, v13;
	v41 =	vmul.f32 v57, v16  }
0x119: {  	v30 =	vadd.f32 v33, v30;
	v33 =	vmul.f32 v58, v17;
	v46 =	vmul.f32 v46, v16  }
0x11a: {  	v43 =	vsub.f32 v43, v44;
	v20 =	vmul.f32 v20, v17;
	v52 =	vmul.f32 v29, v0  }
0x11b: {  	v28 =	vsub.f32 v35, v28;
	v53 =	vmul.f32 v32, v1;
	v29 =	vmul.f32 v29, v4  }
0x11c: {  	v27 =	vsub.f32 v27, v36;
	v32 =	vmul.f32 v32, v5;
	v24 =	vadd.f32 v42, v24  }
0x11d: {  	v54 =	vmul.f32 v23, v37;
	v56 =	vmul.f32 v40, v18;
	v42 =	vadd.f32 v45, v55  }
0x11e: {  	v47 =	vmul.f32 v43, v19;
	v44 =	vadd.f32 v60, v59;
	v62 =	vadd.f32 v61, v48  }
0x11f: {  	v38 =	vadd.f32 v39, v38;
	v48 =	vmul.f32 v34, v22;
	v49 =	vmul.f32 v30, v21  }
0x120: {  	v33 =	vadd.f32 v33, v41;
	v50 =	vmul.f32 v30, v22;
	v30 =	vmul.f32 v30, v37  }
0x121: {  	v51 =	vmul.f32 v23, v21;
	v23 =	vmul.f32 v23, v22;
	v24 =	vadd.f32 v24, v54  }
0x122: {  	v20 =	vadd.f32 v20, v46;
	v22 =	vmul.f32 v26, v22;
	v34 =	vmul.f32 v34, v37  }
0x123: {  	v58 =	vmul.f32 v28, v14;
	v35 =	vadd.f32 v53, v52;
	v24 =	vadd.f32 v24, v56  }
0x124: {  	v29 =	vadd.f32 v32, v29;
	v60 =	vmul.f32 v27, v14;
	v25 =	vadd.f32 v25, v42  }
0x125: {  	v28 =	vmul.f32 v28, v18;
	v39 =	vadd.f32 v48, v63;
	v24 =	vadd.f32 v24, v47  }
0x126: {  	v54 =	vmul.f32 v26, v37;
	v41 =	vadd.f32 v44, v49;
	v42 =	vadd.f32 v62, v50  }
0x127: {  	s7 =	simm.s32 $0x10;
	v26 =	vmul.f32 v26, v21;
	v55 =	vadd.f32 v38, v30;
	v59 =	vadd.f32 v20, v23;
	[tilespmem:s5+$0x10800] =	vst v24  }
0x128: {  	v30 =	vsub.f32 v22, v34;
	v22 =	vmul.f32 v40, v14;
	v62 =	vmul.f32 v27, v18;
	v23 =	vld [tilespmem:s7+$0x1000]  }
0x129: {  	v57 =	vadd.f32 v33, v51;
	v34 =	vmul.f32 v43, v15;
	v56 =	vmul.f32 v25, v2;
	v20 =	vld [tilespmem:s7+$0x2000]  }
0x12a: {  	v25 =	vmul.f32 v25, v6;
	v32 =	vsub.f32 v31, v26;
	v24 =	vadd.f32 v54, v39;
	v21 =	vld [tilespmem:s7+$0x2800]  }
0x12b: {  	v33 =	vadd.f32 v41, v58;
	v31 =	vadd.f32 v42, v60;
	v36 =	vmul.f32 v30, v15;
	v26 =	vld [tilespmem:s7+$0x5000]  }
0x12c: {  	s6 =	smul.u32 $0xFA0, s1;
	v28 =	vadd.f32 v57, v28;
	v61 =	vadd.f32 v56, v35;
	v27 =	vld [tilespmem:s7+$0x5800];
	v63 =	vmul.f32 v24, v3  }
0x12d: {  	s8 =	rddreg [dreg:$0x18];
	v35 =	vadd.f32 v25, v29;
	v29 =	vadd.f32 v55, v22;
	v38 =	vmul.f32 v24, v7;
	v24 =	vld [tilespmem:s7+$0x7000]  }
0x12e: {  	s2 =	sshll.u32 s1, $0x1;
	s4 =	sadd.s32 s6, s8;
	s8 =	simm.s32 $0x80;
	v25 =	vadd.f32 v59, v62;
	v37 =	vmul.f32 v32, v15;
	v22 =	vld [tilespmem:s7+$0x8800];
	v39 =	vadd.f32 v63, v61  }
.LBB2_3:
0x12f: {  	p0 =	sne.s32 s8, $0x1F00;
	v40 =	vld [tilespmem:s7+$0x6000];
	v35 =	vadd.f32 v38, v35;
	v30 =	vmul.f32 v30, v19;
	v32 =	vmul.f32 v32, v19  }
0x130: {  	v33 =	vadd.f32 v36, v33;
	v38 =	vld [tilespmem:s7+$0x6800];
	v41 =	vmul.f32 v26, v23;
	v42 =	vmul.f32 v26, v8;
	[tilespmem:s5+$0xD000] =	vst v39  }
0x131: {  	v31 =	vadd.f32 v31, v37;
	v36 =	vld [tilespmem:s7+$0x7800];
	v39 =	vmul.f32 v27, v23;
	v43 =	vmul.f32 v27, v9;
	[tilespmem:s5+$0xD800] =	vst v35  }
0x132: {  	v29 =	vadd.f32 v29, v34;
	v35 =	vld [tilespmem:s7+$0x8000];
	v37 =	vmul.f32 v24, v21;
	v44 =	vmul.f32 v24, v20;
	[tilespmem:s5+$0xE000] =	vst v33  }
0x133: {  	v34 =	vmul.f32 v24, v23;
	v33 =	vld [tilespmem:s7+$0x3000];
	v45 =	vmul.f32 v22, v23;
	v42 =	vadd.f32 v43, v42;
	[tilespmem:s5+$0xE800] =	vst v31  }
0x134: {  	v26 =	vmul.f32 v26, v10;
	v27 =	vmul.f32 v27, v11;
	v28 =	vadd.f32 v30, v28;
	[tilespmem:s5+$0xF000] =	vst v29  }
0x135: {  	v25 =	vadd.f32 v25, v32;
	v30 =	vmul.f32 v40, v21;
	v29 =	vmul.f32 v38, v20  }
0x136: {  	v26 =	vadd.f32 v27, v26;
	v27 =	vmul.f32 v34, v16;
	v31 =	vmul.f32 v45, v17;
	[tilespmem:s5+$0xF800] =	vst v28  }
0x137: {  	v32 =	vmul.f32 v36, v21;
	v28 =	vmul.f32 v35, v20;
	[tilespmem:s5+$0x10000] =	vst v25;
	s5 =	smov.u32 s7  }
0x138: {  	v25 =	vsub.f32 v29, v30;
	v27 =	vadd.f32 v31, v27;
	v29 =	vmul.f32 v26, v33  }
0x139: {  	v30 =	vmul.f32 v40, v20;
	v31 =	vmul.f32 v38, v21  }
0x13a: {  	v43 =	vsub.f32 v28, v32;
	v28 =	vmul.f32 v25, v18;
	v27 =	vadd.f32 v27, v29  }
0x13b: {  	v29 =	vadd.f32 v31, v30;
	v30 =	vmul.f32 v40, v23;
	v31 =	vmul.f32 v38, v23  }
0x13c: {  	v32 =	vmul.f32 v36, v23;
	v27 =	vadd.f32 v27, v28;
	v28 =	vmul.f32 v43, v19  }
0x13d: {  	v23 =	vmul.f32 v35, v23;
	v46 =	vmul.f32 v30, v12  }
0x13e: {  	v47 =	vmul.f32 v32, v13;
	v48 =	vmul.f32 v31, v12;
	v27 =	vadd.f32 v27, v28  }
0x13f: {  	v34 =	vmul.f32 v34, v12;
	v28 =	vmul.f32 v23, v13  }
0x140: {  	v45 =	vmul.f32 v45, v13;
	v30 =	vmul.f32 v30, v16;
	v46 =	vadd.f32 v47, v46;
	[tilespmem:s5+$0x10800] =	vst v27  }
0x141: {  	v31 =	vmul.f32 v31, v16;
	v27 =	vadd.f32 v28, v48;
	v28 =	vmul.f32 v32, v17  }
0x142: {  	v24 =	vmul.f32 v24, v33;
	v23 =	vmul.f32 v23, v17;
	v32 =	vadd.f32 v45, v34  }
0x143: {  	v34 =	vmul.f32 v36, v20;
	v45 =	vmul.f32 v35, v21;
	v28 =	vadd.f32 v28, v30  }
0x144: {  	v24 =	vadd.f32 v24, v29;
	v29 =	vmul.f32 v38, v33;
	v30 =	vmul.f32 v40, v33  }
0x145: {  	v38 =	vmul.f32 v42, v20;
	v23 =	vadd.f32 v23, v31;
	v40 =	vmul.f32 v42, v21  }
0x146: {  	v31 =	vadd.f32 v45, v34;
	v34 =	vmul.f32 v42, v33;
	v42 =	vmul.f32 v26, v20  }
0x147: {  	v29 =	vsub.f32 v37, v29;
	v45 =	vmul.f32 v41, v0;
	v26 =	vmul.f32 v26, v21  }
0x148: {  	v37 =	vmul.f32 v39, v1;
	v41 =	vmul.f32 v41, v4;
	v44 =	vsub.f32 v30, v44  }
0x149: {  	v39 =	vmul.f32 v39, v5;
	v38 =	vadd.f32 v46, v38;
	v30 =	vmul.f32 v22, v33  }
0x14a: {  	v35 =	vmul.f32 v35, v33;
	v21 =	vmul.f32 v22, v21;
	v40 =	vadd.f32 v27, v40  }
0x14b: {  	v27 =	vmul.f32 v36, v33;
	v22 =	vmul.f32 v22, v20;
	v34 =	vadd.f32 v32, v34  }
0x14c: {  	v32 =	vmul.f32 v24, v2;
	v24 =	vmul.f32 v24, v6;
	v28 =	vadd.f32 v28, v42  }
0x14d: {  	s7 =	sshra.s32 s8, $0x2;
	v33 =	vmul.f32 v29, v14;
	v42 =	vadd.f32 v23, v26;
	v31 =	vadd.f32 v30, v31  }
0x14e: {  	v26 =	vadd.f32 v37, v45;
	v36 =	vadd.f32 v39, v41;
	v37 =	vmul.f32 v44, v14;
	v23 =	vld [tilespmem:s7+$0x1000]  }
0x14f: {  	v25 =	vmul.f32 v25, v14;
	v39 =	vmul.f32 v29, v18;
	v30 =	vsub.f32 v21, v35;
	v20 =	vld [tilespmem:s7+$0x2000]  }
.Ltmp0:
0x150: {  	v41 =	vadd.f32 v32, v26;
	v32 =	vsub.f32 v27, v22;
	v22 =	vmul.f32 v44, v18;
	v21 =	vld [tilespmem:s7+$0x2800];
	(pc) =	sbr.rel @p0 .LBB2_3-.Ltmp0, $4  }
0x151: {  	v35 =	vadd.f32 v24, v36;
	v33 =	vadd.f32 v38, v33;
	v44 =	vmul.f32 v31, v3;
	v26 =	vld [tilespmem:s7+$0x5000]  }
0x152: {  	v29 =	vadd.f32 v34, v25;
	v38 =	vmul.f32 v31, v7;
	v31 =	vadd.f32 v40, v37;
	v27 =	vld [tilespmem:s7+$0x5800]  }
0x153: {  	v28 =	vadd.f32 v28, v39;
	v36 =	vmul.f32 v30, v15;
	v25 =	vadd.f32 v42, v22;
	v24 =	vld [tilespmem:s7+$0x7000]  }
0x154: {  	s8 =	sadd.s32 $0x40, s8;
	v34 =	vmul.f32 v43, v15;
	v37 =	vmul.f32 v32, v15;
	v39 =	vadd.f32 v44, v41;
	v22 =	vld [tilespmem:s7+$0x8800]  }
0x155: {  	v40 =	vld [tilespmem:s7+$0x6000];
	v35 =	vadd.f32 v38, v35;
	v30 =	vmul.f32 v30, v19;
	v32 =	vmul.f32 v32, v19  }
0x156: {  	v41 =	vld [tilespmem:s7+$0x6800];
	[tilespmem:s5+$0xD000] =	vst v39;
	v39 =	vmul.f32 v26, v23;
	v42 =	vmul.f32 v26, v8  }
0x157: {  	v26 =	vmul.f32 v26, v10;
	v38 =	vld [tilespmem:s7+$0x7800];
	[tilespmem:s5+$0xD800] =	vst v35;
	v35 =	vmul.f32 v27, v23  }
0x158: {  	v57 =	vmul.f32 v27, v9;
	v27 =	vmul.f32 v27, v11  }
0x159: {  	v31 =	vadd.f32 v31, v37;
	v37 =	vmul.f32 v24, v21;
	v44 =	vmul.f32 v24, v20  }
0x15a: {  	v29 =	vadd.f32 v29, v34;
	v34 =	vmul.f32 v24, v23;
	v53 =	vmul.f32 v39, v0  }
0x15b: {  	v39 =	vmul.f32 v39, v4;
	v45 =	vmul.f32 v22, v23  }
0x15c: {  	v54 =	vmul.f32 v35, v1;
	v35 =	vmul.f32 v35, v5  }
0x15d: {  	v28 =	vadd.f32 v30, v28;
	v30 =	vmul.f32 v41, v20;
	v58 =	vmul.f32 v40, v21  }
0x15e: {  	v26 =	vadd.f32 v27, v26;
	v27 =	vmul.f32 v34, v16;
	v60 =	vmul.f32 v40, v20  }
0x15f: {  	v33 =	vadd.f32 v36, v33;
	v49 =	vmul.f32 v41, v21;
	v62 =	vmul.f32 v40, v23  }
0x160: {  	v43 =	vld [tilespmem:s7+$0x8000];
	v50 =	vmul.f32 v41, v23;
	v34 =	vmul.f32 v34, v12  }
0x161: {  	[tilespmem:s5+$0xE000] =	vst v33;
	v46 =	vmul.f32 v45, v17;
	v45 =	vmul.f32 v45, v13  }
0x162: {  	v33 =	vld [tilespmem:s7+$0x3000];
	v48 =	vmul.f32 v38, v21;
	v63 =	vmul.f32 v38, v23  }
0x163: {  	v36 =	vadd.f32 v57, v42;
	v56 =	vmul.f32 v62, v12;
	v52 =	vmul.f32 v50, v12  }
0x164: {  	v30 =	vsub.f32 v30, v58;
	v42 =	vmul.f32 v62, v16;
	v50 =	vmul.f32 v50, v16  }
0x165: {  	v62 =	vmul.f32 v36, v20;
	v47 =	vmul.f32 v43, v20;
	v27 =	vadd.f32 v46, v27  }
0x166: {  	v23 =	vmul.f32 v43, v23;
	v46 =	vadd.f32 v49, v60;
	v60 =	vmul.f32 v38, v20  }
0x167: {  	v59 =	vmul.f32 v26, v33;
	v61 =	vmul.f32 v30, v18  }
0x168: {  	v25 =	vadd.f32 v25, v32;
	v57 =	vmul.f32 v63, v13;
	v32 =	vmul.f32 v63, v17  }
0x169: {  	v24 =	vmul.f32 v24, v33;
	v41 =	vmul.f32 v41, v33  }
0x16a: {  	v35 =	vadd.f32 v35, v39;
	v40 =	vmul.f32 v40, v33;
	v63 =	vmul.f32 v36, v21  }
0x16b: {  	v34 =	vadd.f32 v45, v34;
	v36 =	vmul.f32 v36, v33;
	v38 =	vmul.f32 v38, v33  }
0x16c: {  	v30 =	vmul.f32 v30, v14;
	v47 =	vsub.f32 v47, v48;
	v27 =	vadd.f32 v27, v59  }
0x16d: {  	v58 =	vmul.f32 v23, v13;
	v48 =	vadd.f32 v57, v56;
	v32 =	vadd.f32 v32, v42  }
0x16e: {  	v23 =	vmul.f32 v23, v17;
	v24 =	vadd.f32 v24, v46;
	v37 =	vsub.f32 v37, v41  }
0x16f: {  	v40 =	vsub.f32 v40, v44;
	v51 =	vmul.f32 v47, v19;
	v59 =	vadd.f32 v58, v52  }
0x170: {  	v23 =	vadd.f32 v23, v50;
	v52 =	vmul.f32 v26, v20;
	v26 =	vmul.f32 v26, v21  }
0x171: {  	v20 =	vmul.f32 v22, v20;
	v27 =	vadd.f32 v27, v61;
	v61 =	vmul.f32 v43, v21  }
0x172: {  	v46 =	vadd.f32 v48, v62;
	v43 =	vmul.f32 v43, v33;
	v33 =	vmul.f32 v22, v33  }
0x173: {  	v21 =	vmul.f32 v22, v21;
	v22 =	vadd.f32 v34, v36;
	v56 =	vmul.f32 v24, v2  }
0x174: {  	v24 =	vmul.f32 v24, v6;
	v57 =	vmul.f32 v37, v14;
	v55 =	vadd.f32 v59, v63  }
0x175: {  	v58 =	vmul.f32 v40, v14;
	v32 =	vadd.f32 v32, v52;
	v42 =	vadd.f32 v61, v60  }
0x176: {  	[tilespmem:s5+$0xE800] =	vst v31;
	v31 =	vmul.f32 v37, v18;
	v23 =	vadd.f32 v23, v26;
	v26 =	vadd.f32 v54, v53  }
0x177: {  	[tilespmem:s5+$0xF800] =	vst v28;
	v28 =	vmul.f32 v40, v18;
	v20 =	vsub.f32 v38, v20;
	v33 =	vadd.f32 v33, v42  }
0x178: {  	v27 =	vadd.f32 v27, v51;
	v22 =	vadd.f32 v22, v30;
	v30 =	vmul.f32 v47, v15  }
0x179: {  	[tilespmem:s5+$0xF000] =	vst v29;
	v21 =	vsub.f32 v21, v43;
	v26 =	vadd.f32 v56, v26;
	v29 =	vmul.f32 v33, v3  }
0x17a: {  	[tilespmem:s5+$0x10000] =	vst v25;
	v24 =	vadd.f32 v24, v35;
	v22 =	vadd.f32 v22, v30;
	v33 =	vmul.f32 v33, v7  }
0x17b: {  	v25 =	vadd.f32 v46, v57;
	v59 =	vmul.f32 v21, v15;
	[tilespmem:s7+$0x10800] =	vst v27;
	v26 =	vadd.f32 v29, v26  }
0x17c: {  	v27 =	vadd.f32 v55, v58;
	[tilespmem:s7+$0xF000] =	vst v22;
	v29 =	vmul.f32 v20, v15;
	v24 =	vadd.f32 v33, v24  }
0x17d: {  	v23 =	vadd.f32 v23, v28;
	v25 =	vadd.f32 v59, v25;
	v20 =	vmul.f32 v20, v19;
	[tilespmem:s7+$0xD000] =	vst v26  }
0x17e: {  	v21 =	vmul.f32 v21, v19;
	v26 =	vadd.f32 v32, v31;
	[tilespmem:s7+$0xD800] =	vst v24;
	v24 =	vadd.f32 v27, v29  }
0x17f: {  	[tilespmem:s7+$0xE000] =	vst v25;
	v20 =	vadd.f32 v23, v20  }
0x180: {  	s6 =	sadd.s32 s22, s6;
	[tilespmem:s7+$0xE800] =	vst v24;
	v21 =	vadd.f32 v21, v26  }
0x181: {  	s5 =	sshrl.u32 s6, $0x3;
	[tilespmem:s7+$0x10000] =	vst v20  }
0x182: {  	s6 =	simm.s32 $0x0;
	s5 =	sadd.s32 s17, s5;
	[tilespmem:s7+$0xF800] =	vst v21  }
0x183: {  	[hbm4b:s5+s6] =	stream.linear.scatter [tilespmem:s24], [sflag:$0x3], $0x7D0, $0x38;
	[tilespmem:$0x1EC80] =	vst v63  }
0x184: {  	s8 =	sadd.s32 $0x61A80, s5  }
0x185: {  	[hbm4b:s8+s6] =	stream.linear.scatter [tilespmem:s25], [sflag:$0x3], $0x7D0, $0x38;
	[tilespmem:$0x1EC80] =	vst v63  }
0x186: {  	s8 =	sadd.s32 $0xC3500, s5  }
0x187: {  	[hbm4b:s8+s6] =	stream.linear.scatter [tilespmem:s26], [sflag:$0x3], $0x7D0, $0x38;
	[tilespmem:$0x1EC80] =	vst v63  }
0x188: {  	s8 =	sadd.s32 $0x124F80, s5  }
0x189: {  	[hbm4b:s8+s6] =	stream.linear.scatter [tilespmem:s3], [sflag:$0x3], $0x7D0, $0x38;
	[tilespmem:$0x1EC80] =	vst v63  }
0x18a: {  	s8 =	sadd.s32 $0x186A00, s5  }
0x18b: {  	[hbm4b:s8+s6] =	stream.linear.scatter [tilespmem:s11], [sflag:$0x3], $0x7D0, $0x38;
	[tilespmem:$0x1EC80] =	vst v63  }
0x18c: {  	s8 =	sadd.s32 $0x1E8480, s5  }
0x18d: {  	[hbm4b:s8+s6] =	stream.linear.scatter [tilespmem:s16], [sflag:$0x3], $0x7D0, $0x38;
	[tilespmem:$0x1EC80] =	vst v63  }
0x18e: {  	s8 =	sadd.s32 $0x249F00, s5  }
0x18f: {  	[hbm4b:s8+s6] =	stream.linear.scatter [tilespmem:s18], [sflag:$0x3], $0x7D0, $0x38;
	[tilespmem:$0x1EC80] =	vst v63  }
0x190: {  	s8 =	smin.u32 s2, $0x2F  }
0x191: {  	s7 =	smul.u32 $0x7D0, s8;
	s8 =	sld [smem:$0x7FC]  }
0x192: {  	s5 =	sadd.s32 $0x2AB980, s5  }
0x193: {  	[hbm4b:s5+s6] =	stream.linear.scatter [tilespmem:s23], [sflag:$0x3], $0x7D0, $0x38;
	[tilespmem:$0x1EC80] =	vst v63  }
0x194: {  	s5 =	sadd.s32 s7, s8  }
0x195: {  	s5 =	sshrl.u32 s5, $0x3  }
0x196: {  	s8 =	sadd.s32 s12, s5  }
0x197: {  	[tilespmem:s6], [sflag:$0x1] =	stream.linear.gather [hbm4b:s8+s6], $0x7D0, $0x38;
	[tilespmem:$0x1EC80] =	vst v63  }
0x198: {  	s7 =	sadd.s32 s9, s5;
	s8 =	smov.u32 s9;
	s9 =	simm.s32 $0x1000  }
0x199: {  	[tilespmem:s9], [sflag:$0x1] =	stream.linear.gather [hbm4b:s7+s6], $0x7D0, $0x38;
	[tilespmem:$0x1EC80] =	vst v63  }
0x19a: {  	s7 =	sadd.s32 s13, s5;
	s9 =	simm.s32 $0x2000  }
0x19b: {  	[tilespmem:s9], [sflag:$0x1] =	stream.linear.gather [hbm4b:s7+s6], $0x7D0, $0x38;
	[tilespmem:$0x1EC80] =	vst v63  }
0x19c: {  	s7 =	sadd.s32 s14, s5;
	s9 =	simm.s32 $0x2800  }
0x19d: {  	[tilespmem:s9], [sflag:$0x1] =	stream.linear.gather [hbm4b:s7+s6], $0x7D0, $0x38;
	[tilespmem:$0x1EC80] =	vst v63  }
0x19e: {  	s5 =	sadd.s32 s15, s5;
	s9 =	simm.s32 $0x3000  }
0x19f: {  	[tilespmem:s9], [sflag:$0x1] =	stream.linear.gather [hbm4b:s5+s6], $0x7D0, $0x38;
	[tilespmem:$0x1EC80] =	vst v63  }
0x1a0: {  	_ =	swait.ge [sflag:s29], $0x7D0  }
0x1a1: {  	[sflag:s29] =	ssyncset.done $0x0  }
0x1a2: {  	[sflag:s29] =	ssyncadd.s32 $0xFFFFF830  }
0x1a3: {  	_ =	swait.ge [sflag:s29], $0x7D0  }
0x1a4: {  	[sflag:s29] =	ssyncset.done $0x0  }
0x1a5: {  	[sflag:s29] =	ssyncadd.s32 $0xFFFFF830  }
0x1a6: {  	_ =	swait.ge [sflag:s29], $0x7D0  }
0x1a7: {  	[sflag:s29] =	ssyncset.done $0x0  }
0x1a8: {  	[sflag:s29] =	ssyncadd.s32 $0xFFFFF830  }
0x1a9: {  	_ =	swait.ge [sflag:s29], $0x7D0  }
0x1aa: {  	[sflag:s29] =	ssyncset.done $0x0  }
0x1ab: {  	[sflag:s29] =	ssyncadd.s32 $0xFFFFF830  }
0x1ac: {  	_ =	swait.ge [sflag:s29], $0x7D0  }
0x1ad: {  	[sflag:s29] =	ssyncset.done $0x0  }
0x1ae: {  	[sflag:s29] =	ssyncadd.s32 $0xFFFFF830  }
0x1af: {  	s9 =	simm.s32 $0x5000;
	s7 =	rddreg [dreg:$0x3]  }
0x1b0: {  	[tilespmem:s9], [sflag:$0x2] =	stream.indirect.gather [spmem:s7], $0x1, s6, s30, $0xb8;
	[tilespmem:$0x1EC80] =	vst v63  }
0x1b1: {  	s7 =	rddreg [dreg:$0x4];
	s9 =	simm.s32 $0x5800  }
0x1b2: {  	[tilespmem:s9], [sflag:$0x2] =	stream.indirect.gather [spmem:s7], $0x1, s6, s30, $0xb8;
	[tilespmem:$0x1EC80] =	vst v63  }
0x1b3: {  	s7 =	rddreg [dreg:$0x5];
	s9 =	simm.s32 $0x6000  }
0x1b4: {  	[tilespmem:s9], [sflag:$0x2] =	stream.indirect.gather [spmem:s7], $0x1, s6, s30, $0xb8;
	[tilespmem:$0x1EC80] =	vst v63  }
0x1b5: {  	s7 =	rddreg [dreg:$0x6];
	s9 =	simm.s32 $0x6800  }
0x1b6: {  	[tilespmem:s9], [sflag:$0x2] =	stream.indirect.gather [spmem:s7], $0x1, s6, s30, $0xb8;
	[tilespmem:$0x1EC80] =	vst v63  }
0x1b7: {  	s7 =	rddreg [dreg:$0x7];
	s9 =	simm.s32 $0x7000  }
0x1b8: {  	[tilespmem:s9], [sflag:$0x2] =	stream.indirect.gather [spmem:s7], $0x1, s6, s30, $0xb8;
	[tilespmem:$0x1EC80] =	vst v63  }
0x1b9: {  	s9 =	simm.s32 $0x7800  }
0x1ba: {  	[tilespmem:s9], [sflag:$0x2] =	stream.indirect.gather [spmem:s31], $0x1, s6, s30, $0xb8;
	[tilespmem:$0x1EC80] =	vst v63  }
0x1bb: {  	s7 =	simm.s32 $0x8000  }
0x1bc: {  	[tilespmem:s7], [sflag:$0x2] =	stream.indirect.gather [spmem:s19], $0x1, s6, s30, $0xb8;
	[tilespmem:$0x1EC80] =	vst v63  }
0x1bd: {  	s9 =	simm.s32 $0x8800  }
0x1be: {  	[tilespmem:s9], [sflag:$0x2] =	stream.indirect.gather [spmem:s20], $0x1, s6, s30, $0xb8;
	[tilespmem:$0x1EC80] =	vst v63  }
0x1bf: {  	_ =	swait.ge [sflag:s21], $0x7D0  }
0x1c0: {  	[sflag:s21] =	ssyncset.done $0x0  }
0x1c1: {  	[sflag:s21] =	ssyncadd.s32 $0xFFFFF830  }
0x1c2: {  	_ =	swait.ge [sflag:s21], $0x7D0  }
0x1c3: {  	[sflag:s21] =	ssyncset.done $0x0  }
0x1c4: {  	[sflag:s21] =	ssyncadd.s32 $0xFFFFF830  }
0x1c5: {  	_ =	swait.ge [sflag:s21], $0x7D0  }
0x1c6: {  	[sflag:s21] =	ssyncset.done $0x0  }
0x1c7: {  	[sflag:s21] =	ssyncadd.s32 $0xFFFFF830  }
0x1c8: {  	_ =	swait.ge [sflag:s21], $0x7D0  }
0x1c9: {  	[sflag:s21] =	ssyncset.done $0x0  }
0x1ca: {  	[sflag:s21] =	ssyncadd.s32 $0xFFFFF830  }
0x1cb: {  	_ =	swait.ge [sflag:s21], $0x7D0  }
0x1cc: {  	[sflag:s21] =	ssyncset.done $0x0  }
0x1cd: {  	[sflag:s21] =	ssyncadd.s32 $0xFFFFF830  }
0x1ce: {  	_ =	swait.ge [sflag:s21], $0x7D0  }
0x1cf: {  	[sflag:s21] =	ssyncset.done $0x0  }
0x1d0: {  	[sflag:s21] =	ssyncadd.s32 $0xFFFFF830  }
0x1d1: {  	_ =	swait.ge [sflag:s21], $0x7D0  }
0x1d2: {  	[sflag:s21] =	ssyncset.done $0x0  }
0x1d3: {  	[sflag:s21] =	ssyncadd.s32 $0xFFFFF830  }
0x1d4: {  	_ =	swait.ge [sflag:s21], $0x7D0  }
0x1d5: {  	[sflag:s21] =	ssyncset.done $0x0  }
0x1d6: {  	[sflag:s21] =	ssyncadd.s32 $0xFFFFF830  }
0x1d7: {  	_ =	swait.ge [sflag:s0], $0x7D0  }
0x1d8: {  	[sflag:s0] =	ssyncset.done $0x0  }
0x1d9: {  	[sflag:s0] =	ssyncadd.s32 $0xFFFFF830  }
0x1da: {  	_ =	swait.ge [sflag:s0], $0x7D0  }
0x1db: {  	[sflag:s0] =	ssyncset.done $0x0  }
0x1dc: {  	[sflag:s0] =	ssyncadd.s32 $0xFFFFF830  }
0x1dd: {  	_ =	swait.ge [sflag:s0], $0x7D0  }
0x1de: {  	[sflag:s0] =	ssyncset.done $0x0  }
0x1df: {  	[sflag:s0] =	ssyncadd.s32 $0xFFFFF830  }
0x1e0: {  	_ =	swait.ge [sflag:s0], $0x7D0  }
0x1e1: {  	[sflag:s0] =	ssyncset.done $0x0  }
0x1e2: {  	[sflag:s0] =	ssyncadd.s32 $0xFFFFF830  }
0x1e3: {  	_ =	swait.ge [sflag:s0], $0x7D0  }
0x1e4: {  	[sflag:s0] =	ssyncset.done $0x0  }
0x1e5: {  	[sflag:s0] =	ssyncadd.s32 $0xFFFFF830  }
0x1e6: {  	_ =	swait.ge [sflag:s0], $0x7D0  }
0x1e7: {  	[sflag:s0] =	ssyncset.done $0x0  }
0x1e8: {  	[sflag:s0] =	ssyncadd.s32 $0xFFFFF830  }
0x1e9: {  	_ =	swait.ge [sflag:s0], $0x7D0  }
0x1ea: {  	[sflag:s0] =	ssyncset.done $0x0  }
0x1eb: {  	[sflag:s0] =	ssyncadd.s32 $0xFFFFF830  }
0x1ec: {  	_ =	swait.ge [sflag:s0], $0x7D0  }
0x1ed: {  	[sflag:s0] =	ssyncset.done $0x0  }
0x1ee: {  	s5 =	simm.s32 $0x0;
	[sflag:s0] =	ssyncadd.s32 $0xFFFFF830  }
0x1ef: {  	v20 =	vld [tilespmem:s5+$0x1800]  }
0x1f0: {  	v21 =	vld [tilespmem:s5+$0x3800]  }
0x1f1: {  	v22 =	vld [tilespmem:s5+$0x4000]  }
0x1f2: {  	v23 =	vld [tilespmem:s5+$0x9000]  }
0x1f3: {  	v24 =	vld [tilespmem:s5+$0x9800]  }
0x1f4: {  	v25 =	vld [tilespmem:s5+$0xB000]  }
0x1f5: {  	v26 =	vld [tilespmem:s5+$0xC800]  }
0x1f6: {  	v27 =	vld [tilespmem:s5+$0xA000]  }
0x1f7: {  	v28 =	vld [tilespmem:s5+$0xA800];
	v29 =	vmul.f32 v23, v20  }
0x1f8: {  	v34 =	vld [tilespmem:s5+$0xC000];
	v30 =	vmul.f32 v23, v8;
	v32 =	vmul.f32 v24, v20  }
0x1f9: {  	v31 =	vld [tilespmem:s5+$0xB800];
	v60 =	vmul.f32 v24, v9;
	v35 =	vmul.f32 v25, v22  }
0x1fa: {  	v36 =	vmul.f32 v25, v21;
	v38 =	vmul.f32 v25, v20  }
0x1fb: {  	v39 =	vmul.f32 v26, v20;
	v23 =	vmul.f32 v23, v10  }
0x1fc: {  	v37 =	vld [tilespmem:s5+$0x4800];
	v24 =	vmul.f32 v24, v11;
	v61 =	vmul.f32 v28, v21  }
0x1fd: {  	v62 =	vmul.f32 v27, v22;
	v48 =	vmul.f32 v34, v21  }
0x1fe: {  	v49 =	vmul.f32 v31, v22;
	v51 =	vmul.f32 v27, v21  }
0x1ff: {  	v52 =	vmul.f32 v28, v22;
	v54 =	vmul.f32 v27, v20  }
0x200: {  	v55 =	vmul.f32 v28, v20;
	v56 =	vmul.f32 v31, v20  }
0x201: {  	v20 =	vmul.f32 v34, v20;
	v25 =	vmul.f32 v25, v37  }
0x202: {  	v28 =	vmul.f32 v28, v37;
	v27 =	vmul.f32 v27, v37  }
0x203: {  	v23 =	vadd.f32 v24, v23;
	v24 =	vmul.f32 v38, v16;
	v63 =	vmul.f32 v39, v17  }
0x204: {  	v40 =	vsub.f32 v61, v62;
	v58 =	vmul.f32 v54, v12;
	v59 =	vmul.f32 v56, v13  }
0x205: {  	v30 =	vadd.f32 v60, v30;
	v60 =	vmul.f32 v55, v12;
	v61 =	vmul.f32 v20, v13  }
0x206: {  	v38 =	vmul.f32 v38, v12;
	v39 =	vmul.f32 v39, v13  }
0x207: {  	v41 =	vmul.f32 v54, v16;
	v33 =	vmul.f32 v56, v17  }
0x208: {  	v43 =	vsub.f32 v48, v49;
	v46 =	vmul.f32 v55, v16;
	v20 =	vmul.f32 v20, v17  }
0x209: {  	v42 =	vadd.f32 v52, v51;
	v48 =	vmul.f32 v34, v22;
	v52 =	vmul.f32 v29, v0  }
0x20a: {  	v28 =	vsub.f32 v35, v28;
	v29 =	vmul.f32 v29, v4;
	v27 =	vsub.f32 v27, v36  }
0x20b: {  	v54 =	vmul.f32 v26, v37;
	v34 =	vmul.f32 v34, v37;
	v24 =	vadd.f32 v63, v24  }
0x20c: {  	v50 =	vmul.f32 v23, v37;
	v53 =	vmul.f32 v40, v18;
	v44 =	vadd.f32 v59, v58  }
0x20d: {  	v57 =	vmul.f32 v43, v19;
	v62 =	vadd.f32 v61, v60;
	v38 =	vadd.f32 v39, v38  }
0x20e: {  	v63 =	vmul.f32 v31, v21;
	v33 =	vadd.f32 v33, v41;
	v49 =	vmul.f32 v30, v21  }
0x20f: {  	v25 =	vadd.f32 v25, v42;
	v51 =	vmul.f32 v23, v21;
	v23 =	vmul.f32 v23, v22  }
0x210: {  	v31 =	vmul.f32 v31, v37;
	v58 =	vmul.f32 v28, v14;
	v24 =	vadd.f32 v24, v50  }
0x211: {  	v20 =	vadd.f32 v20, v46;
	v60 =	vmul.f32 v27, v14;
	v28 =	vmul.f32 v28, v18  }
0x212: {  	v50 =	vmul.f32 v30, v22;
	v39 =	vadd.f32 v48, v63;
	v24 =	vadd.f32 v24, v53  }
0x213: {  	v30 =	vmul.f32 v30, v37;
	v41 =	vadd.f32 v44, v49;
	v22 =	vmul.f32 v26, v22  }
0x214: {  	v26 =	vmul.f32 v26, v21;
	v56 =	vmul.f32 v25, v2;
	v24 =	vadd.f32 v24, v57  }
0x215: {  	v25 =	vmul.f32 v25, v6;
	v59 =	vadd.f32 v20, v23;
	v53 =	vmul.f32 v32, v1  }
0x216: {  	s6 =	simm.s32 $0x10;
	v32 =	vmul.f32 v32, v5;
	v42 =	vadd.f32 v62, v50;
	v55 =	vadd.f32 v38, v30;
	[tilespmem:s5+$0x10800] =	vst v24  }
0x217: {  	v30 =	vsub.f32 v22, v34;
	v22 =	vmul.f32 v40, v14;
	v57 =	vadd.f32 v33, v51;
	v23 =	vld [tilespmem:s6+$0x1800]  }
0x218: {  	v62 =	vmul.f32 v27, v18;
	v35 =	vadd.f32 v53, v52;
	v29 =	vadd.f32 v32, v29;
	v20 =	vld [tilespmem:s6+$0x3800]  }
0x219: {  	v34 =	vmul.f32 v43, v15;
	v32 =	vsub.f32 v31, v26;
	v24 =	vadd.f32 v54, v39;
	v21 =	vld [tilespmem:s6+$0x4000]  }
0x21a: {  	v33 =	vadd.f32 v41, v58;
	v31 =	vadd.f32 v42, v60;
	v36 =	vmul.f32 v30, v15;
	v26 =	vld [tilespmem:s6+$0x9000]  }
0x21b: {  	v61 =	vadd.f32 v56, v35;
	v35 =	vadd.f32 v25, v29;
	v27 =	vld [tilespmem:s6+$0x9800];
	v63 =	vmul.f32 v24, v3  }
0x21c: {  	v29 =	vadd.f32 v55, v22;
	v28 =	vadd.f32 v57, v28;
	v38 =	vmul.f32 v24, v7;
	v24 =	vld [tilespmem:s6+$0xB000]  }
0x21d: {  	s7 =	simm.s32 $0x80;
	v25 =	vadd.f32 v59, v62;
	v37 =	vmul.f32 v32, v15;
	v22 =	vld [tilespmem:s6+$0xC800];
	v39 =	vadd.f32 v63, v61  }
.LBB2_5:
0x21e: {  	p0 =	sne.s32 s7, $0x1F00;
	v40 =	vld [tilespmem:s6+$0xA000];
	v35 =	vadd.f32 v38, v35;
	v30 =	vmul.f32 v30, v19;
	v32 =	vmul.f32 v32, v19  }
0x21f: {  	v33 =	vadd.f32 v36, v33;
	v38 =	vld [tilespmem:s6+$0xA800];
	v41 =	vmul.f32 v26, v23;
	v42 =	vmul.f32 v26, v8;
	[tilespmem:s5+$0xD000] =	vst v39  }
0x220: {  	v31 =	vadd.f32 v31, v37;
	v36 =	vld [tilespmem:s6+$0xB800];
	v39 =	vmul.f32 v27, v23;
	v43 =	vmul.f32 v27, v9;
	[tilespmem:s5+$0xD800] =	vst v35  }
0x221: {  	v29 =	vadd.f32 v29, v34;
	v35 =	vld [tilespmem:s6+$0xC000];
	v37 =	vmul.f32 v24, v21;
	v44 =	vmul.f32 v24, v20;
	[tilespmem:s5+$0xE000] =	vst v33  }
0x222: {  	v34 =	vmul.f32 v24, v23;
	v33 =	vld [tilespmem:s6+$0x4800];
	v45 =	vmul.f32 v22, v23;
	v42 =	vadd.f32 v43, v42;
	[tilespmem:s5+$0xE800] =	vst v31  }
0x223: {  	v26 =	vmul.f32 v26, v10;
	v27 =	vmul.f32 v27, v11;
	v28 =	vadd.f32 v30, v28;
	[tilespmem:s5+$0xF000] =	vst v29  }
0x224: {  	v25 =	vadd.f32 v25, v32;
	v30 =	vmul.f32 v40, v21;
	v29 =	vmul.f32 v38, v20  }
0x225: {  	v26 =	vadd.f32 v27, v26;
	v27 =	vmul.f32 v34, v16;
	v31 =	vmul.f32 v45, v17;
	[tilespmem:s5+$0xF800] =	vst v28  }
0x226: {  	v32 =	vmul.f32 v36, v21;
	v28 =	vmul.f32 v35, v20;
	[tilespmem:s5+$0x10000] =	vst v25;
	s5 =	smov.u32 s6  }
0x227: {  	v25 =	vsub.f32 v29, v30;
	v27 =	vadd.f32 v31, v27;
	v29 =	vmul.f32 v26, v33  }
0x228: {  	v30 =	vmul.f32 v40, v20;
	v31 =	vmul.f32 v38, v21  }
0x229: {  	v43 =	vsub.f32 v28, v32;
	v28 =	vmul.f32 v25, v18;
	v27 =	vadd.f32 v27, v29  }
0x22a: {  	v29 =	vadd.f32 v31, v30;
	v30 =	vmul.f32 v40, v23;
	v31 =	vmul.f32 v38, v23  }
0x22b: {  	v32 =	vmul.f32 v36, v23;
	v27 =	vadd.f32 v27, v28;
	v28 =	vmul.f32 v43, v19  }
0x22c: {  	v23 =	vmul.f32 v35, v23;
	v46 =	vmul.f32 v30, v12  }
0x22d: {  	v47 =	vmul.f32 v32, v13;
	v48 =	vmul.f32 v31, v12;
	v27 =	vadd.f32 v27, v28  }
0x22e: {  	v34 =	vmul.f32 v34, v12;
	v28 =	vmul.f32 v23, v13  }
0x22f: {  	v45 =	vmul.f32 v45, v13;
	v30 =	vmul.f32 v30, v16;
	v46 =	vadd.f32 v47, v46;
	[tilespmem:s5+$0x10800] =	vst v27  }
0x230: {  	v31 =	vmul.f32 v31, v16;
	v27 =	vadd.f32 v28, v48;
	v28 =	vmul.f32 v32, v17  }
0x231: {  	v24 =	vmul.f32 v24, v33;
	v23 =	vmul.f32 v23, v17;
	v32 =	vadd.f32 v45, v34  }
0x232: {  	v34 =	vmul.f32 v36, v20;
	v45 =	vmul.f32 v35, v21;
	v28 =	vadd.f32 v28, v30  }
0x233: {  	v24 =	vadd.f32 v24, v29;
	v29 =	vmul.f32 v38, v33;
	v30 =	vmul.f32 v40, v33  }
0x234: {  	v38 =	vmul.f32 v42, v20;
	v23 =	vadd.f32 v23, v31;
	v40 =	vmul.f32 v42, v21  }
0x235: {  	v31 =	vadd.f32 v45, v34;
	v34 =	vmul.f32 v42, v33;
	v42 =	vmul.f32 v26, v20  }
0x236: {  	v29 =	vsub.f32 v37, v29;
	v45 =	vmul.f32 v41, v0;
	v26 =	vmul.f32 v26, v21  }
0x237: {  	v37 =	vmul.f32 v39, v1;
	v41 =	vmul.f32 v41, v4;
	v44 =	vsub.f32 v30, v44  }
0x238: {  	v39 =	vmul.f32 v39, v5;
	v38 =	vadd.f32 v46, v38;
	v30 =	vmul.f32 v22, v33  }
0x239: {  	v35 =	vmul.f32 v35, v33;
	v21 =	vmul.f32 v22, v21;
	v40 =	vadd.f32 v27, v40  }
0x23a: {  	v27 =	vmul.f32 v36, v33;
	v22 =	vmul.f32 v22, v20;
	v34 =	vadd.f32 v32, v34  }
0x23b: {  	v32 =	vmul.f32 v24, v2;
	v24 =	vmul.f32 v24, v6;
	v28 =	vadd.f32 v28, v42  }
0x23c: {  	s6 =	sshra.s32 s7, $0x2;
	v33 =	vmul.f32 v29, v14;
	v42 =	vadd.f32 v23, v26;
	v31 =	vadd.f32 v30, v31  }
0x23d: {  	v26 =	vadd.f32 v37, v45;
	v36 =	vadd.f32 v39, v41;
	v37 =	vmul.f32 v44, v14;
	v23 =	vld [tilespmem:s6+$0x1800]  }
0x23e: {  	v25 =	vmul.f32 v25, v14;
	v39 =	vmul.f32 v29, v18;
	v30 =	vsub.f32 v21, v35;
	v20 =	vld [tilespmem:s6+$0x3800]  }
.Ltmp1:
0x23f: {  	v41 =	vadd.f32 v32, v26;
	v32 =	vsub.f32 v27, v22;
	v22 =	vmul.f32 v44, v18;
	v21 =	vld [tilespmem:s6+$0x4000];
	(pc) =	sbr.rel @p0 .LBB2_5-.Ltmp1, $4  }
0x240: {  	v35 =	vadd.f32 v24, v36;
	v33 =	vadd.f32 v38, v33;
	v44 =	vmul.f32 v31, v3;
	v26 =	vld [tilespmem:s6+$0x9000]  }
0x241: {  	v29 =	vadd.f32 v34, v25;
	v38 =	vmul.f32 v31, v7;
	v31 =	vadd.f32 v40, v37;
	v27 =	vld [tilespmem:s6+$0x9800]  }
0x242: {  	v28 =	vadd.f32 v28, v39;
	v36 =	vmul.f32 v30, v15;
	v25 =	vadd.f32 v42, v22;
	v24 =	vld [tilespmem:s6+$0xB000]  }
0x243: {  	s7 =	sadd.s32 $0x40, s7;
	v34 =	vmul.f32 v43, v15;
	v37 =	vmul.f32 v32, v15;
	v39 =	vadd.f32 v44, v41;
	v22 =	vld [tilespmem:s6+$0xC800]  }
0x244: {  	v40 =	vld [tilespmem:s6+$0xA000];
	v30 =	vmul.f32 v30, v19  }
0x245: {  	v41 =	vld [tilespmem:s6+$0xA800];
	v35 =	vadd.f32 v38, v35;
	v32 =	vmul.f32 v32, v19;
	[tilespmem:s5+$0xD000] =	vst v39;
	v39 =	vmul.f32 v26, v23  }
0x246: {  	v42 =	vmul.f32 v26, v8;
	v50 =	vmul.f32 v26, v10  }
0x247: {  	v38 =	vld [tilespmem:s6+$0xB800];
	[tilespmem:s5+$0xD800] =	vst v35;
	v35 =	vmul.f32 v27, v23;
	v49 =	vmul.f32 v27, v9  }
0x248: {  	v31 =	vadd.f32 v31, v37;
	v51 =	vmul.f32 v27, v11;
	v37 =	vmul.f32 v24, v21  }
0x249: {  	v29 =	vadd.f32 v29, v34;
	v44 =	vmul.f32 v24, v20;
	v34 =	vmul.f32 v24, v23  }
0x24a: {  	v45 =	vmul.f32 v22, v23;
	v52 =	vmul.f32 v41, v20  }
0x24b: {  	v33 =	vadd.f32 v36, v33;
	v53 =	vmul.f32 v40, v21;
	v54 =	vmul.f32 v34, v16  }
0x24c: {  	v36 =	vadd.f32 v49, v42;
	v56 =	vmul.f32 v40, v20;
	v49 =	vmul.f32 v41, v21  }
0x24d: {  	v26 =	vadd.f32 v51, v50;
	v58 =	vmul.f32 v40, v23;
	v50 =	vmul.f32 v41, v23  }
0x24e: {  	v43 =	vld [tilespmem:s6+$0xC000];
	[tilespmem:s5+$0xE000] =	vst v33;
	v34 =	vmul.f32 v34, v12;
	v46 =	vmul.f32 v45, v17  }
0x24f: {  	v33 =	vld [tilespmem:s6+$0x4800];
	v45 =	vmul.f32 v45, v13;
	v48 =	vmul.f32 v38, v21  }
0x250: {  	v28 =	vadd.f32 v30, v28;
	v59 =	vmul.f32 v38, v23;
	v61 =	vmul.f32 v58, v12  }
0x251: {  	v30 =	vsub.f32 v52, v53;
	v52 =	vmul.f32 v50, v12;
	v42 =	vmul.f32 v58, v16  }
0x252: {  	v50 =	vmul.f32 v50, v16;
	v58 =	vmul.f32 v36, v21  }
0x253: {  	v47 =	vmul.f32 v43, v20;
	v27 =	vadd.f32 v46, v54;
	v60 =	vmul.f32 v43, v23  }
0x254: {  	v46 =	vadd.f32 v49, v56;
	v56 =	vmul.f32 v43, v21;
	v55 =	vmul.f32 v26, v33  }
0x255: {  	v57 =	vmul.f32 v30, v18;
	v62 =	vmul.f32 v59, v13  }
0x256: {  	v25 =	vadd.f32 v25, v32;
	v32 =	vmul.f32 v59, v17;
	v54 =	vmul.f32 v24, v33  }
0x257: {  	v41 =	vmul.f32 v41, v33;
	v40 =	vmul.f32 v40, v33  }
0x258: {  	v34 =	vadd.f32 v45, v34;
	v59 =	vmul.f32 v26, v20;
	v26 =	vmul.f32 v26, v21  }
0x259: {  	v43 =	vmul.f32 v43, v33;
	v47 =	vsub.f32 v47, v48;
	v63 =	vmul.f32 v60, v13  }
0x25a: {  	v23 =	vmul.f32 v60, v17;
	v60 =	vmul.f32 v39, v0;
	v27 =	vadd.f32 v27, v55  }
0x25b: {  	v39 =	vmul.f32 v39, v4;
	v48 =	vadd.f32 v62, v61;
	v32 =	vadd.f32 v32, v42  }
0x25c: {  	v55 =	vmul.f32 v38, v20;
	v24 =	vadd.f32 v54, v46;
	v37 =	vsub.f32 v37, v41  }
0x25d: {  	v40 =	vsub.f32 v40, v44;
	v61 =	vmul.f32 v35, v1;
	v38 =	vmul.f32 v38, v33  }
0x25e: {  	v35 =	vmul.f32 v35, v5;
	v51 =	vmul.f32 v47, v19;
	v53 =	vadd.f32 v63, v52  }
0x25f: {  	v23 =	vadd.f32 v23, v50;
	v63 =	vmul.f32 v22, v21;
	v27 =	vadd.f32 v27, v57  }
0x260: {  	v57 =	vmul.f32 v36, v20;
	v42 =	vadd.f32 v56, v55;
	v36 =	vmul.f32 v36, v33  }
0x261: {  	v33 =	vmul.f32 v22, v33;
	v20 =	vmul.f32 v22, v20;
	v32 =	vadd.f32 v32, v59  }
0x262: {  	v50 =	vmul.f32 v24, v2;
	v52 =	vadd.f32 v61, v60;
	v35 =	vadd.f32 v35, v39  }
0x263: {  	v24 =	vmul.f32 v24, v6;
	v62 =	vadd.f32 v53, v58;
	v23 =	vadd.f32 v23, v26  }
0x264: {  	v54 =	vmul.f32 v37, v18;
	v21 =	vsub.f32 v63, v43;
	v27 =	vadd.f32 v27, v51  }
0x265: {  	v53 =	vmul.f32 v40, v14;
	v46 =	vadd.f32 v48, v57;
	v49 =	vadd.f32 v34, v36  }
0x266: {  	[tilespmem:s5+$0xE800] =	vst v31;
	v33 =	vadd.f32 v33, v42;
	v51 =	vmul.f32 v37, v14;
	v58 =	vmul.f32 v21, v15  }
0x267: {  	[tilespmem:s5+$0xF000] =	vst v29;
	v59 =	vadd.f32 v62, v53;
	v62 =	vadd.f32 v32, v54;
	v21 =	vmul.f32 v21, v19  }
0x268: {  	[tilespmem:s5+$0xF800] =	vst v28;
	v26 =	vadd.f32 v50, v52;
	v20 =	vsub.f32 v38, v20;
	v55 =	vmul.f32 v33, v3  }
0x269: {  	[tilespmem:s5+$0x10000] =	vst v25;
	v24 =	vadd.f32 v24, v35;
	v33 =	vmul.f32 v33, v7;
	v21 =	vadd.f32 v21, v62  }
0x26a: {  	v30 =	vmul.f32 v30, v14;
	v57 =	vadd.f32 v46, v51;
	[tilespmem:s6+$0x10800] =	vst v27;
	v26 =	vadd.f32 v55, v26  }
0x26b: {  	v56 =	vmul.f32 v40, v18;
	v60 =	vmul.f32 v20, v15;
	v24 =	vadd.f32 v33, v24;
	[tilespmem:s6+$0xF800] =	vst v21  }
0x26c: {  	v61 =	vmul.f32 v47, v15;
	v22 =	vadd.f32 v49, v30;
	v25 =	vadd.f32 v58, v57;
	[tilespmem:s6+$0xD000] =	vst v26  }
0x26d: {  	v23 =	vadd.f32 v23, v56;
	v20 =	vmul.f32 v20, v19;
	v63 =	vadd.f32 v59, v60;
	[tilespmem:s6+$0xD800] =	vst v24  }
0x26e: {  	v22 =	vadd.f32 v22, v61;
	[tilespmem:s6+$0xE000] =	vst v25  }
0x26f: {  	v20 =	vadd.f32 v23, v20;
	[tilespmem:s6+$0xE800] =	vst v63  }
0x270: {  	s4 =	sshrl.u32 s4, $0x3;
	[tilespmem:s6+$0xF000] =	vst v22  }
0x271: {  	s4 =	sadd.s32 s17, s4;
	[tilespmem:s6+$0x10000] =	vst v20  }
0x272: {  	[hbm4b:s4+s10] =	stream.linear.scatter [tilespmem:s24], [sflag:$0x3], $0x7D0, $0x38;
	[tilespmem:$0x1EC80] =	vst v63  }
0x273: {  	s7 =	sadd.s32 $0x61A80, s4  }
0x274: {  	[hbm4b:s7+s10] =	stream.linear.scatter [tilespmem:s25], [sflag:$0x3], $0x7D0, $0x38;
	[tilespmem:$0x1EC80] =	vst v63  }
0x275: {  	s9 =	sadd.s32 $0xC3500, s4  }
0x276: {  	[hbm4b:s9+s10] =	stream.linear.scatter [tilespmem:s26], [sflag:$0x3], $0x7D0, $0x38;
	[tilespmem:$0x1EC80] =	vst v63  }
0x277: {  	s6 =	sadd.s32 $0x124F80, s4  }
0x278: {  	[hbm4b:s6+s10] =	stream.linear.scatter [tilespmem:s3], [sflag:$0x3], $0x7D0, $0x38;
	[tilespmem:$0x1EC80] =	vst v63  }
0x279: {  	s7 =	sadd.s32 $0x186A00, s4  }
0x27a: {  	[hbm4b:s7+s10] =	stream.linear.scatter [tilespmem:s11], [sflag:$0x3], $0x7D0, $0x38;
	[tilespmem:$0x1EC80] =	vst v63  }
0x27b: {  	s2 =	smin.u32 s2, $0x2E;
	s7 =	sld [smem:$0x7FD]  }
0x27c: {  	s2 =	smul.u32 $0x7D0, s2;
	s9 =	sadd.s32 $0x1E8480, s4  }
0x27d: {  	[hbm4b:s9+s10] =	stream.linear.scatter [tilespmem:s16], [sflag:$0x3], $0x7D0, $0x38;
	[tilespmem:$0x1EC80] =	vst v63  }
0x27e: {  	s6 =	sadd.s32 $0x249F00, s4;
	s2 =	sadd.s32 s2, s7  }
0x27f: {  	[hbm4b:s6+s10] =	stream.linear.scatter [tilespmem:s18], [sflag:$0x3], $0x7D0, $0x38;
	[tilespmem:$0x1EC80] =	vst v63  }
0x280: {  	s4 =	sadd.s32 $0x2AB980, s4;
	s2 =	sshrl.u32 s2, $0x3  }
0x281: {  	[hbm4b:s4+s10] =	stream.linear.scatter [tilespmem:s23], [sflag:$0x3], $0x7D0, $0x38;
	[tilespmem:$0x1EC80] =	vst v63  }
0x282: {  	s9 =	sadd.s32 s12, s2  }
0x283: {  	[tilespmem:s28], [sflag:$0x1] =	stream.linear.gather [hbm4b:s9+s10], $0x7D0, $0x38;
	[tilespmem:$0x1EC80] =	vst v63  }
0x284: {  	s1 =	sadd.s32 $0x1, s1;
	s6 =	simm.s32 $0x1800;
	s5 =	sadd.s32 s8, s2  }
0x285: {  	[tilespmem:s6], [sflag:$0x1] =	stream.linear.gather [hbm4b:s5+s10], $0x7D0, $0x38;
	[tilespmem:$0x1EC80] =	vst v63  }
0x286: {  	p0 =	sne.s32 s1, $0x19;
	s7 =	sadd.s32 s13, s2;
	s9 =	simm.s32 $0x3800  }
0x287: {  	[tilespmem:s9], [sflag:$0x1] =	stream.linear.gather [hbm4b:s7+s10], $0x7D0, $0x38;
	[tilespmem:$0x1EC80] =	vst v63  }
.Ltmp2:
0x288: {  	_ = 	snop;
	(pc) =	sbr.rel @p0 .LBB2_2-.Ltmp2, $4  }
0x289: {  	s6 =	sadd.s32 s14, s2;
	s7 =	simm.s32 $0x4000  }
0x28a: {  	[tilespmem:s7], [sflag:$0x1] =	stream.linear.gather [hbm4b:s6+s10], $0x7D0, $0x38;
	[tilespmem:$0x1EC80] =	vst v63  }
0x28b: {  	s2 =	sadd.s32 s15, s2;
	s9 =	simm.s32 $0x4800  }
0x28c: {  	[tilespmem:s9], [sflag:$0x1] =	stream.linear.gather [hbm4b:s2+s10], $0x7D0, $0x38;
	[tilespmem:$0x1EC80] =	vst v63  }
0x28d: {  	_ =	swait.ge [sflag:s29], $0x7D0  }
0x28e: {  	[sflag:s29] =	ssyncset.done $0x0  }
0x28f: {  	[sflag:s29] =	ssyncadd.s32 $0xFFFFF830  }
0x290: {  	_ =	swait.ge [sflag:s29], $0x7D0  }
0x291: {  	[sflag:s29] =	ssyncset.done $0x0  }
0x292: {  	[sflag:s29] =	ssyncadd.s32 $0xFFFFF830  }
0x293: {  	_ =	swait.ge [sflag:s29], $0x7D0  }
0x294: {  	[sflag:s29] =	ssyncset.done $0x0  }
0x295: {  	[sflag:s29] =	ssyncadd.s32 $0xFFFFF830  }
0x296: {  	_ =	swait.ge [sflag:s29], $0x7D0  }
0x297: {  	[sflag:s29] =	ssyncset.done $0x0  }
0x298: {  	[sflag:s29] =	ssyncadd.s32 $0xFFFFF830  }
0x299: {  	_ =	swait.ge [sflag:s29], $0x7D0  }
0x29a: {  	[sflag:s29] =	ssyncset.done $0x0  }
0x29b: {  	[sflag:s29] =	ssyncadd.s32 $0xFFFFF830  }
0x29c: {  	_ =	swait.ge [sflag:s21], $0x7D0  }
0x29d: {  	[sflag:s21] =	ssyncset.done $0x0  }
0x29e: {  	[sflag:s21] =	ssyncadd.s32 $0xFFFFF830  }
0x29f: {  	_ =	swait.ge [sflag:s21], $0x7D0  }
0x2a0: {  	[sflag:s21] =	ssyncset.done $0x0  }
0x2a1: {  	[sflag:s21] =	ssyncadd.s32 $0xFFFFF830  }
0x2a2: {  	_ =	swait.ge [sflag:s21], $0x7D0  }
0x2a3: {  	[sflag:s21] =	ssyncset.done $0x0  }
0x2a4: {  	[sflag:s21] =	ssyncadd.s32 $0xFFFFF830  }
0x2a5: {  	_ =	swait.ge [sflag:s21], $0x7D0  }
0x2a6: {  	[sflag:s21] =	ssyncset.done $0x0  }
0x2a7: {  	[sflag:s21] =	ssyncadd.s32 $0xFFFFF830  }
0x2a8: {  	_ =	swait.ge [sflag:s21], $0x7D0  }
0x2a9: {  	[sflag:s21] =	ssyncset.done $0x0  }
0x2aa: {  	[sflag:s21] =	ssyncadd.s32 $0xFFFFF830  }
0x2ab: {  	_ =	swait.ge [sflag:s21], $0x7D0  }
0x2ac: {  	[sflag:s21] =	ssyncset.done $0x0  }
0x2ad: {  	[sflag:s21] =	ssyncadd.s32 $0xFFFFF830  }
0x2ae: {  	_ =	swait.ge [sflag:s21], $0x7D0  }
0x2af: {  	[sflag:s21] =	ssyncset.done $0x0  }
0x2b0: {  	[sflag:s21] =	ssyncadd.s32 $0xFFFFF830  }
0x2b1: {  	_ =	swait.ge [sflag:s21], $0x7D0  }
0x2b2: {  	[sflag:s21] =	ssyncset.done $0x0  }
0x2b3: {  	[sflag:s21] =	ssyncadd.s32 $0xFFFFF830  }
0x2b4: {  	_ =	swait.ge [sflag:s0], $0x7D0  }
0x2b5: {  	[sflag:s0] =	ssyncset.done $0x0  }
0x2b6: {  	[sflag:s0] =	ssyncadd.s32 $0xFFFFF830  }
0x2b7: {  	_ =	swait.ge [sflag:s0], $0x7D0  }
0x2b8: {  	[sflag:s0] =	ssyncset.done $0x0  }
0x2b9: {  	[sflag:s0] =	ssyncadd.s32 $0xFFFFF830  }
0x2ba: {  	_ =	swait.ge [sflag:s0], $0x7D0  }
0x2bb: {  	[sflag:s0] =	ssyncset.done $0x0  }
0x2bc: {  	[sflag:s0] =	ssyncadd.s32 $0xFFFFF830  }
0x2bd: {  	_ =	swait.ge [sflag:s0], $0x7D0  }
0x2be: {  	[sflag:s0] =	ssyncset.done $0x0  }
0x2bf: {  	[sflag:s0] =	ssyncadd.s32 $0xFFFFF830  }
0x2c0: {  	_ =	swait.ge [sflag:s0], $0x7D0  }
0x2c1: {  	[sflag:s0] =	ssyncset.done $0x0  }
0x2c2: {  	[sflag:s0] =	ssyncadd.s32 $0xFFFFF830  }
0x2c3: {  	_ =	swait.ge [sflag:s0], $0x7D0  }
0x2c4: {  	[sflag:s0] =	ssyncset.done $0x0  }
0x2c5: {  	[sflag:s0] =	ssyncadd.s32 $0xFFFFF830  }
0x2c6: {  	_ =	swait.ge [sflag:s0], $0x7D0  }
0x2c7: {  	[sflag:s0] =	ssyncset.done $0x0  }
0x2c8: {  	[sflag:s0] =	ssyncadd.s32 $0xFFFFF830  }
0x2c9: {  	_ =	swait.ge [sflag:s0], $0x7D0  }
0x2ca: {  	s2 =	sld [smem:$0x7F2]  }
0x2cb: {  	s1 =	sld [smem:$0x7F4];
	_ =	sdelay $0x1  }
0x2cc: {  	s2 =	sadd.s32 $0x1, s2  }
0x2cd: {  	p0 =	sne.s32 s2, s1  }
.Ltmp3:
0x2ce: {  	_ = 	snop;
	(pc) =	sbr.rel @p0 .LBB2_1-.Ltmp3, $3  }
0x2cf: {  	_ =	sdelay $0x1  }
0x2d0: {  	[sflag:s0] =	ssyncset.done $0x0  }
0x2d1: {  	[sflag:s0] =	ssyncadd.s32 $0xFFFFF830  }
0x2d2: {  	_ =	sfence.sel $0x180000  }
0x2d3: {  	[bflag:$0x0] =	sbarrier.arrive $0xFFFF  }
0x2d4: {  	_ =	strace $0x90000047  }
0x2d5: {  	s0 =	stileid.u32;
	[bflag:$0x2] =	sbarrier.arrive $0xFFFF  }
0x2d6: {  	p0 =	sne.s32 s0, $0x0;
	s0 =	rddreg [dreg:$0xb]  }
0x2d7: {  	s0 =	sadd.s32 @!p0 $0x100000, s0  }
0x2d8: {  	[sflag:s0] =	ssyncadd.tile.s32 @!p0 $0x1;
	_ =	shalt  }
.Lfunc_end2:
_tile_overlayer_lowered:
.L_overlay_start_2:
0x2d9: {  	(tag) =	ssettag $0x2  }
0x2da: {  	s0 =	rddreg [dreg:$0x0];
	s2 =	stileid.u32  }
0x2db: {  	s1 =	rddreg [dreg:$0x1];
	p0 =	sne.s32 s2, $0x0  }
0x2dc: {  	s3 =	rddreg [dreg:$0x2];
	[bflag:$0x3] =	sbarrier.arrive $0xFFFF;
	s2 =	simm.s32 @!p0 $0x1C04  }
0x2dd: {  	[timem:s3], [sflag:s2] =	dma.local @!p0 [hbm:s0], s1  }
0x2de: {  	s0 =	simm.s32 @!p0 $0x4  }
0x2df: {  	_ =	swait.ge @!p0 [sflag:s0], s1  }
0x2e0: {  	s1 =	ssub.s32 @!p0 $0x0, s1;
	[sflag:s0] =	ssyncset.done @!p0 $0x0  }
0x2e1: {  	[sflag:s0] =	ssyncadd.s32 @!p0 s1  }
0x2e2: {  	[bflag:$0x3] =	sbarrier.arrive $0xFFFF  }
0x2e3: {  	_ =	shalt  }

// kernel: kernel.8.cloned.1.call-start
scs
__scs_entry_jumppad:
0x0: {  	(pc) =	sbr.rel $0x88, $3  }
0x1: {  	(tag) =	ssettag $0x0;
	lr =	simm.s32 $0x1  }
0x2: {  	[smem:$0x3F9C] =	sst lr;
	_ =	strace $0xD0000000  }
0x3: {  	_ = 	snop  }
0x4: {  	_ = 	snop  }
0x5: {  	_ = 	snop  }
0x6: {  	_ = 	snop  }
0x7: {  	_ = 	snop  }
__scs_overlays_trampoline_lowered:
0x8: {  	[smem:$0x3FAB] =	sst s0  }
0x9: {  	[smem:$0x3FAC] =	sst s1  }
0xa: {  	[smem:$0x3FAD] =	sst s2  }
0xb: {  	[smem:$0x3FAE] =	sst s3  }
0xc: {  	[smem:$0x3FAF] =	sst s4  }
0xd: {  	[smem:$0x3FB0] =	sst s5  }
0xe: {  	[smem:$0x3FB1] =	sst s6  }
0xf: {  	[smem:$0x3FB2] =	sst s7  }
0x10: {  	[smem:$0x3FB3] =	sst s8  }
0x11: {  	[smem:$0x3FB4] =	sst s9;
	s0 =	simm.s32 @!p0 $0x0  }
0x12: {  	s1 =	sld [smem:$0x3F9A];
	s0 =	simm.s32 @p0 $0x1  }
0x13: {  	[smem:$0x3FB5] =	sst s0;
	s0 =	simm.s32 @!p1 $0x0  }
0x14: {  	s2 =	sld [smem:$0x3F99];
	s0 =	simm.s32 @p1 $0x1  }
0x15: {  	[smem:$0x3FB6] =	sst s0;
	s0 =	simm.s32 @!p2 $0x0  }
0x16: {  	s3 =	sld [smem:$0x3FDB];
	s0 =	simm.s32 @p2 $0x1  }
0x17: {  	s4 =	simm.s32 $0x1BF5;
	[smem:$0x3FB8] =	sst s0  }
0x18: {  	s0 =	sld [smem:$0x3F9B];
	_ =	swait.ge [sflag:s4], $0x0  }
0x19: {  	s7 =	sld [smem:$0x3F9C]  }
0x1a: {  	s8 =	sadd.s32 $0xFFFFE003, lr  }
0x1b: {  	s9 =	sadd.s32 $0xFFFFFEF7, lr;
	s5 =	simm.s32 $0xFFFFFFFF;
	p2 =	slt.u32 s8, $0xFFFFF086  }
0x1c: {  	p1 =	slt.u32 s9, $0xF7A;
	s5 =	simm.s32 @!p2 $0x0  }
0x1d: {  	s5 =	simm.s32 @p1 $0x1;
	p0 =	seq.s32 s7, s2  }
0x1e: {  	s7 =	smul.u32 @!p0 $0xF7A, s2;
	p2 =	seq.s32 @!p0 s5, $0x0  }
0x1f: {  	s9 =	smul.u32 $0xF7A, s1;
	s8 =	simm.s32 @!p0 $0x1BF5;
	p2 =	por !p2, p0  }
0x20: {  	[sflag:s8] =	ssyncset.s32 @!p0 $0xFFFFF086;
	s6 =	sadd.s32 @!p0 s3, s7;
	s7 =	simm.s32 @!p0 $0x108  }
0x21: {  	s3 =	sadd.s32 s3, s9;
	s6 =	sadd.s32 @!p0 $0x88, s6;
	s7 =	simm.s32 @p2 $0x1082  }
0x22: {  	[simem:s7], [sflag:s8] =	dma.local @!p0 [hbm:s6], $0xF7A  }
0x23: {  	s9 =	sor.u32 $0xD0000000, s2;
	s6 =	simm.s32 $0x108;
	_ =	swait.ge @!p0 [sflag:s8], $0x0  }
0x24: {  	s3 =	sadd.s32 $0x88, s3;
	s6 =	simm.s32 @!p1 $0x1082;
	[sflag:s4] =	ssyncset.s32 $0xFFFFF086  }
0x25: {  	[simem:s6], [sflag:s4] =	dma.local [hbm:s3], $0xF7A  }
0x26: {  	[smem:$0x3F9C] =	sst s1;
	(tag) =	ssettag s2;
	_ =	strace s9  }
0x27: {  	s1 =	sld [smem:$0x3FAC]  }
0x28: {  	s2 =	sld [smem:$0x3FAD]  }
0x29: {  	s4 =	sld [smem:$0x3FAF]  }
0x2a: {  	p0 =	seq.s32 s5, $0x0;
	s5 =	sld [smem:$0x3FB0]  }
0x2b: {  	s6 =	sld [smem:$0x3FB1]  }
0x2c: {  	s7 =	sld [smem:$0x3FB2]  }
0x2d: {  	s3 =	simm.s32 $0x108;
	s8 =	sld [smem:$0x3FB3]  }
0x2e: {  	s3 =	simm.s32 @!p0 $0x1082;
	s9 =	sld [smem:$0x3FB4]  }
0x2f: {  	lr =	sadd.s32 s0, s3;
	s0 =	sld [smem:$0x3FAB]  }
0x30: {  	s3 =	sld [smem:$0x3FAE]  }
0x31: {  	[smem:$0x3FB7] =	sst s10  }
0x32: {  	s10 =	sld [smem:$0x3FB5];
	_ =	sdelay $0x3  }
0x33: {  	p0 =	seq.s32 s10, $0x1;
	s10 =	sld [smem:$0x3FB7];
	_ =	sdelay $0x3  }
0x34: {  	[smem:$0x3FB7] =	sst s10  }
0x35: {  	s10 =	sld [smem:$0x3FB6];
	_ =	sdelay $0x3  }
0x36: {  	p1 =	seq.s32 s10, $0x1;
	s10 =	sld [smem:$0x3FB7];
	_ =	sdelay $0x3  }
0x37: {  	[smem:$0x3FB7] =	sst s10  }
0x38: {  	s10 =	sld [smem:$0x3FB8]  }
0x39: {  	_ = 	snop;
	(pc) =	sbr.ind lr, $3  }
0x3a: {  	_ = 	snop  }
0x3b: {  	_ = 	snop  }
0x3c: {  	p2 =	seq.s32 s10, $0x1;
	s10 =	sld [smem:$0x3FB7]  }
0x3d: {  	_ =	shalt  }
0x3e: {  	_ =	shalt  }
0x3f: {  	_ =	shalt  }
0x40: {  	_ =	shalt  }
0x41: {  	_ =	shalt  }
0x42: {  	_ =	shalt  }
0x43: {  	_ =	shalt  }
0x44: {  	_ =	shalt  }
0x45: {  	_ =	shalt  }
0x46: {  	_ =	shalt  }
0x47: {  	_ =	shalt  }
0x48: {  	_ =	shalt  }
0x49: {  	_ =	shalt  }
0x4a: {  	_ =	shalt  }
0x4b: {  	_ =	shalt  }
0x4c: {  	_ =	shalt  }
0x4d: {  	_ =	shalt  }
0x4e: {  	_ =	shalt  }
0x4f: {  	_ =	shalt  }
0x50: {  	_ =	shalt  }
0x51: {  	_ =	shalt  }
0x52: {  	_ =	shalt  }
0x53: {  	_ =	shalt  }
0x54: {  	_ =	shalt  }
0x55: {  	_ =	shalt  }
0x56: {  	_ =	shalt  }
0x57: {  	_ =	shalt  }
0x58: {  	_ =	shalt  }
0x59: {  	_ =	shalt  }
0x5a: {  	_ =	shalt  }
0x5b: {  	_ =	shalt  }
0x5c: {  	_ =	shalt  }
0x5d: {  	_ =	shalt  }
0x5e: {  	_ =	shalt  }
0x5f: {  	_ =	shalt  }
0x60: {  	_ =	shalt  }
0x61: {  	_ =	shalt  }
0x62: {  	_ =	shalt  }
0x63: {  	_ =	shalt  }
0x64: {  	_ =	shalt  }
0x65: {  	_ =	shalt  }
0x66: {  	_ =	shalt  }
0x67: {  	_ =	shalt  }
0x68: {  	_ =	shalt  }
0x69: {  	_ =	shalt  }
0x6a: {  	_ =	shalt  }
0x6b: {  	_ =	shalt  }
0x6c: {  	_ =	shalt  }
0x6d: {  	_ =	shalt  }
0x6e: {  	_ =	shalt  }
0x6f: {  	_ =	shalt  }
0x70: {  	_ =	shalt  }
0x71: {  	_ =	shalt  }
0x72: {  	_ =	shalt  }
0x73: {  	_ =	shalt  }
0x74: {  	_ =	shalt  }
0x75: {  	_ =	shalt  }
0x76: {  	_ =	shalt  }
0x77: {  	_ =	shalt  }
0x78: {  	_ =	shalt  }
0x79: {  	_ =	shalt  }
0x7a: {  	_ =	shalt  }
0x7b: {  	_ =	shalt  }
0x7c: {  	_ =	shalt  }
0x7d: {  	_ =	shalt  }
0x7e: {  	_ =	shalt  }
0x7f: {  	_ =	shalt  }
0x80: {  	_ =	shalt  }
0x81: {  	_ =	shalt  }
0x82: {  	_ =	shalt  }
0x83: {  	_ =	shalt  }
0x84: {  	_ =	shalt  }
0x85: {  	_ =	shalt  }
0x86: {  	_ =	shalt  }
0x87: {  	_ =	shalt  }
.Lfunc_end0:
.L_simem_size_0:
called_computation.1_lowered:
.L_overlay_start_0:
0x88: {  	s2 =	sld [smem:$0x3FD9]  }
0x89: {  	s3 =	sld [smem:$0x3FFE];
	_ =	sdelay $0x1  }
0x8a: {  	s1 =	srdreg.scid  }
0x8b: {  	s0 =	sand.u32 $0x1, s1  }
0x8c: {  	s17 =	sshll.u32 s0, $0xA;
	s2 =	sadd.s32 s3, s2  }
0x8d: {  	s2 =	sadd.s32 s2, s17  }
0x8e: {  	[smem:$0x3FC3] =	sst s2  }
0x8f: {  	_ = 	snop  }
0x90: {  	s2 =	sld [smem:$0x3FD0];
	(tm) =	ssettm $0x1  }
0x91: {  	s18 =	sld [smem:$0x3FFB];
	_ =	sdelay $0x3  }
0x92: {  	_ =	strace s18  }
0x93: {  	s3 =	sld [smem:$0x3FFC];
	_ =	sdelay $0x3  }
0x94: {  	_ =	strace s3  }
0x95: {  	s3 =	sld [smem:$0x3FFD];
	_ =	sdelay $0x3  }
0x96: {  	_ =	strace s3  }
0x97: {  	_ =	strace $0x8FFFFFFF  }
0x98: {  	s19 =	sld [smem:$0x3FDB];
	_ =	sdelay $0x1  }
0x99: {  	s4 =	simm.s32 $_scs_section_size  }
0x9a: {  	s5 =	simm.s32 $_size__tile_overlayer_lowered;
	s6 =	simm.s32 $_tile_overlayer_lowered  }
0x9b: {  	s22 =	simm.s32 $0x1BFF;
	s21 =	sshll.u32 s6, $0x1;
	s3 =	sadd.s32 s4, s19  }
0x9c: {  	s7 =	simm.s32 $0x0;
	s20 =	sshll.u32 s5, $0x1;
	s5 =	sadd.s32 s21, s3  }
0x9d: {  	[timem:s7], [sflag:s22] =	dma.local [hbm:s5], s20  }
0x9e: {  	_ =	swait.ge [sflag:s22], s20  }
0x9f: {  	s4 =	ssub.s32 $0x0, s20;
	[sflag:s22] =	ssyncset.done $0x0  }
0xa0: {  	[sflag:s22] =	ssyncadd.s32 s4;
	_ =	sdelay $0x1  }
0xa1: {  	s23 =	simm.s32 $0x1B8B  }
0xa2: {  	_ =	swait.ge [sflag:s23], $0x1  }
0xa3: {  	[sflag:s23] =	ssyncset.done $0x0  }
0xa4: {  	s25 =	simm.s32 $0x1B8E;
	s24 =	sld [smem:$0x3FFE];
	[sflag:s23] =	ssyncadd.s32 $0xFFFFFFFF  }
0xa5: {  	s26 =	simm.s32 $execute0_lowered;
	[smem:$0x3FD2] =	sst s25  }
0xa6: {  	s5 =	sshll.u32 s26, $0x1;
	_ =	strace $0x80000049;
	[dreg:$0x1] =	wrdreg $0xFFFFFFFF  }
0xa7: {  	s28 =	simm.s32 $_size_execute0_lowered;
	s3 =	sadd.s32 s3, s5;
	[dreg:$0x0] =	wrdreg $0x0  }
0xa8: {  	s5 =	sshll.u32 s28, $0x1;
	[dreg:$0x2] =	wrdreg s3  }
0xa9: {  	[dreg:$0x3] =	wrdreg s5  }
0xaa: {  	[dreg:$0x4] =	wrdreg $0xC0  }
0xab: {  	_ =	task [dreg:s7], $0x5FFFF  }
0xac: {  	[dreg:$0x1] =	wrdreg $0xFFFFFFFF  }
0xad: {  	[dreg:$0x0] =	wrdreg $0x60  }
0xae: {  	[dreg:$0x2] =	wrdreg s24  }
0xaf: {  	[dreg:$0x3] =	wrdreg s2  }
0xb0: {  	[dreg:$0x4] =	wrdreg $0xA9000  }
0xb1: {  	[dreg:$0x5] =	wrdreg $0xC1700  }
0xb2: {  	[dreg:$0x6] =	wrdreg $0xD9E00  }
0xb3: {  	[dreg:$0x7] =	wrdreg $0xF2500  }
0xb4: {  	[dreg:$0x8] =	wrdreg $0x10AC00  }
0xb5: {  	[dreg:$0x9] =	wrdreg $0x123300  }
0xb6: {  	[dreg:$0xa] =	wrdreg $0x13BA00  }
0xb7: {  	[dreg:$0xb] =	wrdreg $0x154100  }
0xb8: {  	[dreg:$0xc] =	wrdreg $0x9  }
0xb9: {  	_ =	task.clear_ibuf [dreg:s7], $0xDFFFF;
	_ =	strace $0x90000049  }
0xba: {  	s29 =	simm.s32 $0x9;
	_ =	strace $0x8000004B  }
0xbb: {  	_ =	swait.ge [sflag:s29], $0x1  }
0xbc: {  	[sflag:s29] =	ssyncadd.s32 $0xFFFFFFFF  }
0xbd: {  	_ =	strace $0x9000004B  }
0xbe: {  	_ =	sfence  }
0xbf: {  	s30 =	sld [smem:$0x0];
	_ =	sdelay $0x2  }
0xc0: {  	s31 =	sshll.u32 s1, $0xD;
	s1 =	sshrl.u32 s1, $0x2  }
0xc1: {  	s3 =	sand.u32 $0x4000, s31;
	s1 =	sadd.s32 s1, s30  }
0xc2: {  	s0 =	sor.u32 s3, s0;
	s1 =	sshll.u32 s1, $0x11  }
0xc3: {  	s0 =	sor.u32 s1, s0  }
0xc4: {  	s0 =	sadd.s32 $0x8F2B, s0  }
0xc5: {  	[sflag:s0] =	ssyncadd.remote.s32 $0x1  }
0xc6: {  	_ =	sfence.sel $0xFFFF  }
0xc7: {  	[dreg:$0x0] =	wrdreg $0xFFFFFFFF;
	(pc) =	sbr.abs _section_cstart, $3  }
0xc8: {  	[dreg:$0x1] =	wrdreg $0xFFFFFFFF  }
0xc9: {  	_ =	task.clear_ibuf [dreg:s7], $0x2FFFF;
	_ =	strace $0x9FFFFFFF  }
0xca: {  	(tm) =	ssettm $0x7FFFFFFF  }
0xcb: {  	_ =	shalt  }
tec
execute0_lowered:
.L_overlay_start_1:
0x0: {  	(tag) =	ssettag $0x1  }
0x1: {  	s0 =	rddreg [dreg:$0x0]  }
0x2: {  	s1 =	rddreg [dreg:$0x1]  }
0x3: {  	s5 =	rddreg [dreg:$0x2]  }
0x4: {  	s6 =	rddreg [dreg:$0x3]  }
0x5: {  	s7 =	rddreg [dreg:$0x4]  }
0x6: {  	s8 =	rddreg [dreg:$0x5]  }
0x7: {  	s2 =	rddreg [dreg:$0x6]  }
0x8: {  	s4 =	rddreg [dreg:$0x7]  }
0x9: {  	s16 =	rddreg [dreg:$0x8]  }
0xa: {  	s26 =	rddreg [dreg:$0x9]  }
0xb: {  	s3 =	srdreg.scid;
	s10 =	simm.s32 $0x0;
	s17 =	stileid.u32  }
0xc: {  	s3 =	sand.u32 $0x1, s3;
	[smem:$0x7FF] =	sst s10;
	s12 =	smul.u32 $0x1900, s17  }
0xd: {  	s14 =	sadd.s32 $0xC3E00, s0;
	s30 =	sadd.s32 $0x184AC, s1;
	s9 =	sshll.u32 s3, $0x4  }
0xe: {  	_ =	strace $0x8000004A;
	[dreg:$0x12] =	wrdreg s30;
	s19 =	sadd.s32 s12, s5  }
0xf: {  	s11 =	ssub.s32 $0x2, s3;
	s20 =	sadd.s32 s12, s6;
	[dreg:$0xd] =	wrdreg s19  }
0x10: {  	p0 =	seq.s32 s3, $0x1;
	s21 =	sadd.s32 s12, s7;
	[dreg:$0xe] =	wrdreg s20  }
0x11: {  	s9 =	sor.u32 s17, s9;
	s18 =	sadd.s32 s12, s8;
	[dreg:$0xf] =	wrdreg s21  }
0x12: {  	s13 =	sshrl.u32 s11, $0x1;
	s31 =	sadd.s32 s12, s2;
	[dreg:$0x10] =	wrdreg s18  }
0x13: {  	s15 =	sshrl.u32 s12, $0x3;
	[dreg:$0x13] =	wrdreg s31;
	s19 =	sadd.s32 s12, s16  }
0x14: {  	s24 =	sadd.s32 $0x155CC, s15;
	s20 =	sadd.s32 s12, s26;
	[dreg:$0x16] =	wrdreg s19  }
0x15: {  	s9 =	smul.u32 $0x186A0, s9;
	s25 =	sadd.s32 s1, s24;
	[dreg:$0x17] =	wrdreg s20  }
0x16: {  	s11 =	ssub.s32 s11, s13;
	s13 =	sadd.s32 s14, s24;
	[dreg:$0x11] =	wrdreg s25  }
0x17: {  	s1 =	smov.u32 @p0 s14;
	s14 =	sadd.s32 s12, s4;
	[dreg:$0x14] =	wrdreg s13  }
0x18: {  	s22 =	sadd.s32 $0xFA0, s9;
	[dreg:$0x15] =	wrdreg s14  }
0x19: {  	s23 =	sadd.s32 $0x1770, s9;
	[dreg:$0xb] =	wrdreg s22  }
0x1a: {  	s21 =	sadd.s32 $0x2EE0, s1;
	[dreg:$0xc] =	wrdreg s23  }
0x1b: {  	s25 =	sadd.s32 $0x9088, s1;
	[dreg:$0x1b] =	wrdreg s21  }
0x1c: {  	s24 =	sadd.s32 $0x800, s0;
	s30 =	sadd.s32 $0xC15C, s1;
	[dreg:$0x1d] =	wrdreg s25  }
0x1d: {  	s18 =	sshrl.u32 s9, $0x3;
	s31 =	sadd.s32 $0xF230, s1;
	[dreg:$0x1e] =	wrdreg s30  }
0x1e: {  	s14 =	sadd.s32 $0x12304, s1;
	s22 =	sadd.s32 $0x1EB400, s0;
	[dreg:$0x1f] =	wrdreg s31  }
0x1f: {  	s9 =	sadd.s32 $0x61A80, s18;
	s0 =	sadd.s32 $0xDC2AC, s0;
	[smem:$0x7E4] =	sst s14  }
0x20: {  	s3 =	sadd.s32 $0x61B7A, s18;
	s23 =	sadd.s32 $0x5FB4, s1;
	[dreg:$0x19] =	wrdreg s0  }
0x21: {  	s0 =	sadd.s32 s1, s15;
	[dreg:$0x1c] =	wrdreg s23;
	s1 =	sadd.s32 $0x153D8, s1  }
0x22: {  	s12 =	sadd.s32 s22, s18;
	s18 =	sadd.s32 s24, s9;
	[smem:$0x7E5] =	sst s1  }
0x23: {  	s21 =	sadd.s32 s22, s9;
	[smem:$0x7E8] =	sst s18  }
0x24: {  	s30 =	sadd.s32 s24, s3;
	[smem:$0x7EB] =	sst s21  }
0x25: {  	s13 =	sadd.s32 s22, s3;
	[smem:$0x7EE] =	sst s30  }
0x26: {  	[smem:$0x7F1] =	sst s13  }
0x27: {  	[dreg:$0x18] =	wrdreg s12  }
0x28: {  	s15 =	smov.u32 s16;
	s16 =	sadd.s32 $0xC3500, s12;
	[dreg:$0x1a] =	wrdreg s0  }
0x29: {  	p1 =	seq.s32 s17, $0xF;
	s17 =	sadd.s32 $0x124F80, s12;
	[smem:$0x7E6] =	sst s16  }
0x2a: {  	s19 =	sadd.s32 $0x186A00, s12;
	[smem:$0x7E7] =	sst s17  }
0x2b: {  	s20 =	sadd.s32 $0x1E8480, s12;
	[smem:$0x7E9] =	sst s19  }
0x2c: {  	s23 =	sadd.s32 $0x249F00, s12;
	[smem:$0x7EA] =	sst s20  }
0x2d: {  	s25 =	sadd.s32 $0x2AB980, s12;
	[smem:$0x7EC] =	sst s23  }
0x2e: {  	s31 =	sadd.s32 $0xFA, s12;
	[smem:$0x7ED] =	sst s25  }
0x2f: {  	s9 =	smov.u32 s4;
	s4 =	sadd.s32 $0xC35FA, s12;
	[smem:$0x7EF] =	sst s31  }
0x30: {  	s14 =	sadd.s32 $0x12507A, s12;
	[smem:$0x7F0] =	sst s4  }
0x31: {  	s18 =	sadd.s32 $0x1E857A, s12;
	[smem:$0x7F2] =	sst s14  }
0x32: {  	s21 =	sadd.s32 $0x30D4, s0;
	[smem:$0x7F5] =	sst s18  }
0x33: {  	s30 =	sadd.s32 $0xC350, s0;
	[smem:$0x7F8] =	sst s21  }
0x34: {  	s16 =	sadd.s32 $0x186AFA, s12;
	[smem:$0x7FB] =	sst s30  }
0x35: {  	s17 =	smax.u32 s11, $0x1;
	[smem:$0x7F3] =	sst s16  }
0x36: {  	s19 =	sadd.s32 $0x249FFA, s12;
	[smem:$0x7F4] =	sst s17  }
0x37: {  	s29 =	simm.s32 $0x800;
	s20 =	sadd.s32 $0x2ABA7A, s12;
	[smem:$0x7F6] =	sst s19  }
0x38: {  	s28 =	simm.s32 $0x8000;
	s23 =	sadd.s32 $0x61A8, s0;
	[smem:$0x7F7] =	sst s20  }
.Ltmp0:
0x39: {  	s25 =	sadd.s32 $0x927C, s0;
	[smem:$0x7F9] =	sst s23;
	(pc) =	sbr.rel .LBB2_1-.Ltmp0, $4  }
0x3a: {  	s3 =	smov.u32 s2;
	s31 =	sadd.s32 $0xF424, s0;
	[smem:$0x7FA] =	sst s25  }
0x3b: {  	s1 =	simm.s32 $0x0;
	s0 =	sadd.s32 $0x124F8, s0;
	[smem:$0x7FC] =	sst s31  }
0x3c: {  	s21 =	simm.s32 $0x2;
	s18 =	simm.s32 $0x7000;
	[smem:$0x7FD] =	sst s0  }
0x3d: {  	v0 =	vimm.f32 $0.0e+00;
	s19 =	simm.s32 $0x1;
	s20 =	simm.s32 $0x7D0;
	s25 =	simm.s32 $0x7800  }
.LBB2_7:
0x3e: {  	s0 =	rddreg [dreg:$0xd];
	s1 =	simm.s32 $0x9000;
	s2 =	simm.s32 $0x3  }
0x3f: {  	[tilespmem:s1], [sflag:$0x3] =	stream.linear.gather [spmem:s0], $0xFA0, $0x38;
	[tilespmem:$0x16C80] =	vst v63  }
0x40: {  	_ =	swait.ge [sflag:s2], $0xFA0  }
0x41: {  	[sflag:s2] =	ssyncset.done $0x0  }
0x42: {  	s17 =	rddreg [dreg:$0x1b];
	[sflag:s2] =	ssyncadd.s32 $0xFFFFF060  }
0x43: {  	[hbm4b:s17+s10] =	stream.linear.scatter [tilespmem:s1], [sflag:$0x3], $0xFA0, $0x38;
	[tilespmem:$0x16C80] =	vst v63  }
0x44: {  	_ =	swait.ge [sflag:s2], $0xFA0  }
0x45: {  	[sflag:s2] =	ssyncset.done $0x0  }
0x46: {  	s23 =	rddreg [dreg:$0xe];
	[sflag:s2] =	ssyncadd.s32 $0xFFFFF060  }
0x47: {  	[tilespmem:s1], [sflag:$0x3] =	stream.linear.gather [spmem:s23], $0xFA0, $0x38;
	[tilespmem:$0x16C80] =	vst v63  }
0x48: {  	_ =	swait.ge [sflag:s2], $0xFA0  }
0x49: {  	[sflag:s2] =	ssyncset.done $0x0  }
0x4a: {  	s30 =	rddreg [dreg:$0x1c];
	[sflag:s2] =	ssyncadd.s32 $0xFFFFF060  }
0x4b: {  	[hbm4b:s30+s10] =	stream.linear.scatter [tilespmem:s1], [sflag:$0x3], $0xFA0, $0x38;
	[tilespmem:$0x16C80] =	vst v63  }
0x4c: {  	_ =	swait.ge [sflag:s2], $0xFA0  }
0x4d: {  	[sflag:s2] =	ssyncset.done $0x0  }
0x4e: {  	s31 =	rddreg [dreg:$0xf];
	[sflag:s2] =	ssyncadd.s32 $0xFFFFF060  }
0x4f: {  	[tilespmem:s1], [sflag:$0x3] =	stream.linear.gather [spmem:s31], $0xFA0, $0x38;
	[tilespmem:$0x16C80] =	vst v63  }
0x50: {  	_ =	swait.ge [sflag:s2], $0xFA0  }
0x51: {  	[sflag:s2] =	ssyncset.done $0x0  }
0x52: {  	s4 =	rddreg [dreg:$0x1d];
	[sflag:s2] =	ssyncadd.s32 $0xFFFFF060  }
0x53: {  	[hbm4b:s4+s10] =	stream.linear.scatter [tilespmem:s1], [sflag:$0x3], $0xFA0, $0x38;
	[tilespmem:$0x16C80] =	vst v63  }
0x54: {  	_ =	swait.ge [sflag:s2], $0xFA0  }
0x55: {  	[sflag:s2] =	ssyncset.done $0x0  }
0x56: {  	s11 =	rddreg [dreg:$0x10];
	[sflag:s2] =	ssyncadd.s32 $0xFFFFF060  }
0x57: {  	[tilespmem:s1], [sflag:$0x3] =	stream.linear.gather [spmem:s11], $0xFA0, $0x38;
	[tilespmem:$0x16C80] =	vst v63  }
0x58: {  	_ =	swait.ge [sflag:s2], $0xFA0  }
0x59: {  	[sflag:s2] =	ssyncset.done $0x0  }
0x5a: {  	s12 =	rddreg [dreg:$0x1e];
	[sflag:s2] =	ssyncadd.s32 $0xFFFFF060  }
0x5b: {  	[hbm4b:s12+s10] =	stream.linear.scatter [tilespmem:s1], [sflag:$0x3], $0xFA0, $0x38;
	[tilespmem:$0x16C80] =	vst v63  }
0x5c: {  	_ =	swait.ge [sflag:s2], $0xFA0  }
0x5d: {  	[sflag:s2] =	ssyncset.done $0x0  }
0x5e: {  	s13 =	rddreg [dreg:$0x13];
	[sflag:s2] =	ssyncadd.s32 $0xFFFFF060  }
0x5f: {  	[tilespmem:s1], [sflag:$0x3] =	stream.linear.gather [spmem:s13], $0xFA0, $0x38;
	[tilespmem:$0x16C80] =	vst v63  }
0x60: {  	_ =	swait.ge [sflag:s2], $0xFA0  }
0x61: {  	[sflag:s2] =	ssyncset.done $0x0  }
0x62: {  	s14 =	rddreg [dreg:$0x1f];
	[sflag:s2] =	ssyncadd.s32 $0xFFFFF060  }
0x63: {  	[hbm4b:s14+s10] =	stream.linear.scatter [tilespmem:s1], [sflag:$0x3], $0xFA0, $0x38;
	[tilespmem:$0x16C80] =	vst v63  }
0x64: {  	_ =	swait.ge [sflag:s2], $0xFA0  }
0x65: {  	[sflag:s2] =	ssyncset.done $0x0  }
0x66: {  	s16 =	rddreg [dreg:$0x15];
	[sflag:s2] =	ssyncadd.s32 $0xFFFFF060  }
0x67: {  	[tilespmem:s1], [sflag:$0x3] =	stream.linear.gather [spmem:s16], $0xFA0, $0x38;
	[tilespmem:$0x16C80] =	vst v63  }
0x68: {  	_ =	swait.ge [sflag:s2], $0xFA0  }
0x69: {  	s17 =	sld [smem:$0x7E4]  }
0x6a: {  	[sflag:s2] =	ssyncset.done $0x0  }
0x6b: {  	[sflag:s2] =	ssyncadd.s32 $0xFFFFF060  }
0x6c: {  	[hbm4b:s17+s10] =	stream.linear.scatter [tilespmem:s1], [sflag:$0x3], $0xFA0, $0x38;
	[tilespmem:$0x16C80] =	vst v63  }
0x6d: {  	_ =	swait.ge [sflag:s2], $0xFA0  }
0x6e: {  	[sflag:s2] =	ssyncset.done $0x0  }
0x6f: {  	s23 =	rddreg [dreg:$0x16];
	[sflag:s2] =	ssyncadd.s32 $0xFFFFF060  }
0x70: {  	[tilespmem:s1], [sflag:$0x3] =	stream.linear.gather [spmem:s23], $0xFA0, $0x38;
	[tilespmem:$0x16C80] =	vst v63  }
0x71: {  	_ =	swait.ge [sflag:s2], $0xFA0  }
0x72: {  	s30 =	sld [smem:$0x7E5]  }
0x73: {  	[sflag:s2] =	ssyncset.done $0x0  }
0x74: {  	[sflag:s2] =	ssyncadd.s32 $0xFFFFF060  }
0x75: {  	[hbm4b:s30+s10] =	stream.linear.scatter [tilespmem:s1], [sflag:$0x3], $0xFA0, $0x38;
	[tilespmem:$0x16C80] =	vst v63  }
0x76: {  	_ =	swait.ge [sflag:s2], $0xFA0  }
0x77: {  	[sflag:s2] =	ssyncset.done $0x0  }
0x78: {  	s31 =	rddreg [dreg:$0x17];
	[sflag:s2] =	ssyncadd.s32 $0xFFFFF060  }
0x79: {  	[tilespmem:s1], [sflag:$0x3] =	stream.linear.gather [spmem:s31], $0xFA0, $0x38;
	[tilespmem:$0x16C80] =	vst v63  }
0x7a: {  	_ =	swait.ge [sflag:s2], $0xFA0  }
0x7b: {  	s0 =	simm.s32 @p0 $0x0;
	[sflag:s2] =	ssyncset.done $0x0  }
0x7c: {  	s1 =	simm.s32 @p0 $0x9000;
	[sflag:s2] =	ssyncadd.s32 $0xFFFFF060;
	s2 =	rddreg [dreg:$0x19]  }
0x7d: {  	[hbm4b:s2+s0] =	stream.linear.scatter @p0 [tilespmem:s1], [sflag:$0x3], $0xFA0, $0x38;
	[tilespmem:$0x16C80] =	vst v63  }
0x7e: {  	s0 =	simm.s32 @p0 $0x3  }
0x7f: {  	_ =	swait.ge @p0 [sflag:s0], $0xFA0  }
0x80: {  	s1 =	simm.s32 @!p0 $0x9000;
	[sflag:s0] =	ssyncset.done @p0 $0x0  }
0x81: {  	s2 =	rddreg [dreg:$0x12];
	[sflag:s0] =	ssyncadd.s32 @p0 $0xFFFFF060;
	s0 =	simm.s32 @!p0 $0x0  }
0x82: {  	[hbm4b:s2+s0] =	stream.linear.scatter @!p0 [tilespmem:s1], [sflag:$0x3], $0xFA0, $0x38;
	[tilespmem:$0x16C80] =	vst v63  }
0x83: {  	s0 =	simm.s32 @!p0 $0x3  }
0x84: {  	_ =	swait.ge @!p0 [sflag:s0], $0xFA0  }
0x85: {  	[sflag:s0] =	ssyncset.done @!p0 $0x0  }
0x86: {  	s1 =	sld [smem:$0x7E3];
	[sflag:s0] =	ssyncadd.s32 @!p0 $0xFFFFF060  }
.LBB2_8:
0x87: {  	s0 =	sld [smem:$0x7F4];
	_ =	sdelay $0x1  }
0x88: {  	s1 =	sadd.s32 $0x1, s1  }
0x89: {  	p2 =	sne.s32 s1, s0  }
.Ltmp1:
0x8a: {  	_ = 	snop;
	(pc) =	sbr.rel @!p2 .LBB2_9-.Ltmp1, $1  }
0x8b: {  	_ =	sdelay $0x3  }
.LBB2_1:
0x8c: {  	[smem:$0x7E3] =	sst s1;
	s0 =	simm.s32 $0x40;
	s1 =	simm.s32 $0x0  }
.LBB2_2:
0x8d: {  	p2 =	sne.s32 s0, $0x63C0;
	[tilespmem:s1+$0x9000] =	vst v0;
	s1 =	smov.u32 s0;
	s0 =	sadd.s32 $0x40, s0  }
.Ltmp2:
0x8e: {  	(pc) =	sbr.rel @p2 .LBB2_2-.Ltmp2, $2  }
0x8f: {  	_ =	sdelay $0x2  }
0x90: {  	s1 =	sshra.s32 s1, $0x2  }
0x91: {  	[tilespmem:s1+$0x9000] =	vst v0;
	s0 =	simm.s32 @p1 $0x9000;
	s2 =	rddreg [dreg:$0xd];
	s1 =	simm.s32 @p1 $0x3  }
0x92: {  	[spmem:s2] =	stream.linear.scatter @p1 [tilespmem:s0], [sflag:$0x3], $0xFA0, $0x38;
	[tilespmem:$0x16C80] =	vst v63  }
0x93: {  	_ =	swait.ge @p1 [sflag:s1], $0xFA0  }
0x94: {  	[sflag:s1] =	ssyncset.done @p1 $0x0  }
0x95: {  	s4 =	rddreg [dreg:$0xe];
	[sflag:s1] =	ssyncadd.s32 @p1 $0xFFFFF060  }
0x96: {  	[spmem:s4] =	stream.linear.scatter @p1 [tilespmem:s0], [sflag:$0x3], $0xFA0, $0x38;
	[tilespmem:$0x16C80] =	vst v63  }
0x97: {  	_ =	swait.ge @p1 [sflag:s1], $0xFA0  }
0x98: {  	[sflag:s1] =	ssyncset.done @p1 $0x0  }
0x99: {  	s16 =	rddreg [dreg:$0xf];
	[sflag:s1] =	ssyncadd.s32 @p1 $0xFFFFF060  }
0x9a: {  	[spmem:s16] =	stream.linear.scatter @p1 [tilespmem:s0], [sflag:$0x3], $0xFA0, $0x38;
	[tilespmem:$0x16C80] =	vst v63  }
0x9b: {  	_ =	swait.ge @p1 [sflag:s1], $0xFA0  }
0x9c: {  	[sflag:s1] =	ssyncset.done @p1 $0x0  }
0x9d: {  	s11 =	rddreg [dreg:$0x10];
	[sflag:s1] =	ssyncadd.s32 @p1 $0xFFFFF060  }
0x9e: {  	[spmem:s11] =	stream.linear.scatter @p1 [tilespmem:s0], [sflag:$0x3], $0xFA0, $0x38;
	[tilespmem:$0x16C80] =	vst v63  }
0x9f: {  	_ =	swait.ge @p1 [sflag:s1], $0xFA0  }
0xa0: {  	[sflag:s1] =	ssyncset.done @p1 $0x0  }
0xa1: {  	s12 =	rddreg [dreg:$0x13];
	[sflag:s1] =	ssyncadd.s32 @p1 $0xFFFFF060  }
0xa2: {  	[spmem:s12] =	stream.linear.scatter @p1 [tilespmem:s0], [sflag:$0x3], $0xFA0, $0x38;
	[tilespmem:$0x16C80] =	vst v63  }
0xa3: {  	_ =	swait.ge @p1 [sflag:s1], $0xFA0  }
0xa4: {  	[sflag:s1] =	ssyncset.done @p1 $0x0  }
0xa5: {  	s13 =	rddreg [dreg:$0x15];
	[sflag:s1] =	ssyncadd.s32 @p1 $0xFFFFF060  }
0xa6: {  	[spmem:s13] =	stream.linear.scatter @p1 [tilespmem:s0], [sflag:$0x3], $0xFA0, $0x38;
	[tilespmem:$0x16C80] =	vst v63  }
0xa7: {  	_ =	swait.ge @p1 [sflag:s1], $0xFA0  }
0xa8: {  	[sflag:s1] =	ssyncset.done @p1 $0x0  }
0xa9: {  	s14 =	rddreg [dreg:$0x16];
	[sflag:s1] =	ssyncadd.s32 @p1 $0xFFFFF060  }
0xaa: {  	[spmem:s14] =	stream.linear.scatter @p1 [tilespmem:s0], [sflag:$0x3], $0xFA0, $0x38;
	[tilespmem:$0x16C80] =	vst v63  }
0xab: {  	_ =	swait.ge @p1 [sflag:s1], $0xFA0  }
0xac: {  	[sflag:s1] =	ssyncset.done @p1 $0x0  }
0xad: {  	s17 =	rddreg [dreg:$0x17];
	[sflag:s1] =	ssyncadd.s32 @p1 $0xFFFFF060  }
0xae: {  	[spmem:s17] =	stream.linear.scatter @p1 [tilespmem:s0], [sflag:$0x3], $0xFA0, $0x38;
	[tilespmem:$0x16C80] =	vst v63  }
0xaf: {  	_ =	swait.ge @p1 [sflag:s1], $0xFA0  }
0xb0: {  	[sflag:s1] =	ssyncset.done @p1 $0x0  }
0xb1: {  	s0 =	simm.s32 @!p1 $0x9000;
	[sflag:s1] =	ssyncadd.s32 @p1 $0xFFFFF060;
	s1 =	simm.s32 @!p1 $0x3  }
0xb2: {  	[spmem:s2] =	stream.linear.scatter @!p1 [tilespmem:s0], [sflag:$0x3], $0x1900, $0x38;
	[tilespmem:$0x16C80] =	vst v63  }
0xb3: {  	_ =	swait.ge @!p1 [sflag:s1], $0x1900  }
0xb4: {  	[sflag:s1] =	ssyncset.done @!p1 $0x0  }
0xb5: {  	[sflag:s1] =	ssyncadd.s32 @!p1 $0xFFFFE700  }
0xb6: {  	[spmem:s4] =	stream.linear.scatter @!p1 [tilespmem:s0], [sflag:$0x3], $0x1900, $0x38;
	[tilespmem:$0x16C80] =	vst v63  }
0xb7: {  	_ =	swait.ge @!p1 [sflag:s1], $0x1900  }
0xb8: {  	[sflag:s1] =	ssyncset.done @!p1 $0x0  }
0xb9: {  	[sflag:s1] =	ssyncadd.s32 @!p1 $0xFFFFE700  }
0xba: {  	[spmem:s16] =	stream.linear.scatter @!p1 [tilespmem:s0], [sflag:$0x3], $0x1900, $0x38;
	[tilespmem:$0x16C80] =	vst v63  }
0xbb: {  	_ =	swait.ge @!p1 [sflag:s1], $0x1900  }
0xbc: {  	[sflag:s1] =	ssyncset.done @!p1 $0x0  }
0xbd: {  	[sflag:s1] =	ssyncadd.s32 @!p1 $0xFFFFE700  }
0xbe: {  	[spmem:s11] =	stream.linear.scatter @!p1 [tilespmem:s0], [sflag:$0x3], $0x1900, $0x38;
	[tilespmem:$0x16C80] =	vst v63  }
0xbf: {  	_ =	swait.ge @!p1 [sflag:s1], $0x1900  }
0xc0: {  	[sflag:s1] =	ssyncset.done @!p1 $0x0  }
0xc1: {  	[sflag:s1] =	ssyncadd.s32 @!p1 $0xFFFFE700  }
0xc2: {  	[spmem:s12] =	stream.linear.scatter @!p1 [tilespmem:s0], [sflag:$0x3], $0x1900, $0x38;
	[tilespmem:$0x16C80] =	vst v63  }
0xc3: {  	_ =	swait.ge @!p1 [sflag:s1], $0x1900  }
0xc4: {  	[sflag:s1] =	ssyncset.done @!p1 $0x0  }
0xc5: {  	[sflag:s1] =	ssyncadd.s32 @!p1 $0xFFFFE700  }
0xc6: {  	[spmem:s13] =	stream.linear.scatter @!p1 [tilespmem:s0], [sflag:$0x3], $0x1900, $0x38;
	[tilespmem:$0x16C80] =	vst v63  }
0xc7: {  	_ =	swait.ge @!p1 [sflag:s1], $0x1900  }
0xc8: {  	[sflag:s1] =	ssyncset.done @!p1 $0x0  }
0xc9: {  	[sflag:s1] =	ssyncadd.s32 @!p1 $0xFFFFE700  }
0xca: {  	[spmem:s14] =	stream.linear.scatter @!p1 [tilespmem:s0], [sflag:$0x3], $0x1900, $0x38;
	[tilespmem:$0x16C80] =	vst v63  }
0xcb: {  	_ =	swait.ge @!p1 [sflag:s1], $0x1900  }
0xcc: {  	[sflag:s1] =	ssyncset.done @!p1 $0x0  }
0xcd: {  	[sflag:s1] =	ssyncadd.s32 @!p1 $0xFFFFE700  }
0xce: {  	[spmem:s17] =	stream.linear.scatter @!p1 [tilespmem:s0], [sflag:$0x3], $0x1900, $0x38;
	[tilespmem:$0x16C80] =	vst v63  }
0xcf: {  	_ =	swait.ge @!p1 [sflag:s1], $0x1900  }
0xd0: {  	[sflag:s1] =	ssyncset.done @!p1 $0x0  }
0xd1: {  	[sflag:s1] =	ssyncadd.s32 @!p1 $0xFFFFE700  }
0xd2: {  	[bflag:$0x0] =	sbarrier.arrive $0xFFFF  }
0xd3: {  	s1 =	sld [smem:$0x7E8];
	_ =	sdelay $0x1  }
0xd4: {  	s2 =	simm.s32 $0x0;
	s4 =	rddreg [dreg:$0x18]  }
0xd5: {  	[tilespmem:s2], [sflag:$0x1] =	stream.linear.gather [hbm4b:s1+s2], $0x7D0, $0x38;
	[tilespmem:$0x16C80] =	vst v63  }
0xd6: {  	s16 =	simm.s32 $0x1000;
	s11 =	sld [smem:$0x7EB]  }
0xd7: {  	[tilespmem:s16], [sflag:$0x1] =	stream.linear.gather [hbm4b:s4+s2], $0x7D0, $0x38;
	[tilespmem:$0x16C80] =	vst v63  }
0xd8: {  	s12 =	sld [smem:$0x7E6];
	s4 =	simm.s32 $0x1800  }
0xd9: {  	[tilespmem:s4], [sflag:$0x1] =	stream.linear.gather [hbm4b:s11+s2], $0x7D0, $0x38;
	[tilespmem:$0x16C80] =	vst v63  }
0xda: {  	s13 =	sld [smem:$0x7E7];
	s11 =	simm.s32 $0x2000  }
0xdb: {  	[tilespmem:s11], [sflag:$0x1] =	stream.linear.gather [hbm4b:s12+s2], $0x7D0, $0x38;
	[tilespmem:$0x16C80] =	vst v63  }
0xdc: {  	s14 =	sld [smem:$0x7E9];
	s12 =	simm.s32 $0x2800  }
0xdd: {  	[tilespmem:s12], [sflag:$0x1] =	stream.linear.gather [hbm4b:s13+s2], $0x7D0, $0x38;
	[tilespmem:$0x16C80] =	vst v63  }
0xde: {  	s23 =	simm.s32 $0x3000;
	s17 =	sld [smem:$0x7EA]  }
0xdf: {  	[tilespmem:s23], [sflag:$0x1] =	stream.linear.gather [hbm4b:s14+s2], $0x7D0, $0x38;
	[tilespmem:$0x16C80] =	vst v63  }
0xe0: {  	s30 =	sld [smem:$0x7EC];
	s13 =	simm.s32 $0x3800  }
0xe1: {  	[tilespmem:s13], [sflag:$0x1] =	stream.linear.gather [hbm4b:s17+s2], $0x7D0, $0x38;
	[tilespmem:$0x16C80] =	vst v63  }
0xe2: {  	s31 =	sld [smem:$0x7ED];
	s14 =	simm.s32 $0x4000  }
0xe3: {  	[tilespmem:s14], [sflag:$0x1] =	stream.linear.gather [hbm4b:s30+s2], $0x7D0, $0x38;
	[tilespmem:$0x16C80] =	vst v63  }
0xe4: {  	s1 =	sld [smem:$0x7EE];
	s17 =	simm.s32 $0x4800  }
0xe5: {  	[tilespmem:s17], [sflag:$0x1] =	stream.linear.gather [hbm4b:s31+s2], $0x7D0, $0x38;
	[tilespmem:$0x16C80] =	vst v63  }
0xe6: {  	s30 =	sld [smem:$0x7EF]  }
0xe7: {  	[tilespmem:s29], [sflag:$0x1] =	stream.linear.gather [hbm4b:s1+s2], $0x7D0, $0x38;
	[tilespmem:$0x16C80] =	vst v63  }
0xe8: {  	s31 =	simm.s32 $0x5000;
	s1 =	sld [smem:$0x7F1]  }
0xe9: {  	[tilespmem:s31], [sflag:$0x1] =	stream.linear.gather [hbm4b:s30+s2], $0x7D0, $0x38;
	[tilespmem:$0x16C80] =	vst v63  }
0xea: {  	s30 =	simm.s32 $0x5800  }
0xeb: {  	[tilespmem:s30], [sflag:$0x1] =	stream.linear.gather [hbm4b:s1+s2], $0x7D0, $0x38;
	[tilespmem:$0x16C80] =	vst v63  }
0xec: {  	s1 =	sld [smem:$0x7F0];
	_ =	sdelay $0x1  }
0xed: {  	s30 =	simm.s32 $0x6000  }
0xee: {  	[tilespmem:s30], [sflag:$0x1] =	stream.linear.gather [hbm4b:s1+s2], $0x7D0, $0x38;
	[tilespmem:$0x16C80] =	vst v63  }
0xef: {  	s1 =	sld [smem:$0x7F2];
	_ =	sdelay $0x1  }
0xf0: {  	s30 =	simm.s32 $0x6800  }
0xf1: {  	[tilespmem:s30], [sflag:$0x1] =	stream.linear.gather [hbm4b:s1+s2], $0x7D0, $0x38;
	[tilespmem:$0x16C80] =	vst v63  }
0xf2: {  	s30 =	sld [smem:$0x7F3];
	_ =	sdelay $0x1  }
0xf3: {  	s1 =	sld [smem:$0x7F5]  }
0xf4: {  	[tilespmem:s18], [sflag:$0x1] =	stream.linear.gather [hbm4b:s30+s2], $0x7D0, $0x38;
	[tilespmem:$0x16C80] =	vst v63  }
0xf5: {  	s30 =	sld [smem:$0x7F6]  }
0xf6: {  	[tilespmem:s25], [sflag:$0x1] =	stream.linear.gather [hbm4b:s1+s2], $0x7D0, $0x38;
	[tilespmem:$0x16C80] =	vst v63  }
0xf7: {  	s1 =	sld [smem:$0x7F7]  }
0xf8: {  	[tilespmem:s28], [sflag:$0x1] =	stream.linear.gather [hbm4b:s30+s2], $0x7D0, $0x38;
	[tilespmem:$0x16C80] =	vst v63  }
0xf9: {  	s30 =	simm.s32 $0x8800  }
0xfa: {  	[tilespmem:s30], [sflag:$0x1] =	stream.linear.gather [hbm4b:s1+s2], $0x7D0, $0x38;
	[tilespmem:$0x16C80] =	vst v63  }
0xfb: {  	_ =	swait.ge [sflag:s19], $0x7D0  }
0xfc: {  	[sflag:s19] =	ssyncset.done $0x0  }
0xfd: {  	[sflag:s19] =	ssyncadd.s32 $0xFFFFF830  }
0xfe: {  	_ =	swait.ge [sflag:s19], $0x7D0  }
0xff: {  	[sflag:s19] =	ssyncset.done $0x0  }
0x100: {  	[sflag:s19] =	ssyncadd.s32 $0xFFFFF830  }
0x101: {  	_ =	swait.ge [sflag:s19], $0x7D0  }
0x102: {  	[sflag:s19] =	ssyncset.done $0x0  }
0x103: {  	[sflag:s19] =	ssyncadd.s32 $0xFFFFF830  }
0x104: {  	_ =	swait.ge [sflag:s19], $0x7D0  }
0x105: {  	[sflag:s19] =	ssyncset.done $0x0  }
0x106: {  	[sflag:s19] =	ssyncadd.s32 $0xFFFFF830  }
0x107: {  	_ =	swait.ge [sflag:s19], $0x7D0  }
0x108: {  	[sflag:s19] =	ssyncset.done $0x0  }
0x109: {  	[sflag:s19] =	ssyncadd.s32 $0xFFFFF830  }
0x10a: {  	_ =	swait.ge [sflag:s19], $0x7D0  }
0x10b: {  	[sflag:s19] =	ssyncset.done $0x0  }
0x10c: {  	[sflag:s19] =	ssyncadd.s32 $0xFFFFF830  }
0x10d: {  	_ =	swait.ge [sflag:s19], $0x7D0  }
0x10e: {  	[sflag:s19] =	ssyncset.done $0x0  }
0x10f: {  	[sflag:s19] =	ssyncadd.s32 $0xFFFFF830  }
0x110: {  	_ =	swait.ge [sflag:s19], $0x7D0  }
0x111: {  	[sflag:s19] =	ssyncset.done $0x0  }
0x112: {  	[sflag:s19] =	ssyncadd.s32 $0xFFFFF830  }
0x113: {  	_ =	swait.ge [sflag:s19], $0x7D0  }
0x114: {  	[sflag:s19] =	ssyncset.done $0x0  }
0x115: {  	[sflag:s19] =	ssyncadd.s32 $0xFFFFF830  }
0x116: {  	[spmem:s5] =	stream.indirect.scatter.add.f32 [tilespmem:s16], [sflag:$0x2], $0x1, s10, s20, $0xb8;
	[tilespmem:$0x16C80] =	vst v63  }
0x117: {  	_ = 	snop  }
0x118: {  	[spmem:s6] =	stream.indirect.scatter.add.f32 [tilespmem:s4], [sflag:$0x2], $0x1, s10, s20, $0xb8;
	[tilespmem:$0x16C80] =	vst v63  }
0x119: {  	_ = 	snop  }
0x11a: {  	[spmem:s7] =	stream.indirect.scatter.add.f32 [tilespmem:s11], [sflag:$0x2], $0x1, s10, s20, $0xb8;
	[tilespmem:$0x16C80] =	vst v63  }
0x11b: {  	_ = 	snop  }
0x11c: {  	[spmem:s8] =	stream.indirect.scatter.add.f32 [tilespmem:s12], [sflag:$0x2], $0x1, s10, s20, $0xb8;
	[tilespmem:$0x16C80] =	vst v63  }
0x11d: {  	_ = 	snop  }
0x11e: {  	[spmem:s3] =	stream.indirect.scatter.add.f32 [tilespmem:s23], [sflag:$0x2], $0x1, s10, s20, $0xb8;
	[tilespmem:$0x16C80] =	vst v63  }
0x11f: {  	_ = 	snop  }
0x120: {  	[spmem:s9] =	stream.indirect.scatter.add.f32 [tilespmem:s13], [sflag:$0x2], $0x1, s10, s20, $0xb8;
	[tilespmem:$0x16C80] =	vst v63  }
0x121: {  	_ = 	snop  }
0x122: {  	[spmem:s15] =	stream.indirect.scatter.add.f32 [tilespmem:s14], [sflag:$0x2], $0x1, s10, s20, $0xb8;
	[tilespmem:$0x16C80] =	vst v63  }
0x123: {  	_ = 	snop  }
0x124: {  	[spmem:s26] =	stream.indirect.scatter.add.f32 [tilespmem:s17], [sflag:$0x2], $0x1, s10, s20, $0xb8;
	[tilespmem:$0x16C80] =	vst v63  }
0x125: {  	_ =	swait.ge [sflag:s19], $0x7D0  }
0x126: {  	[sflag:s19] =	ssyncset.done $0x0  }
0x127: {  	[sflag:s19] =	ssyncadd.s32 $0xFFFFF830  }
0x128: {  	_ =	swait.ge [sflag:s19], $0x7D0  }
0x129: {  	[sflag:s19] =	ssyncset.done $0x0  }
0x12a: {  	[sflag:s19] =	ssyncadd.s32 $0xFFFFF830  }
0x12b: {  	_ =	swait.ge [sflag:s19], $0x7D0  }
0x12c: {  	[sflag:s19] =	ssyncset.done $0x0  }
0x12d: {  	[sflag:s19] =	ssyncadd.s32 $0xFFFFF830  }
0x12e: {  	_ =	swait.ge [sflag:s19], $0x7D0  }
0x12f: {  	[sflag:s19] =	ssyncset.done $0x0  }
0x130: {  	[sflag:s19] =	ssyncadd.s32 $0xFFFFF830  }
0x131: {  	_ =	swait.ge [sflag:s19], $0x7D0  }
0x132: {  	[sflag:s19] =	ssyncset.done $0x0  }
0x133: {  	[sflag:s19] =	ssyncadd.s32 $0xFFFFF830  }
0x134: {  	_ =	swait.ge [sflag:s19], $0x7D0  }
0x135: {  	[sflag:s19] =	ssyncset.done $0x0  }
0x136: {  	[sflag:s19] =	ssyncadd.s32 $0xFFFFF830  }
0x137: {  	_ =	swait.ge [sflag:s19], $0x7D0  }
0x138: {  	[sflag:s19] =	ssyncset.done $0x0  }
0x139: {  	[sflag:s19] =	ssyncadd.s32 $0xFFFFF830  }
0x13a: {  	_ =	swait.ge [sflag:s19], $0x7D0  }
0x13b: {  	[sflag:s19] =	ssyncset.done $0x0  }
0x13c: {  	[sflag:s19] =	ssyncadd.s32 $0xFFFFF830  }
0x13d: {  	_ =	swait.ge [sflag:s19], $0x7D0  }
0x13e: {  	[sflag:s19] =	ssyncset.done $0x0  }
0x13f: {  	[sflag:s19] =	ssyncadd.s32 $0xFFFFF830  }
0x140: {  	_ =	swait.ge [sflag:s21], $0x7D0  }
0x141: {  	[sflag:s21] =	ssyncset.done $0x0  }
0x142: {  	[sflag:s21] =	ssyncadd.s32 $0xFFFFF830  }
0x143: {  	_ =	swait.ge [sflag:s21], $0x7D0  }
0x144: {  	[sflag:s21] =	ssyncset.done $0x0  }
0x145: {  	[sflag:s21] =	ssyncadd.s32 $0xFFFFF830  }
0x146: {  	_ =	swait.ge [sflag:s21], $0x7D0  }
0x147: {  	[sflag:s21] =	ssyncset.done $0x0  }
0x148: {  	[sflag:s21] =	ssyncadd.s32 $0xFFFFF830  }
0x149: {  	_ =	swait.ge [sflag:s21], $0x7D0  }
0x14a: {  	[sflag:s21] =	ssyncset.done $0x0  }
0x14b: {  	[sflag:s21] =	ssyncadd.s32 $0xFFFFF830  }
0x14c: {  	_ =	swait.ge [sflag:s21], $0x7D0  }
0x14d: {  	[sflag:s21] =	ssyncset.done $0x0  }
0x14e: {  	[sflag:s21] =	ssyncadd.s32 $0xFFFFF830  }
0x14f: {  	_ =	swait.ge [sflag:s21], $0x7D0  }
0x150: {  	[sflag:s21] =	ssyncset.done $0x0  }
0x151: {  	[sflag:s21] =	ssyncadd.s32 $0xFFFFF830  }
0x152: {  	_ =	swait.ge [sflag:s21], $0x7D0  }
0x153: {  	s30 =	simm.s32 $0x0;
	[sflag:s21] =	ssyncset.done $0x0  }
0x154: {  	s0 =	smin.u32 s30, $0x2F;
	[sflag:s21] =	ssyncadd.s32 $0xFFFFF830  }
0x155: {  	s1 =	smul.u32 $0x7D0, s0;
	_ =	swait.ge [sflag:s21], $0x7D0  }
0x156: {  	s2 =	rddreg [dreg:$0xb]  }
0x157: {  	s0 =	sadd.s32 s1, s2  }
0x158: {  	s2 =	sshrl.u32 s0, $0x3  }
0x159: {  	[sflag:s21] =	ssyncset.done $0x0;
	s1 =	sadd.s32 $0x61A80, s2  }
0x15a: {  	[sflag:s21] =	ssyncadd.s32 $0xFFFFF830;
	s0 =	sadd.s32 s24, s1  }
0x15b: {  	[tilespmem:s10], [sflag:$0x1] =	stream.linear.gather [hbm4b:s0+s10], $0x7D0, $0x38;
	[tilespmem:$0x16C80] =	vst v63  }
0x15c: {  	s0 =	sadd.s32 s22, s2  }
0x15d: {  	[tilespmem:s16], [sflag:$0x1] =	stream.linear.gather [hbm4b:s0+s10], $0x7D0, $0x38;
	[tilespmem:$0x16C80] =	vst v63  }
0x15e: {  	s1 =	sadd.s32 s22, s1  }
0x15f: {  	[tilespmem:s4], [sflag:$0x1] =	stream.linear.gather [hbm4b:s1+s10], $0x7D0, $0x38;
	[tilespmem:$0x16C80] =	vst v63  }
0x160: {  	s4 =	sadd.s32 $0xC3500, s0  }
0x161: {  	[tilespmem:s11], [sflag:$0x1] =	stream.linear.gather [hbm4b:s4+s10], $0x7D0, $0x38;
	[tilespmem:$0x16C80] =	vst v63  }
0x162: {  	s11 =	sadd.s32 $0x124F80, s0  }
0x163: {  	[tilespmem:s12], [sflag:$0x1] =	stream.linear.gather [hbm4b:s11+s10], $0x7D0, $0x38;
	[tilespmem:$0x16C80] =	vst v63  }
0x164: {  	s2 =	sadd.s32 $0x186A00, s0  }
0x165: {  	[tilespmem:s23], [sflag:$0x1] =	stream.linear.gather [hbm4b:s2+s10], $0x7D0, $0x38;
	[tilespmem:$0x16C80] =	vst v63  }
0x166: {  	s4 =	sadd.s32 $0x1E8480, s0  }
0x167: {  	[tilespmem:s13], [sflag:$0x1] =	stream.linear.gather [hbm4b:s4+s10], $0x7D0, $0x38;
	[tilespmem:$0x16C80] =	vst v63  }
0x168: {  	s11 =	sadd.s32 $0x249F00, s0  }
0x169: {  	[tilespmem:s14], [sflag:$0x1] =	stream.linear.gather [hbm4b:s11+s10], $0x7D0, $0x38;
	[tilespmem:$0x16C80] =	vst v63  }
0x16a: {  	s0 =	sadd.s32 $0x2AB980, s0  }
0x16b: {  	[tilespmem:s17], [sflag:$0x1] =	stream.linear.gather [hbm4b:s0+s10], $0x7D0, $0x38;
	[tilespmem:$0x16C80] =	vst v63  }
0x16c: {  	_ = 	snop  }
0x16d: {  	[spmem:s5] =	stream.indirect.scatter.add.f32 [tilespmem:s31], [sflag:$0x2], $0x1, s29, s20, $0xb8;
	[tilespmem:$0x16C80] =	vst v63  }
0x16e: {  	s11 =	simm.s32 $0x5800  }
0x16f: {  	[spmem:s6] =	stream.indirect.scatter.add.f32 [tilespmem:s11], [sflag:$0x2], $0x1, s29, s20, $0xb8;
	[tilespmem:$0x16C80] =	vst v63  }
0x170: {  	s4 =	simm.s32 $0x6000  }
0x171: {  	[spmem:s7] =	stream.indirect.scatter.add.f32 [tilespmem:s4], [sflag:$0x2], $0x1, s29, s20, $0xb8;
	[tilespmem:$0x16C80] =	vst v63  }
0x172: {  	s12 =	simm.s32 $0x6800  }
0x173: {  	[spmem:s8] =	stream.indirect.scatter.add.f32 [tilespmem:s12], [sflag:$0x2], $0x1, s29, s20, $0xb8;
	[tilespmem:$0x16C80] =	vst v63  }
0x174: {  	_ = 	snop  }
0x175: {  	[spmem:s3] =	stream.indirect.scatter.add.f32 [tilespmem:s18], [sflag:$0x2], $0x1, s29, s20, $0xb8;
	[tilespmem:$0x16C80] =	vst v63  }
0x176: {  	_ = 	snop  }
0x177: {  	[spmem:s9] =	stream.indirect.scatter.add.f32 [tilespmem:s25], [sflag:$0x2], $0x1, s29, s20, $0xb8;
	[tilespmem:$0x16C80] =	vst v63  }
0x178: {  	_ = 	snop  }
0x179: {  	[spmem:s15] =	stream.indirect.scatter.add.f32 [tilespmem:s28], [sflag:$0x2], $0x1, s29, s20, $0xb8;
	[tilespmem:$0x16C80] =	vst v63  }
0x17a: {  	s13 =	simm.s32 $0x8800  }
0x17b: {  	[spmem:s26] =	stream.indirect.scatter.add.f32 [tilespmem:s13], [sflag:$0x2], $0x1, s29, s20, $0xb8;
	[tilespmem:$0x16C80] =	vst v63  }
0x17c: {  	_ =	swait.ge [sflag:s21], $0x7D0  }
0x17d: {  	[sflag:s21] =	ssyncset.done $0x0  }
0x17e: {  	[sflag:s21] =	ssyncadd.s32 $0xFFFFF830  }
0x17f: {  	_ =	swait.ge [sflag:s21], $0x7D0  }
0x180: {  	[sflag:s21] =	ssyncset.done $0x0  }
0x181: {  	[sflag:s21] =	ssyncadd.s32 $0xFFFFF830  }
0x182: {  	_ =	swait.ge [sflag:s21], $0x7D0  }
0x183: {  	[sflag:s21] =	ssyncset.done $0x0  }
0x184: {  	[sflag:s21] =	ssyncadd.s32 $0xFFFFF830  }
0x185: {  	_ =	swait.ge [sflag:s21], $0x7D0  }
0x186: {  	[sflag:s21] =	ssyncset.done $0x0  }
0x187: {  	[sflag:s21] =	ssyncadd.s32 $0xFFFFF830  }
0x188: {  	_ =	swait.ge [sflag:s21], $0x7D0  }
0x189: {  	[sflag:s21] =	ssyncset.done $0x0  }
0x18a: {  	[sflag:s21] =	ssyncadd.s32 $0xFFFFF830  }
0x18b: {  	_ =	swait.ge [sflag:s21], $0x7D0  }
0x18c: {  	[sflag:s21] =	ssyncset.done $0x0  }
0x18d: {  	[sflag:s21] =	ssyncadd.s32 $0xFFFFF830  }
0x18e: {  	_ =	swait.ge [sflag:s21], $0x7D0  }
0x18f: {  	s30 =	simm.s32 $0x0;
	[sflag:s21] =	ssyncset.done $0x0  }
0x190: {  	s14 =	smin.u32 s30, $0x2E;
	[sflag:s21] =	ssyncadd.s32 $0xFFFFF830  }
0x191: {  	s0 =	smul.u32 $0x7D0, s14;
	_ =	swait.ge [sflag:s21], $0x7D0  }
0x192: {  	s17 =	rddreg [dreg:$0xc]  }
0x193: {  	s0 =	sadd.s32 s0, s17  }
0x194: {  	s1 =	sshrl.u32 s0, $0x3  }
0x195: {  	[sflag:s21] =	ssyncset.done $0x0;
	s23 =	sadd.s32 $0x61A80, s1  }
0x196: {  	[sflag:s21] =	ssyncadd.s32 $0xFFFFF830;
	s30 =	sadd.s32 s24, s23  }
0x197: {  	[tilespmem:s29], [sflag:$0x1] =	stream.linear.gather [hbm4b:s30+s10], $0x7D0, $0x38;
	[tilespmem:$0x16C80] =	vst v63  }
0x198: {  	s1 =	sadd.s32 s22, s1  }
0x199: {  	[tilespmem:s31], [sflag:$0x1] =	stream.linear.gather [hbm4b:s1+s10], $0x7D0, $0x38;
	[tilespmem:$0x16C80] =	vst v63  }
0x19a: {  	s13 =	sadd.s32 s22, s23  }
0x19b: {  	[tilespmem:s11], [sflag:$0x1] =	stream.linear.gather [hbm4b:s13+s10], $0x7D0, $0x38;
	[tilespmem:$0x16C80] =	vst v63  }
0x19c: {  	s14 =	sadd.s32 $0xC3500, s1  }
0x19d: {  	[tilespmem:s4], [sflag:$0x1] =	stream.linear.gather [hbm4b:s14+s10], $0x7D0, $0x38;
	[tilespmem:$0x16C80] =	vst v63  }
0x19e: {  	s2 =	simm.s32 $0x6800;
	s17 =	sadd.s32 $0x124F80, s1  }
0x19f: {  	[tilespmem:s2], [sflag:$0x1] =	stream.linear.gather [hbm4b:s17+s10], $0x7D0, $0x38;
	[tilespmem:$0x16C80] =	vst v63  }
0x1a0: {  	s23 =	sadd.s32 $0x186A00, s1  }
0x1a1: {  	[tilespmem:s18], [sflag:$0x1] =	stream.linear.gather [hbm4b:s23+s10], $0x7D0, $0x38;
	[tilespmem:$0x16C80] =	vst v63  }
0x1a2: {  	s30 =	sadd.s32 $0x1E8480, s1  }
0x1a3: {  	[tilespmem:s25], [sflag:$0x1] =	stream.linear.gather [hbm4b:s30+s10], $0x7D0, $0x38;
	[tilespmem:$0x16C80] =	vst v63  }
0x1a4: {  	s0 =	simm.s32 $0x2;
	s31 =	sadd.s32 $0x249F00, s1;
	s1 =	sadd.s32 $0x2AB980, s1  }
0x1a5: {  	[tilespmem:s28], [sflag:$0x1] =	stream.linear.gather [hbm4b:s31+s10], $0x7D0, $0x38;
	[tilespmem:$0x16C80] =	vst v63  }
.LBB2_4:
0x1a6: {  	s17 =	simm.s32 $0x8800  }
0x1a7: {  	[tilespmem:s17], [sflag:$0x1] =	stream.linear.gather [hbm4b:s1+s10], $0x7D0, $0x38;
	[tilespmem:$0x16C80] =	vst v63  }
0x1a8: {  	_ =	swait.ge [sflag:s19], $0x7D0  }
0x1a9: {  	[sflag:s19] =	ssyncset.done $0x0  }
0x1aa: {  	[sflag:s19] =	ssyncadd.s32 $0xFFFFF830  }
0x1ab: {  	_ =	swait.ge [sflag:s19], $0x7D0  }
0x1ac: {  	[sflag:s19] =	ssyncset.done $0x0  }
0x1ad: {  	[sflag:s19] =	ssyncadd.s32 $0xFFFFF830  }
0x1ae: {  	_ =	swait.ge [sflag:s19], $0x7D0  }
0x1af: {  	[sflag:s19] =	ssyncset.done $0x0  }
0x1b0: {  	[sflag:s19] =	ssyncadd.s32 $0xFFFFF830  }
0x1b1: {  	_ =	swait.ge [sflag:s19], $0x7D0  }
0x1b2: {  	[sflag:s19] =	ssyncset.done $0x0  }
0x1b3: {  	[sflag:s19] =	ssyncadd.s32 $0xFFFFF830  }
0x1b4: {  	_ =	swait.ge [sflag:s19], $0x7D0  }
0x1b5: {  	[sflag:s19] =	ssyncset.done $0x0  }
0x1b6: {  	[sflag:s19] =	ssyncadd.s32 $0xFFFFF830  }
0x1b7: {  	_ =	swait.ge [sflag:s19], $0x7D0  }
0x1b8: {  	[sflag:s19] =	ssyncset.done $0x0  }
0x1b9: {  	[sflag:s19] =	ssyncadd.s32 $0xFFFFF830  }
0x1ba: {  	_ =	swait.ge [sflag:s19], $0x7D0  }
0x1bb: {  	[sflag:s19] =	ssyncset.done $0x0  }
0x1bc: {  	[sflag:s19] =	ssyncadd.s32 $0xFFFFF830  }
0x1bd: {  	_ =	swait.ge [sflag:s19], $0x7D0  }
0x1be: {  	[sflag:s19] =	ssyncset.done $0x0  }
0x1bf: {  	[sflag:s19] =	ssyncadd.s32 $0xFFFFF830  }
0x1c0: {  	_ =	swait.ge [sflag:s19], $0x7D0  }
0x1c1: {  	[sflag:s19] =	ssyncset.done $0x0  }
0x1c2: {  	[sflag:s19] =	ssyncadd.s32 $0xFFFFF830  }
0x1c3: {  	[spmem:s5] =	stream.indirect.scatter.add.f32 [tilespmem:s16], [sflag:$0x2], $0x1, s10, s20, $0xb8;
	[tilespmem:$0x16C80] =	vst v63  }
0x1c4: {  	s31 =	simm.s32 $0x1800  }
0x1c5: {  	[spmem:s6] =	stream.indirect.scatter.add.f32 [tilespmem:s31], [sflag:$0x2], $0x1, s10, s20, $0xb8;
	[tilespmem:$0x16C80] =	vst v63  }
0x1c6: {  	s23 =	simm.s32 $0x2000  }
0x1c7: {  	[spmem:s7] =	stream.indirect.scatter.add.f32 [tilespmem:s23], [sflag:$0x2], $0x1, s10, s20, $0xb8;
	[tilespmem:$0x16C80] =	vst v63  }
0x1c8: {  	s11 =	simm.s32 $0x2800  }
0x1c9: {  	[spmem:s8] =	stream.indirect.scatter.add.f32 [tilespmem:s11], [sflag:$0x2], $0x1, s10, s20, $0xb8;
	[tilespmem:$0x16C80] =	vst v63  }
0x1ca: {  	s30 =	simm.s32 $0x3000  }
0x1cb: {  	[spmem:s3] =	stream.indirect.scatter.add.f32 [tilespmem:s30], [sflag:$0x2], $0x1, s10, s20, $0xb8;
	[tilespmem:$0x16C80] =	vst v63  }
0x1cc: {  	s12 =	simm.s32 $0x3800  }
0x1cd: {  	[spmem:s9] =	stream.indirect.scatter.add.f32 [tilespmem:s12], [sflag:$0x2], $0x1, s10, s20, $0xb8;
	[tilespmem:$0x16C80] =	vst v63  }
0x1ce: {  	s13 =	simm.s32 $0x4000  }
0x1cf: {  	[spmem:s15] =	stream.indirect.scatter.add.f32 [tilespmem:s13], [sflag:$0x2], $0x1, s10, s20, $0xb8;
	[tilespmem:$0x16C80] =	vst v63  }
0x1d0: {  	s14 =	simm.s32 $0x4800  }
0x1d1: {  	[spmem:s26] =	stream.indirect.scatter.add.f32 [tilespmem:s14], [sflag:$0x2], $0x1, s10, s20, $0xb8;
	[tilespmem:$0x16C80] =	vst v63  }
0x1d2: {  	_ =	swait.ge [sflag:s19], $0x7D0  }
0x1d3: {  	[sflag:s19] =	ssyncset.done $0x0  }
0x1d4: {  	[sflag:s19] =	ssyncadd.s32 $0xFFFFF830  }
0x1d5: {  	_ =	swait.ge [sflag:s19], $0x7D0  }
0x1d6: {  	[sflag:s19] =	ssyncset.done $0x0  }
0x1d7: {  	[sflag:s19] =	ssyncadd.s32 $0xFFFFF830  }
0x1d8: {  	_ =	swait.ge [sflag:s19], $0x7D0  }
0x1d9: {  	[sflag:s19] =	ssyncset.done $0x0  }
0x1da: {  	[sflag:s19] =	ssyncadd.s32 $0xFFFFF830  }
0x1db: {  	_ =	swait.ge [sflag:s19], $0x7D0  }
0x1dc: {  	[sflag:s19] =	ssyncset.done $0x0  }
0x1dd: {  	[sflag:s19] =	ssyncadd.s32 $0xFFFFF830  }
0x1de: {  	_ =	swait.ge [sflag:s19], $0x7D0  }
0x1df: {  	[sflag:s19] =	ssyncset.done $0x0  }
0x1e0: {  	[sflag:s19] =	ssyncadd.s32 $0xFFFFF830  }
0x1e1: {  	_ =	swait.ge [sflag:s19], $0x7D0  }
0x1e2: {  	[sflag:s19] =	ssyncset.done $0x0  }
0x1e3: {  	[sflag:s19] =	ssyncadd.s32 $0xFFFFF830  }
0x1e4: {  	_ =	swait.ge [sflag:s19], $0x7D0  }
0x1e5: {  	[sflag:s19] =	ssyncset.done $0x0  }
0x1e6: {  	[sflag:s19] =	ssyncadd.s32 $0xFFFFF830  }
0x1e7: {  	_ =	swait.ge [sflag:s19], $0x7D0  }
0x1e8: {  	[sflag:s19] =	ssyncset.done $0x0  }
0x1e9: {  	[sflag:s19] =	ssyncadd.s32 $0xFFFFF830  }
0x1ea: {  	_ =	swait.ge [sflag:s19], $0x7D0  }
0x1eb: {  	[sflag:s19] =	ssyncset.done $0x0  }
0x1ec: {  	[sflag:s19] =	ssyncadd.s32 $0xFFFFF830  }
0x1ed: {  	_ =	swait.ge [sflag:s21], $0x7D0  }
0x1ee: {  	[sflag:s21] =	ssyncset.done $0x0  }
0x1ef: {  	[sflag:s21] =	ssyncadd.s32 $0xFFFFF830  }
0x1f0: {  	_ =	swait.ge [sflag:s21], $0x7D0  }
0x1f1: {  	[sflag:s21] =	ssyncset.done $0x0  }
0x1f2: {  	[sflag:s21] =	ssyncadd.s32 $0xFFFFF830  }
0x1f3: {  	_ =	swait.ge [sflag:s21], $0x7D0  }
0x1f4: {  	[sflag:s21] =	ssyncset.done $0x0  }
0x1f5: {  	[sflag:s21] =	ssyncadd.s32 $0xFFFFF830  }
0x1f6: {  	_ =	swait.ge [sflag:s21], $0x7D0  }
0x1f7: {  	[sflag:s21] =	ssyncset.done $0x0  }
0x1f8: {  	[sflag:s21] =	ssyncadd.s32 $0xFFFFF830  }
0x1f9: {  	_ =	swait.ge [sflag:s21], $0x7D0  }
0x1fa: {  	[sflag:s21] =	ssyncset.done $0x0  }
0x1fb: {  	[sflag:s21] =	ssyncadd.s32 $0xFFFFF830  }
0x1fc: {  	_ =	swait.ge [sflag:s21], $0x7D0  }
0x1fd: {  	[sflag:s21] =	ssyncset.done $0x0  }
0x1fe: {  	[sflag:s21] =	ssyncadd.s32 $0xFFFFF830  }
0x1ff: {  	_ =	swait.ge [sflag:s21], $0x7D0  }
0x200: {  	s1 =	smov.u32 s0;
	[sflag:s21] =	ssyncset.done $0x0  }
0x201: {  	s2 =	smin.u32 s1, $0x2F;
	[sflag:s21] =	ssyncadd.s32 $0xFFFFF830  }
0x202: {  	s2 =	smul.u32 $0x7D0, s2;
	s16 =	smov.u32 s26;
	_ =	swait.ge [sflag:s21], $0x7D0  }
0x203: {  	s26 =	smov.u32 s15;
	s15 =	smov.u32 s9;
	s4 =	rddreg [dreg:$0xb]  }
0x204: {  	s9 =	smov.u32 s3;
	s3 =	smov.u32 s8;
	s2 =	sadd.s32 s2, s4  }
0x205: {  	s8 =	smov.u32 s7;
	s7 =	smov.u32 s6;
	s2 =	sshrl.u32 s2, $0x3  }
0x206: {  	s6 =	smov.u32 s5;
	[sflag:s21] =	ssyncset.done $0x0;
	s4 =	sadd.s32 $0x61A80, s2  }
0x207: {  	[sflag:s21] =	ssyncadd.s32 $0xFFFFF830;
	s2 =	sadd.s32 s22, s2;
	s5 =	sadd.s32 s24, s4  }
0x208: {  	[tilespmem:s10], [sflag:$0x1] =	stream.linear.gather [hbm4b:s5+s10], $0x7D0, $0x38;
	[tilespmem:$0x16C80] =	vst v63  }
0x209: {  	s5 =	smov.u32 s6;
	s6 =	smov.u32 s7;
	s7 =	smov.u32 s8  }
0x20a: {  	s8 =	smov.u32 s3;
	s3 =	smov.u32 s9;
	s9 =	smov.u32 s15  }
0x20b: {  	s15 =	smov.u32 s26;
	s26 =	smov.u32 s16;
	s16 =	simm.s32 $0x1000  }
0x20c: {  	[tilespmem:s16], [sflag:$0x1] =	stream.linear.gather [hbm4b:s2+s10], $0x7D0, $0x38;
	[tilespmem:$0x16C80] =	vst v63  }
0x20d: {  	s4 =	sadd.s32 s22, s4  }
0x20e: {  	[tilespmem:s31], [sflag:$0x1] =	stream.linear.gather [hbm4b:s4+s10], $0x7D0, $0x38;
	[tilespmem:$0x16C80] =	vst v63  }
0x20f: {  	s31 =	sadd.s32 $0xC3500, s2  }
0x210: {  	[tilespmem:s23], [sflag:$0x1] =	stream.linear.gather [hbm4b:s31+s10], $0x7D0, $0x38;
	[tilespmem:$0x16C80] =	vst v63  }
0x211: {  	s23 =	sadd.s32 $0x124F80, s2  }
0x212: {  	[tilespmem:s11], [sflag:$0x1] =	stream.linear.gather [hbm4b:s23+s10], $0x7D0, $0x38;
	[tilespmem:$0x16C80] =	vst v63  }
0x213: {  	s31 =	sadd.s32 $0x186A00, s2  }
0x214: {  	[tilespmem:s30], [sflag:$0x1] =	stream.linear.gather [hbm4b:s31+s10], $0x7D0, $0x38;
	[tilespmem:$0x16C80] =	vst v63  }
0x215: {  	s11 =	sadd.s32 $0x1E8480, s2  }
0x216: {  	[tilespmem:s12], [sflag:$0x1] =	stream.linear.gather [hbm4b:s11+s10], $0x7D0, $0x38;
	[tilespmem:$0x16C80] =	vst v63  }
0x217: {  	s12 =	sadd.s32 $0x249F00, s2  }
0x218: {  	[tilespmem:s13], [sflag:$0x1] =	stream.linear.gather [hbm4b:s12+s10], $0x7D0, $0x38;
	[tilespmem:$0x16C80] =	vst v63  }
0x219: {  	s2 =	sadd.s32 $0x2AB980, s2  }
0x21a: {  	[tilespmem:s14], [sflag:$0x1] =	stream.linear.gather [hbm4b:s2+s10], $0x7D0, $0x38;
	[tilespmem:$0x16C80] =	vst v63  }
0x21b: {  	s12 =	simm.s32 $0x5000  }
0x21c: {  	[spmem:s5] =	stream.indirect.scatter.add.f32 [tilespmem:s12], [sflag:$0x2], $0x1, s29, s20, $0xb8;
	[tilespmem:$0x16C80] =	vst v63  }
0x21d: {  	s13 =	simm.s32 $0x5800  }
0x21e: {  	[spmem:s6] =	stream.indirect.scatter.add.f32 [tilespmem:s13], [sflag:$0x2], $0x1, s29, s20, $0xb8;
	[tilespmem:$0x16C80] =	vst v63  }
0x21f: {  	s14 =	simm.s32 $0x6000  }
0x220: {  	[spmem:s7] =	stream.indirect.scatter.add.f32 [tilespmem:s14], [sflag:$0x2], $0x1, s29, s20, $0xb8;
	[tilespmem:$0x16C80] =	vst v63  }
0x221: {  	s23 =	simm.s32 $0x6800  }
0x222: {  	[spmem:s8] =	stream.indirect.scatter.add.f32 [tilespmem:s23], [sflag:$0x2], $0x1, s29, s20, $0xb8;
	[tilespmem:$0x16C80] =	vst v63  }
0x223: {  	_ = 	snop  }
0x224: {  	[spmem:s3] =	stream.indirect.scatter.add.f32 [tilespmem:s18], [sflag:$0x2], $0x1, s29, s20, $0xb8;
	[tilespmem:$0x16C80] =	vst v63  }
0x225: {  	_ = 	snop  }
0x226: {  	[spmem:s9] =	stream.indirect.scatter.add.f32 [tilespmem:s25], [sflag:$0x2], $0x1, s29, s20, $0xb8;
	[tilespmem:$0x16C80] =	vst v63  }
0x227: {  	_ = 	snop  }
0x228: {  	[spmem:s15] =	stream.indirect.scatter.add.f32 [tilespmem:s28], [sflag:$0x2], $0x1, s29, s20, $0xb8;
	[tilespmem:$0x16C80] =	vst v63  }
0x229: {  	_ = 	snop  }
0x22a: {  	[spmem:s26] =	stream.indirect.scatter.add.f32 [tilespmem:s17], [sflag:$0x2], $0x1, s29, s20, $0xb8;
	[tilespmem:$0x16C80] =	vst v63  }
0x22b: {  	_ =	swait.ge [sflag:s21], $0x7D0  }
0x22c: {  	[sflag:s21] =	ssyncset.done $0x0  }
0x22d: {  	[sflag:s21] =	ssyncadd.s32 $0xFFFFF830  }
0x22e: {  	_ =	swait.ge [sflag:s21], $0x7D0  }
0x22f: {  	[sflag:s21] =	ssyncset.done $0x0  }
0x230: {  	[sflag:s21] =	ssyncadd.s32 $0xFFFFF830  }
0x231: {  	_ =	swait.ge [sflag:s21], $0x7D0  }
0x232: {  	[sflag:s21] =	ssyncset.done $0x0  }
0x233: {  	[sflag:s21] =	ssyncadd.s32 $0xFFFFF830  }
0x234: {  	_ =	swait.ge [sflag:s21], $0x7D0  }
0x235: {  	[sflag:s21] =	ssyncset.done $0x0  }
0x236: {  	[sflag:s21] =	ssyncadd.s32 $0xFFFFF830  }
0x237: {  	_ =	swait.ge [sflag:s21], $0x7D0  }
0x238: {  	[sflag:s21] =	ssyncset.done $0x0  }
0x239: {  	[sflag:s21] =	ssyncadd.s32 $0xFFFFF830  }
0x23a: {  	_ =	swait.ge [sflag:s21], $0x7D0  }
0x23b: {  	[sflag:s21] =	ssyncset.done $0x0  }
0x23c: {  	[sflag:s21] =	ssyncadd.s32 $0xFFFFF830  }
0x23d: {  	_ =	swait.ge [sflag:s21], $0x7D0  }
0x23e: {  	[sflag:s21] =	ssyncset.done $0x0  }
0x23f: {  	s1 =	smin.u32 s1, $0x2E;
	[sflag:s21] =	ssyncadd.s32 $0xFFFFF830  }
0x240: {  	s1 =	smul.u32 $0x7D0, s1;
	_ =	swait.ge [sflag:s21], $0x7D0  }
0x241: {  	s17 =	rddreg [dreg:$0xc]  }
0x242: {  	s1 =	sadd.s32 s1, s17  }
0x243: {  	s1 =	sshrl.u32 s1, $0x3  }
0x244: {  	[sflag:s21] =	ssyncset.done $0x0;
	s30 =	sadd.s32 $0x61A80, s1  }
0x245: {  	[sflag:s21] =	ssyncadd.s32 $0xFFFFF830;
	s31 =	sadd.s32 s24, s30  }
0x246: {  	[tilespmem:s29], [sflag:$0x1] =	stream.linear.gather [hbm4b:s31+s10], $0x7D0, $0x38;
	[tilespmem:$0x16C80] =	vst v63  }
0x247: {  	s1 =	sadd.s32 s22, s1  }
0x248: {  	[tilespmem:s12], [sflag:$0x1] =	stream.linear.gather [hbm4b:s1+s10], $0x7D0, $0x38;
	[tilespmem:$0x16C80] =	vst v63  }
0x249: {  	s2 =	sadd.s32 s22, s30  }
0x24a: {  	[tilespmem:s13], [sflag:$0x1] =	stream.linear.gather [hbm4b:s2+s10], $0x7D0, $0x38;
	[tilespmem:$0x16C80] =	vst v63  }
0x24b: {  	s13 =	sadd.s32 $0xC3500, s1  }
0x24c: {  	[tilespmem:s14], [sflag:$0x1] =	stream.linear.gather [hbm4b:s13+s10], $0x7D0, $0x38;
	[tilespmem:$0x16C80] =	vst v63  }
0x24d: {  	s17 =	sadd.s32 $0x124F80, s1  }
0x24e: {  	[tilespmem:s23], [sflag:$0x1] =	stream.linear.gather [hbm4b:s17+s10], $0x7D0, $0x38;
	[tilespmem:$0x16C80] =	vst v63  }
0x24f: {  	p2 =	sne.s32 s0, $0x30;
	s23 =	sadd.s32 $0x186A00, s1  }
0x250: {  	[tilespmem:s18], [sflag:$0x1] =	stream.linear.gather [hbm4b:s23+s10], $0x7D0, $0x38;
	[tilespmem:$0x16C80] =	vst v63  }
.Ltmp3:
0x251: {  	_ = 	snop;
	(pc) =	sbr.rel @p2 .LBB2_4-.Ltmp3, $4  }
0x252: {  	s11 =	simm.s32 $0x8800;
	s30 =	sadd.s32 $0x1E8480, s1  }
0x253: {  	[tilespmem:s25], [sflag:$0x1] =	stream.linear.gather [hbm4b:s30+s10], $0x7D0, $0x38;
	[tilespmem:$0x16C80] =	vst v63  }
0x254: {  	s0 =	sadd.s32 $0x2, s0;
	s31 =	sadd.s32 $0x249F00, s1;
	s1 =	sadd.s32 $0x2AB980, s1  }
0x255: {  	[tilespmem:s28], [sflag:$0x1] =	stream.linear.gather [hbm4b:s31+s10], $0x7D0, $0x38;
	[tilespmem:$0x16C80] =	vst v63  }
0x256: {  	[tilespmem:s11], [sflag:$0x1] =	stream.linear.gather [hbm4b:s1+s10], $0x7D0, $0x38;
	[tilespmem:$0x16C80] =	vst v63  }
0x257: {  	_ =	swait.ge [sflag:s19], $0x7D0  }
0x258: {  	[sflag:s19] =	ssyncset.done $0x0  }
0x259: {  	[sflag:s19] =	ssyncadd.s32 $0xFFFFF830  }
0x25a: {  	_ =	swait.ge [sflag:s19], $0x7D0  }
0x25b: {  	[sflag:s19] =	ssyncset.done $0x0  }
0x25c: {  	[sflag:s19] =	ssyncadd.s32 $0xFFFFF830  }
0x25d: {  	_ =	swait.ge [sflag:s19], $0x7D0  }
0x25e: {  	[sflag:s19] =	ssyncset.done $0x0  }
0x25f: {  	[sflag:s19] =	ssyncadd.s32 $0xFFFFF830  }
0x260: {  	_ =	swait.ge [sflag:s19], $0x7D0  }
0x261: {  	[sflag:s19] =	ssyncset.done $0x0  }
0x262: {  	[sflag:s19] =	ssyncadd.s32 $0xFFFFF830  }
0x263: {  	_ =	swait.ge [sflag:s19], $0x7D0  }
0x264: {  	[sflag:s19] =	ssyncset.done $0x0  }
0x265: {  	[sflag:s19] =	ssyncadd.s32 $0xFFFFF830  }
0x266: {  	_ =	swait.ge [sflag:s19], $0x7D0  }
0x267: {  	[sflag:s19] =	ssyncset.done $0x0  }
0x268: {  	[sflag:s19] =	ssyncadd.s32 $0xFFFFF830  }
0x269: {  	_ =	swait.ge [sflag:s19], $0x7D0  }
0x26a: {  	[sflag:s19] =	ssyncset.done $0x0  }
0x26b: {  	[sflag:s19] =	ssyncadd.s32 $0xFFFFF830  }
0x26c: {  	_ =	swait.ge [sflag:s19], $0x7D0  }
0x26d: {  	[sflag:s19] =	ssyncset.done $0x0  }
0x26e: {  	[sflag:s19] =	ssyncadd.s32 $0xFFFFF830  }
0x26f: {  	_ =	swait.ge [sflag:s19], $0x7D0  }
0x270: {  	[sflag:s19] =	ssyncset.done $0x0  }
0x271: {  	[sflag:s19] =	ssyncadd.s32 $0xFFFFF830  }
0x272: {  	_ =	swait.ge [sflag:s19], $0x7D0  }
0x273: {  	[sflag:s19] =	ssyncset.done $0x0  }
0x274: {  	[sflag:s19] =	ssyncadd.s32 $0xFFFFF830  }
0x275: {  	_ =	swait.ge [sflag:s19], $0x7D0  }
0x276: {  	[sflag:s19] =	ssyncset.done $0x0  }
0x277: {  	[sflag:s19] =	ssyncadd.s32 $0xFFFFF830  }
0x278: {  	_ =	swait.ge [sflag:s19], $0x7D0  }
0x279: {  	[sflag:s19] =	ssyncset.done $0x0  }
0x27a: {  	[sflag:s19] =	ssyncadd.s32 $0xFFFFF830  }
0x27b: {  	_ =	swait.ge [sflag:s19], $0x7D0  }
0x27c: {  	[sflag:s19] =	ssyncset.done $0x0  }
0x27d: {  	[sflag:s19] =	ssyncadd.s32 $0xFFFFF830  }
0x27e: {  	_ =	swait.ge [sflag:s19], $0x7D0  }
0x27f: {  	[sflag:s19] =	ssyncset.done $0x0  }
0x280: {  	[sflag:s19] =	ssyncadd.s32 $0xFFFFF830  }
0x281: {  	_ =	swait.ge [sflag:s19], $0x7D0  }
0x282: {  	[sflag:s19] =	ssyncset.done $0x0  }
0x283: {  	[sflag:s19] =	ssyncadd.s32 $0xFFFFF830  }
0x284: {  	_ =	swait.ge [sflag:s19], $0x7D0  }
0x285: {  	[sflag:s19] =	ssyncset.done $0x0  }
0x286: {  	[sflag:s19] =	ssyncadd.s32 $0xFFFFF830  }
0x287: {  	_ =	swait.ge [sflag:s19], $0x7D0  }
0x288: {  	[sflag:s19] =	ssyncset.done $0x0  }
0x289: {  	[sflag:s19] =	ssyncadd.s32 $0xFFFFF830  }
.Ltmp4:
0x28a: {  	_ =	swait.ge [sflag:s19], $0x7D0;
	(pc) =	sbr.rel @p1 .LBB2_7-.Ltmp4, $3  }
0x28b: {  	[sflag:s19] =	ssyncset.done $0x0  }
0x28c: {  	[sflag:s19] =	ssyncadd.s32 $0xFFFFF830  }
0x28d: {  	[bflag:$0x0] =	sbarrier.arrive $0xFFFF;
	_ =	sdelay $0x1  }
0x28e: {  	s0 =	rddreg [dreg:$0xd];
	s1 =	simm.s32 $0x9000;
	s2 =	simm.s32 $0x3  }
0x28f: {  	[tilespmem:s1], [sflag:$0x3] =	stream.linear.gather [spmem:s0], $0x1900, $0x38;
	[tilespmem:$0x16C80] =	vst v63  }
0x290: {  	_ =	swait.ge [sflag:s2], $0x1900  }
0x291: {  	[sflag:s2] =	ssyncset.done $0x0  }
0x292: {  	s17 =	rddreg [dreg:$0x1a];
	[sflag:s2] =	ssyncadd.s32 $0xFFFFE700  }
0x293: {  	[hbm4b:s17+s10] =	stream.linear.scatter [tilespmem:s1], [sflag:$0x3], $0x1900, $0x38;
	[tilespmem:$0x16C80] =	vst v63  }
0x294: {  	_ =	swait.ge [sflag:s2], $0x1900  }
0x295: {  	[sflag:s2] =	ssyncset.done $0x0  }
0x296: {  	s23 =	rddreg [dreg:$0xe];
	[sflag:s2] =	ssyncadd.s32 $0xFFFFE700  }
0x297: {  	[tilespmem:s1], [sflag:$0x3] =	stream.linear.gather [spmem:s23], $0x1900, $0x38;
	[tilespmem:$0x16C80] =	vst v63  }
0x298: {  	_ =	swait.ge [sflag:s2], $0x1900  }
0x299: {  	s30 =	sld [smem:$0x7F8]  }
0x29a: {  	[sflag:s2] =	ssyncset.done $0x0  }
0x29b: {  	[sflag:s2] =	ssyncadd.s32 $0xFFFFE700  }
0x29c: {  	[hbm4b:s30+s10] =	stream.linear.scatter [tilespmem:s1], [sflag:$0x3], $0x1900, $0x38;
	[tilespmem:$0x16C80] =	vst v63  }
0x29d: {  	_ =	swait.ge [sflag:s2], $0x1900  }
0x29e: {  	[sflag:s2] =	ssyncset.done $0x0  }
0x29f: {  	s31 =	rddreg [dreg:$0xf];
	[sflag:s2] =	ssyncadd.s32 $0xFFFFE700  }
0x2a0: {  	[tilespmem:s1], [sflag:$0x3] =	stream.linear.gather [spmem:s31], $0x1900, $0x38;
	[tilespmem:$0x16C80] =	vst v63  }
0x2a1: {  	_ =	swait.ge [sflag:s2], $0x1900  }
0x2a2: {  	s4 =	sld [smem:$0x7F9]  }
0x2a3: {  	[sflag:s2] =	ssyncset.done $0x0  }
0x2a4: {  	[sflag:s2] =	ssyncadd.s32 $0xFFFFE700  }
0x2a5: {  	[hbm4b:s4+s10] =	stream.linear.scatter [tilespmem:s1], [sflag:$0x3], $0x1900, $0x38;
	[tilespmem:$0x16C80] =	vst v63  }
0x2a6: {  	_ =	swait.ge [sflag:s2], $0x1900  }
0x2a7: {  	[sflag:s2] =	ssyncset.done $0x0  }
0x2a8: {  	s11 =	rddreg [dreg:$0x10];
	[sflag:s2] =	ssyncadd.s32 $0xFFFFE700  }
0x2a9: {  	[tilespmem:s1], [sflag:$0x3] =	stream.linear.gather [spmem:s11], $0x1900, $0x38;
	[tilespmem:$0x16C80] =	vst v63  }
0x2aa: {  	_ =	swait.ge [sflag:s2], $0x1900  }
0x2ab: {  	s12 =	sld [smem:$0x7FA]  }
0x2ac: {  	[sflag:s2] =	ssyncset.done $0x0  }
0x2ad: {  	[sflag:s2] =	ssyncadd.s32 $0xFFFFE700  }
0x2ae: {  	[hbm4b:s12+s10] =	stream.linear.scatter [tilespmem:s1], [sflag:$0x3], $0x1900, $0x38;
	[tilespmem:$0x16C80] =	vst v63  }
0x2af: {  	_ =	swait.ge [sflag:s2], $0x1900  }
0x2b0: {  	[sflag:s2] =	ssyncset.done $0x0  }
0x2b1: {  	s13 =	rddreg [dreg:$0x13];
	[sflag:s2] =	ssyncadd.s32 $0xFFFFE700  }
0x2b2: {  	[tilespmem:s1], [sflag:$0x3] =	stream.linear.gather [spmem:s13], $0x1900, $0x38;
	[tilespmem:$0x16C80] =	vst v63  }
0x2b3: {  	_ =	swait.ge [sflag:s2], $0x1900  }
0x2b4: {  	s14 =	sld [smem:$0x7FB]  }
0x2b5: {  	[sflag:s2] =	ssyncset.done $0x0  }
0x2b6: {  	[sflag:s2] =	ssyncadd.s32 $0xFFFFE700  }
0x2b7: {  	[hbm4b:s14+s10] =	stream.linear.scatter [tilespmem:s1], [sflag:$0x3], $0x1900, $0x38;
	[tilespmem:$0x16C80] =	vst v63  }
0x2b8: {  	_ =	swait.ge [sflag:s2], $0x1900  }
0x2b9: {  	[sflag:s2] =	ssyncset.done $0x0  }
0x2ba: {  	s16 =	rddreg [dreg:$0x15];
	[sflag:s2] =	ssyncadd.s32 $0xFFFFE700  }
0x2bb: {  	[tilespmem:s1], [sflag:$0x3] =	stream.linear.gather [spmem:s16], $0x1900, $0x38;
	[tilespmem:$0x16C80] =	vst v63  }
0x2bc: {  	_ =	swait.ge [sflag:s2], $0x1900  }
0x2bd: {  	s17 =	sld [smem:$0x7FC]  }
0x2be: {  	[sflag:s2] =	ssyncset.done $0x0  }
0x2bf: {  	[sflag:s2] =	ssyncadd.s32 $0xFFFFE700  }
0x2c0: {  	[hbm4b:s17+s10] =	stream.linear.scatter [tilespmem:s1], [sflag:$0x3], $0x1900, $0x38;
	[tilespmem:$0x16C80] =	vst v63  }
0x2c1: {  	_ =	swait.ge [sflag:s2], $0x1900  }
0x2c2: {  	[sflag:s2] =	ssyncset.done $0x0  }
0x2c3: {  	s23 =	rddreg [dreg:$0x16];
	[sflag:s2] =	ssyncadd.s32 $0xFFFFE700  }
0x2c4: {  	[tilespmem:s1], [sflag:$0x3] =	stream.linear.gather [spmem:s23], $0x1900, $0x38;
	[tilespmem:$0x16C80] =	vst v63  }
0x2c5: {  	_ =	swait.ge [sflag:s2], $0x1900  }
0x2c6: {  	s30 =	sld [smem:$0x7FD]  }
0x2c7: {  	[sflag:s2] =	ssyncset.done $0x0  }
0x2c8: {  	[sflag:s2] =	ssyncadd.s32 $0xFFFFE700  }
0x2c9: {  	[hbm4b:s30+s10] =	stream.linear.scatter [tilespmem:s1], [sflag:$0x3], $0x1900, $0x38;
	[tilespmem:$0x16C80] =	vst v63  }
0x2ca: {  	_ =	swait.ge [sflag:s2], $0x1900  }
0x2cb: {  	[sflag:s2] =	ssyncset.done $0x0  }
0x2cc: {  	s31 =	rddreg [dreg:$0x17];
	[sflag:s2] =	ssyncadd.s32 $0xFFFFE700  }
0x2cd: {  	[tilespmem:s1], [sflag:$0x3] =	stream.linear.gather [spmem:s31], $0x1900, $0x38;
	[tilespmem:$0x16C80] =	vst v63  }
0x2ce: {  	_ =	swait.ge [sflag:s2], $0x1900  }
0x2cf: {  	s0 =	simm.s32 @p0 $0x0;
	[sflag:s2] =	ssyncset.done $0x0  }
0x2d0: {  	s1 =	simm.s32 @p0 $0x9000;
	[sflag:s2] =	ssyncadd.s32 $0xFFFFE700;
	s2 =	rddreg [dreg:$0x14]  }
0x2d1: {  	[hbm4b:s2+s0] =	stream.linear.scatter @p0 [tilespmem:s1], [sflag:$0x3], $0x1900, $0x38;
	[tilespmem:$0x16C80] =	vst v63  }
0x2d2: {  	s0 =	simm.s32 @p0 $0x3  }
0x2d3: {  	_ =	swait.ge @p0 [sflag:s0], $0x1900  }
0x2d4: {  	s1 =	simm.s32 @!p0 $0x9000;
	[sflag:s0] =	ssyncset.done @p0 $0x0  }
0x2d5: {  	s2 =	rddreg [dreg:$0x11];
	[sflag:s0] =	ssyncadd.s32 @p0 $0xFFFFE700;
	s0 =	simm.s32 @!p0 $0x0  }
0x2d6: {  	[hbm4b:s2+s0] =	stream.linear.scatter @!p0 [tilespmem:s1], [sflag:$0x3], $0x1900, $0x38;
	[tilespmem:$0x16C80] =	vst v63  }
.Ltmp5:
0x2d7: {  	_ = 	snop;
	(pc) =	sbr.rel .LBB2_8-.Ltmp5, $4  }
0x2d8: {  	s0 =	simm.s32 @!p0 $0x3  }
0x2d9: {  	_ =	swait.ge @!p0 [sflag:s0], $0x1900  }
0x2da: {  	[sflag:s0] =	ssyncset.done @!p0 $0x0  }
0x2db: {  	s1 =	sld [smem:$0x7E3];
	[sflag:s0] =	ssyncadd.s32 @!p0 $0xFFFFE700  }
.LBB2_9:
0x2dc: {  	_ =	sfence.sel $0x180000  }
0x2dd: {  	[bflag:$0x0] =	sbarrier.arrive $0xFFFF  }
0x2de: {  	_ =	strace $0x9000004A  }
0x2df: {  	s0 =	stileid.u32;
	[bflag:$0x2] =	sbarrier.arrive $0xFFFF  }
0x2e0: {  	p0 =	sne.s32 s0, $0x0;
	s0 =	rddreg [dreg:$0xa]  }
0x2e1: {  	s0 =	sadd.s32 @!p0 $0x100000, s0  }
0x2e2: {  	[sflag:s0] =	ssyncadd.tile.s32 @!p0 $0x1;
	_ =	shalt  }
.Lfunc_end2:
_tile_overlayer_lowered:
.L_overlay_start_2:
0x2e3: {  	(tag) =	ssettag $0x2  }
0x2e4: {  	s0 =	rddreg [dreg:$0x0];
	s2 =	stileid.u32  }
0x2e5: {  	s1 =	rddreg [dreg:$0x1];
	p0 =	sne.s32 s2, $0x0  }
0x2e6: {  	s3 =	rddreg [dreg:$0x2];
	[bflag:$0x3] =	sbarrier.arrive $0xFFFF;
	s2 =	simm.s32 @!p0 $0x1C03  }
0x2e7: {  	[timem:s3], [sflag:s2] =	dma.local @!p0 [hbm:s0], s1  }
0x2e8: {  	s0 =	simm.s32 @!p0 $0x3  }
0x2e9: {  	_ =	swait.ge @!p0 [sflag:s0], s1  }
0x2ea: {  	s1 =	ssub.s32 @!p0 $0x0, s1;
	[sflag:s0] =	ssyncset.done @!p0 $0x0  }
0x2eb: {  	[sflag:s0] =	ssyncadd.s32 @!p0 s1  }
0x2ec: {  	[bflag:$0x3] =	sbarrier.arrive $0xFFFF  }
0x2ed: {  	_ =	shalt  }

</sc_bundles>
